<compile_context>
chip_gen: v7x
topology: tpu7x:2x2x1
jax: 0.10.2.dev20260603
libtpu: 0.0.44.dev20260713+nightly
codegen_flags: <defaults>
</compile_context>

<pallas_src>
import functools

import jax
import jax.numpy as jnp
from jax import lax
from jax.experimental import pallas as pl
from jax.experimental.pallas import tpu as pltpu
from jax.experimental.pallas import tpu_sc as plsc

B = 16
N = 2048
P = B * N
K = 10
R = 512
NEG = -1e30


def _lrelu(v):
    return jnp.maximum(v, 0.2 * v)



def _knn_body(xr_ref, xt_ref, idx_ref, nc_ref):
    b = pl.program_id(0)
    r = pl.program_id(1)
    xr = xr_ref[0]
    xt = xt_ref[0]

    @pl.when(r == 0)
    def _():
        nc_ref[...] = jnp.sum(xt * xt, axis=1, keepdims=True).T

    g = lax.dot_general(xr, xt, (((1,), (1,)), ((), ())),
                        preferred_element_type=jnp.float32)
    nr = jnp.sum(xr * xr, axis=1, keepdims=True)
    pw = (2.0 * g - nr) - nc_ref[...]

    col = lax.broadcasted_iota(jnp.int32, (R, N), 1)
    row_ids = r * R + lax.broadcasted_iota(jnp.int32, (R, 1), 0)
    pw = jnp.where(col == row_ids, NEG, pw)

    lane = lax.broadcasted_iota(jnp.int32, (R, 128), 1)
    idx_acc = jnp.where(lane == 0, row_ids, 0)
    a = None
    for t in range(1, K):
        if a is not None:
            pw = jnp.where(col == a, NEG, pw)
        val = pw[:, 0:128]
        vidx = lane
        for c in range(1, N // 128):
            ch = pw[:, c * 128:(c + 1) * 128]
            gt = ch > val
            val = jnp.maximum(val, ch)
            vidx = jnp.where(gt, lane + c * 128, vidx)
        m = jnp.max(val, axis=1, keepdims=True)
        cand = jnp.where(val == m, vidx, N)
        a = jnp.min(cand, axis=1, keepdims=True)
        idx_acc = jnp.where(lane == t, a, idx_acc)

    idx_ref[...] = jnp.transpose(idx_acc[:, :16])[:K] + b * N


def _knn(xt):
    C = xt.shape[-1]
    return pl.pallas_call(
        _knn_body,
        grid=(B, N // R),
        in_specs=[
            pl.BlockSpec((1, R, C), lambda b, r: (b, r, 0)),
            pl.BlockSpec((1, N, C), lambda b, r: (b, 0, 0)),
        ],
        out_specs=pl.BlockSpec((K, R), lambda b, r: (0, b * (N // R) + r)),
        out_shape=jax.ShapeDtypeStruct((K, P), jnp.int32),
        scratch_shapes=[pltpu.VMEM((1, N), jnp.float32)],
    )(xt, xt)



def _gather_rows(x, idxk, C, SR):
    TOT = K * P
    NW = 32
    chunk = TOT // NW
    nsub = chunk // SR
    mesh = plsc.VectorSubcoreMesh(core_axis_name="c", subcore_axis_name="s")

    @functools.partial(
        pl.kernel,
        out_type=jax.ShapeDtypeStruct((TOT, C), jnp.float32),
        mesh=mesh,
        scratch_types=[
            pltpu.VMEM((SR,), jnp.int32),
            pltpu.VMEM((SR,), jnp.int32),
            pltpu.VMEM((SR, C), jnp.float32),
            pltpu.VMEM((SR, C), jnp.float32),
            pltpu.SemaphoreType.DMA,
            pltpu.SemaphoreType.DMA,
            pltpu.SemaphoreType.DMA,
            pltpu.SemaphoreType.DMA,
        ],
        compiler_params=pltpu.CompilerParams(use_tc_tiling_on_sc=False),
    )
    def sc_kernel(x_hbm, idx_hbm, out_hbm, idx0, idx1, rows0, rows1,
                  g0, g1, s0, s1):
        wid = lax.axis_index("s") * 2 + lax.axis_index("c")
        base = wid * chunk
        bufs = ((idx0, rows0, g0, s0), (idx1, rows1, g1, s1))

        for p in range(2):
            idx_v, rows_v, gsem, _ = bufs[p]
            pltpu.sync_copy(idx_hbm.at[pl.ds(base + p * SR, SR)], idx_v)
            pltpu.async_copy(x_hbm.at[idx_v], rows_v, gsem)

        def pair(i, carry):
            i0 = i * 2
            for p in range(2):
                idx_v, rows_v, gsem, ssem = bufs[p]
                j = i0 + p
                r0 = base + j * SR
                pltpu.make_async_copy(x_hbm.at[idx_v], rows_v, gsem).wait()
                pltpu.async_copy(rows_v, out_hbm.at[pl.ds(r0, SR)], ssem)

                @pl.when(j + 2 < nsub)
                def _():
                    r2 = base + (j + 2) * SR
                    pltpu.sync_copy(idx_hbm.at[pl.ds(r2, SR)], idx_v)
                    pltpu.make_async_copy(
                        rows_v, out_hbm.at[pl.ds(r0, SR)], ssem).wait()
                    pltpu.async_copy(x_hbm.at[idx_v], rows_v, gsem)
            return carry

        lax.fori_loop(0, nsub // 2, pair, 0)
        for p in range(2):
            idx_v, rows_v, _, ssem = bufs[p]
            r0 = base + (nsub - 2 + p) * SR
            pltpu.make_async_copy(rows_v, out_hbm.at[pl.ds(r0, SR)],
                                  ssem).wait()

    return sc_kernel(x, idxk)



def _conv_max_body(x_ref, xg_ref, w_ref, out_ref):
    xi = x_ref[...]
    w = w_ref[...]
    acc = None
    for j in range(K):
        xj = xg_ref[j]
        f2 = jnp.concatenate([xj - xi, xi], axis=1)
        h = lax.dot_general(f2, w, (((1,), (1,)), ((), ())),
                            preferred_element_type=jnp.float32)
        acc = h if acc is None else jnp.maximum(acc, h)
    out_ref[...] = _lrelu(acc)


def _conv_max(x, xg, w, O):
    C = x.shape[-1]
    xg = xg.reshape(K, P, C)
    return pl.pallas_call(
        _conv_max_body,
        grid=(P // R,),
        in_specs=[
            pl.BlockSpec((R, C), lambda t: (t, 0)),
            pl.BlockSpec((K, R, C), lambda t: (0, t, 0)),
            pl.BlockSpec((O, 2 * C), lambda t: (0, 0)),
        ],
        out_specs=pl.BlockSpec((R, O), lambda t: (t, 0)),
        out_shape=jax.ShapeDtypeStruct((P, O), jnp.float32),
    )(x, xg, w)



def _head_body(x1_ref, x2_ref, x3_ref, x4_ref, w1_ref, w2_ref, w3_ref,
               w4_ref, l1_ref, l2_ref, b2_ref, out_ref):
    dims = (((1,), (1,)), ((), ()))
    h = lax.dot_general(x1_ref[...], w1_ref[...], dims,
                        preferred_element_type=jnp.float32)
    h = h + lax.dot_general(x2_ref[...], w2_ref[...], dims,
                            preferred_element_type=jnp.float32)
    h = h + lax.dot_general(x3_ref[...], w3_ref[...], dims,
                            preferred_element_type=jnp.float32)
    h = h + lax.dot_general(x4_ref[...], w4_ref[...], dims,
                            preferred_element_type=jnp.float32)
    h = _lrelu(h)
    p1 = jnp.max(h, axis=0, keepdims=True)
    p2 = jnp.sum(h, axis=0, keepdims=True) * (1.0 / N)
    g = jnp.concatenate([p1, p2], axis=1)
    g = _lrelu(lax.dot_general(g, l1_ref[...], dims,
                               preferred_element_type=jnp.float32))
    g = _lrelu(lax.dot_general(g, l2_ref[...], dims,
                               preferred_element_type=jnp.float32)
               + b2_ref[...])
    out_ref[0] = g


def _head(x1, x2, x3, x4, w51, w52, w53, w54, L1, L2, b2):
    full = lambda shape: pl.BlockSpec(shape, lambda b: tuple(0 for _ in shape))
    return pl.pallas_call(
        _head_body,
        grid=(B,),
        in_specs=[
            pl.BlockSpec((N, 64), lambda b: (b, 0)),
            pl.BlockSpec((N, 64), lambda b: (b, 0)),
            pl.BlockSpec((N, 128), lambda b: (b, 0)),
            pl.BlockSpec((N, 256), lambda b: (b, 0)),
            full((512, 64)),
            full((512, 64)),
            full((512, 128)),
            full((512, 256)),
            full((512, 1024)),
            full((256, 512)),
            full((1, 256)),
        ],
        out_specs=pl.BlockSpec((1, 1, 256), lambda b: (b, 0, 0)),
        out_shape=jax.ShapeDtypeStruct((B, 1, 256), jnp.float32),
    )(x1, x2, x3, x4, w51, w52, w53, w54, L1, L2, b2).reshape(B, 256)



def _edge_block(xt, W, O, SR):
    C = xt.shape[-1]
    idxk = _knn(xt).reshape(K * P)
    xf = xt.reshape(P, C)
    xg = _gather_rows(xf, idxk, C, SR)
    return _conv_max(xf, xg, W, O).reshape(B, N, O)


def kernel(x, W1, W2, W3, W4, W5, L1, L2, b2):
    xt = jnp.transpose(x, (0, 2, 1))
    xt = jnp.pad(xt, ((0, 0), (0, 0), (0, 13)))
    W1p = jnp.pad(W1.reshape(64, 2, 3),
                  ((0, 0), (0, 0), (0, 13))).reshape(64, 32)

    x1 = _edge_block(xt, W1p, 64, 1024)
    x2 = _edge_block(x1, W2, 64, 512)
    x3 = _edge_block(x2, W3, 128, 512)
    x4 = _edge_block(x3, W4, 256, 256)

    return _head(x1.reshape(P, 64), x2.reshape(P, 64),
                 x3.reshape(P, 128), x4.reshape(P, 256),
                 W5[:, 0:64], W5[:, 64:128], W5[:, 128:256], W5[:, 256:512],
                 L1, L2, b2.reshape(1, 256))

# --- scband reference (transcript-rebuilt; emitter-appended) ---
"""Pipeline reference for scband-dgcnn-50173807952208 (READ-ONLY COPY).

The authoritative reference and input builder live on the scoring server;
editing this copy changes nothing except your own understanding.
"""

import jax, jax.numpy as jnp
import numpy as np

K_NEIGHBORS = 10


def lrelu(x):
    return jnp.where(x >= 0, x, 0.2 * x)


def knn(x, k):
    # x: [B, C, N]
    inner = -2.0 * jnp.einsum('bcn,bcm->bnm', x, x)
    xx = jnp.sum(x * x, axis=1, keepdims=True)  # [B, 1, N]
    pairwise = -xx - inner - jnp.transpose(xx, (0, 2, 1))  # [B, N, N]
    _, idx = jax.lax.top_k(pairwise, k)  # [B, N, k]
    return idx


def get_graph_feature(x, k):
    # x: [B, C, N] -> [B, 2C, N, k]
    idx = knn(x, k)  # [B, N, k]
    xt = jnp.transpose(x, (0, 2, 1))  # [B, N, C]
    feature = jax.vmap(lambda xb, ib: xb[ib])(xt, idx)  # [B, N, k, C] gather
    xc = jnp.broadcast_to(xt[:, :, None, :], feature.shape)
    out = jnp.concatenate([feature - xc, xc], axis=3)  # [B, N, k, 2C]
    return jnp.transpose(out, (0, 3, 1, 2))  # [B, 2C, N, k]


def setup_inputs(seed: int = 0):
    key = jax.random.key(seed)
    ks = jax.random.split(key, 9)
    B, N = 16, 2048
    x = jax.random.normal(ks[0], (B, 3, N), dtype=jnp.float32)
    W1 = jax.random.normal(ks[1], (64, 6), dtype=jnp.float32) * 0.1
    W2 = jax.random.normal(ks[2], (64, 128), dtype=jnp.float32) * 0.1
    W3 = jax.random.normal(ks[3], (128, 128), dtype=jnp.float32) * 0.1
    W4 = jax.random.normal(ks[4], (256, 256), dtype=jnp.float32) * 0.05
    W5 = jax.random.normal(ks[5], (512, 512), dtype=jnp.float32) * 0.05
    L1 = jax.random.normal(ks[6], (512, 1024), dtype=jnp.float32) * 0.05
    L2 = jax.random.normal(ks[7], (256, 512), dtype=jnp.float32) * 0.05
    b2 = jax.random.normal(ks[8], (256,), dtype=jnp.float32) * 0.05
    return {'x': x, 'W1': W1, 'W2': W2, 'W3': W3, 'W4': W4, 'W5': W5, 'L1': L1, 'L2': L2, 'b2': b2}


def reference(x, W1, W2, W3, W4, W5, L1, L2, b2):
    k = K_NEIGHBORS
    # EdgeConv block 1
    f = get_graph_feature(x, k)  # [B, 6, N, k]
    h = lrelu(jnp.einsum('oc,bcnk->bonk', W1, f))
    x1 = jnp.max(h, axis=-1)  # [B, 64, N]
    # EdgeConv block 2
    f = get_graph_feature(x1, k)  # [B, 128, N, k]
    h = lrelu(jnp.einsum('oc,bcnk->bonk', W2, f))
    x2 = jnp.max(h, axis=-1)  # [B, 64, N]
    # EdgeConv block 3
    f = get_graph_feature(x2, k)  # [B, 128, N, k]
    h = lrelu(jnp.einsum('oc,bcnk->bonk', W3, f))
    x3 = jnp.max(h, axis=-1)  # [B, 128, N]
    # EdgeConv block 4
    f = get_graph_feature(x3, k)  # [B, 256, N, k]
    h = lrelu(jnp.einsum('oc,bcnk->bonk', W4, f))
    x4 = jnp.max(h, axis=-1)  # [B, 256, N]
    xc = jnp.concatenate([x1, x2, x3, x4], axis=1)  # [B, 512, N]
    h5 = lrelu(jnp.einsum('oc,bcn->bon', W5, xc))  # [B, 512, N]
    p1 = jnp.max(h5, axis=-1)   # adaptive_max_pool1d -> [B, 512]
    p2 = jnp.mean(h5, axis=-1)  # adaptive_avg_pool1d -> [B, 512]
    g = jnp.concatenate([p1, p2], axis=1)  # [B, 1024]
    g = lrelu(g @ L1.T)  # linear1, no bias
    g = lrelu(g @ L2.T + b2)  # linear2, with bias
    return g

if __name__ == "__main__":
    import jax
    _d = setup_inputs()
    print(jax.jit(kernel)(*tuple(_d.values())))

</pallas_src>

<mosaic_0001>
#map = affine_map<(d0, d1) -> (0, 0)>
#map1 = affine_map<(d0, d1) -> (0)>
module attributes {stable_mosaic.version = 14 : i64} {
  func.func @sc_kernel(%arg0: i32, %arg1: i32, %arg2: memref<32768x128xf32, #tpu.memory_space<hbm>>, %arg3: memref<327680xi32, #tpu.memory_space<hbm>>, %arg4: memref<327680x128xf32, #tpu.memory_space<hbm>>, %arg5: memref<256xi32, #tpu.memory_space<vmem>>, %arg6: memref<256xi32, #tpu.memory_space<vmem>>, %arg7: memref<256x128xf32, #tpu.memory_space<vmem>>, %arg8: memref<256x128xf32, #tpu.memory_space<vmem>>, %arg9: memref<!tpu.dma_semaphore, #tpu.memory_space<semaphore_mem>>, %arg10: memref<!tpu.dma_semaphore, #tpu.memory_space<semaphore_mem>>, %arg11: memref<!tpu.dma_semaphore, #tpu.memory_space<semaphore_mem>>, %arg12: memref<!tpu.dma_semaphore, #tpu.memory_space<semaphore_mem>>) attributes {dimension_semantics = [#tpu.dimension_semantics<core_parallel>, #tpu.dimension_semantics<subcore_parallel>], iteration_bounds = array<i64: 2, 16>, scalar_prefetch = 0 : i64, scratch_operands = 8 : i64, tpu.core_type = #tpu.core_type<sc_vector_subcore>, window_params = [{transform_indices = #map}, {transform_indices = #map1}, {transform_indices = #map}]} {
    %mul3A = arith.constant 2 : i32
    %mul3A_0 = arith.muli %arg1, %mul3A : i32
    %add3A = arith.addi %mul3A_0, %arg0 : i32
    %mul3A_1 = arith.constant 10240 : i32
    %mul3A_2 = arith.muli %add3A, %mul3A_1 : i32
    %add3A_3 = arith.constant 0 : i32
    %add3A_4 = arith.addi %mul3A_2, %add3A_3 : i32
    "tpu.region"() ({
      %run_scoped3A = tpu.sem_alloc : memref<!tpu.dma_semaphore, #tpu.memory_space<semaphore_mem>>
      %dma_start3A_28 = tpu.memref_slice %arg3[%add3A_4] : memref<327680xi32, #tpu.memory_space<hbm>> -> memref<256xi32, #tpu.memory_space<hbm>>
      %dma_start3A_29 = tpu.memref_slice %arg3[%add3A_4] : memref<327680xi32, #tpu.memory_space<hbm>> -> memref<256xi32, #tpu.memory_space<hbm>>
      tpu.enqueue_dma source(%dma_start3A_29 : memref<256xi32, #tpu.memory_space<hbm>>) target(%arg5 : memref<256xi32, #tpu.memory_space<vmem>>) target_semaphore(%run_scoped3A : memref<!tpu.dma_semaphore, #tpu.memory_space<semaphore_mem>>)
      %dma_wait3A_30 = tpu.memref_slice %arg3[%add3A_4] : memref<327680xi32, #tpu.memory_space<hbm>> -> memref<256xi32, #tpu.memory_space<hbm>>
      %dma_wait3A_31 = tpu.memref_slice %arg3[%add3A_4] : memref<327680xi32, #tpu.memory_space<hbm>> -> memref<256xi32, #tpu.memory_space<hbm>>
      tpu.wait_dma2 semaphore(%run_scoped3A : memref<!tpu.dma_semaphore, #tpu.memory_space<semaphore_mem>>) src(%dma_wait3A_31 : memref<256xi32, #tpu.memory_space<hbm>>) dst(%arg5 : memref<256xi32, #tpu.memory_space<vmem>>)
      tpu.yield
    }) : () -> ()
    %dma_start3A = arith.constant 0 : i32
    %dma_start3A_5 = arith.constant 0 : i32
    %dma_start3A_6 = tpu.memref_slice %arg2[%dma_start3A, %dma_start3A_5] : memref<32768x128xf32, #tpu.memory_space<hbm>> -> memref<32768x128xf32, #tpu.memory_space<hbm>>
    tpu.enqueue_indirect_dma source(%dma_start3A_6 : memref<32768x128xf32, #tpu.memory_space<hbm>>) target(%arg7 : memref<256x128xf32, #tpu.memory_space<vmem>>) offsets(%arg5 : memref<256xi32, #tpu.memory_space<vmem>>) semaphore(%arg9 : memref<!tpu.dma_semaphore, #tpu.memory_space<semaphore_mem>>)
    %add3A_7 = arith.constant 256 : i32
    %add3A_8 = arith.addi %mul3A_2, %add3A_7 : i32
    "tpu.region"() ({
      %run_scoped3A = tpu.sem_alloc : memref<!tpu.dma_semaphore, #tpu.memory_space<semaphore_mem>>
      %dma_start3A_28 = tpu.memref_slice %arg3[%add3A_8] : memref<327680xi32, #tpu.memory_space<hbm>> -> memref<256xi32, #tpu.memory_space<hbm>>
      %dma_start3A_29 = tpu.memref_slice %arg3[%add3A_8] : memref<327680xi32, #tpu.memory_space<hbm>> -> memref<256xi32, #tpu.memory_space<hbm>>
      tpu.enqueue_dma source(%dma_start3A_29 : memref<256xi32, #tpu.memory_space<hbm>>) target(%arg6 : memref<256xi32, #tpu.memory_space<vmem>>) target_semaphore(%run_scoped3A : memref<!tpu.dma_semaphore, #tpu.memory_space<semaphore_mem>>)
      %dma_wait3A_30 = tpu.memref_slice %arg3[%add3A_8] : memref<327680xi32, #tpu.memory_space<hbm>> -> memref<256xi32, #tpu.memory_space<hbm>>
      %dma_wait3A_31 = tpu.memref_slice %arg3[%add3A_8] : memref<327680xi32, #tpu.memory_space<hbm>> -> memref<256xi32, #tpu.memory_space<hbm>>
      tpu.wait_dma2 semaphore(%run_scoped3A : memref<!tpu.dma_semaphore, #tpu.memory_space<semaphore_mem>>) src(%dma_wait3A_31 : memref<256xi32, #tpu.memory_space<hbm>>) dst(%arg6 : memref<256xi32, #tpu.memory_space<vmem>>)
      tpu.yield
    }) : () -> ()
    %dma_start3A_9 = arith.constant 0 : i32
    %dma_start3A_10 = arith.constant 0 : i32
    %dma_start3A_11 = tpu.memref_slice %arg2[%dma_start3A_9, %dma_start3A_10] : memref<32768x128xf32, #tpu.memory_space<hbm>> -> memref<32768x128xf32, #tpu.memory_space<hbm>>
    tpu.enqueue_indirect_dma source(%dma_start3A_11 : memref<32768x128xf32, #tpu.memory_space<hbm>>) target(%arg8 : memref<256x128xf32, #tpu.memory_space<vmem>>) offsets(%arg6 : memref<256xi32, #tpu.memory_space<vmem>>) semaphore(%arg10 : memref<!tpu.dma_semaphore, #tpu.memory_space<semaphore_mem>>)
    %scan3A = arith.constant 0 : i32
    %scan3A_12 = arith.constant 0 : i32
    %scan3A_13 = arith.constant 20 : i32
    %scan3A_14 = arith.addi %scan3A_12, %scan3A_13 : i32
    %scan3A_15 = arith.constant 1 : i32
    scf.for %scan3A_28 = %scan3A_12 to %scan3A_14 step %scan3A_15  : i32 {
      %mul3A_29 = arith.constant 2 : i32
      %mul3A_30 = arith.muli %scan3A_28, %mul3A_29 : i32
      %add3A_31 = arith.constant 0 : i32
      %add3A_32 = arith.addi %mul3A_30, %add3A_31 : i32
      %mul3A_33 = arith.constant 256 : i32
      %mul3A_34 = arith.muli %add3A_32, %mul3A_33 : i32
      %add3A_35 = arith.addi %mul3A_2, %mul3A_34 : i32
      %dma_wait3A_36 = arith.constant 0 : i32
      %dma_wait3A_37 = arith.constant 0 : i32
      %dma_wait3A_38 = tpu.memref_slice %arg2[%dma_wait3A_36, %dma_wait3A_37] : memref<32768x128xf32, #tpu.memory_space<hbm>> -> memref<32768x128xf32, #tpu.memory_space<hbm>>
      tpu.wait_indirect_dma semaphore(%arg9 : memref<!tpu.dma_semaphore, #tpu.memory_space<semaphore_mem>>) src(%dma_wait3A_38 : memref<32768x128xf32, #tpu.memory_space<hbm>>) dst(%arg7 : memref<256x128xf32, #tpu.memory_space<vmem>>)
      %dma_start3A_39 = arith.constant 0 : i32
      %dma_start3A_40 = tpu.memref_slice %arg4[%add3A_35, %dma_start3A_39] : memref<327680x128xf32, #tpu.memory_space<hbm>> -> memref<256x128xf32, #tpu.memory_space<hbm>>
      %dma_start3A_41 = arith.constant 0 : i32
      %dma_start3A_42 = tpu.memref_slice %arg4[%add3A_35, %dma_start3A_41] : memref<327680x128xf32, #tpu.memory_space<hbm>> -> memref<256x128xf32, #tpu.memory_space<hbm>>
      tpu.enqueue_dma source(%arg7 : memref<256x128xf32, #tpu.memory_space<vmem>>) target(%dma_start3A_42 : memref<256x128xf32, #tpu.memory_space<hbm>>) target_semaphore(%arg11 : memref<!tpu.dma_semaphore, #tpu.memory_space<semaphore_mem>>)
      %add3A_43 = arith.constant 2 : i32
      %add3A_44 = arith.addi %add3A_32, %add3A_43 : i32
      %lt3A = arith.constant 40 : i32
      %lt3A_45 = arith.cmpi slt, %add3A_44, %lt3A : i32
      %convert_element_type3A = arith.extui %lt3A_45 : i1 to i32
      %cond3A = arith.constant 0 : i32
      %cond3A_46 = arith.cmpi ne, %convert_element_type3A, %cond3A : i32
      scf.if %cond3A_46 {
        %add3A_66 = arith.constant 2 : i32
        %add3A_67 = arith.addi %add3A_32, %add3A_66 : i32
        %mul3A_68 = arith.constant 256 : i32
        %mul3A_69 = arith.muli %add3A_67, %mul3A_68 : i32
        %add3A_70 = arith.addi %mul3A_2, %mul3A_69 : i32
        "tpu.region"() ({
          %run_scoped3A = tpu.sem_alloc : memref<!tpu.dma_semaphore, #tpu.memory_space<semaphore_mem>>
          %dma_start3A_78 = tpu.memref_slice %arg3[%add3A_70] : memref<327680xi32, #tpu.memory_space<hbm>> -> memref<256xi32, #tpu.memory_space<hbm>>
          %dma_start3A_79 = tpu.memref_slice %arg3[%add3A_70] : memref<327680xi32, #tpu.memory_space<hbm>> -> memref<256xi32, #tpu.memory_space<hbm>>
          tpu.enqueue_dma source(%dma_start3A_79 : memref<256xi32, #tpu.memory_space<hbm>>) target(%arg5 : memref<256xi32, #tpu.memory_space<vmem>>) target_semaphore(%run_scoped3A : memref<!tpu.dma_semaphore, #tpu.memory_space<semaphore_mem>>)
          %dma_wait3A_80 = tpu.memref_slice %arg3[%add3A_70] : memref<327680xi32, #tpu.memory_space<hbm>> -> memref<256xi32, #tpu.memory_space<hbm>>
          %dma_wait3A_81 = tpu.memref_slice %arg3[%add3A_70] : memref<327680xi32, #tpu.memory_space<hbm>> -> memref<256xi32, #tpu.memory_space<hbm>>
          tpu.wait_dma2 semaphore(%run_scoped3A : memref<!tpu.dma_semaphore, #tpu.memory_space<semaphore_mem>>) src(%dma_wait3A_81 : memref<256xi32, #tpu.memory_space<hbm>>) dst(%arg5 : memref<256xi32, #tpu.memory_space<vmem>>)
          tpu.yield
        }) : () -> ()
        %dma_wait3A_71 = arith.constant 0 : i32
        %dma_wait3A_72 = tpu.memref_slice %arg4[%add3A_35, %dma_wait3A_71] : memref<327680x128xf32, #tpu.memory_space<hbm>> -> memref<256x128xf32, #tpu.memory_space<hbm>>
        %dma_wait3A_73 = arith.constant 0 : i32
        %dma_wait3A_74 = tpu.memref_slice %arg4[%add3A_35, %dma_wait3A_73] : memref<327680x128xf32, #tpu.memory_space<hbm>> -> memref<256x128xf32, #tpu.memory_space<hbm>>
        tpu.wait_dma2 semaphore(%arg11 : memref<!tpu.dma_semaphore, #tpu.memory_space<semaphore_mem>>) src(%arg7 : memref<256x128xf32, #tpu.memory_space<vmem>>) dst(%dma_wait3A_74 : memref<256x128xf32, #tpu.memory_space<hbm>>)
        %dma_start3A_75 = arith.constant 0 : i32
        %dma_start3A_76 = arith.constant 0 : i32
        %dma_start3A_77 = tpu.memref_slice %arg2[%dma_start3A_75, %dma_start3A_76] : memref<32768x128xf32, #tpu.memory_space<hbm>> -> memref<32768x128xf32, #tpu.memory_space<hbm>>
        tpu.enqueue_indirect_dma source(%dma_start3A_77 : memref<32768x128xf32, #tpu.memory_space<hbm>>) target(%arg7 : memref<256x128xf32, #tpu.memory_space<vmem>>) offsets(%arg5 : memref<256xi32, #tpu.memory_space<vmem>>) semaphore(%arg9 : memref<!tpu.dma_semaphore, #tpu.memory_space<semaphore_mem>>)
      } else {
      }
      %add3A_47 = arith.constant 1 : i32
      %add3A_48 = arith.addi %mul3A_30, %add3A_47 : i32
      %mul3A_49 = arith.constant 256 : i32
      %mul3A_50 = arith.muli %add3A_48, %mul3A_49 : i32
      %add3A_51 = arith.addi %mul3A_2, %mul3A_50 : i32
      %dma_wait3A_52 = arith.constant 0 : i32
      %dma_wait3A_53 = arith.constant 0 : i32
      %dma_wait3A_54 = tpu.memref_slice %arg2[%dma_wait3A_52, %dma_wait3A_53] : memref<32768x128xf32, #tpu.memory_space<hbm>> -> memref<32768x128xf32, #tpu.memory_space<hbm>>
      tpu.wait_indirect_dma semaphore(%arg10 : memref<!tpu.dma_semaphore, #tpu.memory_space<semaphore_mem>>) src(%dma_wait3A_54 : memref<32768x128xf32, #tpu.memory_space<hbm>>) dst(%arg8 : memref<256x128xf32, #tpu.memory_space<vmem>>)
      %dma_start3A_55 = arith.constant 0 : i32
      %dma_start3A_56 = tpu.memref_slice %arg4[%add3A_51, %dma_start3A_55] : memref<327680x128xf32, #tpu.memory_space<hbm>> -> memref<256x128xf32, #tpu.memory_space<hbm>>
      %dma_start3A_57 = arith.constant 0 : i32
      %dma_start3A_58 = tpu.memref_slice %arg4[%add3A_51, %dma_start3A_57] : memref<327680x128xf32, #tpu.memory_space<hbm>> -> memref<256x128xf32, #tpu.memory_space<hbm>>
      tpu.enqueue_dma source(%arg8 : memref<256x128xf32, #tpu.memory_space<vmem>>) target(%dma_start3A_58 : memref<256x128xf32, #tpu.memory_space<hbm>>) target_semaphore(%arg12 : memref<!tpu.dma_semaphore, #tpu.memory_space<semaphore_mem>>)
      %add3A_59 = arith.constant 2 : i32
      %add3A_60 = arith.addi %add3A_48, %add3A_59 : i32
      %lt3A_61 = arith.constant 40 : i32
      %lt3A_62 = arith.cmpi slt, %add3A_60, %lt3A_61 : i32
      %convert_element_type3A_63 = arith.extui %lt3A_62 : i1 to i32
      %cond3A_64 = arith.constant 0 : i32
      %cond3A_65 = arith.cmpi ne, %convert_element_type3A_63, %cond3A_64 : i32
      scf.if %cond3A_65 {
        %add3A_66 = arith.constant 2 : i32
        %add3A_67 = arith.addi %add3A_48, %add3A_66 : i32
        %mul3A_68 = arith.constant 256 : i32
        %mul3A_69 = arith.muli %add3A_67, %mul3A_68 : i32
        %add3A_70 = arith.addi %mul3A_2, %mul3A_69 : i32
        "tpu.region"() ({
          %run_scoped3A = tpu.sem_alloc : memref<!tpu.dma_semaphore, #tpu.memory_space<semaphore_mem>>
          %dma_start3A_78 = tpu.memref_slice %arg3[%add3A_70] : memref<327680xi32, #tpu.memory_space<hbm>> -> memref<256xi32, #tpu.memory_space<hbm>>
          %dma_start3A_79 = tpu.memref_slice %arg3[%add3A_70] : memref<327680xi32, #tpu.memory_space<hbm>> -> memref<256xi32, #tpu.memory_space<hbm>>
          tpu.enqueue_dma source(%dma_start3A_79 : memref<256xi32, #tpu.memory_space<hbm>>) target(%arg6 : memref<256xi32, #tpu.memory_space<vmem>>) target_semaphore(%run_scoped3A : memref<!tpu.dma_semaphore, #tpu.memory_space<semaphore_mem>>)
          %dma_wait3A_80 = tpu.memref_slice %arg3[%add3A_70] : memref<327680xi32, #tpu.memory_space<hbm>> -> memref<256xi32, #tpu.memory_space<hbm>>
          %dma_wait3A_81 = tpu.memref_slice %arg3[%add3A_70] : memref<327680xi32, #tpu.memory_space<hbm>> -> memref<256xi32, #tpu.memory_space<hbm>>
          tpu.wait_dma2 semaphore(%run_scoped3A : memref<!tpu.dma_semaphore, #tpu.memory_space<semaphore_mem>>) src(%dma_wait3A_81 : memref<256xi32, #tpu.memory_space<hbm>>) dst(%arg6 : memref<256xi32, #tpu.memory_space<vmem>>)
          tpu.yield
        }) : () -> ()
        %dma_wait3A_71 = arith.constant 0 : i32
        %dma_wait3A_72 = tpu.memref_slice %arg4[%add3A_51, %dma_wait3A_71] : memref<327680x128xf32, #tpu.memory_space<hbm>> -> memref<256x128xf32, #tpu.memory_space<hbm>>
        %dma_wait3A_73 = arith.constant 0 : i32
        %dma_wait3A_74 = tpu.memref_slice %arg4[%add3A_51, %dma_wait3A_73] : memref<327680x128xf32, #tpu.memory_space<hbm>> -> memref<256x128xf32, #tpu.memory_space<hbm>>
        tpu.wait_dma2 semaphore(%arg12 : memref<!tpu.dma_semaphore, #tpu.memory_space<semaphore_mem>>) src(%arg8 : memref<256x128xf32, #tpu.memory_space<vmem>>) dst(%dma_wait3A_74 : memref<256x128xf32, #tpu.memory_space<hbm>>)
        %dma_start3A_75 = arith.constant 0 : i32
        %dma_start3A_76 = arith.constant 0 : i32
        %dma_start3A_77 = tpu.memref_slice %arg2[%dma_start3A_75, %dma_start3A_76] : memref<32768x128xf32, #tpu.memory_space<hbm>> -> memref<32768x128xf32, #tpu.memory_space<hbm>>
        tpu.enqueue_indirect_dma source(%dma_start3A_77 : memref<32768x128xf32, #tpu.memory_space<hbm>>) target(%arg8 : memref<256x128xf32, #tpu.memory_space<vmem>>) offsets(%arg6 : memref<256xi32, #tpu.memory_space<vmem>>) semaphore(%arg10 : memref<!tpu.dma_semaphore, #tpu.memory_space<semaphore_mem>>)
      } else {
      }
    }
    %scan3A_16 = arith.constant 20 : i32
    %add3A_17 = arith.constant 9728 : i32
    %add3A_18 = arith.addi %mul3A_2, %add3A_17 : i32
    %dma_wait3A = arith.constant 0 : i32
    %dma_wait3A_19 = tpu.memref_slice %arg4[%add3A_18, %dma_wait3A] : memref<327680x128xf32, #tpu.memory_space<hbm>> -> memref<256x128xf32, #tpu.memory_space<hbm>>
    %dma_wait3A_20 = arith.constant 0 : i32
    %dma_wait3A_21 = tpu.memref_slice %arg4[%add3A_18, %dma_wait3A_20] : memref<327680x128xf32, #tpu.memory_space<hbm>> -> memref<256x128xf32, #tpu.memory_space<hbm>>
    tpu.wait_dma2 semaphore(%arg11 : memref<!tpu.dma_semaphore, #tpu.memory_space<semaphore_mem>>) src(%arg7 : memref<256x128xf32, #tpu.memory_space<vmem>>) dst(%dma_wait3A_21 : memref<256x128xf32, #tpu.memory_space<hbm>>)
    %add3A_22 = arith.constant 9984 : i32
    %add3A_23 = arith.addi %mul3A_2, %add3A_22 : i32
    %dma_wait3A_24 = arith.constant 0 : i32
    %dma_wait3A_25 = tpu.memref_slice %arg4[%add3A_23, %dma_wait3A_24] : memref<327680x128xf32, #tpu.memory_space<hbm>> -> memref<256x128xf32, #tpu.memory_space<hbm>>
    %dma_wait3A_26 = arith.constant 0 : i32
    %dma_wait3A_27 = tpu.memref_slice %arg4[%add3A_23, %dma_wait3A_26] : memref<327680x128xf32, #tpu.memory_space<hbm>> -> memref<256x128xf32, #tpu.memory_space<hbm>>
    tpu.wait_dma2 semaphore(%arg12 : memref<!tpu.dma_semaphore, #tpu.memory_space<semaphore_mem>>) src(%arg8 : memref<256x128xf32, #tpu.memory_space<vmem>>) dst(%dma_wait3A_27 : memref<256x128xf32, #tpu.memory_space<hbm>>)
    return
  }
}

#map = affine_map<(d0, d1) -> (0, 0)>
#map1 = affine_map<(d0, d1) -> (0)>
module attributes {stable_mosaic.version = 14 : i64} {
  func.func @sc_kernel(%arg0: i32, %arg1: i32, %arg2: memref<32768x64xf32, #tpu.memory_space<hbm>>, %arg3: memref<327680xi32, #tpu.memory_space<hbm>>, %arg4: memref<327680x64xf32, #tpu.memory_space<hbm>>, %arg5: memref<512xi32, #tpu.memory_space<vmem>>, %arg6: memref<512xi32, #tpu.memory_space<vmem>>, %arg7: memref<512x64xf32, #tpu.memory_space<vmem>>, %arg8: memref<512x64xf32, #tpu.memory_space<vmem>>, %arg9: memref<!tpu.dma_semaphore, #tpu.memory_space<semaphore_mem>>, %arg10: memref<!tpu.dma_semaphore, #tpu.memory_space<semaphore_mem>>, %arg11: memref<!tpu.dma_semaphore, #tpu.memory_space<semaphore_mem>>, %arg12: memref<!tpu.dma_semaphore, #tpu.memory_space<semaphore_mem>>) attributes {dimension_semantics = [#tpu.dimension_semantics<core_parallel>, #tpu.dimension_semantics<subcore_parallel>], iteration_bounds = array<i64: 2, 16>, scalar_prefetch = 0 : i64, scratch_operands = 8 : i64, tpu.core_type = #tpu.core_type<sc_vector_subcore>, window_params = [{transform_indices = #map}, {transform_indices = #map1}, {transform_indices = #map}]} {
    %mul3A = arith.constant 2 : i32
    %mul3A_0 = arith.muli %arg1, %mul3A : i32
    %add3A = arith.addi %mul3A_0, %arg0 : i32
    %mul3A_1 = arith.constant 10240 : i32
    %mul3A_2 = arith.muli %add3A, %mul3A_1 : i32
    %add3A_3 = arith.constant 0 : i32
    %add3A_4 = arith.addi %mul3A_2, %add3A_3 : i32
    "tpu.region"() ({
      %run_scoped3A = tpu.sem_alloc : memref<!tpu.dma_semaphore, #tpu.memory_space<semaphore_mem>>
      %dma_start3A_28 = tpu.memref_slice %arg3[%add3A_4] : memref<327680xi32, #tpu.memory_space<hbm>> -> memref<512xi32, #tpu.memory_space<hbm>>
      %dma_start3A_29 = tpu.memref_slice %arg3[%add3A_4] : memref<327680xi32, #tpu.memory_space<hbm>> -> memref<512xi32, #tpu.memory_space<hbm>>
      tpu.enqueue_dma source(%dma_start3A_29 : memref<512xi32, #tpu.memory_space<hbm>>) target(%arg5 : memref<512xi32, #tpu.memory_space<vmem>>) target_semaphore(%run_scoped3A : memref<!tpu.dma_semaphore, #tpu.memory_space<semaphore_mem>>)
      %dma_wait3A_30 = tpu.memref_slice %arg3[%add3A_4] : memref<327680xi32, #tpu.memory_space<hbm>> -> memref<512xi32, #tpu.memory_space<hbm>>
      %dma_wait3A_31 = tpu.memref_slice %arg3[%add3A_4] : memref<327680xi32, #tpu.memory_space<hbm>> -> memref<512xi32, #tpu.memory_space<hbm>>
      tpu.wait_dma2 semaphore(%run_scoped3A : memref<!tpu.dma_semaphore, #tpu.memory_space<semaphore_mem>>) src(%dma_wait3A_31 : memref<512xi32, #tpu.memory_space<hbm>>) dst(%arg5 : memref<512xi32, #tpu.memory_space<vmem>>)
      tpu.yield
    }) : () -> ()
    %dma_start3A = arith.constant 0 : i32
    %dma_start3A_5 = arith.constant 0 : i32
    %dma_start3A_6 = tpu.memref_slice %arg2[%dma_start3A, %dma_start3A_5] : memref<32768x64xf32, #tpu.memory_space<hbm>> -> memref<32768x64xf32, #tpu.memory_space<hbm>>
    tpu.enqueue_indirect_dma source(%dma_start3A_6 : memref<32768x64xf32, #tpu.memory_space<hbm>>) target(%arg7 : memref<512x64xf32, #tpu.memory_space<vmem>>) offsets(%arg5 : memref<512xi32, #tpu.memory_space<vmem>>) semaphore(%arg9 : memref<!tpu.dma_semaphore, #tpu.memory_space<semaphore_mem>>)
    %add3A_7 = arith.constant 512 : i32
    %add3A_8 = arith.addi %mul3A_2, %add3A_7 : i32
    "tpu.region"() ({
      %run_scoped3A = tpu.sem_alloc : memref<!tpu.dma_semaphore, #tpu.memory_space<semaphore_mem>>
      %dma_start3A_28 = tpu.memref_slice %arg3[%add3A_8] : memref<327680xi32, #tpu.memory_space<hbm>> -> memref<512xi32, #tpu.memory_space<hbm>>
      %dma_start3A_29 = tpu.memref_slice %arg3[%add3A_8] : memref<327680xi32, #tpu.memory_space<hbm>> -> memref<512xi32, #tpu.memory_space<hbm>>
      tpu.enqueue_dma source(%dma_start3A_29 : memref<512xi32, #tpu.memory_space<hbm>>) target(%arg6 : memref<512xi32, #tpu.memory_space<vmem>>) target_semaphore(%run_scoped3A : memref<!tpu.dma_semaphore, #tpu.memory_space<semaphore_mem>>)
      %dma_wait3A_30 = tpu.memref_slice %arg3[%add3A_8] : memref<327680xi32, #tpu.memory_space<hbm>> -> memref<512xi32, #tpu.memory_space<hbm>>
      %dma_wait3A_31 = tpu.memref_slice %arg3[%add3A_8] : memref<327680xi32, #tpu.memory_space<hbm>> -> memref<512xi32, #tpu.memory_space<hbm>>
      tpu.wait_dma2 semaphore(%run_scoped3A : memref<!tpu.dma_semaphore, #tpu.memory_space<semaphore_mem>>) src(%dma_wait3A_31 : memref<512xi32, #tpu.memory_space<hbm>>) dst(%arg6 : memref<512xi32, #tpu.memory_space<vmem>>)
      tpu.yield
    }) : () -> ()
    %dma_start3A_9 = arith.constant 0 : i32
    %dma_start3A_10 = arith.constant 0 : i32
    %dma_start3A_11 = tpu.memref_slice %arg2[%dma_start3A_9, %dma_start3A_10] : memref<32768x64xf32, #tpu.memory_space<hbm>> -> memref<32768x64xf32, #tpu.memory_space<hbm>>
    tpu.enqueue_indirect_dma source(%dma_start3A_11 : memref<32768x64xf32, #tpu.memory_space<hbm>>) target(%arg8 : memref<512x64xf32, #tpu.memory_space<vmem>>) offsets(%arg6 : memref<512xi32, #tpu.memory_space<vmem>>) semaphore(%arg10 : memref<!tpu.dma_semaphore, #tpu.memory_space<semaphore_mem>>)
    %scan3A = arith.constant 0 : i32
    %scan3A_12 = arith.constant 0 : i32
    %scan3A_13 = arith.constant 10 : i32
    %scan3A_14 = arith.addi %scan3A_12, %scan3A_13 : i32
    %scan3A_15 = arith.constant 1 : i32
    scf.for %scan3A_28 = %scan3A_12 to %scan3A_14 step %scan3A_15  : i32 {
      %mul3A_29 = arith.constant 2 : i32
      %mul3A_30 = arith.muli %scan3A_28, %mul3A_29 : i32
      %add3A_31 = arith.constant 0 : i32
      %add3A_32 = arith.addi %mul3A_30, %add3A_31 : i32
      %mul3A_33 = arith.constant 512 : i32
      %mul3A_34 = arith.muli %add3A_32, %mul3A_33 : i32
      %add3A_35 = arith.addi %mul3A_2, %mul3A_34 : i32
      %dma_wait3A_36 = arith.constant 0 : i32
      %dma_wait3A_37 = arith.constant 0 : i32
      %dma_wait3A_38 = tpu.memref_slice %arg2[%dma_wait3A_36, %dma_wait3A_37] : memref<32768x64xf32, #tpu.memory_space<hbm>> -> memref<32768x64xf32, #tpu.memory_space<hbm>>
      tpu.wait_indirect_dma semaphore(%arg9 : memref<!tpu.dma_semaphore, #tpu.memory_space<semaphore_mem>>) src(%dma_wait3A_38 : memref<32768x64xf32, #tpu.memory_space<hbm>>) dst(%arg7 : memref<512x64xf32, #tpu.memory_space<vmem>>)
      %dma_start3A_39 = arith.constant 0 : i32
      %dma_start3A_40 = tpu.memref_slice %arg4[%add3A_35, %dma_start3A_39] : memref<327680x64xf32, #tpu.memory_space<hbm>> -> memref<512x64xf32, #tpu.memory_space<hbm>>
      %dma_start3A_41 = arith.constant 0 : i32
      %dma_start3A_42 = tpu.memref_slice %arg4[%add3A_35, %dma_start3A_41] : memref<327680x64xf32, #tpu.memory_space<hbm>> -> memref<512x64xf32, #tpu.memory_space<hbm>>
      tpu.enqueue_dma source(%arg7 : memref<512x64xf32, #tpu.memory_space<vmem>>) target(%dma_start3A_42 : memref<512x64xf32, #tpu.memory_space<hbm>>) target_semaphore(%arg11 : memref<!tpu.dma_semaphore, #tpu.memory_space<semaphore_mem>>)
      %add3A_43 = arith.constant 2 : i32
      %add3A_44 = arith.addi %add3A_32, %add3A_43 : i32
      %lt3A = arith.constant 20 : i32
      %lt3A_45 = arith.cmpi slt, %add3A_44, %lt3A : i32
      %convert_element_type3A = arith.extui %lt3A_45 : i1 to i32
      %cond3A = arith.constant 0 : i32
      %cond3A_46 = arith.cmpi ne, %convert_element_type3A, %cond3A : i32
      scf.if %cond3A_46 {
        %add3A_66 = arith.constant 2 : i32
        %add3A_67 = arith.addi %add3A_32, %add3A_66 : i32
        %mul3A_68 = arith.constant 512 : i32
        %mul3A_69 = arith.muli %add3A_67, %mul3A_68 : i32
        %add3A_70 = arith.addi %mul3A_2, %mul3A_69 : i32
        "tpu.region"() ({
          %run_scoped3A = tpu.sem_alloc : memref<!tpu.dma_semaphore, #tpu.memory_space<semaphore_mem>>
          %dma_start3A_78 = tpu.memref_slice %arg3[%add3A_70] : memref<327680xi32, #tpu.memory_space<hbm>> -> memref<512xi32, #tpu.memory_space<hbm>>
          %dma_start3A_79 = tpu.memref_slice %arg3[%add3A_70] : memref<327680xi32, #tpu.memory_space<hbm>> -> memref<512xi32, #tpu.memory_space<hbm>>
          tpu.enqueue_dma source(%dma_start3A_79 : memref<512xi32, #tpu.memory_space<hbm>>) target(%arg5 : memref<512xi32, #tpu.memory_space<vmem>>) target_semaphore(%run_scoped3A : memref<!tpu.dma_semaphore, #tpu.memory_space<semaphore_mem>>)
          %dma_wait3A_80 = tpu.memref_slice %arg3[%add3A_70] : memref<327680xi32, #tpu.memory_space<hbm>> -> memref<512xi32, #tpu.memory_space<hbm>>
          %dma_wait3A_81 = tpu.memref_slice %arg3[%add3A_70] : memref<327680xi32, #tpu.memory_space<hbm>> -> memref<512xi32, #tpu.memory_space<hbm>>
          tpu.wait_dma2 semaphore(%run_scoped3A : memref<!tpu.dma_semaphore, #tpu.memory_space<semaphore_mem>>) src(%dma_wait3A_81 : memref<512xi32, #tpu.memory_space<hbm>>) dst(%arg5 : memref<512xi32, #tpu.memory_space<vmem>>)
          tpu.yield
        }) : () -> ()
        %dma_wait3A_71 = arith.constant 0 : i32
        %dma_wait3A_72 = tpu.memref_slice %arg4[%add3A_35, %dma_wait3A_71] : memref<327680x64xf32, #tpu.memory_space<hbm>> -> memref<512x64xf32, #tpu.memory_space<hbm>>
        %dma_wait3A_73 = arith.constant 0 : i32
        %dma_wait3A_74 = tpu.memref_slice %arg4[%add3A_35, %dma_wait3A_73] : memref<327680x64xf32, #tpu.memory_space<hbm>> -> memref<512x64xf32, #tpu.memory_space<hbm>>
        tpu.wait_dma2 semaphore(%arg11 : memref<!tpu.dma_semaphore, #tpu.memory_space<semaphore_mem>>) src(%arg7 : memref<512x64xf32, #tpu.memory_space<vmem>>) dst(%dma_wait3A_74 : memref<512x64xf32, #tpu.memory_space<hbm>>)
        %dma_start3A_75 = arith.constant 0 : i32
        %dma_start3A_76 = arith.constant 0 : i32
        %dma_start3A_77 = tpu.memref_slice %arg2[%dma_start3A_75, %dma_start3A_76] : memref<32768x64xf32, #tpu.memory_space<hbm>> -> memref<32768x64xf32, #tpu.memory_space<hbm>>
        tpu.enqueue_indirect_dma source(%dma_start3A_77 : memref<32768x64xf32, #tpu.memory_space<hbm>>) target(%arg7 : memref<512x64xf32, #tpu.memory_space<vmem>>) offsets(%arg5 : memref<512xi32, #tpu.memory_space<vmem>>) semaphore(%arg9 : memref<!tpu.dma_semaphore, #tpu.memory_space<semaphore_mem>>)
      } else {
      }
      %add3A_47 = arith.constant 1 : i32
      %add3A_48 = arith.addi %mul3A_30, %add3A_47 : i32
      %mul3A_49 = arith.constant 512 : i32
      %mul3A_50 = arith.muli %add3A_48, %mul3A_49 : i32
      %add3A_51 = arith.addi %mul3A_2, %mul3A_50 : i32
      %dma_wait3A_52 = arith.constant 0 : i32
      %dma_wait3A_53 = arith.constant 0 : i32
      %dma_wait3A_54 = tpu.memref_slice %arg2[%dma_wait3A_52, %dma_wait3A_53] : memref<32768x64xf32, #tpu.memory_space<hbm>> -> memref<32768x64xf32, #tpu.memory_space<hbm>>
      tpu.wait_indirect_dma semaphore(%arg10 : memref<!tpu.dma_semaphore, #tpu.memory_space<semaphore_mem>>) src(%dma_wait3A_54 : memref<32768x64xf32, #tpu.memory_space<hbm>>) dst(%arg8 : memref<512x64xf32, #tpu.memory_space<vmem>>)
      %dma_start3A_55 = arith.constant 0 : i32
      %dma_start3A_56 = tpu.memref_slice %arg4[%add3A_51, %dma_start3A_55] : memref<327680x64xf32, #tpu.memory_space<hbm>> -> memref<512x64xf32, #tpu.memory_space<hbm>>
      %dma_start3A_57 = arith.constant 0 : i32
      %dma_start3A_58 = tpu.memref_slice %arg4[%add3A_51, %dma_start3A_57] : memref<327680x64xf32, #tpu.memory_space<hbm>> -> memref<512x64xf32, #tpu.memory_space<hbm>>
      tpu.enqueue_dma source(%arg8 : memref<512x64xf32, #tpu.memory_space<vmem>>) target(%dma_start3A_58 : memref<512x64xf32, #tpu.memory_space<hbm>>) target_semaphore(%arg12 : memref<!tpu.dma_semaphore, #tpu.memory_space<semaphore_mem>>)
      %add3A_59 = arith.constant 2 : i32
      %add3A_60 = arith.addi %add3A_48, %add3A_59 : i32
      %lt3A_61 = arith.constant 20 : i32
      %lt3A_62 = arith.cmpi slt, %add3A_60, %lt3A_61 : i32
      %convert_element_type3A_63 = arith.extui %lt3A_62 : i1 to i32
      %cond3A_64 = arith.constant 0 : i32
      %cond3A_65 = arith.cmpi ne, %convert_element_type3A_63, %cond3A_64 : i32
      scf.if %cond3A_65 {
        %add3A_66 = arith.constant 2 : i32
        %add3A_67 = arith.addi %add3A_48, %add3A_66 : i32
        %mul3A_68 = arith.constant 512 : i32
        %mul3A_69 = arith.muli %add3A_67, %mul3A_68 : i32
        %add3A_70 = arith.addi %mul3A_2, %mul3A_69 : i32
        "tpu.region"() ({
          %run_scoped3A = tpu.sem_alloc : memref<!tpu.dma_semaphore, #tpu.memory_space<semaphore_mem>>
          %dma_start3A_78 = tpu.memref_slice %arg3[%add3A_70] : memref<327680xi32, #tpu.memory_space<hbm>> -> memref<512xi32, #tpu.memory_space<hbm>>
          %dma_start3A_79 = tpu.memref_slice %arg3[%add3A_70] : memref<327680xi32, #tpu.memory_space<hbm>> -> memref<512xi32, #tpu.memory_space<hbm>>
          tpu.enqueue_dma source(%dma_start3A_79 : memref<512xi32, #tpu.memory_space<hbm>>) target(%arg6 : memref<512xi32, #tpu.memory_space<vmem>>) target_semaphore(%run_scoped3A : memref<!tpu.dma_semaphore, #tpu.memory_space<semaphore_mem>>)
          %dma_wait3A_80 = tpu.memref_slice %arg3[%add3A_70] : memref<327680xi32, #tpu.memory_space<hbm>> -> memref<512xi32, #tpu.memory_space<hbm>>
          %dma_wait3A_81 = tpu.memref_slice %arg3[%add3A_70] : memref<327680xi32, #tpu.memory_space<hbm>> -> memref<512xi32, #tpu.memory_space<hbm>>
          tpu.wait_dma2 semaphore(%run_scoped3A : memref<!tpu.dma_semaphore, #tpu.memory_space<semaphore_mem>>) src(%dma_wait3A_81 : memref<512xi32, #tpu.memory_space<hbm>>) dst(%arg6 : memref<512xi32, #tpu.memory_space<vmem>>)
          tpu.yield
        }) : () -> ()
        %dma_wait3A_71 = arith.constant 0 : i32
        %dma_wait3A_72 = tpu.memref_slice %arg4[%add3A_51, %dma_wait3A_71] : memref<327680x64xf32, #tpu.memory_space<hbm>> -> memref<512x64xf32, #tpu.memory_space<hbm>>
        %dma_wait3A_73 = arith.constant 0 : i32
        %dma_wait3A_74 = tpu.memref_slice %arg4[%add3A_51, %dma_wait3A_73] : memref<327680x64xf32, #tpu.memory_space<hbm>> -> memref<512x64xf32, #tpu.memory_space<hbm>>
        tpu.wait_dma2 semaphore(%arg12 : memref<!tpu.dma_semaphore, #tpu.memory_space<semaphore_mem>>) src(%arg8 : memref<512x64xf32, #tpu.memory_space<vmem>>) dst(%dma_wait3A_74 : memref<512x64xf32, #tpu.memory_space<hbm>>)
        %dma_start3A_75 = arith.constant 0 : i32
        %dma_start3A_76 = arith.constant 0 : i32
        %dma_start3A_77 = tpu.memref_slice %arg2[%dma_start3A_75, %dma_start3A_76] : memref<32768x64xf32, #tpu.memory_space<hbm>> -> memref<32768x64xf32, #tpu.memory_space<hbm>>
        tpu.enqueue_indirect_dma source(%dma_start3A_77 : memref<32768x64xf32, #tpu.memory_space<hbm>>) target(%arg8 : memref<512x64xf32, #tpu.memory_space<vmem>>) offsets(%arg6 : memref<512xi32, #tpu.memory_space<vmem>>) semaphore(%arg10 : memref<!tpu.dma_semaphore, #tpu.memory_space<semaphore_mem>>)
      } else {
      }
    }
    %scan3A_16 = arith.constant 10 : i32
    %add3A_17 = arith.constant 9216 : i32
    %add3A_18 = arith.addi %mul3A_2, %add3A_17 : i32
    %dma_wait3A = arith.constant 0 : i32
    %dma_wait3A_19 = tpu.memref_slice %arg4[%add3A_18, %dma_wait3A] : memref<327680x64xf32, #tpu.memory_space<hbm>> -> memref<512x64xf32, #tpu.memory_space<hbm>>
    %dma_wait3A_20 = arith.constant 0 : i32
    %dma_wait3A_21 = tpu.memref_slice %arg4[%add3A_18, %dma_wait3A_20] : memref<327680x64xf32, #tpu.memory_space<hbm>> -> memref<512x64xf32, #tpu.memory_space<hbm>>
    tpu.wait_dma2 semaphore(%arg11 : memref<!tpu.dma_semaphore, #tpu.memory_space<semaphore_mem>>) src(%arg7 : memref<512x64xf32, #tpu.memory_space<vmem>>) dst(%dma_wait3A_21 : memref<512x64xf32, #tpu.memory_space<hbm>>)
    %add3A_22 = arith.constant 9728 : i32
    %add3A_23 = arith.addi %mul3A_2, %add3A_22 : i32
    %dma_wait3A_24 = arith.constant 0 : i32
    %dma_wait3A_25 = tpu.memref_slice %arg4[%add3A_23, %dma_wait3A_24] : memref<327680x64xf32, #tpu.memory_space<hbm>> -> memref<512x64xf32, #tpu.memory_space<hbm>>
    %dma_wait3A_26 = arith.constant 0 : i32
    %dma_wait3A_27 = tpu.memref_slice %arg4[%add3A_23, %dma_wait3A_26] : memref<327680x64xf32, #tpu.memory_space<hbm>> -> memref<512x64xf32, #tpu.memory_space<hbm>>
    tpu.wait_dma2 semaphore(%arg12 : memref<!tpu.dma_semaphore, #tpu.memory_space<semaphore_mem>>) src(%arg8 : memref<512x64xf32, #tpu.memory_space<vmem>>) dst(%dma_wait3A_27 : memref<512x64xf32, #tpu.memory_space<hbm>>)
    return
  }
}

#map = affine_map<(d0, d1) -> (0, 0)>
#map1 = affine_map<(d0, d1) -> (0)>
module attributes {stable_mosaic.version = 14 : i64} {
  func.func @sc_kernel(%arg0: i32, %arg1: i32, %arg2: memref<32768x16xf32, #tpu.memory_space<hbm>>, %arg3: memref<327680xi32, #tpu.memory_space<hbm>>, %arg4: memref<327680x16xf32, #tpu.memory_space<hbm>>, %arg5: memref<1024xi32, #tpu.memory_space<vmem>>, %arg6: memref<1024xi32, #tpu.memory_space<vmem>>, %arg7: memref<1024x16xf32, #tpu.memory_space<vmem>>, %arg8: memref<1024x16xf32, #tpu.memory_space<vmem>>, %arg9: memref<!tpu.dma_semaphore, #tpu.memory_space<semaphore_mem>>, %arg10: memref<!tpu.dma_semaphore, #tpu.memory_space<semaphore_mem>>, %arg11: memref<!tpu.dma_semaphore, #tpu.memory_space<semaphore_mem>>, %arg12: memref<!tpu.dma_semaphore, #tpu.memory_space<semaphore_mem>>) attributes {dimension_semantics = [#tpu.dimension_semantics<core_parallel>, #tpu.dimension_semantics<subcore_parallel>], iteration_bounds = array<i64: 2, 16>, scalar_prefetch = 0 : i64, scratch_operands = 8 : i64, tpu.core_type = #tpu.core_type<sc_vector_subcore>, window_params = [{transform_indices = #map}, {transform_indices = #map1}, {transform_indices = #map}]} {
    %mul3A = arith.constant 2 : i32
    %mul3A_0 = arith.muli %arg1, %mul3A : i32
    %add3A = arith.addi %mul3A_0, %arg0 : i32
    %mul3A_1 = arith.constant 10240 : i32
    %mul3A_2 = arith.muli %add3A, %mul3A_1 : i32
    %add3A_3 = arith.constant 0 : i32
    %add3A_4 = arith.addi %mul3A_2, %add3A_3 : i32
    "tpu.region"() ({
      %run_scoped3A = tpu.sem_alloc : memref<!tpu.dma_semaphore, #tpu.memory_space<semaphore_mem>>
      %dma_start3A_28 = tpu.memref_slice %arg3[%add3A_4] : memref<327680xi32, #tpu.memory_space<hbm>> -> memref<1024xi32, #tpu.memory_space<hbm>>
      %dma_start3A_29 = tpu.memref_slice %arg3[%add3A_4] : memref<327680xi32, #tpu.memory_space<hbm>> -> memref<1024xi32, #tpu.memory_space<hbm>>
      tpu.enqueue_dma source(%dma_start3A_29 : memref<1024xi32, #tpu.memory_space<hbm>>) target(%arg5 : memref<1024xi32, #tpu.memory_space<vmem>>) target_semaphore(%run_scoped3A : memref<!tpu.dma_semaphore, #tpu.memory_space<semaphore_mem>>)
      %dma_wait3A_30 = tpu.memref_slice %arg3[%add3A_4] : memref<327680xi32, #tpu.memory_space<hbm>> -> memref<1024xi32, #tpu.memory_space<hbm>>
      %dma_wait3A_31 = tpu.memref_slice %arg3[%add3A_4] : memref<327680xi32, #tpu.memory_space<hbm>> -> memref<1024xi32, #tpu.memory_space<hbm>>
      tpu.wait_dma2 semaphore(%run_scoped3A : memref<!tpu.dma_semaphore, #tpu.memory_space<semaphore_mem>>) src(%dma_wait3A_31 : memref<1024xi32, #tpu.memory_space<hbm>>) dst(%arg5 : memref<1024xi32, #tpu.memory_space<vmem>>)
      tpu.yield
    }) : () -> ()
    %dma_start3A = arith.constant 0 : i32
    %dma_start3A_5 = arith.constant 0 : i32
    %dma_start3A_6 = tpu.memref_slice %arg2[%dma_start3A, %dma_start3A_5] : memref<32768x16xf32, #tpu.memory_space<hbm>> -> memref<32768x16xf32, #tpu.memory_space<hbm>>
    tpu.enqueue_indirect_dma source(%dma_start3A_6 : memref<32768x16xf32, #tpu.memory_space<hbm>>) target(%arg7 : memref<1024x16xf32, #tpu.memory_space<vmem>>) offsets(%arg5 : memref<1024xi32, #tpu.memory_space<vmem>>) semaphore(%arg9 : memref<!tpu.dma_semaphore, #tpu.memory_space<semaphore_mem>>)
    %add3A_7 = arith.constant 1024 : i32
    %add3A_8 = arith.addi %mul3A_2, %add3A_7 : i32
    "tpu.region"() ({
      %run_scoped3A = tpu.sem_alloc : memref<!tpu.dma_semaphore, #tpu.memory_space<semaphore_mem>>
      %dma_start3A_28 = tpu.memref_slice %arg3[%add3A_8] : memref<327680xi32, #tpu.memory_space<hbm>> -> memref<1024xi32, #tpu.memory_space<hbm>>
      %dma_start3A_29 = tpu.memref_slice %arg3[%add3A_8] : memref<327680xi32, #tpu.memory_space<hbm>> -> memref<1024xi32, #tpu.memory_space<hbm>>
      tpu.enqueue_dma source(%dma_start3A_29 : memref<1024xi32, #tpu.memory_space<hbm>>) target(%arg6 : memref<1024xi32, #tpu.memory_space<vmem>>) target_semaphore(%run_scoped3A : memref<!tpu.dma_semaphore, #tpu.memory_space<semaphore_mem>>)
      %dma_wait3A_30 = tpu.memref_slice %arg3[%add3A_8] : memref<327680xi32, #tpu.memory_space<hbm>> -> memref<1024xi32, #tpu.memory_space<hbm>>
      %dma_wait3A_31 = tpu.memref_slice %arg3[%add3A_8] : memref<327680xi32, #tpu.memory_space<hbm>> -> memref<1024xi32, #tpu.memory_space<hbm>>
      tpu.wait_dma2 semaphore(%run_scoped3A : memref<!tpu.dma_semaphore, #tpu.memory_space<semaphore_mem>>) src(%dma_wait3A_31 : memref<1024xi32, #tpu.memory_space<hbm>>) dst(%arg6 : memref<1024xi32, #tpu.memory_space<vmem>>)
      tpu.yield
    }) : () -> ()
    %dma_start3A_9 = arith.constant 0 : i32
    %dma_start3A_10 = arith.constant 0 : i32
    %dma_start3A_11 = tpu.memref_slice %arg2[%dma_start3A_9, %dma_start3A_10] : memref<32768x16xf32, #tpu.memory_space<hbm>> -> memref<32768x16xf32, #tpu.memory_space<hbm>>
    tpu.enqueue_indirect_dma source(%dma_start3A_11 : memref<32768x16xf32, #tpu.memory_space<hbm>>) target(%arg8 : memref<1024x16xf32, #tpu.memory_space<vmem>>) offsets(%arg6 : memref<1024xi32, #tpu.memory_space<vmem>>) semaphore(%arg10 : memref<!tpu.dma_semaphore, #tpu.memory_space<semaphore_mem>>)
    %scan3A = arith.constant 0 : i32
    %scan3A_12 = arith.constant 0 : i32
    %scan3A_13 = arith.constant 5 : i32
    %scan3A_14 = arith.addi %scan3A_12, %scan3A_13 : i32
    %scan3A_15 = arith.constant 1 : i32
    scf.for %scan3A_28 = %scan3A_12 to %scan3A_14 step %scan3A_15  : i32 {
      %mul3A_29 = arith.constant 2 : i32
      %mul3A_30 = arith.muli %scan3A_28, %mul3A_29 : i32
      %add3A_31 = arith.constant 0 : i32
      %add3A_32 = arith.addi %mul3A_30, %add3A_31 : i32
      %mul3A_33 = arith.constant 1024 : i32
      %mul3A_34 = arith.muli %add3A_32, %mul3A_33 : i32
      %add3A_35 = arith.addi %mul3A_2, %mul3A_34 : i32
      %dma_wait3A_36 = arith.constant 0 : i32
      %dma_wait3A_37 = arith.constant 0 : i32
      %dma_wait3A_38 = tpu.memref_slice %arg2[%dma_wait3A_36, %dma_wait3A_37] : memref<32768x16xf32, #tpu.memory_space<hbm>> -> memref<32768x16xf32, #tpu.memory_space<hbm>>
      tpu.wait_indirect_dma semaphore(%arg9 : memref<!tpu.dma_semaphore, #tpu.memory_space<semaphore_mem>>) src(%dma_wait3A_38 : memref<32768x16xf32, #tpu.memory_space<hbm>>) dst(%arg7 : memref<1024x16xf32, #tpu.memory_space<vmem>>)
      %dma_start3A_39 = arith.constant 0 : i32
      %dma_start3A_40 = tpu.memref_slice %arg4[%add3A_35, %dma_start3A_39] : memref<327680x16xf32, #tpu.memory_space<hbm>> -> memref<1024x16xf32, #tpu.memory_space<hbm>>
      %dma_start3A_41 = arith.constant 0 : i32
      %dma_start3A_42 = tpu.memref_slice %arg4[%add3A_35, %dma_start3A_41] : memref<327680x16xf32, #tpu.memory_space<hbm>> -> memref<1024x16xf32, #tpu.memory_space<hbm>>
      tpu.enqueue_dma source(%arg7 : memref<1024x16xf32, #tpu.memory_space<vmem>>) target(%dma_start3A_42 : memref<1024x16xf32, #tpu.memory_space<hbm>>) target_semaphore(%arg11 : memref<!tpu.dma_semaphore, #tpu.memory_space<semaphore_mem>>)
      %add3A_43 = arith.constant 2 : i32
      %add3A_44 = arith.addi %add3A_32, %add3A_43 : i32
      %lt3A = arith.constant 10 : i32
      %lt3A_45 = arith.cmpi slt, %add3A_44, %lt3A : i32
      %convert_element_type3A = arith.extui %lt3A_45 : i1 to i32
      %cond3A = arith.constant 0 : i32
      %cond3A_46 = arith.cmpi ne, %convert_element_type3A, %cond3A : i32
      scf.if %cond3A_46 {
        %add3A_66 = arith.constant 2 : i32
        %add3A_67 = arith.addi %add3A_32, %add3A_66 : i32
        %mul3A_68 = arith.constant 1024 : i32
        %mul3A_69 = arith.muli %add3A_67, %mul3A_68 : i32
        %add3A_70 = arith.addi %mul3A_2, %mul3A_69 : i32
        "tpu.region"() ({
          %run_scoped3A = tpu.sem_alloc : memref<!tpu.dma_semaphore, #tpu.memory_space<semaphore_mem>>
          %dma_start3A_78 = tpu.memref_slice %arg3[%add3A_70] : memref<327680xi32, #tpu.memory_space<hbm>> -> memref<1024xi32, #tpu.memory_space<hbm>>
          %dma_start3A_79 = tpu.memref_slice %arg3[%add3A_70] : memref<327680xi32, #tpu.memory_space<hbm>> -> memref<1024xi32, #tpu.memory_space<hbm>>
          tpu.enqueue_dma source(%dma_start3A_79 : memref<1024xi32, #tpu.memory_space<hbm>>) target(%arg5 : memref<1024xi32, #tpu.memory_space<vmem>>) target_semaphore(%run_scoped3A : memref<!tpu.dma_semaphore, #tpu.memory_space<semaphore_mem>>)
          %dma_wait3A_80 = tpu.memref_slice %arg3[%add3A_70] : memref<327680xi32, #tpu.memory_space<hbm>> -> memref<1024xi32, #tpu.memory_space<hbm>>
          %dma_wait3A_81 = tpu.memref_slice %arg3[%add3A_70] : memref<327680xi32, #tpu.memory_space<hbm>> -> memref<1024xi32, #tpu.memory_space<hbm>>
          tpu.wait_dma2 semaphore(%run_scoped3A : memref<!tpu.dma_semaphore, #tpu.memory_space<semaphore_mem>>) src(%dma_wait3A_81 : memref<1024xi32, #tpu.memory_space<hbm>>) dst(%arg5 : memref<1024xi32, #tpu.memory_space<vmem>>)
          tpu.yield
        }) : () -> ()
        %dma_wait3A_71 = arith.constant 0 : i32
        %dma_wait3A_72 = tpu.memref_slice %arg4[%add3A_35, %dma_wait3A_71] : memref<327680x16xf32, #tpu.memory_space<hbm>> -> memref<1024x16xf32, #tpu.memory_space<hbm>>
        %dma_wait3A_73 = arith.constant 0 : i32
        %dma_wait3A_74 = tpu.memref_slice %arg4[%add3A_35, %dma_wait3A_73] : memref<327680x16xf32, #tpu.memory_space<hbm>> -> memref<1024x16xf32, #tpu.memory_space<hbm>>
        tpu.wait_dma2 semaphore(%arg11 : memref<!tpu.dma_semaphore, #tpu.memory_space<semaphore_mem>>) src(%arg7 : memref<1024x16xf32, #tpu.memory_space<vmem>>) dst(%dma_wait3A_74 : memref<1024x16xf32, #tpu.memory_space<hbm>>)
        %dma_start3A_75 = arith.constant 0 : i32
        %dma_start3A_76 = arith.constant 0 : i32
        %dma_start3A_77 = tpu.memref_slice %arg2[%dma_start3A_75, %dma_start3A_76] : memref<32768x16xf32, #tpu.memory_space<hbm>> -> memref<32768x16xf32, #tpu.memory_space<hbm>>
        tpu.enqueue_indirect_dma source(%dma_start3A_77 : memref<32768x16xf32, #tpu.memory_space<hbm>>) target(%arg7 : memref<1024x16xf32, #tpu.memory_space<vmem>>) offsets(%arg5 : memref<1024xi32, #tpu.memory_space<vmem>>) semaphore(%arg9 : memref<!tpu.dma_semaphore, #tpu.memory_space<semaphore_mem>>)
      } else {
      }
      %add3A_47 = arith.constant 1 : i32
      %add3A_48 = arith.addi %mul3A_30, %add3A_47 : i32
      %mul3A_49 = arith.constant 1024 : i32
      %mul3A_50 = arith.muli %add3A_48, %mul3A_49 : i32
      %add3A_51 = arith.addi %mul3A_2, %mul3A_50 : i32
      %dma_wait3A_52 = arith.constant 0 : i32
      %dma_wait3A_53 = arith.constant 0 : i32
      %dma_wait3A_54 = tpu.memref_slice %arg2[%dma_wait3A_52, %dma_wait3A_53] : memref<32768x16xf32, #tpu.memory_space<hbm>> -> memref<32768x16xf32, #tpu.memory_space<hbm>>
      tpu.wait_indirect_dma semaphore(%arg10 : memref<!tpu.dma_semaphore, #tpu.memory_space<semaphore_mem>>) src(%dma_wait3A_54 : memref<32768x16xf32, #tpu.memory_space<hbm>>) dst(%arg8 : memref<1024x16xf32, #tpu.memory_space<vmem>>)
      %dma_start3A_55 = arith.constant 0 : i32
      %dma_start3A_56 = tpu.memref_slice %arg4[%add3A_51, %dma_start3A_55] : memref<327680x16xf32, #tpu.memory_space<hbm>> -> memref<1024x16xf32, #tpu.memory_space<hbm>>
      %dma_start3A_57 = arith.constant 0 : i32
      %dma_start3A_58 = tpu.memref_slice %arg4[%add3A_51, %dma_start3A_57] : memref<327680x16xf32, #tpu.memory_space<hbm>> -> memref<1024x16xf32, #tpu.memory_space<hbm>>
      tpu.enqueue_dma source(%arg8 : memref<1024x16xf32, #tpu.memory_space<vmem>>) target(%dma_start3A_58 : memref<1024x16xf32, #tpu.memory_space<hbm>>) target_semaphore(%arg12 : memref<!tpu.dma_semaphore, #tpu.memory_space<semaphore_mem>>)
      %add3A_59 = arith.constant 2 : i32
      %add3A_60 = arith.addi %add3A_48, %add3A_59 : i32
      %lt3A_61 = arith.constant 10 : i32
      %lt3A_62 = arith.cmpi slt, %add3A_60, %lt3A_61 : i32
      %convert_element_type3A_63 = arith.extui %lt3A_62 : i1 to i32
      %cond3A_64 = arith.constant 0 : i32
      %cond3A_65 = arith.cmpi ne, %convert_element_type3A_63, %cond3A_64 : i32
      scf.if %cond3A_65 {
        %add3A_66 = arith.constant 2 : i32
        %add3A_67 = arith.addi %add3A_48, %add3A_66 : i32
        %mul3A_68 = arith.constant 1024 : i32
        %mul3A_69 = arith.muli %add3A_67, %mul3A_68 : i32
        %add3A_70 = arith.addi %mul3A_2, %mul3A_69 : i32
        "tpu.region"() ({
          %run_scoped3A = tpu.sem_alloc : memref<!tpu.dma_semaphore, #tpu.memory_space<semaphore_mem>>
          %dma_start3A_78 = tpu.memref_slice %arg3[%add3A_70] : memref<327680xi32, #tpu.memory_space<hbm>> -> memref<1024xi32, #tpu.memory_space<hbm>>
          %dma_start3A_79 = tpu.memref_slice %arg3[%add3A_70] : memref<327680xi32, #tpu.memory_space<hbm>> -> memref<1024xi32, #tpu.memory_space<hbm>>
          tpu.enqueue_dma source(%dma_start3A_79 : memref<1024xi32, #tpu.memory_space<hbm>>) target(%arg6 : memref<1024xi32, #tpu.memory_space<vmem>>) target_semaphore(%run_scoped3A : memref<!tpu.dma_semaphore, #tpu.memory_space<semaphore_mem>>)
          %dma_wait3A_80 = tpu.memref_slice %arg3[%add3A_70] : memref<327680xi32, #tpu.memory_space<hbm>> -> memref<1024xi32, #tpu.memory_space<hbm>>
          %dma_wait3A_81 = tpu.memref_slice %arg3[%add3A_70] : memref<327680xi32, #tpu.memory_space<hbm>> -> memref<1024xi32, #tpu.memory_space<hbm>>
          tpu.wait_dma2 semaphore(%run_scoped3A : memref<!tpu.dma_semaphore, #tpu.memory_space<semaphore_mem>>) src(%dma_wait3A_81 : memref<1024xi32, #tpu.memory_space<hbm>>) dst(%arg6 : memref<1024xi32, #tpu.memory_space<vmem>>)
          tpu.yield
        }) : () -> ()
        %dma_wait3A_71 = arith.constant 0 : i32
        %dma_wait3A_72 = tpu.memref_slice %arg4[%add3A_51, %dma_wait3A_71] : memref<327680x16xf32, #tpu.memory_space<hbm>> -> memref<1024x16xf32, #tpu.memory_space<hbm>>
        %dma_wait3A_73 = arith.constant 0 : i32
        %dma_wait3A_74 = tpu.memref_slice %arg4[%add3A_51, %dma_wait3A_73] : memref<327680x16xf32, #tpu.memory_space<hbm>> -> memref<1024x16xf32, #tpu.memory_space<hbm>>
        tpu.wait_dma2 semaphore(%arg12 : memref<!tpu.dma_semaphore, #tpu.memory_space<semaphore_mem>>) src(%arg8 : memref<1024x16xf32, #tpu.memory_space<vmem>>) dst(%dma_wait3A_74 : memref<1024x16xf32, #tpu.memory_space<hbm>>)
        %dma_start3A_75 = arith.constant 0 : i32
        %dma_start3A_76 = arith.constant 0 : i32
        %dma_start3A_77 = tpu.memref_slice %arg2[%dma_start3A_75, %dma_start3A_76] : memref<32768x16xf32, #tpu.memory_space<hbm>> -> memref<32768x16xf32, #tpu.memory_space<hbm>>
        tpu.enqueue_indirect_dma source(%dma_start3A_77 : memref<32768x16xf32, #tpu.memory_space<hbm>>) target(%arg8 : memref<1024x16xf32, #tpu.memory_space<vmem>>) offsets(%arg6 : memref<1024xi32, #tpu.memory_space<vmem>>) semaphore(%arg10 : memref<!tpu.dma_semaphore, #tpu.memory_space<semaphore_mem>>)
      } else {
      }
    }
    %scan3A_16 = arith.constant 5 : i32
    %add3A_17 = arith.constant 8192 : i32
    %add3A_18 = arith.addi %mul3A_2, %add3A_17 : i32
    %dma_wait3A = arith.constant 0 : i32
    %dma_wait3A_19 = tpu.memref_slice %arg4[%add3A_18, %dma_wait3A] : memref<327680x16xf32, #tpu.memory_space<hbm>> -> memref<1024x16xf32, #tpu.memory_space<hbm>>
    %dma_wait3A_20 = arith.constant 0 : i32
    %dma_wait3A_21 = tpu.memref_slice %arg4[%add3A_18, %dma_wait3A_20] : memref<327680x16xf32, #tpu.memory_space<hbm>> -> memref<1024x16xf32, #tpu.memory_space<hbm>>
    tpu.wait_dma2 semaphore(%arg11 : memref<!tpu.dma_semaphore, #tpu.memory_space<semaphore_mem>>) src(%arg7 : memref<1024x16xf32, #tpu.memory_space<vmem>>) dst(%dma_wait3A_21 : memref<1024x16xf32, #tpu.memory_space<hbm>>)
    %add3A_22 = arith.constant 9216 : i32
    %add3A_23 = arith.addi %mul3A_2, %add3A_22 : i32
    %dma_wait3A_24 = arith.constant 0 : i32
    %dma_wait3A_25 = tpu.memref_slice %arg4[%add3A_23, %dma_wait3A_24] : memref<327680x16xf32, #tpu.memory_space<hbm>> -> memref<1024x16xf32, #tpu.memory_space<hbm>>
    %dma_wait3A_26 = arith.constant 0 : i32
    %dma_wait3A_27 = tpu.memref_slice %arg4[%add3A_23, %dma_wait3A_26] : memref<327680x16xf32, #tpu.memory_space<hbm>> -> memref<1024x16xf32, #tpu.memory_space<hbm>>
    tpu.wait_dma2 semaphore(%arg12 : memref<!tpu.dma_semaphore, #tpu.memory_space<semaphore_mem>>) src(%arg8 : memref<1024x16xf32, #tpu.memory_space<vmem>>) dst(%dma_wait3A_27 : memref<1024x16xf32, #tpu.memory_space<hbm>>)
    return
  }
}

#map = affine_map<(d0, d1) -> (0, 0)>
#map1 = affine_map<(d0, d1) -> (0)>
module attributes {stable_mosaic.version = 14 : i64} {
  func.func @sc_kernel(%arg0: i32, %arg1: i32, %arg2: memref<32768x64xf32, #tpu.memory_space<hbm>>, %arg3: memref<327680xi32, #tpu.memory_space<hbm>>, %arg4: memref<327680x64xf32, #tpu.memory_space<hbm>>, %arg5: memref<512xi32, #tpu.memory_space<vmem>>, %arg6: memref<512xi32, #tpu.memory_space<vmem>>, %arg7: memref<512x64xf32, #tpu.memory_space<vmem>>, %arg8: memref<512x64xf32, #tpu.memory_space<vmem>>, %arg9: memref<!tpu.dma_semaphore, #tpu.memory_space<semaphore_mem>>, %arg10: memref<!tpu.dma_semaphore, #tpu.memory_space<semaphore_mem>>, %arg11: memref<!tpu.dma_semaphore, #tpu.memory_space<semaphore_mem>>, %arg12: memref<!tpu.dma_semaphore, #tpu.memory_space<semaphore_mem>>) attributes {dimension_semantics = [#tpu.dimension_semantics<core_parallel>, #tpu.dimension_semantics<subcore_parallel>], iteration_bounds = array<i64: 2, 16>, scalar_prefetch = 0 : i64, scratch_operands = 8 : i64, tpu.core_type = #tpu.core_type<sc_vector_subcore>, window_params = [{transform_indices = #map}, {transform_indices = #map1}, {transform_indices = #map}]} {
    %mul3A = arith.constant 2 : i32
    %mul3A_0 = arith.muli %arg1, %mul3A : i32
    %add3A = arith.addi %mul3A_0, %arg0 : i32
    %mul3A_1 = arith.constant 10240 : i32
    %mul3A_2 = arith.muli %add3A, %mul3A_1 : i32
    %add3A_3 = arith.constant 0 : i32
    %add3A_4 = arith.addi %mul3A_2, %add3A_3 : i32
    "tpu.region"() ({
      %run_scoped3A = tpu.sem_alloc : memref<!tpu.dma_semaphore, #tpu.memory_space<semaphore_mem>>
      %dma_start3A_28 = tpu.memref_slice %arg3[%add3A_4] : memref<327680xi32, #tpu.memory_space<hbm>> -> memref<512xi32, #tpu.memory_space<hbm>>
      %dma_start3A_29 = tpu.memref_slice %arg3[%add3A_4] : memref<327680xi32, #tpu.memory_space<hbm>> -> memref<512xi32, #tpu.memory_space<hbm>>
      tpu.enqueue_dma source(%dma_start3A_29 : memref<512xi32, #tpu.memory_space<hbm>>) target(%arg5 : memref<512xi32, #tpu.memory_space<vmem>>) target_semaphore(%run_scoped3A : memref<!tpu.dma_semaphore, #tpu.memory_space<semaphore_mem>>)
      %dma_wait3A_30 = tpu.memref_slice %arg3[%add3A_4] : memref<327680xi32, #tpu.memory_space<hbm>> -> memref<512xi32, #tpu.memory_space<hbm>>
      %dma_wait3A_31 = tpu.memref_slice %arg3[%add3A_4] : memref<327680xi32, #tpu.memory_space<hbm>> -> memref<512xi32, #tpu.memory_space<hbm>>
      tpu.wait_dma2 semaphore(%run_scoped3A : memref<!tpu.dma_semaphore, #tpu.memory_space<semaphore_mem>>) src(%dma_wait3A_31 : memref<512xi32, #tpu.memory_space<hbm>>) dst(%arg5 : memref<512xi32, #tpu.memory_space<vmem>>)
      tpu.yield
    }) : () -> ()
    %dma_start3A = arith.constant 0 : i32
    %dma_start3A_5 = arith.constant 0 : i32
    %dma_start3A_6 = tpu.memref_slice %arg2[%dma_start3A, %dma_start3A_5] : memref<32768x64xf32, #tpu.memory_space<hbm>> -> memref<32768x64xf32, #tpu.memory_space<hbm>>
    tpu.enqueue_indirect_dma source(%dma_start3A_6 : memref<32768x64xf32, #tpu.memory_space<hbm>>) target(%arg7 : memref<512x64xf32, #tpu.memory_space<vmem>>) offsets(%arg5 : memref<512xi32, #tpu.memory_space<vmem>>) semaphore(%arg9 : memref<!tpu.dma_semaphore, #tpu.memory_space<semaphore_mem>>)
    %add3A_7 = arith.constant 512 : i32
    %add3A_8 = arith.addi %mul3A_2, %add3A_7 : i32
    "tpu.region"() ({
      %run_scoped3A = tpu.sem_alloc : memref<!tpu.dma_semaphore, #tpu.memory_space<semaphore_mem>>
      %dma_start3A_28 = tpu.memref_slice %arg3[%add3A_8] : memref<327680xi32, #tpu.memory_space<hbm>> -> memref<512xi32, #tpu.memory_space<hbm>>
      %dma_start3A_29 = tpu.memref_slice %arg3[%add3A_8] : memref<327680xi32, #tpu.memory_space<hbm>> -> memref<512xi32, #tpu.memory_space<hbm>>
      tpu.enqueue_dma source(%dma_start3A_29 : memref<512xi32, #tpu.memory_space<hbm>>) target(%arg6 : memref<512xi32, #tpu.memory_space<vmem>>) target_semaphore(%run_scoped3A : memref<!tpu.dma_semaphore, #tpu.memory_space<semaphore_mem>>)
      %dma_wait3A_30 = tpu.memref_slice %arg3[%add3A_8] : memref<327680xi32, #tpu.memory_space<hbm>> -> memref<512xi32, #tpu.memory_space<hbm>>
      %dma_wait3A_31 = tpu.memref_slice %arg3[%add3A_8] : memref<327680xi32, #tpu.memory_space<hbm>> -> memref<512xi32, #tpu.memory_space<hbm>>
      tpu.wait_dma2 semaphore(%run_scoped3A : memref<!tpu.dma_semaphore, #tpu.memory_space<semaphore_mem>>) src(%dma_wait3A_31 : memref<512xi32, #tpu.memory_space<hbm>>) dst(%arg6 : memref<512xi32, #tpu.memory_space<vmem>>)
      tpu.yield
    }) : () -> ()
    %dma_start3A_9 = arith.constant 0 : i32
    %dma_start3A_10 = arith.constant 0 : i32
    %dma_start3A_11 = tpu.memref_slice %arg2[%dma_start3A_9, %dma_start3A_10] : memref<32768x64xf32, #tpu.memory_space<hbm>> -> memref<32768x64xf32, #tpu.memory_space<hbm>>
    tpu.enqueue_indirect_dma source(%dma_start3A_11 : memref<32768x64xf32, #tpu.memory_space<hbm>>) target(%arg8 : memref<512x64xf32, #tpu.memory_space<vmem>>) offsets(%arg6 : memref<512xi32, #tpu.memory_space<vmem>>) semaphore(%arg10 : memref<!tpu.dma_semaphore, #tpu.memory_space<semaphore_mem>>)
    %scan3A = arith.constant 0 : i32
    %scan3A_12 = arith.constant 0 : i32
    %scan3A_13 = arith.constant 10 : i32
    %scan3A_14 = arith.addi %scan3A_12, %scan3A_13 : i32
    %scan3A_15 = arith.constant 1 : i32
    scf.for %scan3A_28 = %scan3A_12 to %scan3A_14 step %scan3A_15  : i32 {
      %mul3A_29 = arith.constant 2 : i32
      %mul3A_30 = arith.muli %scan3A_28, %mul3A_29 : i32
      %add3A_31 = arith.constant 0 : i32
      %add3A_32 = arith.addi %mul3A_30, %add3A_31 : i32
      %mul3A_33 = arith.constant 512 : i32
      %mul3A_34 = arith.muli %add3A_32, %mul3A_33 : i32
      %add3A_35 = arith.addi %mul3A_2, %mul3A_34 : i32
      %dma_wait3A_36 = arith.constant 0 : i32
      %dma_wait3A_37 = arith.constant 0 : i32
      %dma_wait3A_38 = tpu.memref_slice %arg2[%dma_wait3A_36, %dma_wait3A_37] : memref<32768x64xf32, #tpu.memory_space<hbm>> -> memref<32768x64xf32, #tpu.memory_space<hbm>>
      tpu.wait_indirect_dma semaphore(%arg9 : memref<!tpu.dma_semaphore, #tpu.memory_space<semaphore_mem>>) src(%dma_wait3A_38 : memref<32768x64xf32, #tpu.memory_space<hbm>>) dst(%arg7 : memref<512x64xf32, #tpu.memory_space<vmem>>)
      %dma_start3A_39 = arith.constant 0 : i32
      %dma_start3A_40 = tpu.memref_slice %arg4[%add3A_35, %dma_start3A_39] : memref<327680x64xf32, #tpu.memory_space<hbm>> -> memref<512x64xf32, #tpu.memory_space<hbm>>
      %dma_start3A_41 = arith.constant 0 : i32
      %dma_start3A_42 = tpu.memref_slice %arg4[%add3A_35, %dma_start3A_41] : memref<327680x64xf32, #tpu.memory_space<hbm>> -> memref<512x64xf32, #tpu.memory_space<hbm>>
      tpu.enqueue_dma source(%arg7 : memref<512x64xf32, #tpu.memory_space<vmem>>) target(%dma_start3A_42 : memref<512x64xf32, #tpu.memory_space<hbm>>) target_semaphore(%arg11 : memref<!tpu.dma_semaphore, #tpu.memory_space<semaphore_mem>>)
      %add3A_43 = arith.constant 2 : i32
      %add3A_44 = arith.addi %add3A_32, %add3A_43 : i32
      %lt3A = arith.constant 20 : i32
      %lt3A_45 = arith.cmpi slt, %add3A_44, %lt3A : i32
      %convert_element_type3A = arith.extui %lt3A_45 : i1 to i32
      %cond3A = arith.constant 0 : i32
      %cond3A_46 = arith.cmpi ne, %convert_element_type3A, %cond3A : i32
      scf.if %cond3A_46 {
        %add3A_66 = arith.constant 2 : i32
        %add3A_67 = arith.addi %add3A_32, %add3A_66 : i32
        %mul3A_68 = arith.constant 512 : i32
        %mul3A_69 = arith.muli %add3A_67, %mul3A_68 : i32
        %add3A_70 = arith.addi %mul3A_2, %mul3A_69 : i32
        "tpu.region"() ({
          %run_scoped3A = tpu.sem_alloc : memref<!tpu.dma_semaphore, #tpu.memory_space<semaphore_mem>>
          %dma_start3A_78 = tpu.memref_slice %arg3[%add3A_70] : memref<327680xi32, #tpu.memory_space<hbm>> -> memref<512xi32, #tpu.memory_space<hbm>>
          %dma_start3A_79 = tpu.memref_slice %arg3[%add3A_70] : memref<327680xi32, #tpu.memory_space<hbm>> -> memref<512xi32, #tpu.memory_space<hbm>>
          tpu.enqueue_dma source(%dma_start3A_79 : memref<512xi32, #tpu.memory_space<hbm>>) target(%arg5 : memref<512xi32, #tpu.memory_space<vmem>>) target_semaphore(%run_scoped3A : memref<!tpu.dma_semaphore, #tpu.memory_space<semaphore_mem>>)
          %dma_wait3A_80 = tpu.memref_slice %arg3[%add3A_70] : memref<327680xi32, #tpu.memory_space<hbm>> -> memref<512xi32, #tpu.memory_space<hbm>>
          %dma_wait3A_81 = tpu.memref_slice %arg3[%add3A_70] : memref<327680xi32, #tpu.memory_space<hbm>> -> memref<512xi32, #tpu.memory_space<hbm>>
          tpu.wait_dma2 semaphore(%run_scoped3A : memref<!tpu.dma_semaphore, #tpu.memory_space<semaphore_mem>>) src(%dma_wait3A_81 : memref<512xi32, #tpu.memory_space<hbm>>) dst(%arg5 : memref<512xi32, #tpu.memory_space<vmem>>)
          tpu.yield
        }) : () -> ()
        %dma_wait3A_71 = arith.constant 0 : i32
        %dma_wait3A_72 = tpu.memref_slice %arg4[%add3A_35, %dma_wait3A_71] : memref<327680x64xf32, #tpu.memory_space<hbm>> -> memref<512x64xf32, #tpu.memory_space<hbm>>
        %dma_wait3A_73 = arith.constant 0 : i32
        %dma_wait3A_74 = tpu.memref_slice %arg4[%add3A_35, %dma_wait3A_73] : memref<327680x64xf32, #tpu.memory_space<hbm>> -> memref<512x64xf32, #tpu.memory_space<hbm>>
        tpu.wait_dma2 semaphore(%arg11 : memref<!tpu.dma_semaphore, #tpu.memory_space<semaphore_mem>>) src(%arg7 : memref<512x64xf32, #tpu.memory_space<vmem>>) dst(%dma_wait3A_74 : memref<512x64xf32, #tpu.memory_space<hbm>>)
        %dma_start3A_75 = arith.constant 0 : i32
        %dma_start3A_76 = arith.constant 0 : i32
        %dma_start3A_77 = tpu.memref_slice %arg2[%dma_start3A_75, %dma_start3A_76] : memref<32768x64xf32, #tpu.memory_space<hbm>> -> memref<32768x64xf32, #tpu.memory_space<hbm>>
        tpu.enqueue_indirect_dma source(%dma_start3A_77 : memref<32768x64xf32, #tpu.memory_space<hbm>>) target(%arg7 : memref<512x64xf32, #tpu.memory_space<vmem>>) offsets(%arg5 : memref<512xi32, #tpu.memory_space<vmem>>) semaphore(%arg9 : memref<!tpu.dma_semaphore, #tpu.memory_space<semaphore_mem>>)
      } else {
      }
      %add3A_47 = arith.constant 1 : i32
      %add3A_48 = arith.addi %mul3A_30, %add3A_47 : i32
      %mul3A_49 = arith.constant 512 : i32
      %mul3A_50 = arith.muli %add3A_48, %mul3A_49 : i32
      %add3A_51 = arith.addi %mul3A_2, %mul3A_50 : i32
      %dma_wait3A_52 = arith.constant 0 : i32
      %dma_wait3A_53 = arith.constant 0 : i32
      %dma_wait3A_54 = tpu.memref_slice %arg2[%dma_wait3A_52, %dma_wait3A_53] : memref<32768x64xf32, #tpu.memory_space<hbm>> -> memref<32768x64xf32, #tpu.memory_space<hbm>>
      tpu.wait_indirect_dma semaphore(%arg10 : memref<!tpu.dma_semaphore, #tpu.memory_space<semaphore_mem>>) src(%dma_wait3A_54 : memref<32768x64xf32, #tpu.memory_space<hbm>>) dst(%arg8 : memref<512x64xf32, #tpu.memory_space<vmem>>)
      %dma_start3A_55 = arith.constant 0 : i32
      %dma_start3A_56 = tpu.memref_slice %arg4[%add3A_51, %dma_start3A_55] : memref<327680x64xf32, #tpu.memory_space<hbm>> -> memref<512x64xf32, #tpu.memory_space<hbm>>
      %dma_start3A_57 = arith.constant 0 : i32
      %dma_start3A_58 = tpu.memref_slice %arg4[%add3A_51, %dma_start3A_57] : memref<327680x64xf32, #tpu.memory_space<hbm>> -> memref<512x64xf32, #tpu.memory_space<hbm>>
      tpu.enqueue_dma source(%arg8 : memref<512x64xf32, #tpu.memory_space<vmem>>) target(%dma_start3A_58 : memref<512x64xf32, #tpu.memory_space<hbm>>) target_semaphore(%arg12 : memref<!tpu.dma_semaphore, #tpu.memory_space<semaphore_mem>>)
      %add3A_59 = arith.constant 2 : i32
      %add3A_60 = arith.addi %add3A_48, %add3A_59 : i32
      %lt3A_61 = arith.constant 20 : i32
      %lt3A_62 = arith.cmpi slt, %add3A_60, %lt3A_61 : i32
      %convert_element_type3A_63 = arith.extui %lt3A_62 : i1 to i32
      %cond3A_64 = arith.constant 0 : i32
      %cond3A_65 = arith.cmpi ne, %convert_element_type3A_63, %cond3A_64 : i32
      scf.if %cond3A_65 {
        %add3A_66 = arith.constant 2 : i32
        %add3A_67 = arith.addi %add3A_48, %add3A_66 : i32
        %mul3A_68 = arith.constant 512 : i32
        %mul3A_69 = arith.muli %add3A_67, %mul3A_68 : i32
        %add3A_70 = arith.addi %mul3A_2, %mul3A_69 : i32
        "tpu.region"() ({
          %run_scoped3A = tpu.sem_alloc : memref<!tpu.dma_semaphore, #tpu.memory_space<semaphore_mem>>
          %dma_start3A_78 = tpu.memref_slice %arg3[%add3A_70] : memref<327680xi32, #tpu.memory_space<hbm>> -> memref<512xi32, #tpu.memory_space<hbm>>
          %dma_start3A_79 = tpu.memref_slice %arg3[%add3A_70] : memref<327680xi32, #tpu.memory_space<hbm>> -> memref<512xi32, #tpu.memory_space<hbm>>
          tpu.enqueue_dma source(%dma_start3A_79 : memref<512xi32, #tpu.memory_space<hbm>>) target(%arg6 : memref<512xi32, #tpu.memory_space<vmem>>) target_semaphore(%run_scoped3A : memref<!tpu.dma_semaphore, #tpu.memory_space<semaphore_mem>>)
          %dma_wait3A_80 = tpu.memref_slice %arg3[%add3A_70] : memref<327680xi32, #tpu.memory_space<hbm>> -> memref<512xi32, #tpu.memory_space<hbm>>
          %dma_wait3A_81 = tpu.memref_slice %arg3[%add3A_70] : memref<327680xi32, #tpu.memory_space<hbm>> -> memref<512xi32, #tpu.memory_space<hbm>>
          tpu.wait_dma2 semaphore(%run_scoped3A : memref<!tpu.dma_semaphore, #tpu.memory_space<semaphore_mem>>) src(%dma_wait3A_81 : memref<512xi32, #tpu.memory_space<hbm>>) dst(%arg6 : memref<512xi32, #tpu.memory_space<vmem>>)
          tpu.yield
        }) : () -> ()
        %dma_wait3A_71 = arith.constant 0 : i32
        %dma_wait3A_72 = tpu.memref_slice %arg4[%add3A_51, %dma_wait3A_71] : memref<327680x64xf32, #tpu.memory_space<hbm>> -> memref<512x64xf32, #tpu.memory_space<hbm>>
        %dma_wait3A_73 = arith.constant 0 : i32
        %dma_wait3A_74 = tpu.memref_slice %arg4[%add3A_51, %dma_wait3A_73] : memref<327680x64xf32, #tpu.memory_space<hbm>> -> memref<512x64xf32, #tpu.memory_space<hbm>>
        tpu.wait_dma2 semaphore(%arg12 : memref<!tpu.dma_semaphore, #tpu.memory_space<semaphore_mem>>) src(%arg8 : memref<512x64xf32, #tpu.memory_space<vmem>>) dst(%dma_wait3A_74 : memref<512x64xf32, #tpu.memory_space<hbm>>)
        %dma_start3A_75 = arith.constant 0 : i32
        %dma_start3A_76 = arith.constant 0 : i32
        %dma_start3A_77 = tpu.memref_slice %arg2[%dma_start3A_75, %dma_start3A_76] : memref<32768x64xf32, #tpu.memory_space<hbm>> -> memref<32768x64xf32, #tpu.memory_space<hbm>>
        tpu.enqueue_indirect_dma source(%dma_start3A_77 : memref<32768x64xf32, #tpu.memory_space<hbm>>) target(%arg8 : memref<512x64xf32, #tpu.memory_space<vmem>>) offsets(%arg6 : memref<512xi32, #tpu.memory_space<vmem>>) semaphore(%arg10 : memref<!tpu.dma_semaphore, #tpu.memory_space<semaphore_mem>>)
      } else {
      }
    }
    %scan3A_16 = arith.constant 10 : i32
    %add3A_17 = arith.constant 9216 : i32
    %add3A_18 = arith.addi %mul3A_2, %add3A_17 : i32
    %dma_wait3A = arith.constant 0 : i32
    %dma_wait3A_19 = tpu.memref_slice %arg4[%add3A_18, %dma_wait3A] : memref<327680x64xf32, #tpu.memory_space<hbm>> -> memref<512x64xf32, #tpu.memory_space<hbm>>
    %dma_wait3A_20 = arith.constant 0 : i32
    %dma_wait3A_21 = tpu.memref_slice %arg4[%add3A_18, %dma_wait3A_20] : memref<327680x64xf32, #tpu.memory_space<hbm>> -> memref<512x64xf32, #tpu.memory_space<hbm>>
    tpu.wait_dma2 semaphore(%arg11 : memref<!tpu.dma_semaphore, #tpu.memory_space<semaphore_mem>>) src(%arg7 : memref<512x64xf32, #tpu.memory_space<vmem>>) dst(%dma_wait3A_21 : memref<512x64xf32, #tpu.memory_space<hbm>>)
    %add3A_22 = arith.constant 9728 : i32
    %add3A_23 = arith.addi %mul3A_2, %add3A_22 : i32
    %dma_wait3A_24 = arith.constant 0 : i32
    %dma_wait3A_25 = tpu.memref_slice %arg4[%add3A_23, %dma_wait3A_24] : memref<327680x64xf32, #tpu.memory_space<hbm>> -> memref<512x64xf32, #tpu.memory_space<hbm>>
    %dma_wait3A_26 = arith.constant 0 : i32
    %dma_wait3A_27 = tpu.memref_slice %arg4[%add3A_23, %dma_wait3A_26] : memref<327680x64xf32, #tpu.memory_space<hbm>> -> memref<512x64xf32, #tpu.memory_space<hbm>>
    tpu.wait_dma2 semaphore(%arg12 : memref<!tpu.dma_semaphore, #tpu.memory_space<semaphore_mem>>) src(%arg8 : memref<512x64xf32, #tpu.memory_space<vmem>>) dst(%dma_wait3A_27 : memref<512x64xf32, #tpu.memory_space<hbm>>)
    return
  }
}

module attributes {stable_mosaic.version = 14 : i64} {
  func.func @_knn_body(%arg0: i32, %arg1: i32, %arg2: memref<1x512x16xf32, #tpu.memory_space<vmem>>, %arg3: memref<1x2048x16xf32, #tpu.memory_space<vmem>>, %arg4: memref<10x512xi32, #tpu.memory_space<vmem>>, %arg5: memref<1x2048xf32, #tpu.memory_space<vmem>>) attributes {dimension_semantics = [#tpu.dimension_semantics<arbitrary>, #tpu.dimension_semantics<arbitrary>], iteration_bounds = array<i64: 16, 4>, scalar_prefetch = 0 : i64, scratch_operands = 1 : i64, tpu.core_type = #tpu.core_type<tc>, window_params = [{transform_indices = @transform_0, window_bounds = array<i64: 1, 512, 16>}, {transform_indices = @transform_1, window_bounds = array<i64: 1, 2048, 16>}, {transform_indices = @transform_2, window_bounds = array<i64: 10, 512>}]} {
    %get3A = arith.constant 0 : index
    %get3A_0 = arith.constant 0 : index
    %get3A_1 = arith.constant 0 : index
    %get3A_2 = vector.load %arg2[%get3A, %get3A_0, %get3A_1] : memref<1x512x16xf32, #tpu.memory_space<vmem>>, vector<1x512x16xf32>
    %get3A_3 = vector.shape_cast %get3A_2 : vector<1x512x16xf32> to vector<512x16xf32>
    %get3A_4 = arith.constant 0 : index
    %get3A_5 = arith.constant 0 : index
    %get3A_6 = arith.constant 0 : index
    %get3A_7 = vector.load %arg3[%get3A_4, %get3A_5, %get3A_6] : memref<1x2048x16xf32, #tpu.memory_space<vmem>>, vector<1x2048x16xf32>
    %get3A_8 = vector.shape_cast %get3A_7 : vector<1x2048x16xf32> to vector<2048x16xf32>
    %eq3A = arith.constant 0 : i32
    %eq3A_9 = arith.cmpi eq, %arg1, %eq3A : i32
    %convert_element_type3A = arith.extui %eq3A_9 : i1 to i32
    %cond3A = arith.constant 0 : i32
    %cond3A_10 = arith.cmpi ne, %convert_element_type3A, %cond3A : i32
    scf.if %cond3A_10 {
      %mul3A_1188 = arith.mulf %get3A_8, %get3A_8 : vector<2048x16xf32>
      %reduce_sum3A_1189 = arith.constant dense<0.000000e+00> : vector<2048xf32>
      %reduce_sum3A_1190 = vector.multi_reduction <add>, %mul3A_1188, %reduce_sum3A_1189 [1] : vector<2048x16xf32> to vector<2048xf32>
      %broadcast_in_dim3A_1191 = vector.shape_cast %reduce_sum3A_1190 : vector<2048xf32> to vector<2048x1xf32>
      %transpose3A_1192 = tpu.transpose %broadcast_in_dim3A_1191, [1, 0] : vector<2048x1xf32> -> vector<1x2048xf32>
      %swap3A_1193 = arith.constant 0 : index
      %swap3A_1194 = arith.constant 0 : index
      %swap3A_1195 = vector.load %arg5[%swap3A_1193, %swap3A_1194] : memref<1x2048xf32, #tpu.memory_space<vmem>>, vector<1x2048xf32>
      tpu.vector_store %arg5[%swap3A_1193, %swap3A_1194], %transpose3A_1192 {strides = array<i32>} : memref<1x2048xf32, #tpu.memory_space<vmem>>, vector<1x2048xf32>,
    } else {
    }
    %dot_general3A = arith.constant dense<0.000000e+00> : vector<512x2048xf32>
    %dot_general3A_11 = tpu.matmul %get3A_3, %get3A_8, %dot_general3A {dimension_numbers = #tpu.dot_dimension_numbers<[1], [1], [0], [0], [0, 0, 1, 0], [], []>, transpose_lhs_hint = false} : vector<512x16xf32>, vector<2048x16xf32>, vector<512x2048xf32> -> vector<512x2048xf32>
    %mul3A = arith.mulf %get3A_3, %get3A_3 : vector<512x16xf32>
    %reduce_sum3A = arith.constant dense<0.000000e+00> : vector<512xf32>
    %reduce_sum3A_12 = vector.multi_reduction <add>, %mul3A, %reduce_sum3A [1] : vector<512x16xf32> to vector<512xf32>
    %broadcast_in_dim3A = vector.shape_cast %reduce_sum3A_12 : vector<512xf32> to vector<512x1xf32>
    %mul3A_13 = arith.constant 2.000000e+00 : f32
    %mul3A_14 = vector.broadcast %mul3A_13 : f32 to vector<512x2048xf32>
    %mul3A_15 = arith.mulf %mul3A_14, %dot_general3A_11 : vector<512x2048xf32>
    %sub3A = vector.broadcast %broadcast_in_dim3A : vector<512x1xf32> to vector<512x2048xf32>
    %sub3A_16 = arith.subf %mul3A_15, %sub3A : vector<512x2048xf32>
    %get3A_17 = arith.constant 0 : index
    %get3A_18 = arith.constant 0 : index
    %get3A_19 = vector.load %arg5[%get3A_17, %get3A_18] : memref<1x2048xf32, #tpu.memory_space<vmem>>, vector<1x2048xf32>
    %sub3A_20 = vector.broadcast %get3A_19 : vector<1x2048xf32> to vector<512x2048xf32>
    %sub3A_21 = arith.subf %sub3A_16, %sub3A_20 : vector<512x2048xf32>
    %iota3A = tpu.iota {dimensions = array<i32: 1>} : vector<512x2048xi32>
    %mul3A_22 = arith.constant 512 : i32
    %mul3A_23 = arith.muli %arg1, %mul3A_22 : i32
    %iota3A_24 = tpu.iota {dimensions = array<i32: 0>} : vector<512x1xi32>
    %add3A = vector.broadcast %mul3A_23 : i32 to vector<512x1xi32>
    %add3A_25 = arith.addi %add3A, %iota3A_24 : vector<512x1xi32>
    %eq3A_26 = vector.broadcast %add3A_25 : vector<512x1xi32> to vector<512x2048xi32>
    %eq3A_27 = arith.cmpi eq, %iota3A, %eq3A_26 : vector<512x2048xi32>
    %jit3A = arith.constant -1.000000e+30 : f32
    %broadcast_in_dim3A_28 = vector.broadcast %jit3A : f32 to vector<512x2048xf32>
    %select_n3A = arith.select %eq3A_27, %broadcast_in_dim3A_28, %sub3A_21 : vector<512x2048xi1>, vector<512x2048xf32>
    %iota3A_29 = tpu.iota {dimensions = array<i32: 1>} : vector<512x128xi32>
    %eq3A_30 = arith.constant 0 : i32
    %eq3A_31 = vector.broadcast %eq3A_30 : i32 to vector<512x128xi32>
    %eq3A_32 = arith.cmpi eq, %iota3A_29, %eq3A_31 : vector<512x128xi32>
    %jit3A_33 = arith.constant 0 : i32
    %broadcast_in_dim3A_34 = vector.shape_cast %add3A_25 : vector<512x1xi32> to vector<512x1xi32>
    %broadcast_in_dim3A_35 = vector.broadcast %broadcast_in_dim3A_34 : vector<512x1xi32> to vector<512x128xi32>
    %broadcast_in_dim3A_36 = vector.broadcast %jit3A_33 : i32 to vector<512x128xi32>
    %select_n3A_37 = arith.select %eq3A_32, %broadcast_in_dim3A_35, %broadcast_in_dim3A_36 : vector<512x128xi1>, vector<512x128xi32>
    %slice3A = vector.extract_strided_slice %select_n3A {offsets = [0, 0], sizes = [512, 128], strides = [1, 1]} : vector<512x2048xf32> to vector<512x128xf32>
    %slice3A_38 = vector.extract_strided_slice %select_n3A {offsets = [0, 128], sizes = [512, 128], strides = [1, 1]} : vector<512x2048xf32> to vector<512x128xf32>
    %gt3A = arith.cmpf ogt, %slice3A_38, %slice3A : vector<512x128xf32>
    %max3A = arith.maximumf %slice3A, %slice3A_38 : vector<512x128xf32>
    %add3A_39 = arith.constant 128 : i32
    %add3A_40 = vector.broadcast %add3A_39 : i32 to vector<512x128xi32>
    %add3A_41 = arith.addi %iota3A_29, %add3A_40 : vector<512x128xi32>
    %select_n3A_42 = arith.select %gt3A, %add3A_41, %iota3A_29 : vector<512x128xi1>, vector<512x128xi32>
    %slice3A_43 = vector.extract_strided_slice %select_n3A {offsets = [0, 256], sizes = [512, 128], strides = [1, 1]} : vector<512x2048xf32> to vector<512x128xf32>
    %gt3A_44 = arith.cmpf ogt, %slice3A_43, %max3A : vector<512x128xf32>
    %max3A_45 = arith.maximumf %max3A, %slice3A_43 : vector<512x128xf32>
    %add3A_46 = arith.constant 256 : i32
    %add3A_47 = vector.broadcast %add3A_46 : i32 to vector<512x128xi32>
    %add3A_48 = arith.addi %iota3A_29, %add3A_47 : vector<512x128xi32>
    %select_n3A_49 = arith.select %gt3A_44, %add3A_48, %select_n3A_42 : vector<512x128xi1>, vector<512x128xi32>
    %slice3A_50 = vector.extract_strided_slice %select_n3A {offsets = [0, 384], sizes = [512, 128], strides = [1, 1]} : vector<512x2048xf32> to vector<512x128xf32>
    %gt3A_51 = arith.cmpf ogt, %slice3A_50, %max3A_45 : vector<512x128xf32>
    %max3A_52 = arith.maximumf %max3A_45, %slice3A_50 : vector<512x128xf32>
    %add3A_53 = arith.constant 384 : i32
    %add3A_54 = vector.broadcast %add3A_53 : i32 to vector<512x128xi32>
    %add3A_55 = arith.addi %iota3A_29, %add3A_54 : vector<512x128xi32>
    %select_n3A_56 = arith.select %gt3A_51, %add3A_55, %select_n3A_49 : vector<512x128xi1>, vector<512x128xi32>
    %slice3A_57 = vector.extract_strided_slice %select_n3A {offsets = [0, 512], sizes = [512, 128], strides = [1, 1]} : vector<512x2048xf32> to vector<512x128xf32>
    %gt3A_58 = arith.cmpf ogt, %slice3A_57, %max3A_52 : vector<512x128xf32>
    %max3A_59 = arith.maximumf %max3A_52, %slice3A_57 : vector<512x128xf32>
    %add3A_60 = arith.constant 512 : i32
    %add3A_61 = vector.broadcast %add3A_60 : i32 to vector<512x128xi32>
    %add3A_62 = arith.addi %iota3A_29, %add3A_61 : vector<512x128xi32>
    %select_n3A_63 = arith.select %gt3A_58, %add3A_62, %select_n3A_56 : vector<512x128xi1>, vector<512x128xi32>
    %slice3A_64 = vector.extract_strided_slice %select_n3A {offsets = [0, 640], sizes = [512, 128], strides = [1, 1]} : vector<512x2048xf32> to vector<512x128xf32>
    %gt3A_65 = arith.cmpf ogt, %slice3A_64, %max3A_59 : vector<512x128xf32>
    %max3A_66 = arith.maximumf %max3A_59, %slice3A_64 : vector<512x128xf32>
    %add3A_67 = arith.constant 640 : i32
    %add3A_68 = vector.broadcast %add3A_67 : i32 to vector<512x128xi32>
    %add3A_69 = arith.addi %iota3A_29, %add3A_68 : vector<512x128xi32>
    %select_n3A_70 = arith.select %gt3A_65, %add3A_69, %select_n3A_63 : vector<512x128xi1>, vector<512x128xi32>
    %slice3A_71 = vector.extract_strided_slice %select_n3A {offsets = [0, 768], sizes = [512, 128], strides = [1, 1]} : vector<512x2048xf32> to vector<512x128xf32>
    %gt3A_72 = arith.cmpf ogt, %slice3A_71, %max3A_66 : vector<512x128xf32>
    %max3A_73 = arith.maximumf %max3A_66, %slice3A_71 : vector<512x128xf32>
    %add3A_74 = arith.constant 768 : i32
    %add3A_75 = vector.broadcast %add3A_74 : i32 to vector<512x128xi32>
    %add3A_76 = arith.addi %iota3A_29, %add3A_75 : vector<512x128xi32>
    %select_n3A_77 = arith.select %gt3A_72, %add3A_76, %select_n3A_70 : vector<512x128xi1>, vector<512x128xi32>
    %slice3A_78 = vector.extract_strided_slice %select_n3A {offsets = [0, 896], sizes = [512, 128], strides = [1, 1]} : vector<512x2048xf32> to vector<512x128xf32>
    %gt3A_79 = arith.cmpf ogt, %slice3A_78, %max3A_73 : vector<512x128xf32>
    %max3A_80 = arith.maximumf %max3A_73, %slice3A_78 : vector<512x128xf32>
    %add3A_81 = arith.constant 896 : i32
    %add3A_82 = vector.broadcast %add3A_81 : i32 to vector<512x128xi32>
    %add3A_83 = arith.addi %iota3A_29, %add3A_82 : vector<512x128xi32>
    %select_n3A_84 = arith.select %gt3A_79, %add3A_83, %select_n3A_77 : vector<512x128xi1>, vector<512x128xi32>
    %slice3A_85 = vector.extract_strided_slice %select_n3A {offsets = [0, 1024], sizes = [512, 128], strides = [1, 1]} : vector<512x2048xf32> to vector<512x128xf32>
    %gt3A_86 = arith.cmpf ogt, %slice3A_85, %max3A_80 : vector<512x128xf32>
    %max3A_87 = arith.maximumf %max3A_80, %slice3A_85 : vector<512x128xf32>
    %add3A_88 = arith.constant 1024 : i32
    %add3A_89 = vector.broadcast %add3A_88 : i32 to vector<512x128xi32>
    %add3A_90 = arith.addi %iota3A_29, %add3A_89 : vector<512x128xi32>
    %select_n3A_91 = arith.select %gt3A_86, %add3A_90, %select_n3A_84 : vector<512x128xi1>, vector<512x128xi32>
    %slice3A_92 = vector.extract_strided_slice %select_n3A {offsets = [0, 1152], sizes = [512, 128], strides = [1, 1]} : vector<512x2048xf32> to vector<512x128xf32>
    %gt3A_93 = arith.cmpf ogt, %slice3A_92, %max3A_87 : vector<512x128xf32>
    %max3A_94 = arith.maximumf %max3A_87, %slice3A_92 : vector<512x128xf32>
    %add3A_95 = arith.constant 1152 : i32
    %add3A_96 = vector.broadcast %add3A_95 : i32 to vector<512x128xi32>
    %add3A_97 = arith.addi %iota3A_29, %add3A_96 : vector<512x128xi32>
    %select_n3A_98 = arith.select %gt3A_93, %add3A_97, %select_n3A_91 : vector<512x128xi1>, vector<512x128xi32>
    %slice3A_99 = vector.extract_strided_slice %select_n3A {offsets = [0, 1280], sizes = [512, 128], strides = [1, 1]} : vector<512x2048xf32> to vector<512x128xf32>
    %gt3A_100 = arith.cmpf ogt, %slice3A_99, %max3A_94 : vector<512x128xf32>
    %max3A_101 = arith.maximumf %max3A_94, %slice3A_99 : vector<512x128xf32>
    %add3A_102 = arith.constant 1280 : i32
    %add3A_103 = vector.broadcast %add3A_102 : i32 to vector<512x128xi32>
    %add3A_104 = arith.addi %iota3A_29, %add3A_103 : vector<512x128xi32>
    %select_n3A_105 = arith.select %gt3A_100, %add3A_104, %select_n3A_98 : vector<512x128xi1>, vector<512x128xi32>
    %slice3A_106 = vector.extract_strided_slice %select_n3A {offsets = [0, 1408], sizes = [512, 128], strides = [1, 1]} : vector<512x2048xf32> to vector<512x128xf32>
    %gt3A_107 = arith.cmpf ogt, %slice3A_106, %max3A_101 : vector<512x128xf32>
    %max3A_108 = arith.maximumf %max3A_101, %slice3A_106 : vector<512x128xf32>
    %add3A_109 = arith.constant 1408 : i32
    %add3A_110 = vector.broadcast %add3A_109 : i32 to vector<512x128xi32>
    %add3A_111 = arith.addi %iota3A_29, %add3A_110 : vector<512x128xi32>
    %select_n3A_112 = arith.select %gt3A_107, %add3A_111, %select_n3A_105 : vector<512x128xi1>, vector<512x128xi32>
    %slice3A_113 = vector.extract_strided_slice %select_n3A {offsets = [0, 1536], sizes = [512, 128], strides = [1, 1]} : vector<512x2048xf32> to vector<512x128xf32>
    %gt3A_114 = arith.cmpf ogt, %slice3A_113, %max3A_108 : vector<512x128xf32>
    %max3A_115 = arith.maximumf %max3A_108, %slice3A_113 : vector<512x128xf32>
    %add3A_116 = arith.constant 1536 : i32
    %add3A_117 = vector.broadcast %add3A_116 : i32 to vector<512x128xi32>
    %add3A_118 = arith.addi %iota3A_29, %add3A_117 : vector<512x128xi32>
    %select_n3A_119 = arith.select %gt3A_114, %add3A_118, %select_n3A_112 : vector<512x128xi1>, vector<512x128xi32>
    %slice3A_120 = vector.extract_strided_slice %select_n3A {offsets = [0, 1664], sizes = [512, 128], strides = [1, 1]} : vector<512x2048xf32> to vector<512x128xf32>
    %gt3A_121 = arith.cmpf ogt, %slice3A_120, %max3A_115 : vector<512x128xf32>
    %max3A_122 = arith.maximumf %max3A_115, %slice3A_120 : vector<512x128xf32>
    %add3A_123 = arith.constant 1664 : i32
    %add3A_124 = vector.broadcast %add3A_123 : i32 to vector<512x128xi32>
    %add3A_125 = arith.addi %iota3A_29, %add3A_124 : vector<512x128xi32>
    %select_n3A_126 = arith.select %gt3A_121, %add3A_125, %select_n3A_119 : vector<512x128xi1>, vector<512x128xi32>
    %slice3A_127 = vector.extract_strided_slice %select_n3A {offsets = [0, 1792], sizes = [512, 128], strides = [1, 1]} : vector<512x2048xf32> to vector<512x128xf32>
    %gt3A_128 = arith.cmpf ogt, %slice3A_127, %max3A_122 : vector<512x128xf32>
    %max3A_129 = arith.maximumf %max3A_122, %slice3A_127 : vector<512x128xf32>
    %add3A_130 = arith.constant 1792 : i32
    %add3A_131 = vector.broadcast %add3A_130 : i32 to vector<512x128xi32>
    %add3A_132 = arith.addi %iota3A_29, %add3A_131 : vector<512x128xi32>
    %select_n3A_133 = arith.select %gt3A_128, %add3A_132, %select_n3A_126 : vector<512x128xi1>, vector<512x128xi32>
    %slice3A_134 = vector.extract_strided_slice %select_n3A {offsets = [0, 1920], sizes = [512, 128], strides = [1, 1]} : vector<512x2048xf32> to vector<512x128xf32>
    %gt3A_135 = arith.cmpf ogt, %slice3A_134, %max3A_129 : vector<512x128xf32>
    %max3A_136 = arith.maximumf %max3A_129, %slice3A_134 : vector<512x128xf32>
    %add3A_137 = arith.constant 1920 : i32
    %add3A_138 = vector.broadcast %add3A_137 : i32 to vector<512x128xi32>
    %add3A_139 = arith.addi %iota3A_29, %add3A_138 : vector<512x128xi32>
    %select_n3A_140 = arith.select %gt3A_135, %add3A_139, %select_n3A_133 : vector<512x128xi1>, vector<512x128xi32>
    %reduce_max3A = arith.constant dense<0xFF800000> : vector<512xf32>
    %reduce_max3A_141 = vector.multi_reduction <maximumf>, %max3A_136, %reduce_max3A [1] : vector<512x128xf32> to vector<512xf32>
    %broadcast_in_dim3A_142 = vector.shape_cast %reduce_max3A_141 : vector<512xf32> to vector<512x1xf32>
    %eq3A_143 = vector.broadcast %broadcast_in_dim3A_142 : vector<512x1xf32> to vector<512x128xf32>
    %eq3A_144 = arith.cmpf oeq, %max3A_136, %eq3A_143 : vector<512x128xf32>
    %jit3A_145 = arith.constant 2048 : i32
    %broadcast_in_dim3A_146 = vector.broadcast %jit3A_145 : i32 to vector<512x128xi32>
    %select_n3A_147 = arith.select %eq3A_144, %select_n3A_140, %broadcast_in_dim3A_146 : vector<512x128xi1>, vector<512x128xi32>
    %reduce_min3A = arith.constant dense<2147483647> : vector<512xi32>
    %reduce_min3A_148 = vector.multi_reduction <minsi>, %select_n3A_147, %reduce_min3A [1] : vector<512x128xi32> to vector<512xi32>
    %broadcast_in_dim3A_149 = vector.shape_cast %reduce_min3A_148 : vector<512xi32> to vector<512x1xi32>
    %eq3A_150 = arith.constant 1 : i32
    %eq3A_151 = vector.broadcast %eq3A_150 : i32 to vector<512x128xi32>
    %eq3A_152 = arith.cmpi eq, %iota3A_29, %eq3A_151 : vector<512x128xi32>
    %broadcast_in_dim3A_153 = vector.shape_cast %broadcast_in_dim3A_149 : vector<512x1xi32> to vector<512x1xi32>
    %broadcast_in_dim3A_154 = vector.broadcast %broadcast_in_dim3A_153 : vector<512x1xi32> to vector<512x128xi32>
    %select_n3A_155 = arith.select %eq3A_152, %broadcast_in_dim3A_154, %select_n3A_37 : vector<512x128xi1>, vector<512x128xi32>
    %eq3A_156 = vector.broadcast %broadcast_in_dim3A_149 : vector<512x1xi32> to vector<512x2048xi32>
    %eq3A_157 = arith.cmpi eq, %iota3A, %eq3A_156 : vector<512x2048xi32>
    %jit3A_158 = arith.constant -1.000000e+30 : f32
    %broadcast_in_dim3A_159 = vector.broadcast %jit3A_158 : f32 to vector<512x2048xf32>
    %select_n3A_160 = arith.select %eq3A_157, %broadcast_in_dim3A_159, %select_n3A : vector<512x2048xi1>, vector<512x2048xf32>
    %slice3A_161 = vector.extract_strided_slice %select_n3A_160 {offsets = [0, 0], sizes = [512, 128], strides = [1, 1]} : vector<512x2048xf32> to vector<512x128xf32>
    %slice3A_162 = vector.extract_strided_slice %select_n3A_160 {offsets = [0, 128], sizes = [512, 128], strides = [1, 1]} : vector<512x2048xf32> to vector<512x128xf32>
    %gt3A_163 = arith.cmpf ogt, %slice3A_162, %slice3A_161 : vector<512x128xf32>
    %max3A_164 = arith.maximumf %slice3A_161, %slice3A_162 : vector<512x128xf32>
    %add3A_165 = arith.constant 128 : i32
    %add3A_166 = vector.broadcast %add3A_165 : i32 to vector<512x128xi32>
    %add3A_167 = arith.addi %iota3A_29, %add3A_166 : vector<512x128xi32>
    %select_n3A_168 = arith.select %gt3A_163, %add3A_167, %iota3A_29 : vector<512x128xi1>, vector<512x128xi32>
    %slice3A_169 = vector.extract_strided_slice %select_n3A_160 {offsets = [0, 256], sizes = [512, 128], strides = [1, 1]} : vector<512x2048xf32> to vector<512x128xf32>
    %gt3A_170 = arith.cmpf ogt, %slice3A_169, %max3A_164 : vector<512x128xf32>
    %max3A_171 = arith.maximumf %max3A_164, %slice3A_169 : vector<512x128xf32>
    %add3A_172 = arith.constant 256 : i32
    %add3A_173 = vector.broadcast %add3A_172 : i32 to vector<512x128xi32>
    %add3A_174 = arith.addi %iota3A_29, %add3A_173 : vector<512x128xi32>
    %select_n3A_175 = arith.select %gt3A_170, %add3A_174, %select_n3A_168 : vector<512x128xi1>, vector<512x128xi32>
    %slice3A_176 = vector.extract_strided_slice %select_n3A_160 {offsets = [0, 384], sizes = [512, 128], strides = [1, 1]} : vector<512x2048xf32> to vector<512x128xf32>
    %gt3A_177 = arith.cmpf ogt, %slice3A_176, %max3A_171 : vector<512x128xf32>
    %max3A_178 = arith.maximumf %max3A_171, %slice3A_176 : vector<512x128xf32>
    %add3A_179 = arith.constant 384 : i32
    %add3A_180 = vector.broadcast %add3A_179 : i32 to vector<512x128xi32>
    %add3A_181 = arith.addi %iota3A_29, %add3A_180 : vector<512x128xi32>
    %select_n3A_182 = arith.select %gt3A_177, %add3A_181, %select_n3A_175 : vector<512x128xi1>, vector<512x128xi32>
    %slice3A_183 = vector.extract_strided_slice %select_n3A_160 {offsets = [0, 512], sizes = [512, 128], strides = [1, 1]} : vector<512x2048xf32> to vector<512x128xf32>
    %gt3A_184 = arith.cmpf ogt, %slice3A_183, %max3A_178 : vector<512x128xf32>
    %max3A_185 = arith.maximumf %max3A_178, %slice3A_183 : vector<512x128xf32>
    %add3A_186 = arith.constant 512 : i32
    %add3A_187 = vector.broadcast %add3A_186 : i32 to vector<512x128xi32>
    %add3A_188 = arith.addi %iota3A_29, %add3A_187 : vector<512x128xi32>
    %select_n3A_189 = arith.select %gt3A_184, %add3A_188, %select_n3A_182 : vector<512x128xi1>, vector<512x128xi32>
    %slice3A_190 = vector.extract_strided_slice %select_n3A_160 {offsets = [0, 640], sizes = [512, 128], strides = [1, 1]} : vector<512x2048xf32> to vector<512x128xf32>
    %gt3A_191 = arith.cmpf ogt, %slice3A_190, %max3A_185 : vector<512x128xf32>
    %max3A_192 = arith.maximumf %max3A_185, %slice3A_190 : vector<512x128xf32>
    %add3A_193 = arith.constant 640 : i32
    %add3A_194 = vector.broadcast %add3A_193 : i32 to vector<512x128xi32>
    %add3A_195 = arith.addi %iota3A_29, %add3A_194 : vector<512x128xi32>
    %select_n3A_196 = arith.select %gt3A_191, %add3A_195, %select_n3A_189 : vector<512x128xi1>, vector<512x128xi32>
    %slice3A_197 = vector.extract_strided_slice %select_n3A_160 {offsets = [0, 768], sizes = [512, 128], strides = [1, 1]} : vector<512x2048xf32> to vector<512x128xf32>
    %gt3A_198 = arith.cmpf ogt, %slice3A_197, %max3A_192 : vector<512x128xf32>
    %max3A_199 = arith.maximumf %max3A_192, %slice3A_197 : vector<512x128xf32>
    %add3A_200 = arith.constant 768 : i32
    %add3A_201 = vector.broadcast %add3A_200 : i32 to vector<512x128xi32>
    %add3A_202 = arith.addi %iota3A_29, %add3A_201 : vector<512x128xi32>
    %select_n3A_203 = arith.select %gt3A_198, %add3A_202, %select_n3A_196 : vector<512x128xi1>, vector<512x128xi32>
    %slice3A_204 = vector.extract_strided_slice %select_n3A_160 {offsets = [0, 896], sizes = [512, 128], strides = [1, 1]} : vector<512x2048xf32> to vector<512x128xf32>
    %gt3A_205 = arith.cmpf ogt, %slice3A_204, %max3A_199 : vector<512x128xf32>
    %max3A_206 = arith.maximumf %max3A_199, %slice3A_204 : vector<512x128xf32>
    %add3A_207 = arith.constant 896 : i32
    %add3A_208 = vector.broadcast %add3A_207 : i32 to vector<512x128xi32>
    %add3A_209 = arith.addi %iota3A_29, %add3A_208 : vector<512x128xi32>
    %select_n3A_210 = arith.select %gt3A_205, %add3A_209, %select_n3A_203 : vector<512x128xi1>, vector<512x128xi32>
    %slice3A_211 = vector.extract_strided_slice %select_n3A_160 {offsets = [0, 1024], sizes = [512, 128], strides = [1, 1]} : vector<512x2048xf32> to vector<512x128xf32>
    %gt3A_212 = arith.cmpf ogt, %slice3A_211, %max3A_206 : vector<512x128xf32>
    %max3A_213 = arith.maximumf %max3A_206, %slice3A_211 : vector<512x128xf32>
    %add3A_214 = arith.constant 1024 : i32
    %add3A_215 = vector.broadcast %add3A_214 : i32 to vector<512x128xi32>
    %add3A_216 = arith.addi %iota3A_29, %add3A_215 : vector<512x128xi32>
    %select_n3A_217 = arith.select %gt3A_212, %add3A_216, %select_n3A_210 : vector<512x128xi1>, vector<512x128xi32>
    %slice3A_218 = vector.extract_strided_slice %select_n3A_160 {offsets = [0, 1152], sizes = [512, 128], strides = [1, 1]} : vector<512x2048xf32> to vector<512x128xf32>
    %gt3A_219 = arith.cmpf ogt, %slice3A_218, %max3A_213 : vector<512x128xf32>
    %max3A_220 = arith.maximumf %max3A_213, %slice3A_218 : vector<512x128xf32>
    %add3A_221 = arith.constant 1152 : i32
    %add3A_222 = vector.broadcast %add3A_221 : i32 to vector<512x128xi32>
    %add3A_223 = arith.addi %iota3A_29, %add3A_222 : vector<512x128xi32>
    %select_n3A_224 = arith.select %gt3A_219, %add3A_223, %select_n3A_217 : vector<512x128xi1>, vector<512x128xi32>
    %slice3A_225 = vector.extract_strided_slice %select_n3A_160 {offsets = [0, 1280], sizes = [512, 128], strides = [1, 1]} : vector<512x2048xf32> to vector<512x128xf32>
    %gt3A_226 = arith.cmpf ogt, %slice3A_225, %max3A_220 : vector<512x128xf32>
    %max3A_227 = arith.maximumf %max3A_220, %slice3A_225 : vector<512x128xf32>
    %add3A_228 = arith.constant 1280 : i32
    %add3A_229 = vector.broadcast %add3A_228 : i32 to vector<512x128xi32>
    %add3A_230 = arith.addi %iota3A_29, %add3A_229 : vector<512x128xi32>
    %select_n3A_231 = arith.select %gt3A_226, %add3A_230, %select_n3A_224 : vector<512x128xi1>, vector<512x128xi32>
    %slice3A_232 = vector.extract_strided_slice %select_n3A_160 {offsets = [0, 1408], sizes = [512, 128], strides = [1, 1]} : vector<512x2048xf32> to vector<512x128xf32>
    %gt3A_233 = arith.cmpf ogt, %slice3A_232, %max3A_227 : vector<512x128xf32>
    %max3A_234 = arith.maximumf %max3A_227, %slice3A_232 : vector<512x128xf32>
    %add3A_235 = arith.constant 1408 : i32
    %add3A_236 = vector.broadcast %add3A_235 : i32 to vector<512x128xi32>
    %add3A_237 = arith.addi %iota3A_29, %add3A_236 : vector<512x128xi32>
    %select_n3A_238 = arith.select %gt3A_233, %add3A_237, %select_n3A_231 : vector<512x128xi1>, vector<512x128xi32>
    %slice3A_239 = vector.extract_strided_slice %select_n3A_160 {offsets = [0, 1536], sizes = [512, 128], strides = [1, 1]} : vector<512x2048xf32> to vector<512x128xf32>
    %gt3A_240 = arith.cmpf ogt, %slice3A_239, %max3A_234 : vector<512x128xf32>
    %max3A_241 = arith.maximumf %max3A_234, %slice3A_239 : vector<512x128xf32>
    %add3A_242 = arith.constant 1536 : i32
    %add3A_243 = vector.broadcast %add3A_242 : i32 to vector<512x128xi32>
    %add3A_244 = arith.addi %iota3A_29, %add3A_243 : vector<512x128xi32>
    %select_n3A_245 = arith.select %gt3A_240, %add3A_244, %select_n3A_238 : vector<512x128xi1>, vector<512x128xi32>
    %slice3A_246 = vector.extract_strided_slice %select_n3A_160 {offsets = [0, 1664], sizes = [512, 128], strides = [1, 1]} : vector<512x2048xf32> to vector<512x128xf32>
    %gt3A_247 = arith.cmpf ogt, %slice3A_246, %max3A_241 : vector<512x128xf32>
    %max3A_248 = arith.maximumf %max3A_241, %slice3A_246 : vector<512x128xf32>
    %add3A_249 = arith.constant 1664 : i32
    %add3A_250 = vector.broadcast %add3A_249 : i32 to vector<512x128xi32>
    %add3A_251 = arith.addi %iota3A_29, %add3A_250 : vector<512x128xi32>
    %select_n3A_252 = arith.select %gt3A_247, %add3A_251, %select_n3A_245 : vector<512x128xi1>, vector<512x128xi32>
    %slice3A_253 = vector.extract_strided_slice %select_n3A_160 {offsets = [0, 1792], sizes = [512, 128], strides = [1, 1]} : vector<512x2048xf32> to vector<512x128xf32>
    %gt3A_254 = arith.cmpf ogt, %slice3A_253, %max3A_248 : vector<512x128xf32>
    %max3A_255 = arith.maximumf %max3A_248, %slice3A_253 : vector<512x128xf32>
    %add3A_256 = arith.constant 1792 : i32
    %add3A_257 = vector.broadcast %add3A_256 : i32 to vector<512x128xi32>
    %add3A_258 = arith.addi %iota3A_29, %add3A_257 : vector<512x128xi32>
    %select_n3A_259 = arith.select %gt3A_254, %add3A_258, %select_n3A_252 : vector<512x128xi1>, vector<512x128xi32>
    %slice3A_260 = vector.extract_strided_slice %select_n3A_160 {offsets = [0, 1920], sizes = [512, 128], strides = [1, 1]} : vector<512x2048xf32> to vector<512x128xf32>
    %gt3A_261 = arith.cmpf ogt, %slice3A_260, %max3A_255 : vector<512x128xf32>
    %max3A_262 = arith.maximumf %max3A_255, %slice3A_260 : vector<512x128xf32>
    %add3A_263 = arith.constant 1920 : i32
    %add3A_264 = vector.broadcast %add3A_263 : i32 to vector<512x128xi32>
    %add3A_265 = arith.addi %iota3A_29, %add3A_264 : vector<512x128xi32>
    %select_n3A_266 = arith.select %gt3A_261, %add3A_265, %select_n3A_259 : vector<512x128xi1>, vector<512x128xi32>
    %reduce_max3A_267 = arith.constant dense<0xFF800000> : vector<512xf32>
    %reduce_max3A_268 = vector.multi_reduction <maximumf>, %max3A_262, %reduce_max3A_267 [1] : vector<512x128xf32> to vector<512xf32>
    %broadcast_in_dim3A_269 = vector.shape_cast %reduce_max3A_268 : vector<512xf32> to vector<512x1xf32>
    %eq3A_270 = vector.broadcast %broadcast_in_dim3A_269 : vector<512x1xf32> to vector<512x128xf32>
    %eq3A_271 = arith.cmpf oeq, %max3A_262, %eq3A_270 : vector<512x128xf32>
    %jit3A_272 = arith.constant 2048 : i32
    %broadcast_in_dim3A_273 = vector.broadcast %jit3A_272 : i32 to vector<512x128xi32>
    %select_n3A_274 = arith.select %eq3A_271, %select_n3A_266, %broadcast_in_dim3A_273 : vector<512x128xi1>, vector<512x128xi32>
    %reduce_min3A_275 = arith.constant dense<2147483647> : vector<512xi32>
    %reduce_min3A_276 = vector.multi_reduction <minsi>, %select_n3A_274, %reduce_min3A_275 [1] : vector<512x128xi32> to vector<512xi32>
    %broadcast_in_dim3A_277 = vector.shape_cast %reduce_min3A_276 : vector<512xi32> to vector<512x1xi32>
    %eq3A_278 = arith.constant 2 : i32
    %eq3A_279 = vector.broadcast %eq3A_278 : i32 to vector<512x128xi32>
    %eq3A_280 = arith.cmpi eq, %iota3A_29, %eq3A_279 : vector<512x128xi32>
    %broadcast_in_dim3A_281 = vector.shape_cast %broadcast_in_dim3A_277 : vector<512x1xi32> to vector<512x1xi32>
    %broadcast_in_dim3A_282 = vector.broadcast %broadcast_in_dim3A_281 : vector<512x1xi32> to vector<512x128xi32>
    %select_n3A_283 = arith.select %eq3A_280, %broadcast_in_dim3A_282, %select_n3A_155 : vector<512x128xi1>, vector<512x128xi32>
    %eq3A_284 = vector.broadcast %broadcast_in_dim3A_277 : vector<512x1xi32> to vector<512x2048xi32>
    %eq3A_285 = arith.cmpi eq, %iota3A, %eq3A_284 : vector<512x2048xi32>
    %jit3A_286 = arith.constant -1.000000e+30 : f32
    %broadcast_in_dim3A_287 = vector.broadcast %jit3A_286 : f32 to vector<512x2048xf32>
    %select_n3A_288 = arith.select %eq3A_285, %broadcast_in_dim3A_287, %select_n3A_160 : vector<512x2048xi1>, vector<512x2048xf32>
    %slice3A_289 = vector.extract_strided_slice %select_n3A_288 {offsets = [0, 0], sizes = [512, 128], strides = [1, 1]} : vector<512x2048xf32> to vector<512x128xf32>
    %slice3A_290 = vector.extract_strided_slice %select_n3A_288 {offsets = [0, 128], sizes = [512, 128], strides = [1, 1]} : vector<512x2048xf32> to vector<512x128xf32>
    %gt3A_291 = arith.cmpf ogt, %slice3A_290, %slice3A_289 : vector<512x128xf32>
    %max3A_292 = arith.maximumf %slice3A_289, %slice3A_290 : vector<512x128xf32>
    %add3A_293 = arith.constant 128 : i32
    %add3A_294 = vector.broadcast %add3A_293 : i32 to vector<512x128xi32>
    %add3A_295 = arith.addi %iota3A_29, %add3A_294 : vector<512x128xi32>
    %select_n3A_296 = arith.select %gt3A_291, %add3A_295, %iota3A_29 : vector<512x128xi1>, vector<512x128xi32>
    %slice3A_297 = vector.extract_strided_slice %select_n3A_288 {offsets = [0, 256], sizes = [512, 128], strides = [1, 1]} : vector<512x2048xf32> to vector<512x128xf32>
    %gt3A_298 = arith.cmpf ogt, %slice3A_297, %max3A_292 : vector<512x128xf32>
    %max3A_299 = arith.maximumf %max3A_292, %slice3A_297 : vector<512x128xf32>
    %add3A_300 = arith.constant 256 : i32
    %add3A_301 = vector.broadcast %add3A_300 : i32 to vector<512x128xi32>
    %add3A_302 = arith.addi %iota3A_29, %add3A_301 : vector<512x128xi32>
    %select_n3A_303 = arith.select %gt3A_298, %add3A_302, %select_n3A_296 : vector<512x128xi1>, vector<512x128xi32>
    %slice3A_304 = vector.extract_strided_slice %select_n3A_288 {offsets = [0, 384], sizes = [512, 128], strides = [1, 1]} : vector<512x2048xf32> to vector<512x128xf32>
    %gt3A_305 = arith.cmpf ogt, %slice3A_304, %max3A_299 : vector<512x128xf32>
    %max3A_306 = arith.maximumf %max3A_299, %slice3A_304 : vector<512x128xf32>
    %add3A_307 = arith.constant 384 : i32
    %add3A_308 = vector.broadcast %add3A_307 : i32 to vector<512x128xi32>
    %add3A_309 = arith.addi %iota3A_29, %add3A_308 : vector<512x128xi32>
    %select_n3A_310 = arith.select %gt3A_305, %add3A_309, %select_n3A_303 : vector<512x128xi1>, vector<512x128xi32>
    %slice3A_311 = vector.extract_strided_slice %select_n3A_288 {offsets = [0, 512], sizes = [512, 128], strides = [1, 1]} : vector<512x2048xf32> to vector<512x128xf32>
    %gt3A_312 = arith.cmpf ogt, %slice3A_311, %max3A_306 : vector<512x128xf32>
    %max3A_313 = arith.maximumf %max3A_306, %slice3A_311 : vector<512x128xf32>
    %add3A_314 = arith.constant 512 : i32
    %add3A_315 = vector.broadcast %add3A_314 : i32 to vector<512x128xi32>
    %add3A_316 = arith.addi %iota3A_29, %add3A_315 : vector<512x128xi32>
    %select_n3A_317 = arith.select %gt3A_312, %add3A_316, %select_n3A_310 : vector<512x128xi1>, vector<512x128xi32>
    %slice3A_318 = vector.extract_strided_slice %select_n3A_288 {offsets = [0, 640], sizes = [512, 128], strides = [1, 1]} : vector<512x2048xf32> to vector<512x128xf32>
    %gt3A_319 = arith.cmpf ogt, %slice3A_318, %max3A_313 : vector<512x128xf32>
    %max3A_320 = arith.maximumf %max3A_313, %slice3A_318 : vector<512x128xf32>
    %add3A_321 = arith.constant 640 : i32
    %add3A_322 = vector.broadcast %add3A_321 : i32 to vector<512x128xi32>
    %add3A_323 = arith.addi %iota3A_29, %add3A_322 : vector<512x128xi32>
    %select_n3A_324 = arith.select %gt3A_319, %add3A_323, %select_n3A_317 : vector<512x128xi1>, vector<512x128xi32>
    %slice3A_325 = vector.extract_strided_slice %select_n3A_288 {offsets = [0, 768], sizes = [512, 128], strides = [1, 1]} : vector<512x2048xf32> to vector<512x128xf32>
    %gt3A_326 = arith.cmpf ogt, %slice3A_325, %max3A_320 : vector<512x128xf32>
    %max3A_327 = arith.maximumf %max3A_320, %slice3A_325 : vector<512x128xf32>
    %add3A_328 = arith.constant 768 : i32
    %add3A_329 = vector.broadcast %add3A_328 : i32 to vector<512x128xi32>
    %add3A_330 = arith.addi %iota3A_29, %add3A_329 : vector<512x128xi32>
    %select_n3A_331 = arith.select %gt3A_326, %add3A_330, %select_n3A_324 : vector<512x128xi1>, vector<512x128xi32>
    %slice3A_332 = vector.extract_strided_slice %select_n3A_288 {offsets = [0, 896], sizes = [512, 128], strides = [1, 1]} : vector<512x2048xf32> to vector<512x128xf32>
    %gt3A_333 = arith.cmpf ogt, %slice3A_332, %max3A_327 : vector<512x128xf32>
    %max3A_334 = arith.maximumf %max3A_327, %slice3A_332 : vector<512x128xf32>
    %add3A_335 = arith.constant 896 : i32
    %add3A_336 = vector.broadcast %add3A_335 : i32 to vector<512x128xi32>
    %add3A_337 = arith.addi %iota3A_29, %add3A_336 : vector<512x128xi32>
    %select_n3A_338 = arith.select %gt3A_333, %add3A_337, %select_n3A_331 : vector<512x128xi1>, vector<512x128xi32>
    %slice3A_339 = vector.extract_strided_slice %select_n3A_288 {offsets = [0, 1024], sizes = [512, 128], strides = [1, 1]} : vector<512x2048xf32> to vector<512x128xf32>
    %gt3A_340 = arith.cmpf ogt, %slice3A_339, %max3A_334 : vector<512x128xf32>
    %max3A_341 = arith.maximumf %max3A_334, %slice3A_339 : vector<512x128xf32>
    %add3A_342 = arith.constant 1024 : i32
    %add3A_343 = vector.broadcast %add3A_342 : i32 to vector<512x128xi32>
    %add3A_344 = arith.addi %iota3A_29, %add3A_343 : vector<512x128xi32>
    %select_n3A_345 = arith.select %gt3A_340, %add3A_344, %select_n3A_338 : vector<512x128xi1>, vector<512x128xi32>
    %slice3A_346 = vector.extract_strided_slice %select_n3A_288 {offsets = [0, 1152], sizes = [512, 128], strides = [1, 1]} : vector<512x2048xf32> to vector<512x128xf32>
    %gt3A_347 = arith.cmpf ogt, %slice3A_346, %max3A_341 : vector<512x128xf32>
    %max3A_348 = arith.maximumf %max3A_341, %slice3A_346 : vector<512x128xf32>
    %add3A_349 = arith.constant 1152 : i32
    %add3A_350 = vector.broadcast %add3A_349 : i32 to vector<512x128xi32>
    %add3A_351 = arith.addi %iota3A_29, %add3A_350 : vector<512x128xi32>
    %select_n3A_352 = arith.select %gt3A_347, %add3A_351, %select_n3A_345 : vector<512x128xi1>, vector<512x128xi32>
    %slice3A_353 = vector.extract_strided_slice %select_n3A_288 {offsets = [0, 1280], sizes = [512, 128], strides = [1, 1]} : vector<512x2048xf32> to vector<512x128xf32>
    %gt3A_354 = arith.cmpf ogt, %slice3A_353, %max3A_348 : vector<512x128xf32>
    %max3A_355 = arith.maximumf %max3A_348, %slice3A_353 : vector<512x128xf32>
    %add3A_356 = arith.constant 1280 : i32
    %add3A_357 = vector.broadcast %add3A_356 : i32 to vector<512x128xi32>
    %add3A_358 = arith.addi %iota3A_29, %add3A_357 : vector<512x128xi32>
    %select_n3A_359 = arith.select %gt3A_354, %add3A_358, %select_n3A_352 : vector<512x128xi1>, vector<512x128xi32>
    %slice3A_360 = vector.extract_strided_slice %select_n3A_288 {offsets = [0, 1408], sizes = [512, 128], strides = [1, 1]} : vector<512x2048xf32> to vector<512x128xf32>
    %gt3A_361 = arith.cmpf ogt, %slice3A_360, %max3A_355 : vector<512x128xf32>
    %max3A_362 = arith.maximumf %max3A_355, %slice3A_360 : vector<512x128xf32>
    %add3A_363 = arith.constant 1408 : i32
    %add3A_364 = vector.broadcast %add3A_363 : i32 to vector<512x128xi32>
    %add3A_365 = arith.addi %iota3A_29, %add3A_364 : vector<512x128xi32>
    %select_n3A_366 = arith.select %gt3A_361, %add3A_365, %select_n3A_359 : vector<512x128xi1>, vector<512x128xi32>
    %slice3A_367 = vector.extract_strided_slice %select_n3A_288 {offsets = [0, 1536], sizes = [512, 128], strides = [1, 1]} : vector<512x2048xf32> to vector<512x128xf32>
    %gt3A_368 = arith.cmpf ogt, %slice3A_367, %max3A_362 : vector<512x128xf32>
    %max3A_369 = arith.maximumf %max3A_362, %slice3A_367 : vector<512x128xf32>
    %add3A_370 = arith.constant 1536 : i32
    %add3A_371 = vector.broadcast %add3A_370 : i32 to vector<512x128xi32>
    %add3A_372 = arith.addi %iota3A_29, %add3A_371 : vector<512x128xi32>
    %select_n3A_373 = arith.select %gt3A_368, %add3A_372, %select_n3A_366 : vector<512x128xi1>, vector<512x128xi32>
    %slice3A_374 = vector.extract_strided_slice %select_n3A_288 {offsets = [0, 1664], sizes = [512, 128], strides = [1, 1]} : vector<512x2048xf32> to vector<512x128xf32>
    %gt3A_375 = arith.cmpf ogt, %slice3A_374, %max3A_369 : vector<512x128xf32>
    %max3A_376 = arith.maximumf %max3A_369, %slice3A_374 : vector<512x128xf32>
    %add3A_377 = arith.constant 1664 : i32
    %add3A_378 = vector.broadcast %add3A_377 : i32 to vector<512x128xi32>
    %add3A_379 = arith.addi %iota3A_29, %add3A_378 : vector<512x128xi32>
    %select_n3A_380 = arith.select %gt3A_375, %add3A_379, %select_n3A_373 : vector<512x128xi1>, vector<512x128xi32>
    %slice3A_381 = vector.extract_strided_slice %select_n3A_288 {offsets = [0, 1792], sizes = [512, 128], strides = [1, 1]} : vector<512x2048xf32> to vector<512x128xf32>
    %gt3A_382 = arith.cmpf ogt, %slice3A_381, %max3A_376 : vector<512x128xf32>
    %max3A_383 = arith.maximumf %max3A_376, %slice3A_381 : vector<512x128xf32>
    %add3A_384 = arith.constant 1792 : i32
    %add3A_385 = vector.broadcast %add3A_384 : i32 to vector<512x128xi32>
    %add3A_386 = arith.addi %iota3A_29, %add3A_385 : vector<512x128xi32>
    %select_n3A_387 = arith.select %gt3A_382, %add3A_386, %select_n3A_380 : vector<512x128xi1>, vector<512x128xi32>
    %slice3A_388 = vector.extract_strided_slice %select_n3A_288 {offsets = [0, 1920], sizes = [512, 128], strides = [1, 1]} : vector<512x2048xf32> to vector<512x128xf32>
    %gt3A_389 = arith.cmpf ogt, %slice3A_388, %max3A_383 : vector<512x128xf32>
    %max3A_390 = arith.maximumf %max3A_383, %slice3A_388 : vector<512x128xf32>
    %add3A_391 = arith.constant 1920 : i32
    %add3A_392 = vector.broadcast %add3A_391 : i32 to vector<512x128xi32>
    %add3A_393 = arith.addi %iota3A_29, %add3A_392 : vector<512x128xi32>
    %select_n3A_394 = arith.select %gt3A_389, %add3A_393, %select_n3A_387 : vector<512x128xi1>, vector<512x128xi32>
    %reduce_max3A_395 = arith.constant dense<0xFF800000> : vector<512xf32>
    %reduce_max3A_396 = vector.multi_reduction <maximumf>, %max3A_390, %reduce_max3A_395 [1] : vector<512x128xf32> to vector<512xf32>
    %broadcast_in_dim3A_397 = vector.shape_cast %reduce_max3A_396 : vector<512xf32> to vector<512x1xf32>
    %eq3A_398 = vector.broadcast %broadcast_in_dim3A_397 : vector<512x1xf32> to vector<512x128xf32>
    %eq3A_399 = arith.cmpf oeq, %max3A_390, %eq3A_398 : vector<512x128xf32>
    %jit3A_400 = arith.constant 2048 : i32
    %broadcast_in_dim3A_401 = vector.broadcast %jit3A_400 : i32 to vector<512x128xi32>
    %select_n3A_402 = arith.select %eq3A_399, %select_n3A_394, %broadcast_in_dim3A_401 : vector<512x128xi1>, vector<512x128xi32>
    %reduce_min3A_403 = arith.constant dense<2147483647> : vector<512xi32>
    %reduce_min3A_404 = vector.multi_reduction <minsi>, %select_n3A_402, %reduce_min3A_403 [1] : vector<512x128xi32> to vector<512xi32>
    %broadcast_in_dim3A_405 = vector.shape_cast %reduce_min3A_404 : vector<512xi32> to vector<512x1xi32>
    %eq3A_406 = arith.constant 3 : i32
    %eq3A_407 = vector.broadcast %eq3A_406 : i32 to vector<512x128xi32>
    %eq3A_408 = arith.cmpi eq, %iota3A_29, %eq3A_407 : vector<512x128xi32>
    %broadcast_in_dim3A_409 = vector.shape_cast %broadcast_in_dim3A_405 : vector<512x1xi32> to vector<512x1xi32>
    %broadcast_in_dim3A_410 = vector.broadcast %broadcast_in_dim3A_409 : vector<512x1xi32> to vector<512x128xi32>
    %select_n3A_411 = arith.select %eq3A_408, %broadcast_in_dim3A_410, %select_n3A_283 : vector<512x128xi1>, vector<512x128xi32>
    %eq3A_412 = vector.broadcast %broadcast_in_dim3A_405 : vector<512x1xi32> to vector<512x2048xi32>
    %eq3A_413 = arith.cmpi eq, %iota3A, %eq3A_412 : vector<512x2048xi32>
    %jit3A_414 = arith.constant -1.000000e+30 : f32
    %broadcast_in_dim3A_415 = vector.broadcast %jit3A_414 : f32 to vector<512x2048xf32>
    %select_n3A_416 = arith.select %eq3A_413, %broadcast_in_dim3A_415, %select_n3A_288 : vector<512x2048xi1>, vector<512x2048xf32>
    %slice3A_417 = vector.extract_strided_slice %select_n3A_416 {offsets = [0, 0], sizes = [512, 128], strides = [1, 1]} : vector<512x2048xf32> to vector<512x128xf32>
    %slice3A_418 = vector.extract_strided_slice %select_n3A_416 {offsets = [0, 128], sizes = [512, 128], strides = [1, 1]} : vector<512x2048xf32> to vector<512x128xf32>
    %gt3A_419 = arith.cmpf ogt, %slice3A_418, %slice3A_417 : vector<512x128xf32>
    %max3A_420 = arith.maximumf %slice3A_417, %slice3A_418 : vector<512x128xf32>
    %add3A_421 = arith.constant 128 : i32
    %add3A_422 = vector.broadcast %add3A_421 : i32 to vector<512x128xi32>
    %add3A_423 = arith.addi %iota3A_29, %add3A_422 : vector<512x128xi32>
    %select_n3A_424 = arith.select %gt3A_419, %add3A_423, %iota3A_29 : vector<512x128xi1>, vector<512x128xi32>
    %slice3A_425 = vector.extract_strided_slice %select_n3A_416 {offsets = [0, 256], sizes = [512, 128], strides = [1, 1]} : vector<512x2048xf32> to vector<512x128xf32>
    %gt3A_426 = arith.cmpf ogt, %slice3A_425, %max3A_420 : vector<512x128xf32>
    %max3A_427 = arith.maximumf %max3A_420, %slice3A_425 : vector<512x128xf32>
    %add3A_428 = arith.constant 256 : i32
    %add3A_429 = vector.broadcast %add3A_428 : i32 to vector<512x128xi32>
    %add3A_430 = arith.addi %iota3A_29, %add3A_429 : vector<512x128xi32>
    %select_n3A_431 = arith.select %gt3A_426, %add3A_430, %select_n3A_424 : vector<512x128xi1>, vector<512x128xi32>
    %slice3A_432 = vector.extract_strided_slice %select_n3A_416 {offsets = [0, 384], sizes = [512, 128], strides = [1, 1]} : vector<512x2048xf32> to vector<512x128xf32>
    %gt3A_433 = arith.cmpf ogt, %slice3A_432, %max3A_427 : vector<512x128xf32>
    %max3A_434 = arith.maximumf %max3A_427, %slice3A_432 : vector<512x128xf32>
    %add3A_435 = arith.constant 384 : i32
    %add3A_436 = vector.broadcast %add3A_435 : i32 to vector<512x128xi32>
    %add3A_437 = arith.addi %iota3A_29, %add3A_436 : vector<512x128xi32>
    %select_n3A_438 = arith.select %gt3A_433, %add3A_437, %select_n3A_431 : vector<512x128xi1>, vector<512x128xi32>
    %slice3A_439 = vector.extract_strided_slice %select_n3A_416 {offsets = [0, 512], sizes = [512, 128], strides = [1, 1]} : vector<512x2048xf32> to vector<512x128xf32>
    %gt3A_440 = arith.cmpf ogt, %slice3A_439, %max3A_434 : vector<512x128xf32>
    %max3A_441 = arith.maximumf %max3A_434, %slice3A_439 : vector<512x128xf32>
    %add3A_442 = arith.constant 512 : i32
    %add3A_443 = vector.broadcast %add3A_442 : i32 to vector<512x128xi32>
    %add3A_444 = arith.addi %iota3A_29, %add3A_443 : vector<512x128xi32>
    %select_n3A_445 = arith.select %gt3A_440, %add3A_444, %select_n3A_438 : vector<512x128xi1>, vector<512x128xi32>
    %slice3A_446 = vector.extract_strided_slice %select_n3A_416 {offsets = [0, 640], sizes = [512, 128], strides = [1, 1]} : vector<512x2048xf32> to vector<512x128xf32>
    %gt3A_447 = arith.cmpf ogt, %slice3A_446, %max3A_441 : vector<512x128xf32>
    %max3A_448 = arith.maximumf %max3A_441, %slice3A_446 : vector<512x128xf32>
    %add3A_449 = arith.constant 640 : i32
    %add3A_450 = vector.broadcast %add3A_449 : i32 to vector<512x128xi32>
    %add3A_451 = arith.addi %iota3A_29, %add3A_450 : vector<512x128xi32>
    %select_n3A_452 = arith.select %gt3A_447, %add3A_451, %select_n3A_445 : vector<512x128xi1>, vector<512x128xi32>
    %slice3A_453 = vector.extract_strided_slice %select_n3A_416 {offsets = [0, 768], sizes = [512, 128], strides = [1, 1]} : vector<512x2048xf32> to vector<512x128xf32>
    %gt3A_454 = arith.cmpf ogt, %slice3A_453, %max3A_448 : vector<512x128xf32>
    %max3A_455 = arith.maximumf %max3A_448, %slice3A_453 : vector<512x128xf32>
    %add3A_456 = arith.constant 768 : i32
    %add3A_457 = vector.broadcast %add3A_456 : i32 to vector<512x128xi32>
    %add3A_458 = arith.addi %iota3A_29, %add3A_457 : vector<512x128xi32>
    %select_n3A_459 = arith.select %gt3A_454, %add3A_458, %select_n3A_452 : vector<512x128xi1>, vector<512x128xi32>
    %slice3A_460 = vector.extract_strided_slice %select_n3A_416 {offsets = [0, 896], sizes = [512, 128], strides = [1, 1]} : vector<512x2048xf32> to vector<512x128xf32>
    %gt3A_461 = arith.cmpf ogt, %slice3A_460, %max3A_455 : vector<512x128xf32>
    %max3A_462 = arith.maximumf %max3A_455, %slice3A_460 : vector<512x128xf32>
    %add3A_463 = arith.constant 896 : i32
    %add3A_464 = vector.broadcast %add3A_463 : i32 to vector<512x128xi32>
    %add3A_465 = arith.addi %iota3A_29, %add3A_464 : vector<512x128xi32>
    %select_n3A_466 = arith.select %gt3A_461, %add3A_465, %select_n3A_459 : vector<512x128xi1>, vector<512x128xi32>
    %slice3A_467 = vector.extract_strided_slice %select_n3A_416 {offsets = [0, 1024], sizes = [512, 128], strides = [1, 1]} : vector<512x2048xf32> to vector<512x128xf32>
    %gt3A_468 = arith.cmpf ogt, %slice3A_467, %max3A_462 : vector<512x128xf32>
    %max3A_469 = arith.maximumf %max3A_462, %slice3A_467 : vector<512x128xf32>
    %add3A_470 = arith.constant 1024 : i32
    %add3A_471 = vector.broadcast %add3A_470 : i32 to vector<512x128xi32>
    %add3A_472 = arith.addi %iota3A_29, %add3A_471 : vector<512x128xi32>
    %select_n3A_473 = arith.select %gt3A_468, %add3A_472, %select_n3A_466 : vector<512x128xi1>, vector<512x128xi32>
    %slice3A_474 = vector.extract_strided_slice %select_n3A_416 {offsets = [0, 1152], sizes = [512, 128], strides = [1, 1]} : vector<512x2048xf32> to vector<512x128xf32>
    %gt3A_475 = arith.cmpf ogt, %slice3A_474, %max3A_469 : vector<512x128xf32>
    %max3A_476 = arith.maximumf %max3A_469, %slice3A_474 : vector<512x128xf32>
    %add3A_477 = arith.constant 1152 : i32
    %add3A_478 = vector.broadcast %add3A_477 : i32 to vector<512x128xi32>
    %add3A_479 = arith.addi %iota3A_29, %add3A_478 : vector<512x128xi32>
    %select_n3A_480 = arith.select %gt3A_475, %add3A_479, %select_n3A_473 : vector<512x128xi1>, vector<512x128xi32>
    %slice3A_481 = vector.extract_strided_slice %select_n3A_416 {offsets = [0, 1280], sizes = [512, 128], strides = [1, 1]} : vector<512x2048xf32> to vector<512x128xf32>
    %gt3A_482 = arith.cmpf ogt, %slice3A_481, %max3A_476 : vector<512x128xf32>
    %max3A_483 = arith.maximumf %max3A_476, %slice3A_481 : vector<512x128xf32>
    %add3A_484 = arith.constant 1280 : i32
    %add3A_485 = vector.broadcast %add3A_484 : i32 to vector<512x128xi32>
    %add3A_486 = arith.addi %iota3A_29, %add3A_485 : vector<512x128xi32>
    %select_n3A_487 = arith.select %gt3A_482, %add3A_486, %select_n3A_480 : vector<512x128xi1>, vector<512x128xi32>
    %slice3A_488 = vector.extract_strided_slice %select_n3A_416 {offsets = [0, 1408], sizes = [512, 128], strides = [1, 1]} : vector<512x2048xf32> to vector<512x128xf32>
    %gt3A_489 = arith.cmpf ogt, %slice3A_488, %max3A_483 : vector<512x128xf32>
    %max3A_490 = arith.maximumf %max3A_483, %slice3A_488 : vector<512x128xf32>
    %add3A_491 = arith.constant 1408 : i32
    %add3A_492 = vector.broadcast %add3A_491 : i32 to vector<512x128xi32>
    %add3A_493 = arith.addi %iota3A_29, %add3A_492 : vector<512x128xi32>
    %select_n3A_494 = arith.select %gt3A_489, %add3A_493, %select_n3A_487 : vector<512x128xi1>, vector<512x128xi32>
    %slice3A_495 = vector.extract_strided_slice %select_n3A_416 {offsets = [0, 1536], sizes = [512, 128], strides = [1, 1]} : vector<512x2048xf32> to vector<512x128xf32>
    %gt3A_496 = arith.cmpf ogt, %slice3A_495, %max3A_490 : vector<512x128xf32>
    %max3A_497 = arith.maximumf %max3A_490, %slice3A_495 : vector<512x128xf32>
    %add3A_498 = arith.constant 1536 : i32
    %add3A_499 = vector.broadcast %add3A_498 : i32 to vector<512x128xi32>
    %add3A_500 = arith.addi %iota3A_29, %add3A_499 : vector<512x128xi32>
    %select_n3A_501 = arith.select %gt3A_496, %add3A_500, %select_n3A_494 : vector<512x128xi1>, vector<512x128xi32>
    %slice3A_502 = vector.extract_strided_slice %select_n3A_416 {offsets = [0, 1664], sizes = [512, 128], strides = [1, 1]} : vector<512x2048xf32> to vector<512x128xf32>
    %gt3A_503 = arith.cmpf ogt, %slice3A_502, %max3A_497 : vector<512x128xf32>
    %max3A_504 = arith.maximumf %max3A_497, %slice3A_502 : vector<512x128xf32>
    %add3A_505 = arith.constant 1664 : i32
    %add3A_506 = vector.broadcast %add3A_505 : i32 to vector<512x128xi32>
    %add3A_507 = arith.addi %iota3A_29, %add3A_506 : vector<512x128xi32>
    %select_n3A_508 = arith.select %gt3A_503, %add3A_507, %select_n3A_501 : vector<512x128xi1>, vector<512x128xi32>
    %slice3A_509 = vector.extract_strided_slice %select_n3A_416 {offsets = [0, 1792], sizes = [512, 128], strides = [1, 1]} : vector<512x2048xf32> to vector<512x128xf32>
    %gt3A_510 = arith.cmpf ogt, %slice3A_509, %max3A_504 : vector<512x128xf32>
    %max3A_511 = arith.maximumf %max3A_504, %slice3A_509 : vector<512x128xf32>
    %add3A_512 = arith.constant 1792 : i32
    %add3A_513 = vector.broadcast %add3A_512 : i32 to vector<512x128xi32>
    %add3A_514 = arith.addi %iota3A_29, %add3A_513 : vector<512x128xi32>
    %select_n3A_515 = arith.select %gt3A_510, %add3A_514, %select_n3A_508 : vector<512x128xi1>, vector<512x128xi32>
    %slice3A_516 = vector.extract_strided_slice %select_n3A_416 {offsets = [0, 1920], sizes = [512, 128], strides = [1, 1]} : vector<512x2048xf32> to vector<512x128xf32>
    %gt3A_517 = arith.cmpf ogt, %slice3A_516, %max3A_511 : vector<512x128xf32>
    %max3A_518 = arith.maximumf %max3A_511, %slice3A_516 : vector<512x128xf32>
    %add3A_519 = arith.constant 1920 : i32
    %add3A_520 = vector.broadcast %add3A_519 : i32 to vector<512x128xi32>
    %add3A_521 = arith.addi %iota3A_29, %add3A_520 : vector<512x128xi32>
    %select_n3A_522 = arith.select %gt3A_517, %add3A_521, %select_n3A_515 : vector<512x128xi1>, vector<512x128xi32>
    %reduce_max3A_523 = arith.constant dense<0xFF800000> : vector<512xf32>
    %reduce_max3A_524 = vector.multi_reduction <maximumf>, %max3A_518, %reduce_max3A_523 [1] : vector<512x128xf32> to vector<512xf32>
    %broadcast_in_dim3A_525 = vector.shape_cast %reduce_max3A_524 : vector<512xf32> to vector<512x1xf32>
    %eq3A_526 = vector.broadcast %broadcast_in_dim3A_525 : vector<512x1xf32> to vector<512x128xf32>
    %eq3A_527 = arith.cmpf oeq, %max3A_518, %eq3A_526 : vector<512x128xf32>
    %jit3A_528 = arith.constant 2048 : i32
    %broadcast_in_dim3A_529 = vector.broadcast %jit3A_528 : i32 to vector<512x128xi32>
    %select_n3A_530 = arith.select %eq3A_527, %select_n3A_522, %broadcast_in_dim3A_529 : vector<512x128xi1>, vector<512x128xi32>
    %reduce_min3A_531 = arith.constant dense<2147483647> : vector<512xi32>
    %reduce_min3A_532 = vector.multi_reduction <minsi>, %select_n3A_530, %reduce_min3A_531 [1] : vector<512x128xi32> to vector<512xi32>
    %broadcast_in_dim3A_533 = vector.shape_cast %reduce_min3A_532 : vector<512xi32> to vector<512x1xi32>
    %eq3A_534 = arith.constant 4 : i32
    %eq3A_535 = vector.broadcast %eq3A_534 : i32 to vector<512x128xi32>
    %eq3A_536 = arith.cmpi eq, %iota3A_29, %eq3A_535 : vector<512x128xi32>
    %broadcast_in_dim3A_537 = vector.shape_cast %broadcast_in_dim3A_533 : vector<512x1xi32> to vector<512x1xi32>
    %broadcast_in_dim3A_538 = vector.broadcast %broadcast_in_dim3A_537 : vector<512x1xi32> to vector<512x128xi32>
    %select_n3A_539 = arith.select %eq3A_536, %broadcast_in_dim3A_538, %select_n3A_411 : vector<512x128xi1>, vector<512x128xi32>
    %eq3A_540 = vector.broadcast %broadcast_in_dim3A_533 : vector<512x1xi32> to vector<512x2048xi32>
    %eq3A_541 = arith.cmpi eq, %iota3A, %eq3A_540 : vector<512x2048xi32>
    %jit3A_542 = arith.constant -1.000000e+30 : f32
    %broadcast_in_dim3A_543 = vector.broadcast %jit3A_542 : f32 to vector<512x2048xf32>
    %select_n3A_544 = arith.select %eq3A_541, %broadcast_in_dim3A_543, %select_n3A_416 : vector<512x2048xi1>, vector<512x2048xf32>
    %slice3A_545 = vector.extract_strided_slice %select_n3A_544 {offsets = [0, 0], sizes = [512, 128], strides = [1, 1]} : vector<512x2048xf32> to vector<512x128xf32>
    %slice3A_546 = vector.extract_strided_slice %select_n3A_544 {offsets = [0, 128], sizes = [512, 128], strides = [1, 1]} : vector<512x2048xf32> to vector<512x128xf32>
    %gt3A_547 = arith.cmpf ogt, %slice3A_546, %slice3A_545 : vector<512x128xf32>
    %max3A_548 = arith.maximumf %slice3A_545, %slice3A_546 : vector<512x128xf32>
    %add3A_549 = arith.constant 128 : i32
    %add3A_550 = vector.broadcast %add3A_549 : i32 to vector<512x128xi32>
    %add3A_551 = arith.addi %iota3A_29, %add3A_550 : vector<512x128xi32>
    %select_n3A_552 = arith.select %gt3A_547, %add3A_551, %iota3A_29 : vector<512x128xi1>, vector<512x128xi32>
    %slice3A_553 = vector.extract_strided_slice %select_n3A_544 {offsets = [0, 256], sizes = [512, 128], strides = [1, 1]} : vector<512x2048xf32> to vector<512x128xf32>
    %gt3A_554 = arith.cmpf ogt, %slice3A_553, %max3A_548 : vector<512x128xf32>
    %max3A_555 = arith.maximumf %max3A_548, %slice3A_553 : vector<512x128xf32>
    %add3A_556 = arith.constant 256 : i32
    %add3A_557 = vector.broadcast %add3A_556 : i32 to vector<512x128xi32>
    %add3A_558 = arith.addi %iota3A_29, %add3A_557 : vector<512x128xi32>
    %select_n3A_559 = arith.select %gt3A_554, %add3A_558, %select_n3A_552 : vector<512x128xi1>, vector<512x128xi32>
    %slice3A_560 = vector.extract_strided_slice %select_n3A_544 {offsets = [0, 384], sizes = [512, 128], strides = [1, 1]} : vector<512x2048xf32> to vector<512x128xf32>
    %gt3A_561 = arith.cmpf ogt, %slice3A_560, %max3A_555 : vector<512x128xf32>
    %max3A_562 = arith.maximumf %max3A_555, %slice3A_560 : vector<512x128xf32>
    %add3A_563 = arith.constant 384 : i32
    %add3A_564 = vector.broadcast %add3A_563 : i32 to vector<512x128xi32>
    %add3A_565 = arith.addi %iota3A_29, %add3A_564 : vector<512x128xi32>
    %select_n3A_566 = arith.select %gt3A_561, %add3A_565, %select_n3A_559 : vector<512x128xi1>, vector<512x128xi32>
    %slice3A_567 = vector.extract_strided_slice %select_n3A_544 {offsets = [0, 512], sizes = [512, 128], strides = [1, 1]} : vector<512x2048xf32> to vector<512x128xf32>
    %gt3A_568 = arith.cmpf ogt, %slice3A_567, %max3A_562 : vector<512x128xf32>
    %max3A_569 = arith.maximumf %max3A_562, %slice3A_567 : vector<512x128xf32>
    %add3A_570 = arith.constant 512 : i32
    %add3A_571 = vector.broadcast %add3A_570 : i32 to vector<512x128xi32>
    %add3A_572 = arith.addi %iota3A_29, %add3A_571 : vector<512x128xi32>
    %select_n3A_573 = arith.select %gt3A_568, %add3A_572, %select_n3A_566 : vector<512x128xi1>, vector<512x128xi32>
    %slice3A_574 = vector.extract_strided_slice %select_n3A_544 {offsets = [0, 640], sizes = [512, 128], strides = [1, 1]} : vector<512x2048xf32> to vector<512x128xf32>
    %gt3A_575 = arith.cmpf ogt, %slice3A_574, %max3A_569 : vector<512x128xf32>
    %max3A_576 = arith.maximumf %max3A_569, %slice3A_574 : vector<512x128xf32>
    %add3A_577 = arith.constant 640 : i32
    %add3A_578 = vector.broadcast %add3A_577 : i32 to vector<512x128xi32>
    %add3A_579 = arith.addi %iota3A_29, %add3A_578 : vector<512x128xi32>
    %select_n3A_580 = arith.select %gt3A_575, %add3A_579, %select_n3A_573 : vector<512x128xi1>, vector<512x128xi32>
    %slice3A_581 = vector.extract_strided_slice %select_n3A_544 {offsets = [0, 768], sizes = [512, 128], strides = [1, 1]} : vector<512x2048xf32> to vector<512x128xf32>
    %gt3A_582 = arith.cmpf ogt, %slice3A_581, %max3A_576 : vector<512x128xf32>
    %max3A_583 = arith.maximumf %max3A_576, %slice3A_581 : vector<512x128xf32>
    %add3A_584 = arith.constant 768 : i32
    %add3A_585 = vector.broadcast %add3A_584 : i32 to vector<512x128xi32>
    %add3A_586 = arith.addi %iota3A_29, %add3A_585 : vector<512x128xi32>
    %select_n3A_587 = arith.select %gt3A_582, %add3A_586, %select_n3A_580 : vector<512x128xi1>, vector<512x128xi32>
    %slice3A_588 = vector.extract_strided_slice %select_n3A_544 {offsets = [0, 896], sizes = [512, 128], strides = [1, 1]} : vector<512x2048xf32> to vector<512x128xf32>
    %gt3A_589 = arith.cmpf ogt, %slice3A_588, %max3A_583 : vector<512x128xf32>
    %max3A_590 = arith.maximumf %max3A_583, %slice3A_588 : vector<512x128xf32>
    %add3A_591 = arith.constant 896 : i32
    %add3A_592 = vector.broadcast %add3A_591 : i32 to vector<512x128xi32>
    %add3A_593 = arith.addi %iota3A_29, %add3A_592 : vector<512x128xi32>
    %select_n3A_594 = arith.select %gt3A_589, %add3A_593, %select_n3A_587 : vector<512x128xi1>, vector<512x128xi32>
    %slice3A_595 = vector.extract_strided_slice %select_n3A_544 {offsets = [0, 1024], sizes = [512, 128], strides = [1, 1]} : vector<512x2048xf32> to vector<512x128xf32>
    %gt3A_596 = arith.cmpf ogt, %slice3A_595, %max3A_590 : vector<512x128xf32>
    %max3A_597 = arith.maximumf %max3A_590, %slice3A_595 : vector<512x128xf32>
    %add3A_598 = arith.constant 1024 : i32
    %add3A_599 = vector.broadcast %add3A_598 : i32 to vector<512x128xi32>
    %add3A_600 = arith.addi %iota3A_29, %add3A_599 : vector<512x128xi32>
    %select_n3A_601 = arith.select %gt3A_596, %add3A_600, %select_n3A_594 : vector<512x128xi1>, vector<512x128xi32>
    %slice3A_602 = vector.extract_strided_slice %select_n3A_544 {offsets = [0, 1152], sizes = [512, 128], strides = [1, 1]} : vector<512x2048xf32> to vector<512x128xf32>
    %gt3A_603 = arith.cmpf ogt, %slice3A_602, %max3A_597 : vector<512x128xf32>
    %max3A_604 = arith.maximumf %max3A_597, %slice3A_602 : vector<512x128xf32>
    %add3A_605 = arith.constant 1152 : i32
    %add3A_606 = vector.broadcast %add3A_605 : i32 to vector<512x128xi32>
    %add3A_607 = arith.addi %iota3A_29, %add3A_606 : vector<512x128xi32>
    %select_n3A_608 = arith.select %gt3A_603, %add3A_607, %select_n3A_601 : vector<512x128xi1>, vector<512x128xi32>
    %slice3A_609 = vector.extract_strided_slice %select_n3A_544 {offsets = [0, 1280], sizes = [512, 128], strides = [1, 1]} : vector<512x2048xf32> to vector<512x128xf32>
    %gt3A_610 = arith.cmpf ogt, %slice3A_609, %max3A_604 : vector<512x128xf32>
    %max3A_611 = arith.maximumf %max3A_604, %slice3A_609 : vector<512x128xf32>
    %add3A_612 = arith.constant 1280 : i32
    %add3A_613 = vector.broadcast %add3A_612 : i32 to vector<512x128xi32>
    %add3A_614 = arith.addi %iota3A_29, %add3A_613 : vector<512x128xi32>
    %select_n3A_615 = arith.select %gt3A_610, %add3A_614, %select_n3A_608 : vector<512x128xi1>, vector<512x128xi32>
    %slice3A_616 = vector.extract_strided_slice %select_n3A_544 {offsets = [0, 1408], sizes = [512, 128], strides = [1, 1]} : vector<512x2048xf32> to vector<512x128xf32>
    %gt3A_617 = arith.cmpf ogt, %slice3A_616, %max3A_611 : vector<512x128xf32>
    %max3A_618 = arith.maximumf %max3A_611, %slice3A_616 : vector<512x128xf32>
    %add3A_619 = arith.constant 1408 : i32
    %add3A_620 = vector.broadcast %add3A_619 : i32 to vector<512x128xi32>
    %add3A_621 = arith.addi %iota3A_29, %add3A_620 : vector<512x128xi32>
    %select_n3A_622 = arith.select %gt3A_617, %add3A_621, %select_n3A_615 : vector<512x128xi1>, vector<512x128xi32>
    %slice3A_623 = vector.extract_strided_slice %select_n3A_544 {offsets = [0, 1536], sizes = [512, 128], strides = [1, 1]} : vector<512x2048xf32> to vector<512x128xf32>
    %gt3A_624 = arith.cmpf ogt, %slice3A_623, %max3A_618 : vector<512x128xf32>
    %max3A_625 = arith.maximumf %max3A_618, %slice3A_623 : vector<512x128xf32>
    %add3A_626 = arith.constant 1536 : i32
    %add3A_627 = vector.broadcast %add3A_626 : i32 to vector<512x128xi32>
    %add3A_628 = arith.addi %iota3A_29, %add3A_627 : vector<512x128xi32>
    %select_n3A_629 = arith.select %gt3A_624, %add3A_628, %select_n3A_622 : vector<512x128xi1>, vector<512x128xi32>
    %slice3A_630 = vector.extract_strided_slice %select_n3A_544 {offsets = [0, 1664], sizes = [512, 128], strides = [1, 1]} : vector<512x2048xf32> to vector<512x128xf32>
    %gt3A_631 = arith.cmpf ogt, %slice3A_630, %max3A_625 : vector<512x128xf32>
    %max3A_632 = arith.maximumf %max3A_625, %slice3A_630 : vector<512x128xf32>
    %add3A_633 = arith.constant 1664 : i32
    %add3A_634 = vector.broadcast %add3A_633 : i32 to vector<512x128xi32>
    %add3A_635 = arith.addi %iota3A_29, %add3A_634 : vector<512x128xi32>
    %select_n3A_636 = arith.select %gt3A_631, %add3A_635, %select_n3A_629 : vector<512x128xi1>, vector<512x128xi32>
    %slice3A_637 = vector.extract_strided_slice %select_n3A_544 {offsets = [0, 1792], sizes = [512, 128], strides = [1, 1]} : vector<512x2048xf32> to vector<512x128xf32>
    %gt3A_638 = arith.cmpf ogt, %slice3A_637, %max3A_632 : vector<512x128xf32>
    %max3A_639 = arith.maximumf %max3A_632, %slice3A_637 : vector<512x128xf32>
    %add3A_640 = arith.constant 1792 : i32
    %add3A_641 = vector.broadcast %add3A_640 : i32 to vector<512x128xi32>
    %add3A_642 = arith.addi %iota3A_29, %add3A_641 : vector<512x128xi32>
    %select_n3A_643 = arith.select %gt3A_638, %add3A_642, %select_n3A_636 : vector<512x128xi1>, vector<512x128xi32>
    %slice3A_644 = vector.extract_strided_slice %select_n3A_544 {offsets = [0, 1920], sizes = [512, 128], strides = [1, 1]} : vector<512x2048xf32> to vector<512x128xf32>
    %gt3A_645 = arith.cmpf ogt, %slice3A_644, %max3A_639 : vector<512x128xf32>
    %max3A_646 = arith.maximumf %max3A_639, %slice3A_644 : vector<512x128xf32>
    %add3A_647 = arith.constant 1920 : i32
    %add3A_648 = vector.broadcast %add3A_647 : i32 to vector<512x128xi32>
    %add3A_649 = arith.addi %iota3A_29, %add3A_648 : vector<512x128xi32>
    %select_n3A_650 = arith.select %gt3A_645, %add3A_649, %select_n3A_643 : vector<512x128xi1>, vector<512x128xi32>
    %reduce_max3A_651 = arith.constant dense<0xFF800000> : vector<512xf32>
    %reduce_max3A_652 = vector.multi_reduction <maximumf>, %max3A_646, %reduce_max3A_651 [1] : vector<512x128xf32> to vector<512xf32>
    %broadcast_in_dim3A_653 = vector.shape_cast %reduce_max3A_652 : vector<512xf32> to vector<512x1xf32>
    %eq3A_654 = vector.broadcast %broadcast_in_dim3A_653 : vector<512x1xf32> to vector<512x128xf32>
    %eq3A_655 = arith.cmpf oeq, %max3A_646, %eq3A_654 : vector<512x128xf32>
    %jit3A_656 = arith.constant 2048 : i32
    %broadcast_in_dim3A_657 = vector.broadcast %jit3A_656 : i32 to vector<512x128xi32>
    %select_n3A_658 = arith.select %eq3A_655, %select_n3A_650, %broadcast_in_dim3A_657 : vector<512x128xi1>, vector<512x128xi32>
    %reduce_min3A_659 = arith.constant dense<2147483647> : vector<512xi32>
    %reduce_min3A_660 = vector.multi_reduction <minsi>, %select_n3A_658, %reduce_min3A_659 [1] : vector<512x128xi32> to vector<512xi32>
    %broadcast_in_dim3A_661 = vector.shape_cast %reduce_min3A_660 : vector<512xi32> to vector<512x1xi32>
    %eq3A_662 = arith.constant 5 : i32
    %eq3A_663 = vector.broadcast %eq3A_662 : i32 to vector<512x128xi32>
    %eq3A_664 = arith.cmpi eq, %iota3A_29, %eq3A_663 : vector<512x128xi32>
    %broadcast_in_dim3A_665 = vector.shape_cast %broadcast_in_dim3A_661 : vector<512x1xi32> to vector<512x1xi32>
    %broadcast_in_dim3A_666 = vector.broadcast %broadcast_in_dim3A_665 : vector<512x1xi32> to vector<512x128xi32>
    %select_n3A_667 = arith.select %eq3A_664, %broadcast_in_dim3A_666, %select_n3A_539 : vector<512x128xi1>, vector<512x128xi32>
    %eq3A_668 = vector.broadcast %broadcast_in_dim3A_661 : vector<512x1xi32> to vector<512x2048xi32>
    %eq3A_669 = arith.cmpi eq, %iota3A, %eq3A_668 : vector<512x2048xi32>
    %jit3A_670 = arith.constant -1.000000e+30 : f32
    %broadcast_in_dim3A_671 = vector.broadcast %jit3A_670 : f32 to vector<512x2048xf32>
    %select_n3A_672 = arith.select %eq3A_669, %broadcast_in_dim3A_671, %select_n3A_544 : vector<512x2048xi1>, vector<512x2048xf32>
    %slice3A_673 = vector.extract_strided_slice %select_n3A_672 {offsets = [0, 0], sizes = [512, 128], strides = [1, 1]} : vector<512x2048xf32> to vector<512x128xf32>
    %slice3A_674 = vector.extract_strided_slice %select_n3A_672 {offsets = [0, 128], sizes = [512, 128], strides = [1, 1]} : vector<512x2048xf32> to vector<512x128xf32>
    %gt3A_675 = arith.cmpf ogt, %slice3A_674, %slice3A_673 : vector<512x128xf32>
    %max3A_676 = arith.maximumf %slice3A_673, %slice3A_674 : vector<512x128xf32>
    %add3A_677 = arith.constant 128 : i32
    %add3A_678 = vector.broadcast %add3A_677 : i32 to vector<512x128xi32>
    %add3A_679 = arith.addi %iota3A_29, %add3A_678 : vector<512x128xi32>
    %select_n3A_680 = arith.select %gt3A_675, %add3A_679, %iota3A_29 : vector<512x128xi1>, vector<512x128xi32>
    %slice3A_681 = vector.extract_strided_slice %select_n3A_672 {offsets = [0, 256], sizes = [512, 128], strides = [1, 1]} : vector<512x2048xf32> to vector<512x128xf32>
    %gt3A_682 = arith.cmpf ogt, %slice3A_681, %max3A_676 : vector<512x128xf32>
    %max3A_683 = arith.maximumf %max3A_676, %slice3A_681 : vector<512x128xf32>
    %add3A_684 = arith.constant 256 : i32
    %add3A_685 = vector.broadcast %add3A_684 : i32 to vector<512x128xi32>
    %add3A_686 = arith.addi %iota3A_29, %add3A_685 : vector<512x128xi32>
    %select_n3A_687 = arith.select %gt3A_682, %add3A_686, %select_n3A_680 : vector<512x128xi1>, vector<512x128xi32>
    %slice3A_688 = vector.extract_strided_slice %select_n3A_672 {offsets = [0, 384], sizes = [512, 128], strides = [1, 1]} : vector<512x2048xf32> to vector<512x128xf32>
    %gt3A_689 = arith.cmpf ogt, %slice3A_688, %max3A_683 : vector<512x128xf32>
    %max3A_690 = arith.maximumf %max3A_683, %slice3A_688 : vector<512x128xf32>
    %add3A_691 = arith.constant 384 : i32
    %add3A_692 = vector.broadcast %add3A_691 : i32 to vector<512x128xi32>
    %add3A_693 = arith.addi %iota3A_29, %add3A_692 : vector<512x128xi32>
    %select_n3A_694 = arith.select %gt3A_689, %add3A_693, %select_n3A_687 : vector<512x128xi1>, vector<512x128xi32>
    %slice3A_695 = vector.extract_strided_slice %select_n3A_672 {offsets = [0, 512], sizes = [512, 128], strides = [1, 1]} : vector<512x2048xf32> to vector<512x128xf32>
    %gt3A_696 = arith.cmpf ogt, %slice3A_695, %max3A_690 : vector<512x128xf32>
    %max3A_697 = arith.maximumf %max3A_690, %slice3A_695 : vector<512x128xf32>
    %add3A_698 = arith.constant 512 : i32
    %add3A_699 = vector.broadcast %add3A_698 : i32 to vector<512x128xi32>
    %add3A_700 = arith.addi %iota3A_29, %add3A_699 : vector<512x128xi32>
    %select_n3A_701 = arith.select %gt3A_696, %add3A_700, %select_n3A_694 : vector<512x128xi1>, vector<512x128xi32>
    %slice3A_702 = vector.extract_strided_slice %select_n3A_672 {offsets = [0, 640], sizes = [512, 128], strides = [1, 1]} : vector<512x2048xf32> to vector<512x128xf32>
    %gt3A_703 = arith.cmpf ogt, %slice3A_702, %max3A_697 : vector<512x128xf32>
    %max3A_704 = arith.maximumf %max3A_697, %slice3A_702 : vector<512x128xf32>
    %add3A_705 = arith.constant 640 : i32
    %add3A_706 = vector.broadcast %add3A_705 : i32 to vector<512x128xi32>
    %add3A_707 = arith.addi %iota3A_29, %add3A_706 : vector<512x128xi32>
    %select_n3A_708 = arith.select %gt3A_703, %add3A_707, %select_n3A_701 : vector<512x128xi1>, vector<512x128xi32>
    %slice3A_709 = vector.extract_strided_slice %select_n3A_672 {offsets = [0, 768], sizes = [512, 128], strides = [1, 1]} : vector<512x2048xf32> to vector<512x128xf32>
    %gt3A_710 = arith.cmpf ogt, %slice3A_709, %max3A_704 : vector<512x128xf32>
    %max3A_711 = arith.maximumf %max3A_704, %slice3A_709 : vector<512x128xf32>
    %add3A_712 = arith.constant 768 : i32
    %add3A_713 = vector.broadcast %add3A_712 : i32 to vector<512x128xi32>
    %add3A_714 = arith.addi %iota3A_29, %add3A_713 : vector<512x128xi32>
    %select_n3A_715 = arith.select %gt3A_710, %add3A_714, %select_n3A_708 : vector<512x128xi1>, vector<512x128xi32>
    %slice3A_716 = vector.extract_strided_slice %select_n3A_672 {offsets = [0, 896], sizes = [512, 128], strides = [1, 1]} : vector<512x2048xf32> to vector<512x128xf32>
    %gt3A_717 = arith.cmpf ogt, %slice3A_716, %max3A_711 : vector<512x128xf32>
    %max3A_718 = arith.maximumf %max3A_711, %slice3A_716 : vector<512x128xf32>
    %add3A_719 = arith.constant 896 : i32
    %add3A_720 = vector.broadcast %add3A_719 : i32 to vector<512x128xi32>
    %add3A_721 = arith.addi %iota3A_29, %add3A_720 : vector<512x128xi32>
    %select_n3A_722 = arith.select %gt3A_717, %add3A_721, %select_n3A_715 : vector<512x128xi1>, vector<512x128xi32>
    %slice3A_723 = vector.extract_strided_slice %select_n3A_672 {offsets = [0, 1024], sizes = [512, 128], strides = [1, 1]} : vector<512x2048xf32> to vector<512x128xf32>
    %gt3A_724 = arith.cmpf ogt, %slice3A_723, %max3A_718 : vector<512x128xf32>
    %max3A_725 = arith.maximumf %max3A_718, %slice3A_723 : vector<512x128xf32>
    %add3A_726 = arith.constant 1024 : i32
    %add3A_727 = vector.broadcast %add3A_726 : i32 to vector<512x128xi32>
    %add3A_728 = arith.addi %iota3A_29, %add3A_727 : vector<512x128xi32>
    %select_n3A_729 = arith.select %gt3A_724, %add3A_728, %select_n3A_722 : vector<512x128xi1>, vector<512x128xi32>
    %slice3A_730 = vector.extract_strided_slice %select_n3A_672 {offsets = [0, 1152], sizes = [512, 128], strides = [1, 1]} : vector<512x2048xf32> to vector<512x128xf32>
    %gt3A_731 = arith.cmpf ogt, %slice3A_730, %max3A_725 : vector<512x128xf32>
    %max3A_732 = arith.maximumf %max3A_725, %slice3A_730 : vector<512x128xf32>
    %add3A_733 = arith.constant 1152 : i32
    %add3A_734 = vector.broadcast %add3A_733 : i32 to vector<512x128xi32>
    %add3A_735 = arith.addi %iota3A_29, %add3A_734 : vector<512x128xi32>
    %select_n3A_736 = arith.select %gt3A_731, %add3A_735, %select_n3A_729 : vector<512x128xi1>, vector<512x128xi32>
    %slice3A_737 = vector.extract_strided_slice %select_n3A_672 {offsets = [0, 1280], sizes = [512, 128], strides = [1, 1]} : vector<512x2048xf32> to vector<512x128xf32>
    %gt3A_738 = arith.cmpf ogt, %slice3A_737, %max3A_732 : vector<512x128xf32>
    %max3A_739 = arith.maximumf %max3A_732, %slice3A_737 : vector<512x128xf32>
    %add3A_740 = arith.constant 1280 : i32
    %add3A_741 = vector.broadcast %add3A_740 : i32 to vector<512x128xi32>
    %add3A_742 = arith.addi %iota3A_29, %add3A_741 : vector<512x128xi32>
    %select_n3A_743 = arith.select %gt3A_738, %add3A_742, %select_n3A_736 : vector<512x128xi1>, vector<512x128xi32>
    %slice3A_744 = vector.extract_strided_slice %select_n3A_672 {offsets = [0, 1408], sizes = [512, 128], strides = [1, 1]} : vector<512x2048xf32> to vector<512x128xf32>
    %gt3A_745 = arith.cmpf ogt, %slice3A_744, %max3A_739 : vector<512x128xf32>
    %max3A_746 = arith.maximumf %max3A_739, %slice3A_744 : vector<512x128xf32>
    %add3A_747 = arith.constant 1408 : i32
    %add3A_748 = vector.broadcast %add3A_747 : i32 to vector<512x128xi32>
    %add3A_749 = arith.addi %iota3A_29, %add3A_748 : vector<512x128xi32>
    %select_n3A_750 = arith.select %gt3A_745, %add3A_749, %select_n3A_743 : vector<512x128xi1>, vector<512x128xi32>
    %slice3A_751 = vector.extract_strided_slice %select_n3A_672 {offsets = [0, 1536], sizes = [512, 128], strides = [1, 1]} : vector<512x2048xf32> to vector<512x128xf32>
    %gt3A_752 = arith.cmpf ogt, %slice3A_751, %max3A_746 : vector<512x128xf32>
    %max3A_753 = arith.maximumf %max3A_746, %slice3A_751 : vector<512x128xf32>
    %add3A_754 = arith.constant 1536 : i32
    %add3A_755 = vector.broadcast %add3A_754 : i32 to vector<512x128xi32>
    %add3A_756 = arith.addi %iota3A_29, %add3A_755 : vector<512x128xi32>
    %select_n3A_757 = arith.select %gt3A_752, %add3A_756, %select_n3A_750 : vector<512x128xi1>, vector<512x128xi32>
    %slice3A_758 = vector.extract_strided_slice %select_n3A_672 {offsets = [0, 1664], sizes = [512, 128], strides = [1, 1]} : vector<512x2048xf32> to vector<512x128xf32>
    %gt3A_759 = arith.cmpf ogt, %slice3A_758, %max3A_753 : vector<512x128xf32>
    %max3A_760 = arith.maximumf %max3A_753, %slice3A_758 : vector<512x128xf32>
    %add3A_761 = arith.constant 1664 : i32
    %add3A_762 = vector.broadcast %add3A_761 : i32 to vector<512x128xi32>
    %add3A_763 = arith.addi %iota3A_29, %add3A_762 : vector<512x128xi32>
    %select_n3A_764 = arith.select %gt3A_759, %add3A_763, %select_n3A_757 : vector<512x128xi1>, vector<512x128xi32>
    %slice3A_765 = vector.extract_strided_slice %select_n3A_672 {offsets = [0, 1792], sizes = [512, 128], strides = [1, 1]} : vector<512x2048xf32> to vector<512x128xf32>
    %gt3A_766 = arith.cmpf ogt, %slice3A_765, %max3A_760 : vector<512x128xf32>
    %max3A_767 = arith.maximumf %max3A_760, %slice3A_765 : vector<512x128xf32>
    %add3A_768 = arith.constant 1792 : i32
    %add3A_769 = vector.broadcast %add3A_768 : i32 to vector<512x128xi32>
    %add3A_770 = arith.addi %iota3A_29, %add3A_769 : vector<512x128xi32>
    %select_n3A_771 = arith.select %gt3A_766, %add3A_770, %select_n3A_764 : vector<512x128xi1>, vector<512x128xi32>
    %slice3A_772 = vector.extract_strided_slice %select_n3A_672 {offsets = [0, 1920], sizes = [512, 128], strides = [1, 1]} : vector<512x2048xf32> to vector<512x128xf32>
    %gt3A_773 = arith.cmpf ogt, %slice3A_772, %max3A_767 : vector<512x128xf32>
    %max3A_774 = arith.maximumf %max3A_767, %slice3A_772 : vector<512x128xf32>
    %add3A_775 = arith.constant 1920 : i32
    %add3A_776 = vector.broadcast %add3A_775 : i32 to vector<512x128xi32>
    %add3A_777 = arith.addi %iota3A_29, %add3A_776 : vector<512x128xi32>
    %select_n3A_778 = arith.select %gt3A_773, %add3A_777, %select_n3A_771 : vector<512x128xi1>, vector<512x128xi32>
    %reduce_max3A_779 = arith.constant dense<0xFF800000> : vector<512xf32>
    %reduce_max3A_780 = vector.multi_reduction <maximumf>, %max3A_774, %reduce_max3A_779 [1] : vector<512x128xf32> to vector<512xf32>
    %broadcast_in_dim3A_781 = vector.shape_cast %reduce_max3A_780 : vector<512xf32> to vector<512x1xf32>
    %eq3A_782 = vector.broadcast %broadcast_in_dim3A_781 : vector<512x1xf32> to vector<512x128xf32>
    %eq3A_783 = arith.cmpf oeq, %max3A_774, %eq3A_782 : vector<512x128xf32>
    %jit3A_784 = arith.constant 2048 : i32
    %broadcast_in_dim3A_785 = vector.broadcast %jit3A_784 : i32 to vector<512x128xi32>
    %select_n3A_786 = arith.select %eq3A_783, %select_n3A_778, %broadcast_in_dim3A_785 : vector<512x128xi1>, vector<512x128xi32>
    %reduce_min3A_787 = arith.constant dense<2147483647> : vector<512xi32>
    %reduce_min3A_788 = vector.multi_reduction <minsi>, %select_n3A_786, %reduce_min3A_787 [1] : vector<512x128xi32> to vector<512xi32>
    %broadcast_in_dim3A_789 = vector.shape_cast %reduce_min3A_788 : vector<512xi32> to vector<512x1xi32>
    %eq3A_790 = arith.constant 6 : i32
    %eq3A_791 = vector.broadcast %eq3A_790 : i32 to vector<512x128xi32>
    %eq3A_792 = arith.cmpi eq, %iota3A_29, %eq3A_791 : vector<512x128xi32>
    %broadcast_in_dim3A_793 = vector.shape_cast %broadcast_in_dim3A_789 : vector<512x1xi32> to vector<512x1xi32>
    %broadcast_in_dim3A_794 = vector.broadcast %broadcast_in_dim3A_793 : vector<512x1xi32> to vector<512x128xi32>
    %select_n3A_795 = arith.select %eq3A_792, %broadcast_in_dim3A_794, %select_n3A_667 : vector<512x128xi1>, vector<512x128xi32>
    %eq3A_796 = vector.broadcast %broadcast_in_dim3A_789 : vector<512x1xi32> to vector<512x2048xi32>
    %eq3A_797 = arith.cmpi eq, %iota3A, %eq3A_796 : vector<512x2048xi32>
    %jit3A_798 = arith.constant -1.000000e+30 : f32
    %broadcast_in_dim3A_799 = vector.broadcast %jit3A_798 : f32 to vector<512x2048xf32>
    %select_n3A_800 = arith.select %eq3A_797, %broadcast_in_dim3A_799, %select_n3A_672 : vector<512x2048xi1>, vector<512x2048xf32>
    %slice3A_801 = vector.extract_strided_slice %select_n3A_800 {offsets = [0, 0], sizes = [512, 128], strides = [1, 1]} : vector<512x2048xf32> to vector<512x128xf32>
    %slice3A_802 = vector.extract_strided_slice %select_n3A_800 {offsets = [0, 128], sizes = [512, 128], strides = [1, 1]} : vector<512x2048xf32> to vector<512x128xf32>
    %gt3A_803 = arith.cmpf ogt, %slice3A_802, %slice3A_801 : vector<512x128xf32>
    %max3A_804 = arith.maximumf %slice3A_801, %slice3A_802 : vector<512x128xf32>
    %add3A_805 = arith.constant 128 : i32
    %add3A_806 = vector.broadcast %add3A_805 : i32 to vector<512x128xi32>
    %add3A_807 = arith.addi %iota3A_29, %add3A_806 : vector<512x128xi32>
    %select_n3A_808 = arith.select %gt3A_803, %add3A_807, %iota3A_29 : vector<512x128xi1>, vector<512x128xi32>
    %slice3A_809 = vector.extract_strided_slice %select_n3A_800 {offsets = [0, 256], sizes = [512, 128], strides = [1, 1]} : vector<512x2048xf32> to vector<512x128xf32>
    %gt3A_810 = arith.cmpf ogt, %slice3A_809, %max3A_804 : vector<512x128xf32>
    %max3A_811 = arith.maximumf %max3A_804, %slice3A_809 : vector<512x128xf32>
    %add3A_812 = arith.constant 256 : i32
    %add3A_813 = vector.broadcast %add3A_812 : i32 to vector<512x128xi32>
    %add3A_814 = arith.addi %iota3A_29, %add3A_813 : vector<512x128xi32>
    %select_n3A_815 = arith.select %gt3A_810, %add3A_814, %select_n3A_808 : vector<512x128xi1>, vector<512x128xi32>
    %slice3A_816 = vector.extract_strided_slice %select_n3A_800 {offsets = [0, 384], sizes = [512, 128], strides = [1, 1]} : vector<512x2048xf32> to vector<512x128xf32>
    %gt3A_817 = arith.cmpf ogt, %slice3A_816, %max3A_811 : vector<512x128xf32>
    %max3A_818 = arith.maximumf %max3A_811, %slice3A_816 : vector<512x128xf32>
    %add3A_819 = arith.constant 384 : i32
    %add3A_820 = vector.broadcast %add3A_819 : i32 to vector<512x128xi32>
    %add3A_821 = arith.addi %iota3A_29, %add3A_820 : vector<512x128xi32>
    %select_n3A_822 = arith.select %gt3A_817, %add3A_821, %select_n3A_815 : vector<512x128xi1>, vector<512x128xi32>
    %slice3A_823 = vector.extract_strided_slice %select_n3A_800 {offsets = [0, 512], sizes = [512, 128], strides = [1, 1]} : vector<512x2048xf32> to vector<512x128xf32>
    %gt3A_824 = arith.cmpf ogt, %slice3A_823, %max3A_818 : vector<512x128xf32>
    %max3A_825 = arith.maximumf %max3A_818, %slice3A_823 : vector<512x128xf32>
    %add3A_826 = arith.constant 512 : i32
    %add3A_827 = vector.broadcast %add3A_826 : i32 to vector<512x128xi32>
    %add3A_828 = arith.addi %iota3A_29, %add3A_827 : vector<512x128xi32>
    %select_n3A_829 = arith.select %gt3A_824, %add3A_828, %select_n3A_822 : vector<512x128xi1>, vector<512x128xi32>
    %slice3A_830 = vector.extract_strided_slice %select_n3A_800 {offsets = [0, 640], sizes = [512, 128], strides = [1, 1]} : vector<512x2048xf32> to vector<512x128xf32>
    %gt3A_831 = arith.cmpf ogt, %slice3A_830, %max3A_825 : vector<512x128xf32>
    %max3A_832 = arith.maximumf %max3A_825, %slice3A_830 : vector<512x128xf32>
    %add3A_833 = arith.constant 640 : i32
    %add3A_834 = vector.broadcast %add3A_833 : i32 to vector<512x128xi32>
    %add3A_835 = arith.addi %iota3A_29, %add3A_834 : vector<512x128xi32>
    %select_n3A_836 = arith.select %gt3A_831, %add3A_835, %select_n3A_829 : vector<512x128xi1>, vector<512x128xi32>
    %slice3A_837 = vector.extract_strided_slice %select_n3A_800 {offsets = [0, 768], sizes = [512, 128], strides = [1, 1]} : vector<512x2048xf32> to vector<512x128xf32>
    %gt3A_838 = arith.cmpf ogt, %slice3A_837, %max3A_832 : vector<512x128xf32>
    %max3A_839 = arith.maximumf %max3A_832, %slice3A_837 : vector<512x128xf32>
    %add3A_840 = arith.constant 768 : i32
    %add3A_841 = vector.broadcast %add3A_840 : i32 to vector<512x128xi32>
    %add3A_842 = arith.addi %iota3A_29, %add3A_841 : vector<512x128xi32>
    %select_n3A_843 = arith.select %gt3A_838, %add3A_842, %select_n3A_836 : vector<512x128xi1>, vector<512x128xi32>
    %slice3A_844 = vector.extract_strided_slice %select_n3A_800 {offsets = [0, 896], sizes = [512, 128], strides = [1, 1]} : vector<512x2048xf32> to vector<512x128xf32>
    %gt3A_845 = arith.cmpf ogt, %slice3A_844, %max3A_839 : vector<512x128xf32>
    %max3A_846 = arith.maximumf %max3A_839, %slice3A_844 : vector<512x128xf32>
    %add3A_847 = arith.constant 896 : i32
    %add3A_848 = vector.broadcast %add3A_847 : i32 to vector<512x128xi32>
    %add3A_849 = arith.addi %iota3A_29, %add3A_848 : vector<512x128xi32>
    %select_n3A_850 = arith.select %gt3A_845, %add3A_849, %select_n3A_843 : vector<512x128xi1>, vector<512x128xi32>
    %slice3A_851 = vector.extract_strided_slice %select_n3A_800 {offsets = [0, 1024], sizes = [512, 128], strides = [1, 1]} : vector<512x2048xf32> to vector<512x128xf32>
    %gt3A_852 = arith.cmpf ogt, %slice3A_851, %max3A_846 : vector<512x128xf32>
    %max3A_853 = arith.maximumf %max3A_846, %slice3A_851 : vector<512x128xf32>
    %add3A_854 = arith.constant 1024 : i32
    %add3A_855 = vector.broadcast %add3A_854 : i32 to vector<512x128xi32>
    %add3A_856 = arith.addi %iota3A_29, %add3A_855 : vector<512x128xi32>
    %select_n3A_857 = arith.select %gt3A_852, %add3A_856, %select_n3A_850 : vector<512x128xi1>, vector<512x128xi32>
    %slice3A_858 = vector.extract_strided_slice %select_n3A_800 {offsets = [0, 1152], sizes = [512, 128], strides = [1, 1]} : vector<512x2048xf32> to vector<512x128xf32>
    %gt3A_859 = arith.cmpf ogt, %slice3A_858, %max3A_853 : vector<512x128xf32>
    %max3A_860 = arith.maximumf %max3A_853, %slice3A_858 : vector<512x128xf32>
    %add3A_861 = arith.constant 1152 : i32
    %add3A_862 = vector.broadcast %add3A_861 : i32 to vector<512x128xi32>
    %add3A_863 = arith.addi %iota3A_29, %add3A_862 : vector<512x128xi32>
    %select_n3A_864 = arith.select %gt3A_859, %add3A_863, %select_n3A_857 : vector<512x128xi1>, vector<512x128xi32>
    %slice3A_865 = vector.extract_strided_slice %select_n3A_800 {offsets = [0, 1280], sizes = [512, 128], strides = [1, 1]} : vector<512x2048xf32> to vector<512x128xf32>
    %gt3A_866 = arith.cmpf ogt, %slice3A_865, %max3A_860 : vector<512x128xf32>
    %max3A_867 = arith.maximumf %max3A_860, %slice3A_865 : vector<512x128xf32>
    %add3A_868 = arith.constant 1280 : i32
    %add3A_869 = vector.broadcast %add3A_868 : i32 to vector<512x128xi32>
    %add3A_870 = arith.addi %iota3A_29, %add3A_869 : vector<512x128xi32>
    %select_n3A_871 = arith.select %gt3A_866, %add3A_870, %select_n3A_864 : vector<512x128xi1>, vector<512x128xi32>
    %slice3A_872 = vector.extract_strided_slice %select_n3A_800 {offsets = [0, 1408], sizes = [512, 128], strides = [1, 1]} : vector<512x2048xf32> to vector<512x128xf32>
    %gt3A_873 = arith.cmpf ogt, %slice3A_872, %max3A_867 : vector<512x128xf32>
    %max3A_874 = arith.maximumf %max3A_867, %slice3A_872 : vector<512x128xf32>
    %add3A_875 = arith.constant 1408 : i32
    %add3A_876 = vector.broadcast %add3A_875 : i32 to vector<512x128xi32>
    %add3A_877 = arith.addi %iota3A_29, %add3A_876 : vector<512x128xi32>
    %select_n3A_878 = arith.select %gt3A_873, %add3A_877, %select_n3A_871 : vector<512x128xi1>, vector<512x128xi32>
    %slice3A_879 = vector.extract_strided_slice %select_n3A_800 {offsets = [0, 1536], sizes = [512, 128], strides = [1, 1]} : vector<512x2048xf32> to vector<512x128xf32>
    %gt3A_880 = arith.cmpf ogt, %slice3A_879, %max3A_874 : vector<512x128xf32>
    %max3A_881 = arith.maximumf %max3A_874, %slice3A_879 : vector<512x128xf32>
    %add3A_882 = arith.constant 1536 : i32
    %add3A_883 = vector.broadcast %add3A_882 : i32 to vector<512x128xi32>
    %add3A_884 = arith.addi %iota3A_29, %add3A_883 : vector<512x128xi32>
    %select_n3A_885 = arith.select %gt3A_880, %add3A_884, %select_n3A_878 : vector<512x128xi1>, vector<512x128xi32>
    %slice3A_886 = vector.extract_strided_slice %select_n3A_800 {offsets = [0, 1664], sizes = [512, 128], strides = [1, 1]} : vector<512x2048xf32> to vector<512x128xf32>
    %gt3A_887 = arith.cmpf ogt, %slice3A_886, %max3A_881 : vector<512x128xf32>
    %max3A_888 = arith.maximumf %max3A_881, %slice3A_886 : vector<512x128xf32>
    %add3A_889 = arith.constant 1664 : i32
    %add3A_890 = vector.broadcast %add3A_889 : i32 to vector<512x128xi32>
    %add3A_891 = arith.addi %iota3A_29, %add3A_890 : vector<512x128xi32>
    %select_n3A_892 = arith.select %gt3A_887, %add3A_891, %select_n3A_885 : vector<512x128xi1>, vector<512x128xi32>
    %slice3A_893 = vector.extract_strided_slice %select_n3A_800 {offsets = [0, 1792], sizes = [512, 128], strides = [1, 1]} : vector<512x2048xf32> to vector<512x128xf32>
    %gt3A_894 = arith.cmpf ogt, %slice3A_893, %max3A_888 : vector<512x128xf32>
    %max3A_895 = arith.maximumf %max3A_888, %slice3A_893 : vector<512x128xf32>
    %add3A_896 = arith.constant 1792 : i32
    %add3A_897 = vector.broadcast %add3A_896 : i32 to vector<512x128xi32>
    %add3A_898 = arith.addi %iota3A_29, %add3A_897 : vector<512x128xi32>
    %select_n3A_899 = arith.select %gt3A_894, %add3A_898, %select_n3A_892 : vector<512x128xi1>, vector<512x128xi32>
    %slice3A_900 = vector.extract_strided_slice %select_n3A_800 {offsets = [0, 1920], sizes = [512, 128], strides = [1, 1]} : vector<512x2048xf32> to vector<512x128xf32>
    %gt3A_901 = arith.cmpf ogt, %slice3A_900, %max3A_895 : vector<512x128xf32>
    %max3A_902 = arith.maximumf %max3A_895, %slice3A_900 : vector<512x128xf32>
    %add3A_903 = arith.constant 1920 : i32
    %add3A_904 = vector.broadcast %add3A_903 : i32 to vector<512x128xi32>
    %add3A_905 = arith.addi %iota3A_29, %add3A_904 : vector<512x128xi32>
    %select_n3A_906 = arith.select %gt3A_901, %add3A_905, %select_n3A_899 : vector<512x128xi1>, vector<512x128xi32>
    %reduce_max3A_907 = arith.constant dense<0xFF800000> : vector<512xf32>
    %reduce_max3A_908 = vector.multi_reduction <maximumf>, %max3A_902, %reduce_max3A_907 [1] : vector<512x128xf32> to vector<512xf32>
    %broadcast_in_dim3A_909 = vector.shape_cast %reduce_max3A_908 : vector<512xf32> to vector<512x1xf32>
    %eq3A_910 = vector.broadcast %broadcast_in_dim3A_909 : vector<512x1xf32> to vector<512x128xf32>
    %eq3A_911 = arith.cmpf oeq, %max3A_902, %eq3A_910 : vector<512x128xf32>
    %jit3A_912 = arith.constant 2048 : i32
    %broadcast_in_dim3A_913 = vector.broadcast %jit3A_912 : i32 to vector<512x128xi32>
    %select_n3A_914 = arith.select %eq3A_911, %select_n3A_906, %broadcast_in_dim3A_913 : vector<512x128xi1>, vector<512x128xi32>
    %reduce_min3A_915 = arith.constant dense<2147483647> : vector<512xi32>
    %reduce_min3A_916 = vector.multi_reduction <minsi>, %select_n3A_914, %reduce_min3A_915 [1] : vector<512x128xi32> to vector<512xi32>
    %broadcast_in_dim3A_917 = vector.shape_cast %reduce_min3A_916 : vector<512xi32> to vector<512x1xi32>
    %eq3A_918 = arith.constant 7 : i32
    %eq3A_919 = vector.broadcast %eq3A_918 : i32 to vector<512x128xi32>
    %eq3A_920 = arith.cmpi eq, %iota3A_29, %eq3A_919 : vector<512x128xi32>
    %broadcast_in_dim3A_921 = vector.shape_cast %broadcast_in_dim3A_917 : vector<512x1xi32> to vector<512x1xi32>
    %broadcast_in_dim3A_922 = vector.broadcast %broadcast_in_dim3A_921 : vector<512x1xi32> to vector<512x128xi32>
    %select_n3A_923 = arith.select %eq3A_920, %broadcast_in_dim3A_922, %select_n3A_795 : vector<512x128xi1>, vector<512x128xi32>
    %eq3A_924 = vector.broadcast %broadcast_in_dim3A_917 : vector<512x1xi32> to vector<512x2048xi32>
    %eq3A_925 = arith.cmpi eq, %iota3A, %eq3A_924 : vector<512x2048xi32>
    %jit3A_926 = arith.constant -1.000000e+30 : f32
    %broadcast_in_dim3A_927 = vector.broadcast %jit3A_926 : f32 to vector<512x2048xf32>
    %select_n3A_928 = arith.select %eq3A_925, %broadcast_in_dim3A_927, %select_n3A_800 : vector<512x2048xi1>, vector<512x2048xf32>
    %slice3A_929 = vector.extract_strided_slice %select_n3A_928 {offsets = [0, 0], sizes = [512, 128], strides = [1, 1]} : vector<512x2048xf32> to vector<512x128xf32>
    %slice3A_930 = vector.extract_strided_slice %select_n3A_928 {offsets = [0, 128], sizes = [512, 128], strides = [1, 1]} : vector<512x2048xf32> to vector<512x128xf32>
    %gt3A_931 = arith.cmpf ogt, %slice3A_930, %slice3A_929 : vector<512x128xf32>
    %max3A_932 = arith.maximumf %slice3A_929, %slice3A_930 : vector<512x128xf32>
    %add3A_933 = arith.constant 128 : i32
    %add3A_934 = vector.broadcast %add3A_933 : i32 to vector<512x128xi32>
    %add3A_935 = arith.addi %iota3A_29, %add3A_934 : vector<512x128xi32>
    %select_n3A_936 = arith.select %gt3A_931, %add3A_935, %iota3A_29 : vector<512x128xi1>, vector<512x128xi32>
    %slice3A_937 = vector.extract_strided_slice %select_n3A_928 {offsets = [0, 256], sizes = [512, 128], strides = [1, 1]} : vector<512x2048xf32> to vector<512x128xf32>
    %gt3A_938 = arith.cmpf ogt, %slice3A_937, %max3A_932 : vector<512x128xf32>
    %max3A_939 = arith.maximumf %max3A_932, %slice3A_937 : vector<512x128xf32>
    %add3A_940 = arith.constant 256 : i32
    %add3A_941 = vector.broadcast %add3A_940 : i32 to vector<512x128xi32>
    %add3A_942 = arith.addi %iota3A_29, %add3A_941 : vector<512x128xi32>
    %select_n3A_943 = arith.select %gt3A_938, %add3A_942, %select_n3A_936 : vector<512x128xi1>, vector<512x128xi32>
    %slice3A_944 = vector.extract_strided_slice %select_n3A_928 {offsets = [0, 384], sizes = [512, 128], strides = [1, 1]} : vector<512x2048xf32> to vector<512x128xf32>
    %gt3A_945 = arith.cmpf ogt, %slice3A_944, %max3A_939 : vector<512x128xf32>
    %max3A_946 = arith.maximumf %max3A_939, %slice3A_944 : vector<512x128xf32>
    %add3A_947 = arith.constant 384 : i32
    %add3A_948 = vector.broadcast %add3A_947 : i32 to vector<512x128xi32>
    %add3A_949 = arith.addi %iota3A_29, %add3A_948 : vector<512x128xi32>
    %select_n3A_950 = arith.select %gt3A_945, %add3A_949, %select_n3A_943 : vector<512x128xi1>, vector<512x128xi32>
    %slice3A_951 = vector.extract_strided_slice %select_n3A_928 {offsets = [0, 512], sizes = [512, 128], strides = [1, 1]} : vector<512x2048xf32> to vector<512x128xf32>
    %gt3A_952 = arith.cmpf ogt, %slice3A_951, %max3A_946 : vector<512x128xf32>
    %max3A_953 = arith.maximumf %max3A_946, %slice3A_951 : vector<512x128xf32>
    %add3A_954 = arith.constant 512 : i32
    %add3A_955 = vector.broadcast %add3A_954 : i32 to vector<512x128xi32>
    %add3A_956 = arith.addi %iota3A_29, %add3A_955 : vector<512x128xi32>
    %select_n3A_957 = arith.select %gt3A_952, %add3A_956, %select_n3A_950 : vector<512x128xi1>, vector<512x128xi32>
    %slice3A_958 = vector.extract_strided_slice %select_n3A_928 {offsets = [0, 640], sizes = [512, 128], strides = [1, 1]} : vector<512x2048xf32> to vector<512x128xf32>
    %gt3A_959 = arith.cmpf ogt, %slice3A_958, %max3A_953 : vector<512x128xf32>
    %max3A_960 = arith.maximumf %max3A_953, %slice3A_958 : vector<512x128xf32>
    %add3A_961 = arith.constant 640 : i32
    %add3A_962 = vector.broadcast %add3A_961 : i32 to vector<512x128xi32>
    %add3A_963 = arith.addi %iota3A_29, %add3A_962 : vector<512x128xi32>
    %select_n3A_964 = arith.select %gt3A_959, %add3A_963, %select_n3A_957 : vector<512x128xi1>, vector<512x128xi32>
    %slice3A_965 = vector.extract_strided_slice %select_n3A_928 {offsets = [0, 768], sizes = [512, 128], strides = [1, 1]} : vector<512x2048xf32> to vector<512x128xf32>
    %gt3A_966 = arith.cmpf ogt, %slice3A_965, %max3A_960 : vector<512x128xf32>
    %max3A_967 = arith.maximumf %max3A_960, %slice3A_965 : vector<512x128xf32>
    %add3A_968 = arith.constant 768 : i32
    %add3A_969 = vector.broadcast %add3A_968 : i32 to vector<512x128xi32>
    %add3A_970 = arith.addi %iota3A_29, %add3A_969 : vector<512x128xi32>
    %select_n3A_971 = arith.select %gt3A_966, %add3A_970, %select_n3A_964 : vector<512x128xi1>, vector<512x128xi32>
    %slice3A_972 = vector.extract_strided_slice %select_n3A_928 {offsets = [0, 896], sizes = [512, 128], strides = [1, 1]} : vector<512x2048xf32> to vector<512x128xf32>
    %gt3A_973 = arith.cmpf ogt, %slice3A_972, %max3A_967 : vector<512x128xf32>
    %max3A_974 = arith.maximumf %max3A_967, %slice3A_972 : vector<512x128xf32>
    %add3A_975 = arith.constant 896 : i32
    %add3A_976 = vector.broadcast %add3A_975 : i32 to vector<512x128xi32>
    %add3A_977 = arith.addi %iota3A_29, %add3A_976 : vector<512x128xi32>
    %select_n3A_978 = arith.select %gt3A_973, %add3A_977, %select_n3A_971 : vector<512x128xi1>, vector<512x128xi32>
    %slice3A_979 = vector.extract_strided_slice %select_n3A_928 {offsets = [0, 1024], sizes = [512, 128], strides = [1, 1]} : vector<512x2048xf32> to vector<512x128xf32>
    %gt3A_980 = arith.cmpf ogt, %slice3A_979, %max3A_974 : vector<512x128xf32>
    %max3A_981 = arith.maximumf %max3A_974, %slice3A_979 : vector<512x128xf32>
    %add3A_982 = arith.constant 1024 : i32
    %add3A_983 = vector.broadcast %add3A_982 : i32 to vector<512x128xi32>
    %add3A_984 = arith.addi %iota3A_29, %add3A_983 : vector<512x128xi32>
    %select_n3A_985 = arith.select %gt3A_980, %add3A_984, %select_n3A_978 : vector<512x128xi1>, vector<512x128xi32>
    %slice3A_986 = vector.extract_strided_slice %select_n3A_928 {offsets = [0, 1152], sizes = [512, 128], strides = [1, 1]} : vector<512x2048xf32> to vector<512x128xf32>
    %gt3A_987 = arith.cmpf ogt, %slice3A_986, %max3A_981 : vector<512x128xf32>
    %max3A_988 = arith.maximumf %max3A_981, %slice3A_986 : vector<512x128xf32>
    %add3A_989 = arith.constant 1152 : i32
    %add3A_990 = vector.broadcast %add3A_989 : i32 to vector<512x128xi32>
    %add3A_991 = arith.addi %iota3A_29, %add3A_990 : vector<512x128xi32>
    %select_n3A_992 = arith.select %gt3A_987, %add3A_991, %select_n3A_985 : vector<512x128xi1>, vector<512x128xi32>
    %slice3A_993 = vector.extract_strided_slice %select_n3A_928 {offsets = [0, 1280], sizes = [512, 128], strides = [1, 1]} : vector<512x2048xf32> to vector<512x128xf32>
    %gt3A_994 = arith.cmpf ogt, %slice3A_993, %max3A_988 : vector<512x128xf32>
    %max3A_995 = arith.maximumf %max3A_988, %slice3A_993 : vector<512x128xf32>
    %add3A_996 = arith.constant 1280 : i32
    %add3A_997 = vector.broadcast %add3A_996 : i32 to vector<512x128xi32>
    %add3A_998 = arith.addi %iota3A_29, %add3A_997 : vector<512x128xi32>
    %select_n3A_999 = arith.select %gt3A_994, %add3A_998, %select_n3A_992 : vector<512x128xi1>, vector<512x128xi32>
    %slice3A_1000 = vector.extract_strided_slice %select_n3A_928 {offsets = [0, 1408], sizes = [512, 128], strides = [1, 1]} : vector<512x2048xf32> to vector<512x128xf32>
    %gt3A_1001 = arith.cmpf ogt, %slice3A_1000, %max3A_995 : vector<512x128xf32>
    %max3A_1002 = arith.maximumf %max3A_995, %slice3A_1000 : vector<512x128xf32>
    %add3A_1003 = arith.constant 1408 : i32
    %add3A_1004 = vector.broadcast %add3A_1003 : i32 to vector<512x128xi32>
    %add3A_1005 = arith.addi %iota3A_29, %add3A_1004 : vector<512x128xi32>
    %select_n3A_1006 = arith.select %gt3A_1001, %add3A_1005, %select_n3A_999 : vector<512x128xi1>, vector<512x128xi32>
    %slice3A_1007 = vector.extract_strided_slice %select_n3A_928 {offsets = [0, 1536], sizes = [512, 128], strides = [1, 1]} : vector<512x2048xf32> to vector<512x128xf32>
    %gt3A_1008 = arith.cmpf ogt, %slice3A_1007, %max3A_1002 : vector<512x128xf32>
    %max3A_1009 = arith.maximumf %max3A_1002, %slice3A_1007 : vector<512x128xf32>
    %add3A_1010 = arith.constant 1536 : i32
    %add3A_1011 = vector.broadcast %add3A_1010 : i32 to vector<512x128xi32>
    %add3A_1012 = arith.addi %iota3A_29, %add3A_1011 : vector<512x128xi32>
    %select_n3A_1013 = arith.select %gt3A_1008, %add3A_1012, %select_n3A_1006 : vector<512x128xi1>, vector<512x128xi32>
    %slice3A_1014 = vector.extract_strided_slice %select_n3A_928 {offsets = [0, 1664], sizes = [512, 128], strides = [1, 1]} : vector<512x2048xf32> to vector<512x128xf32>
    %gt3A_1015 = arith.cmpf ogt, %slice3A_1014, %max3A_1009 : vector<512x128xf32>
    %max3A_1016 = arith.maximumf %max3A_1009, %slice3A_1014 : vector<512x128xf32>
    %add3A_1017 = arith.constant 1664 : i32
    %add3A_1018 = vector.broadcast %add3A_1017 : i32 to vector<512x128xi32>
    %add3A_1019 = arith.addi %iota3A_29, %add3A_1018 : vector<512x128xi32>
    %select_n3A_1020 = arith.select %gt3A_1015, %add3A_1019, %select_n3A_1013 : vector<512x128xi1>, vector<512x128xi32>
    %slice3A_1021 = vector.extract_strided_slice %select_n3A_928 {offsets = [0, 1792], sizes = [512, 128], strides = [1, 1]} : vector<512x2048xf32> to vector<512x128xf32>
    %gt3A_1022 = arith.cmpf ogt, %slice3A_1021, %max3A_1016 : vector<512x128xf32>
    %max3A_1023 = arith.maximumf %max3A_1016, %slice3A_1021 : vector<512x128xf32>
    %add3A_1024 = arith.constant 1792 : i32
    %add3A_1025 = vector.broadcast %add3A_1024 : i32 to vector<512x128xi32>
    %add3A_1026 = arith.addi %iota3A_29, %add3A_1025 : vector<512x128xi32>
    %select_n3A_1027 = arith.select %gt3A_1022, %add3A_1026, %select_n3A_1020 : vector<512x128xi1>, vector<512x128xi32>
    %slice3A_1028 = vector.extract_strided_slice %select_n3A_928 {offsets = [0, 1920], sizes = [512, 128], strides = [1, 1]} : vector<512x2048xf32> to vector<512x128xf32>
    %gt3A_1029 = arith.cmpf ogt, %slice3A_1028, %max3A_1023 : vector<512x128xf32>
    %max3A_1030 = arith.maximumf %max3A_1023, %slice3A_1028 : vector<512x128xf32>
    %add3A_1031 = arith.constant 1920 : i32
    %add3A_1032 = vector.broadcast %add3A_1031 : i32 to vector<512x128xi32>
    %add3A_1033 = arith.addi %iota3A_29, %add3A_1032 : vector<512x128xi32>
    %select_n3A_1034 = arith.select %gt3A_1029, %add3A_1033, %select_n3A_1027 : vector<512x128xi1>, vector<512x128xi32>
    %reduce_max3A_1035 = arith.constant dense<0xFF800000> : vector<512xf32>
    %reduce_max3A_1036 = vector.multi_reduction <maximumf>, %max3A_1030, %reduce_max3A_1035 [1] : vector<512x128xf32> to vector<512xf32>
    %broadcast_in_dim3A_1037 = vector.shape_cast %reduce_max3A_1036 : vector<512xf32> to vector<512x1xf32>
    %eq3A_1038 = vector.broadcast %broadcast_in_dim3A_1037 : vector<512x1xf32> to vector<512x128xf32>
    %eq3A_1039 = arith.cmpf oeq, %max3A_1030, %eq3A_1038 : vector<512x128xf32>
    %jit3A_1040 = arith.constant 2048 : i32
    %broadcast_in_dim3A_1041 = vector.broadcast %jit3A_1040 : i32 to vector<512x128xi32>
    %select_n3A_1042 = arith.select %eq3A_1039, %select_n3A_1034, %broadcast_in_dim3A_1041 : vector<512x128xi1>, vector<512x128xi32>
    %reduce_min3A_1043 = arith.constant dense<2147483647> : vector<512xi32>
    %reduce_min3A_1044 = vector.multi_reduction <minsi>, %select_n3A_1042, %reduce_min3A_1043 [1] : vector<512x128xi32> to vector<512xi32>
    %broadcast_in_dim3A_1045 = vector.shape_cast %reduce_min3A_1044 : vector<512xi32> to vector<512x1xi32>
    %eq3A_1046 = arith.constant 8 : i32
    %eq3A_1047 = vector.broadcast %eq3A_1046 : i32 to vector<512x128xi32>
    %eq3A_1048 = arith.cmpi eq, %iota3A_29, %eq3A_1047 : vector<512x128xi32>
    %broadcast_in_dim3A_1049 = vector.shape_cast %broadcast_in_dim3A_1045 : vector<512x1xi32> to vector<512x1xi32>
    %broadcast_in_dim3A_1050 = vector.broadcast %broadcast_in_dim3A_1049 : vector<512x1xi32> to vector<512x128xi32>
    %select_n3A_1051 = arith.select %eq3A_1048, %broadcast_in_dim3A_1050, %select_n3A_923 : vector<512x128xi1>, vector<512x128xi32>
    %eq3A_1052 = vector.broadcast %broadcast_in_dim3A_1045 : vector<512x1xi32> to vector<512x2048xi32>
    %eq3A_1053 = arith.cmpi eq, %iota3A, %eq3A_1052 : vector<512x2048xi32>
    %jit3A_1054 = arith.constant -1.000000e+30 : f32
    %broadcast_in_dim3A_1055 = vector.broadcast %jit3A_1054 : f32 to vector<512x2048xf32>
    %select_n3A_1056 = arith.select %eq3A_1053, %broadcast_in_dim3A_1055, %select_n3A_928 : vector<512x2048xi1>, vector<512x2048xf32>
    %slice3A_1057 = vector.extract_strided_slice %select_n3A_1056 {offsets = [0, 0], sizes = [512, 128], strides = [1, 1]} : vector<512x2048xf32> to vector<512x128xf32>
    %slice3A_1058 = vector.extract_strided_slice %select_n3A_1056 {offsets = [0, 128], sizes = [512, 128], strides = [1, 1]} : vector<512x2048xf32> to vector<512x128xf32>
    %gt3A_1059 = arith.cmpf ogt, %slice3A_1058, %slice3A_1057 : vector<512x128xf32>
    %max3A_1060 = arith.maximumf %slice3A_1057, %slice3A_1058 : vector<512x128xf32>
    %add3A_1061 = arith.constant 128 : i32
    %add3A_1062 = vector.broadcast %add3A_1061 : i32 to vector<512x128xi32>
    %add3A_1063 = arith.addi %iota3A_29, %add3A_1062 : vector<512x128xi32>
    %select_n3A_1064 = arith.select %gt3A_1059, %add3A_1063, %iota3A_29 : vector<512x128xi1>, vector<512x128xi32>
    %slice3A_1065 = vector.extract_strided_slice %select_n3A_1056 {offsets = [0, 256], sizes = [512, 128], strides = [1, 1]} : vector<512x2048xf32> to vector<512x128xf32>
    %gt3A_1066 = arith.cmpf ogt, %slice3A_1065, %max3A_1060 : vector<512x128xf32>
    %max3A_1067 = arith.maximumf %max3A_1060, %slice3A_1065 : vector<512x128xf32>
    %add3A_1068 = arith.constant 256 : i32
    %add3A_1069 = vector.broadcast %add3A_1068 : i32 to vector<512x128xi32>
    %add3A_1070 = arith.addi %iota3A_29, %add3A_1069 : vector<512x128xi32>
    %select_n3A_1071 = arith.select %gt3A_1066, %add3A_1070, %select_n3A_1064 : vector<512x128xi1>, vector<512x128xi32>
    %slice3A_1072 = vector.extract_strided_slice %select_n3A_1056 {offsets = [0, 384], sizes = [512, 128], strides = [1, 1]} : vector<512x2048xf32> to vector<512x128xf32>
    %gt3A_1073 = arith.cmpf ogt, %slice3A_1072, %max3A_1067 : vector<512x128xf32>
    %max3A_1074 = arith.maximumf %max3A_1067, %slice3A_1072 : vector<512x128xf32>
    %add3A_1075 = arith.constant 384 : i32
    %add3A_1076 = vector.broadcast %add3A_1075 : i32 to vector<512x128xi32>
    %add3A_1077 = arith.addi %iota3A_29, %add3A_1076 : vector<512x128xi32>
    %select_n3A_1078 = arith.select %gt3A_1073, %add3A_1077, %select_n3A_1071 : vector<512x128xi1>, vector<512x128xi32>
    %slice3A_1079 = vector.extract_strided_slice %select_n3A_1056 {offsets = [0, 512], sizes = [512, 128], strides = [1, 1]} : vector<512x2048xf32> to vector<512x128xf32>
    %gt3A_1080 = arith.cmpf ogt, %slice3A_1079, %max3A_1074 : vector<512x128xf32>
    %max3A_1081 = arith.maximumf %max3A_1074, %slice3A_1079 : vector<512x128xf32>
    %add3A_1082 = arith.constant 512 : i32
    %add3A_1083 = vector.broadcast %add3A_1082 : i32 to vector<512x128xi32>
    %add3A_1084 = arith.addi %iota3A_29, %add3A_1083 : vector<512x128xi32>
    %select_n3A_1085 = arith.select %gt3A_1080, %add3A_1084, %select_n3A_1078 : vector<512x128xi1>, vector<512x128xi32>
    %slice3A_1086 = vector.extract_strided_slice %select_n3A_1056 {offsets = [0, 640], sizes = [512, 128], strides = [1, 1]} : vector<512x2048xf32> to vector<512x128xf32>
    %gt3A_1087 = arith.cmpf ogt, %slice3A_1086, %max3A_1081 : vector<512x128xf32>
    %max3A_1088 = arith.maximumf %max3A_1081, %slice3A_1086 : vector<512x128xf32>
    %add3A_1089 = arith.constant 640 : i32
    %add3A_1090 = vector.broadcast %add3A_1089 : i32 to vector<512x128xi32>
    %add3A_1091 = arith.addi %iota3A_29, %add3A_1090 : vector<512x128xi32>
    %select_n3A_1092 = arith.select %gt3A_1087, %add3A_1091, %select_n3A_1085 : vector<512x128xi1>, vector<512x128xi32>
    %slice3A_1093 = vector.extract_strided_slice %select_n3A_1056 {offsets = [0, 768], sizes = [512, 128], strides = [1, 1]} : vector<512x2048xf32> to vector<512x128xf32>
    %gt3A_1094 = arith.cmpf ogt, %slice3A_1093, %max3A_1088 : vector<512x128xf32>
    %max3A_1095 = arith.maximumf %max3A_1088, %slice3A_1093 : vector<512x128xf32>
    %add3A_1096 = arith.constant 768 : i32
    %add3A_1097 = vector.broadcast %add3A_1096 : i32 to vector<512x128xi32>
    %add3A_1098 = arith.addi %iota3A_29, %add3A_1097 : vector<512x128xi32>
    %select_n3A_1099 = arith.select %gt3A_1094, %add3A_1098, %select_n3A_1092 : vector<512x128xi1>, vector<512x128xi32>
    %slice3A_1100 = vector.extract_strided_slice %select_n3A_1056 {offsets = [0, 896], sizes = [512, 128], strides = [1, 1]} : vector<512x2048xf32> to vector<512x128xf32>
    %gt3A_1101 = arith.cmpf ogt, %slice3A_1100, %max3A_1095 : vector<512x128xf32>
    %max3A_1102 = arith.maximumf %max3A_1095, %slice3A_1100 : vector<512x128xf32>
    %add3A_1103 = arith.constant 896 : i32
    %add3A_1104 = vector.broadcast %add3A_1103 : i32 to vector<512x128xi32>
    %add3A_1105 = arith.addi %iota3A_29, %add3A_1104 : vector<512x128xi32>
    %select_n3A_1106 = arith.select %gt3A_1101, %add3A_1105, %select_n3A_1099 : vector<512x128xi1>, vector<512x128xi32>
    %slice3A_1107 = vector.extract_strided_slice %select_n3A_1056 {offsets = [0, 1024], sizes = [512, 128], strides = [1, 1]} : vector<512x2048xf32> to vector<512x128xf32>
    %gt3A_1108 = arith.cmpf ogt, %slice3A_1107, %max3A_1102 : vector<512x128xf32>
    %max3A_1109 = arith.maximumf %max3A_1102, %slice3A_1107 : vector<512x128xf32>
    %add3A_1110 = arith.constant 1024 : i32
    %add3A_1111 = vector.broadcast %add3A_1110 : i32 to vector<512x128xi32>
    %add3A_1112 = arith.addi %iota3A_29, %add3A_1111 : vector<512x128xi32>
    %select_n3A_1113 = arith.select %gt3A_1108, %add3A_1112, %select_n3A_1106 : vector<512x128xi1>, vector<512x128xi32>
    %slice3A_1114 = vector.extract_strided_slice %select_n3A_1056 {offsets = [0, 1152], sizes = [512, 128], strides = [1, 1]} : vector<512x2048xf32> to vector<512x128xf32>
    %gt3A_1115 = arith.cmpf ogt, %slice3A_1114, %max3A_1109 : vector<512x128xf32>
    %max3A_1116 = arith.maximumf %max3A_1109, %slice3A_1114 : vector<512x128xf32>
    %add3A_1117 = arith.constant 1152 : i32
    %add3A_1118 = vector.broadcast %add3A_1117 : i32 to vector<512x128xi32>
    %add3A_1119 = arith.addi %iota3A_29, %add3A_1118 : vector<512x128xi32>
    %select_n3A_1120 = arith.select %gt3A_1115, %add3A_1119, %select_n3A_1113 : vector<512x128xi1>, vector<512x128xi32>
    %slice3A_1121 = vector.extract_strided_slice %select_n3A_1056 {offsets = [0, 1280], sizes = [512, 128], strides = [1, 1]} : vector<512x2048xf32> to vector<512x128xf32>
    %gt3A_1122 = arith.cmpf ogt, %slice3A_1121, %max3A_1116 : vector<512x128xf32>
    %max3A_1123 = arith.maximumf %max3A_1116, %slice3A_1121 : vector<512x128xf32>
    %add3A_1124 = arith.constant 1280 : i32
    %add3A_1125 = vector.broadcast %add3A_1124 : i32 to vector<512x128xi32>
    %add3A_1126 = arith.addi %iota3A_29, %add3A_1125 : vector<512x128xi32>
    %select_n3A_1127 = arith.select %gt3A_1122, %add3A_1126, %select_n3A_1120 : vector<512x128xi1>, vector<512x128xi32>
    %slice3A_1128 = vector.extract_strided_slice %select_n3A_1056 {offsets = [0, 1408], sizes = [512, 128], strides = [1, 1]} : vector<512x2048xf32> to vector<512x128xf32>
    %gt3A_1129 = arith.cmpf ogt, %slice3A_1128, %max3A_1123 : vector<512x128xf32>
    %max3A_1130 = arith.maximumf %max3A_1123, %slice3A_1128 : vector<512x128xf32>
    %add3A_1131 = arith.constant 1408 : i32
    %add3A_1132 = vector.broadcast %add3A_1131 : i32 to vector<512x128xi32>
    %add3A_1133 = arith.addi %iota3A_29, %add3A_1132 : vector<512x128xi32>
    %select_n3A_1134 = arith.select %gt3A_1129, %add3A_1133, %select_n3A_1127 : vector<512x128xi1>, vector<512x128xi32>
    %slice3A_1135 = vector.extract_strided_slice %select_n3A_1056 {offsets = [0, 1536], sizes = [512, 128], strides = [1, 1]} : vector<512x2048xf32> to vector<512x128xf32>
    %gt3A_1136 = arith.cmpf ogt, %slice3A_1135, %max3A_1130 : vector<512x128xf32>
    %max3A_1137 = arith.maximumf %max3A_1130, %slice3A_1135 : vector<512x128xf32>
    %add3A_1138 = arith.constant 1536 : i32
    %add3A_1139 = vector.broadcast %add3A_1138 : i32 to vector<512x128xi32>
    %add3A_1140 = arith.addi %iota3A_29, %add3A_1139 : vector<512x128xi32>
    %select_n3A_1141 = arith.select %gt3A_1136, %add3A_1140, %select_n3A_1134 : vector<512x128xi1>, vector<512x128xi32>
    %slice3A_1142 = vector.extract_strided_slice %select_n3A_1056 {offsets = [0, 1664], sizes = [512, 128], strides = [1, 1]} : vector<512x2048xf32> to vector<512x128xf32>
    %gt3A_1143 = arith.cmpf ogt, %slice3A_1142, %max3A_1137 : vector<512x128xf32>
    %max3A_1144 = arith.maximumf %max3A_1137, %slice3A_1142 : vector<512x128xf32>
    %add3A_1145 = arith.constant 1664 : i32
    %add3A_1146 = vector.broadcast %add3A_1145 : i32 to vector<512x128xi32>
    %add3A_1147 = arith.addi %iota3A_29, %add3A_1146 : vector<512x128xi32>
    %select_n3A_1148 = arith.select %gt3A_1143, %add3A_1147, %select_n3A_1141 : vector<512x128xi1>, vector<512x128xi32>
    %slice3A_1149 = vector.extract_strided_slice %select_n3A_1056 {offsets = [0, 1792], sizes = [512, 128], strides = [1, 1]} : vector<512x2048xf32> to vector<512x128xf32>
    %gt3A_1150 = arith.cmpf ogt, %slice3A_1149, %max3A_1144 : vector<512x128xf32>
    %max3A_1151 = arith.maximumf %max3A_1144, %slice3A_1149 : vector<512x128xf32>
    %add3A_1152 = arith.constant 1792 : i32
    %add3A_1153 = vector.broadcast %add3A_1152 : i32 to vector<512x128xi32>
    %add3A_1154 = arith.addi %iota3A_29, %add3A_1153 : vector<512x128xi32>
    %select_n3A_1155 = arith.select %gt3A_1150, %add3A_1154, %select_n3A_1148 : vector<512x128xi1>, vector<512x128xi32>
    %slice3A_1156 = vector.extract_strided_slice %select_n3A_1056 {offsets = [0, 1920], sizes = [512, 128], strides = [1, 1]} : vector<512x2048xf32> to vector<512x128xf32>
    %gt3A_1157 = arith.cmpf ogt, %slice3A_1156, %max3A_1151 : vector<512x128xf32>
    %max3A_1158 = arith.maximumf %max3A_1151, %slice3A_1156 : vector<512x128xf32>
    %add3A_1159 = arith.constant 1920 : i32
    %add3A_1160 = vector.broadcast %add3A_1159 : i32 to vector<512x128xi32>
    %add3A_1161 = arith.addi %iota3A_29, %add3A_1160 : vector<512x128xi32>
    %select_n3A_1162 = arith.select %gt3A_1157, %add3A_1161, %select_n3A_1155 : vector<512x128xi1>, vector<512x128xi32>
    %reduce_max3A_1163 = arith.constant dense<0xFF800000> : vector<512xf32>
    %reduce_max3A_1164 = vector.multi_reduction <maximumf>, %max3A_1158, %reduce_max3A_1163 [1] : vector<512x128xf32> to vector<512xf32>
    %broadcast_in_dim3A_1165 = vector.shape_cast %reduce_max3A_1164 : vector<512xf32> to vector<512x1xf32>
    %eq3A_1166 = vector.broadcast %broadcast_in_dim3A_1165 : vector<512x1xf32> to vector<512x128xf32>
    %eq3A_1167 = arith.cmpf oeq, %max3A_1158, %eq3A_1166 : vector<512x128xf32>
    %jit3A_1168 = arith.constant 2048 : i32
    %broadcast_in_dim3A_1169 = vector.broadcast %jit3A_1168 : i32 to vector<512x128xi32>
    %select_n3A_1170 = arith.select %eq3A_1167, %select_n3A_1162, %broadcast_in_dim3A_1169 : vector<512x128xi1>, vector<512x128xi32>
    %reduce_min3A_1171 = arith.constant dense<2147483647> : vector<512xi32>
    %reduce_min3A_1172 = vector.multi_reduction <minsi>, %select_n3A_1170, %reduce_min3A_1171 [1] : vector<512x128xi32> to vector<512xi32>
    %broadcast_in_dim3A_1173 = vector.shape_cast %reduce_min3A_1172 : vector<512xi32> to vector<512x1xi32>
    %eq3A_1174 = arith.constant 9 : i32
    %eq3A_1175 = vector.broadcast %eq3A_1174 : i32 to vector<512x128xi32>
    %eq3A_1176 = arith.cmpi eq, %iota3A_29, %eq3A_1175 : vector<512x128xi32>
    %broadcast_in_dim3A_1177 = vector.shape_cast %broadcast_in_dim3A_1173 : vector<512x1xi32> to vector<512x1xi32>
    %broadcast_in_dim3A_1178 = vector.broadcast %broadcast_in_dim3A_1177 : vector<512x1xi32> to vector<512x128xi32>
    %select_n3A_1179 = arith.select %eq3A_1176, %broadcast_in_dim3A_1178, %select_n3A_1051 : vector<512x128xi1>, vector<512x128xi32>
    %slice3A_1180 = vector.extract_strided_slice %select_n3A_1179 {offsets = [0, 0], sizes = [512, 16], strides = [1, 1]} : vector<512x128xi32> to vector<512x16xi32>
    %transpose3A = tpu.transpose %slice3A_1180, [1, 0] : vector<512x16xi32> -> vector<16x512xi32>
    %slice3A_1181 = vector.extract_strided_slice %transpose3A {offsets = [0, 0], sizes = [10, 512], strides = [1, 1]} : vector<16x512xi32> to vector<10x512xi32>
    %mul3A_1182 = arith.constant 2048 : i32
    %mul3A_1183 = arith.muli %arg0, %mul3A_1182 : i32
    %add3A_1184 = vector.broadcast %mul3A_1183 : i32 to vector<10x512xi32>
    %add3A_1185 = arith.addi %slice3A_1181, %add3A_1184 : vector<10x512xi32>
    %swap3A = arith.constant 0 : index
    %swap3A_1186 = arith.constant 0 : index
    %swap3A_1187 = vector.load %arg4[%swap3A, %swap3A_1186] : memref<10x512xi32, #tpu.memory_space<vmem>>, vector<10x512xi32>
    tpu.vector_store %arg4[%swap3A, %swap3A_1186], %add3A_1185 {strides = array<i32>} : memref<10x512xi32, #tpu.memory_space<vmem>>, vector<10x512xi32>,
    return
  }
  func.func @transform_0(%arg0: i32, %arg1: i32) -> (i32, i32, i32) {
    %c0_i32 = arith.constant 0 : i32
    %c0_i32_0 = arith.constant 0 : i32
    return %arg0, %arg1, %c0_i32 : i32, i32, i32
  }
  func.func @transform_1(%arg0: i32, %arg1: i32) -> (i32, i32, i32) {
    %c0_i32 = arith.constant 0 : i32
    %c0_i32_0 = arith.constant 0 : i32
    %c0_i32_1 = arith.constant 0 : i32
    return %arg0, %c0_i32, %c0_i32_0 : i32, i32, i32
  }
  func.func @transform_2(%arg0: i32, %arg1: i32) -> (i32, i32) {
    %mul3A = arith.constant 4 : i32
    %mul3A_0 = arith.muli %arg0, %mul3A : i32
    %add3A = arith.addi %mul3A_0, %arg1 : i32
    %c0_i32 = arith.constant 0 : i32
    %c0_i32_1 = arith.constant 0 : i32
    return %c0_i32, %add3A : i32, i32
  }
}

module attributes {stable_mosaic.version = 14 : i64} {
  func.func @_conv_max_body(%arg0: i32, %arg1: memref<512x16xf32, #tpu.memory_space<vmem>>, %arg2: memref<10x512x16xf32, #tpu.memory_space<vmem>>, %arg3: memref<64x32xf32, #tpu.memory_space<vmem>>, %arg4: memref<512x64xf32, #tpu.memory_space<vmem>>) attributes {dimension_semantics = [#tpu.dimension_semantics<arbitrary>], iteration_bounds = array<i64: 64>, scalar_prefetch = 0 : i64, scratch_operands = 0 : i64, tpu.core_type = #tpu.core_type<tc>, window_params = [{transform_indices = @transform_0, window_bounds = array<i64: 512, 16>}, {transform_indices = @transform_1, window_bounds = array<i64: 10, 512, 16>}, {pipeline_mode = #tpu.pipeline_mode<synchronous>, transform_indices = @transform_2, window_bounds = array<i64: 64, 32>}, {transform_indices = @transform_3, window_bounds = array<i64: 512, 64>}]} {
    %get3A = arith.constant 0 : index
    %get3A_0 = arith.constant 0 : index
    %get3A_1 = vector.load %arg1[%get3A, %get3A_0] : memref<512x16xf32, #tpu.memory_space<vmem>>, vector<512x16xf32>
    %get3A_2 = arith.constant 0 : index
    %get3A_3 = arith.constant 0 : index
    %get3A_4 = vector.load %arg3[%get3A_2, %get3A_3] : memref<64x32xf32, #tpu.memory_space<vmem>>, vector<64x32xf32>
    %get3A_5 = arith.constant 0 : index
    %get3A_6 = arith.constant 0 : index
    %get3A_7 = arith.constant 0 : index
    %get3A_8 = vector.load %arg2[%get3A_5, %get3A_6, %get3A_7] : memref<10x512x16xf32, #tpu.memory_space<vmem>>, vector<1x512x16xf32>
    %get3A_9 = vector.shape_cast %get3A_8 : vector<1x512x16xf32> to vector<512x16xf32>
    %sub3A = arith.subf %get3A_9, %get3A_1 : vector<512x16xf32>
    %concatenate3A = tpu.concatenate %sub3A, %get3A_1 in 1 : vector<512x16xf32>, vector<512x16xf32> -> vector<512x32xf32>
    %dot_general3A = arith.constant dense<0.000000e+00> : vector<512x64xf32>
    %dot_general3A_10 = tpu.matmul %concatenate3A, %get3A_4, %dot_general3A {dimension_numbers = #tpu.dot_dimension_numbers<[1], [1], [0], [0], [0, 0, 1, 0], [], []>, transpose_lhs_hint = false} : vector<512x32xf32>, vector<64x32xf32>, vector<512x64xf32> -> vector<512x64xf32>
    %get3A_11 = arith.constant 1 : index
    %get3A_12 = arith.constant 0 : index
    %get3A_13 = arith.constant 0 : index
    %get3A_14 = vector.load %arg2[%get3A_11, %get3A_12, %get3A_13] : memref<10x512x16xf32, #tpu.memory_space<vmem>>, vector<1x512x16xf32>
    %get3A_15 = vector.shape_cast %get3A_14 : vector<1x512x16xf32> to vector<512x16xf32>
    %sub3A_16 = arith.subf %get3A_15, %get3A_1 : vector<512x16xf32>
    %concatenate3A_17 = tpu.concatenate %sub3A_16, %get3A_1 in 1 : vector<512x16xf32>, vector<512x16xf32> -> vector<512x32xf32>
    %dot_general3A_18 = arith.constant dense<0.000000e+00> : vector<512x64xf32>
    %dot_general3A_19 = tpu.matmul %concatenate3A_17, %get3A_4, %dot_general3A_18 {dimension_numbers = #tpu.dot_dimension_numbers<[1], [1], [0], [0], [0, 0, 1, 0], [], []>, transpose_lhs_hint = false} : vector<512x32xf32>, vector<64x32xf32>, vector<512x64xf32> -> vector<512x64xf32>
    %max3A = arith.maximumf %dot_general3A_10, %dot_general3A_19 : vector<512x64xf32>
    %get3A_20 = arith.constant 2 : index
    %get3A_21 = arith.constant 0 : index
    %get3A_22 = arith.constant 0 : index
    %get3A_23 = vector.load %arg2[%get3A_20, %get3A_21, %get3A_22] : memref<10x512x16xf32, #tpu.memory_space<vmem>>, vector<1x512x16xf32>
    %get3A_24 = vector.shape_cast %get3A_23 : vector<1x512x16xf32> to vector<512x16xf32>
    %sub3A_25 = arith.subf %get3A_24, %get3A_1 : vector<512x16xf32>
    %concatenate3A_26 = tpu.concatenate %sub3A_25, %get3A_1 in 1 : vector<512x16xf32>, vector<512x16xf32> -> vector<512x32xf32>
    %dot_general3A_27 = arith.constant dense<0.000000e+00> : vector<512x64xf32>
    %dot_general3A_28 = tpu.matmul %concatenate3A_26, %get3A_4, %dot_general3A_27 {dimension_numbers = #tpu.dot_dimension_numbers<[1], [1], [0], [0], [0, 0, 1, 0], [], []>, transpose_lhs_hint = false} : vector<512x32xf32>, vector<64x32xf32>, vector<512x64xf32> -> vector<512x64xf32>
    %max3A_29 = arith.maximumf %max3A, %dot_general3A_28 : vector<512x64xf32>
    %get3A_30 = arith.constant 3 : index
    %get3A_31 = arith.constant 0 : index
    %get3A_32 = arith.constant 0 : index
    %get3A_33 = vector.load %arg2[%get3A_30, %get3A_31, %get3A_32] : memref<10x512x16xf32, #tpu.memory_space<vmem>>, vector<1x512x16xf32>
    %get3A_34 = vector.shape_cast %get3A_33 : vector<1x512x16xf32> to vector<512x16xf32>
    %sub3A_35 = arith.subf %get3A_34, %get3A_1 : vector<512x16xf32>
    %concatenate3A_36 = tpu.concatenate %sub3A_35, %get3A_1 in 1 : vector<512x16xf32>, vector<512x16xf32> -> vector<512x32xf32>
    %dot_general3A_37 = arith.constant dense<0.000000e+00> : vector<512x64xf32>
    %dot_general3A_38 = tpu.matmul %concatenate3A_36, %get3A_4, %dot_general3A_37 {dimension_numbers = #tpu.dot_dimension_numbers<[1], [1], [0], [0], [0, 0, 1, 0], [], []>, transpose_lhs_hint = false} : vector<512x32xf32>, vector<64x32xf32>, vector<512x64xf32> -> vector<512x64xf32>
    %max3A_39 = arith.maximumf %max3A_29, %dot_general3A_38 : vector<512x64xf32>
    %get3A_40 = arith.constant 4 : index
    %get3A_41 = arith.constant 0 : index
    %get3A_42 = arith.constant 0 : index
    %get3A_43 = vector.load %arg2[%get3A_40, %get3A_41, %get3A_42] : memref<10x512x16xf32, #tpu.memory_space<vmem>>, vector<1x512x16xf32>
    %get3A_44 = vector.shape_cast %get3A_43 : vector<1x512x16xf32> to vector<512x16xf32>
    %sub3A_45 = arith.subf %get3A_44, %get3A_1 : vector<512x16xf32>
    %concatenate3A_46 = tpu.concatenate %sub3A_45, %get3A_1 in 1 : vector<512x16xf32>, vector<512x16xf32> -> vector<512x32xf32>
    %dot_general3A_47 = arith.constant dense<0.000000e+00> : vector<512x64xf32>
    %dot_general3A_48 = tpu.matmul %concatenate3A_46, %get3A_4, %dot_general3A_47 {dimension_numbers = #tpu.dot_dimension_numbers<[1], [1], [0], [0], [0, 0, 1, 0], [], []>, transpose_lhs_hint = false} : vector<512x32xf32>, vector<64x32xf32>, vector<512x64xf32> -> vector<512x64xf32>
    %max3A_49 = arith.maximumf %max3A_39, %dot_general3A_48 : vector<512x64xf32>
    %get3A_50 = arith.constant 5 : index
    %get3A_51 = arith.constant 0 : index
    %get3A_52 = arith.constant 0 : index
    %get3A_53 = vector.load %arg2[%get3A_50, %get3A_51, %get3A_52] : memref<10x512x16xf32, #tpu.memory_space<vmem>>, vector<1x512x16xf32>
    %get3A_54 = vector.shape_cast %get3A_53 : vector<1x512x16xf32> to vector<512x16xf32>
    %sub3A_55 = arith.subf %get3A_54, %get3A_1 : vector<512x16xf32>
    %concatenate3A_56 = tpu.concatenate %sub3A_55, %get3A_1 in 1 : vector<512x16xf32>, vector<512x16xf32> -> vector<512x32xf32>
    %dot_general3A_57 = arith.constant dense<0.000000e+00> : vector<512x64xf32>
    %dot_general3A_58 = tpu.matmul %concatenate3A_56, %get3A_4, %dot_general3A_57 {dimension_numbers = #tpu.dot_dimension_numbers<[1], [1], [0], [0], [0, 0, 1, 0], [], []>, transpose_lhs_hint = false} : vector<512x32xf32>, vector<64x32xf32>, vector<512x64xf32> -> vector<512x64xf32>
    %max3A_59 = arith.maximumf %max3A_49, %dot_general3A_58 : vector<512x64xf32>
    %get3A_60 = arith.constant 6 : index
    %get3A_61 = arith.constant 0 : index
    %get3A_62 = arith.constant 0 : index
    %get3A_63 = vector.load %arg2[%get3A_60, %get3A_61, %get3A_62] : memref<10x512x16xf32, #tpu.memory_space<vmem>>, vector<1x512x16xf32>
    %get3A_64 = vector.shape_cast %get3A_63 : vector<1x512x16xf32> to vector<512x16xf32>
    %sub3A_65 = arith.subf %get3A_64, %get3A_1 : vector<512x16xf32>
    %concatenate3A_66 = tpu.concatenate %sub3A_65, %get3A_1 in 1 : vector<512x16xf32>, vector<512x16xf32> -> vector<512x32xf32>
    %dot_general3A_67 = arith.constant dense<0.000000e+00> : vector<512x64xf32>
    %dot_general3A_68 = tpu.matmul %concatenate3A_66, %get3A_4, %dot_general3A_67 {dimension_numbers = #tpu.dot_dimension_numbers<[1], [1], [0], [0], [0, 0, 1, 0], [], []>, transpose_lhs_hint = false} : vector<512x32xf32>, vector<64x32xf32>, vector<512x64xf32> -> vector<512x64xf32>
    %max3A_69 = arith.maximumf %max3A_59, %dot_general3A_68 : vector<512x64xf32>
    %get3A_70 = arith.constant 7 : index
    %get3A_71 = arith.constant 0 : index
    %get3A_72 = arith.constant 0 : index
    %get3A_73 = vector.load %arg2[%get3A_70, %get3A_71, %get3A_72] : memref<10x512x16xf32, #tpu.memory_space<vmem>>, vector<1x512x16xf32>
    %get3A_74 = vector.shape_cast %get3A_73 : vector<1x512x16xf32> to vector<512x16xf32>
    %sub3A_75 = arith.subf %get3A_74, %get3A_1 : vector<512x16xf32>
    %concatenate3A_76 = tpu.concatenate %sub3A_75, %get3A_1 in 1 : vector<512x16xf32>, vector<512x16xf32> -> vector<512x32xf32>
    %dot_general3A_77 = arith.constant dense<0.000000e+00> : vector<512x64xf32>
    %dot_general3A_78 = tpu.matmul %concatenate3A_76, %get3A_4, %dot_general3A_77 {dimension_numbers = #tpu.dot_dimension_numbers<[1], [1], [0], [0], [0, 0, 1, 0], [], []>, transpose_lhs_hint = false} : vector<512x32xf32>, vector<64x32xf32>, vector<512x64xf32> -> vector<512x64xf32>
    %max3A_79 = arith.maximumf %max3A_69, %dot_general3A_78 : vector<512x64xf32>
    %get3A_80 = arith.constant 8 : index
    %get3A_81 = arith.constant 0 : index
    %get3A_82 = arith.constant 0 : index
    %get3A_83 = vector.load %arg2[%get3A_80, %get3A_81, %get3A_82] : memref<10x512x16xf32, #tpu.memory_space<vmem>>, vector<1x512x16xf32>
    %get3A_84 = vector.shape_cast %get3A_83 : vector<1x512x16xf32> to vector<512x16xf32>
    %sub3A_85 = arith.subf %get3A_84, %get3A_1 : vector<512x16xf32>
    %concatenate3A_86 = tpu.concatenate %sub3A_85, %get3A_1 in 1 : vector<512x16xf32>, vector<512x16xf32> -> vector<512x32xf32>
    %dot_general3A_87 = arith.constant dense<0.000000e+00> : vector<512x64xf32>
    %dot_general3A_88 = tpu.matmul %concatenate3A_86, %get3A_4, %dot_general3A_87 {dimension_numbers = #tpu.dot_dimension_numbers<[1], [1], [0], [0], [0, 0, 1, 0], [], []>, transpose_lhs_hint = false} : vector<512x32xf32>, vector<64x32xf32>, vector<512x64xf32> -> vector<512x64xf32>
    %max3A_89 = arith.maximumf %max3A_79, %dot_general3A_88 : vector<512x64xf32>
    %get3A_90 = arith.constant 9 : index
    %get3A_91 = arith.constant 0 : index
    %get3A_92 = arith.constant 0 : index
    %get3A_93 = vector.load %arg2[%get3A_90, %get3A_91, %get3A_92] : memref<10x512x16xf32, #tpu.memory_space<vmem>>, vector<1x512x16xf32>
    %get3A_94 = vector.shape_cast %get3A_93 : vector<1x512x16xf32> to vector<512x16xf32>
    %sub3A_95 = arith.subf %get3A_94, %get3A_1 : vector<512x16xf32>
    %concatenate3A_96 = tpu.concatenate %sub3A_95, %get3A_1 in 1 : vector<512x16xf32>, vector<512x16xf32> -> vector<512x32xf32>
    %dot_general3A_97 = arith.constant dense<0.000000e+00> : vector<512x64xf32>
    %dot_general3A_98 = tpu.matmul %concatenate3A_96, %get3A_4, %dot_general3A_97 {dimension_numbers = #tpu.dot_dimension_numbers<[1], [1], [0], [0], [0, 0, 1, 0], [], []>, transpose_lhs_hint = false} : vector<512x32xf32>, vector<64x32xf32>, vector<512x64xf32> -> vector<512x64xf32>
    %max3A_99 = arith.maximumf %max3A_89, %dot_general3A_98 : vector<512x64xf32>
    %mul3A = arith.constant 2.000000e-01 : f32
    %mul3A_100 = vector.broadcast %mul3A : f32 to vector<512x64xf32>
    %mul3A_101 = arith.mulf %mul3A_100, %max3A_99 : vector<512x64xf32>
    %max3A_102 = arith.maximumf %max3A_99, %mul3A_101 : vector<512x64xf32>
    %swap3A = arith.constant 0 : index
    %swap3A_103 = arith.constant 0 : index
    %swap3A_104 = vector.load %arg4[%swap3A, %swap3A_103] : memref<512x64xf32, #tpu.memory_space<vmem>>, vector<512x64xf32>
    tpu.vector_store %arg4[%swap3A, %swap3A_103], %max3A_102 {strides = array<i32>} : memref<512x64xf32, #tpu.memory_space<vmem>>, vector<512x64xf32>,
    return
  }
  func.func @transform_0(%arg0: i32) -> (i32, i32) {
    %c0_i32 = arith.constant 0 : i32
    %c0_i32_0 = arith.constant 0 : i32
    return %arg0, %c0_i32 : i32, i32
  }
  func.func @transform_1(%arg0: i32) -> (i32, i32, i32) {
    %c0_i32 = arith.constant 0 : i32
    %c0_i32_0 = arith.constant 0 : i32
    %c0_i32_1 = arith.constant 0 : i32
    return %c0_i32, %arg0, %c0_i32_0 : i32, i32, i32
  }
  func.func @transform_2(%arg0: i32) -> (i32, i32) {
    %c0_i32 = arith.constant 0 : i32
    %c0_i32_0 = arith.constant 0 : i32
    %c0_i32_1 = arith.constant 0 : i32
    return %c0_i32, %c0_i32_0 : i32, i32
  }
  func.func @transform_3(%arg0: i32) -> (i32, i32) {
    %c0_i32 = arith.constant 0 : i32
    %c0_i32_0 = arith.constant 0 : i32
    return %arg0, %c0_i32 : i32, i32
  }
}

module attributes {stable_mosaic.version = 14 : i64} {
  func.func @_knn_body(%arg0: i32, %arg1: i32, %arg2: memref<1x512x64xf32, #tpu.memory_space<vmem>>, %arg3: memref<1x2048x64xf32, #tpu.memory_space<vmem>>, %arg4: memref<10x512xi32, #tpu.memory_space<vmem>>, %arg5: memref<1x2048xf32, #tpu.memory_space<vmem>>) attributes {dimension_semantics = [#tpu.dimension_semantics<arbitrary>, #tpu.dimension_semantics<arbitrary>], iteration_bounds = array<i64: 16, 4>, scalar_prefetch = 0 : i64, scratch_operands = 1 : i64, tpu.core_type = #tpu.core_type<tc>, window_params = [{transform_indices = @transform_0, window_bounds = array<i64: 1, 512, 64>}, {transform_indices = @transform_1, window_bounds = array<i64: 1, 2048, 64>}, {transform_indices = @transform_2, window_bounds = array<i64: 10, 512>}]} {
    %get3A = arith.constant 0 : index
    %get3A_0 = arith.constant 0 : index
    %get3A_1 = arith.constant 0 : index
    %get3A_2 = vector.load %arg2[%get3A, %get3A_0, %get3A_1] : memref<1x512x64xf32, #tpu.memory_space<vmem>>, vector<1x512x64xf32>
    %get3A_3 = vector.shape_cast %get3A_2 : vector<1x512x64xf32> to vector<512x64xf32>
    %get3A_4 = arith.constant 0 : index
    %get3A_5 = arith.constant 0 : index
    %get3A_6 = arith.constant 0 : index
    %get3A_7 = vector.load %arg3[%get3A_4, %get3A_5, %get3A_6] : memref<1x2048x64xf32, #tpu.memory_space<vmem>>, vector<1x2048x64xf32>
    %get3A_8 = vector.shape_cast %get3A_7 : vector<1x2048x64xf32> to vector<2048x64xf32>
    %eq3A = arith.constant 0 : i32
    %eq3A_9 = arith.cmpi eq, %arg1, %eq3A : i32
    %convert_element_type3A = arith.extui %eq3A_9 : i1 to i32
    %cond3A = arith.constant 0 : i32
    %cond3A_10 = arith.cmpi ne, %convert_element_type3A, %cond3A : i32
    scf.if %cond3A_10 {
      %mul3A_1188 = arith.mulf %get3A_8, %get3A_8 : vector<2048x64xf32>
      %reduce_sum3A_1189 = arith.constant dense<0.000000e+00> : vector<2048xf32>
      %reduce_sum3A_1190 = vector.multi_reduction <add>, %mul3A_1188, %reduce_sum3A_1189 [1] : vector<2048x64xf32> to vector<2048xf32>
      %broadcast_in_dim3A_1191 = vector.shape_cast %reduce_sum3A_1190 : vector<2048xf32> to vector<2048x1xf32>
      %transpose3A_1192 = tpu.transpose %broadcast_in_dim3A_1191, [1, 0] : vector<2048x1xf32> -> vector<1x2048xf32>
      %swap3A_1193 = arith.constant 0 : index
      %swap3A_1194 = arith.constant 0 : index
      %swap3A_1195 = vector.load %arg5[%swap3A_1193, %swap3A_1194] : memref<1x2048xf32, #tpu.memory_space<vmem>>, vector<1x2048xf32>
      tpu.vector_store %arg5[%swap3A_1193, %swap3A_1194], %transpose3A_1192 {strides = array<i32>} : memref<1x2048xf32, #tpu.memory_space<vmem>>, vector<1x2048xf32>,
    } else {
    }
    %dot_general3A = arith.constant dense<0.000000e+00> : vector<512x2048xf32>
    %dot_general3A_11 = tpu.matmul %get3A_3, %get3A_8, %dot_general3A {dimension_numbers = #tpu.dot_dimension_numbers<[1], [1], [0], [0], [0, 0, 1, 0], [], []>, transpose_lhs_hint = false} : vector<512x64xf32>, vector<2048x64xf32>, vector<512x2048xf32> -> vector<512x2048xf32>
    %mul3A = arith.mulf %get3A_3, %get3A_3 : vector<512x64xf32>
    %reduce_sum3A = arith.constant dense<0.000000e+00> : vector<512xf32>
    %reduce_sum3A_12 = vector.multi_reduction <add>, %mul3A, %reduce_sum3A [1] : vector<512x64xf32> to vector<512xf32>
    %broadcast_in_dim3A = vector.shape_cast %reduce_sum3A_12 : vector<512xf32> to vector<512x1xf32>
    %mul3A_13 = arith.constant 2.000000e+00 : f32
    %mul3A_14 = vector.broadcast %mul3A_13 : f32 to vector<512x2048xf32>
    %mul3A_15 = arith.mulf %mul3A_14, %dot_general3A_11 : vector<512x2048xf32>
    %sub3A = vector.broadcast %broadcast_in_dim3A : vector<512x1xf32> to vector<512x2048xf32>
    %sub3A_16 = arith.subf %mul3A_15, %sub3A : vector<512x2048xf32>
    %get3A_17 = arith.constant 0 : index
    %get3A_18 = arith.constant 0 : index
    %get3A_19 = vector.load %arg5[%get3A_17, %get3A_18] : memref<1x2048xf32, #tpu.memory_space<vmem>>, vector<1x2048xf32>
    %sub3A_20 = vector.broadcast %get3A_19 : vector<1x2048xf32> to vector<512x2048xf32>
    %sub3A_21 = arith.subf %sub3A_16, %sub3A_20 : vector<512x2048xf32>
    %iota3A = tpu.iota {dimensions = array<i32: 1>} : vector<512x2048xi32>
    %mul3A_22 = arith.constant 512 : i32
    %mul3A_23 = arith.muli %arg1, %mul3A_22 : i32
    %iota3A_24 = tpu.iota {dimensions = array<i32: 0>} : vector<512x1xi32>
    %add3A = vector.broadcast %mul3A_23 : i32 to vector<512x1xi32>
    %add3A_25 = arith.addi %add3A, %iota3A_24 : vector<512x1xi32>
    %eq3A_26 = vector.broadcast %add3A_25 : vector<512x1xi32> to vector<512x2048xi32>
    %eq3A_27 = arith.cmpi eq, %iota3A, %eq3A_26 : vector<512x2048xi32>
    %jit3A = arith.constant -1.000000e+30 : f32
    %broadcast_in_dim3A_28 = vector.broadcast %jit3A : f32 to vector<512x2048xf32>
    %select_n3A = arith.select %eq3A_27, %broadcast_in_dim3A_28, %sub3A_21 : vector<512x2048xi1>, vector<512x2048xf32>
    %iota3A_29 = tpu.iota {dimensions = array<i32: 1>} : vector<512x128xi32>
    %eq3A_30 = arith.constant 0 : i32
    %eq3A_31 = vector.broadcast %eq3A_30 : i32 to vector<512x128xi32>
    %eq3A_32 = arith.cmpi eq, %iota3A_29, %eq3A_31 : vector<512x128xi32>
    %jit3A_33 = arith.constant 0 : i32
    %broadcast_in_dim3A_34 = vector.shape_cast %add3A_25 : vector<512x1xi32> to vector<512x1xi32>
    %broadcast_in_dim3A_35 = vector.broadcast %broadcast_in_dim3A_34 : vector<512x1xi32> to vector<512x128xi32>
    %broadcast_in_dim3A_36 = vector.broadcast %jit3A_33 : i32 to vector<512x128xi32>
    %select_n3A_37 = arith.select %eq3A_32, %broadcast_in_dim3A_35, %broadcast_in_dim3A_36 : vector<512x128xi1>, vector<512x128xi32>
    %slice3A = vector.extract_strided_slice %select_n3A {offsets = [0, 0], sizes = [512, 128], strides = [1, 1]} : vector<512x2048xf32> to vector<512x128xf32>
    %slice3A_38 = vector.extract_strided_slice %select_n3A {offsets = [0, 128], sizes = [512, 128], strides = [1, 1]} : vector<512x2048xf32> to vector<512x128xf32>
    %gt3A = arith.cmpf ogt, %slice3A_38, %slice3A : vector<512x128xf32>
    %max3A = arith.maximumf %slice3A, %slice3A_38 : vector<512x128xf32>
    %add3A_39 = arith.constant 128 : i32
    %add3A_40 = vector.broadcast %add3A_39 : i32 to vector<512x128xi32>
    %add3A_41 = arith.addi %iota3A_29, %add3A_40 : vector<512x128xi32>
    %select_n3A_42 = arith.select %gt3A, %add3A_41, %iota3A_29 : vector<512x128xi1>, vector<512x128xi32>
    %slice3A_43 = vector.extract_strided_slice %select_n3A {offsets = [0, 256], sizes = [512, 128], strides = [1, 1]} : vector<512x2048xf32> to vector<512x128xf32>
    %gt3A_44 = arith.cmpf ogt, %slice3A_43, %max3A : vector<512x128xf32>
    %max3A_45 = arith.maximumf %max3A, %slice3A_43 : vector<512x128xf32>
    %add3A_46 = arith.constant 256 : i32
    %add3A_47 = vector.broadcast %add3A_46 : i32 to vector<512x128xi32>
    %add3A_48 = arith.addi %iota3A_29, %add3A_47 : vector<512x128xi32>
    %select_n3A_49 = arith.select %gt3A_44, %add3A_48, %select_n3A_42 : vector<512x128xi1>, vector<512x128xi32>
    %slice3A_50 = vector.extract_strided_slice %select_n3A {offsets = [0, 384], sizes = [512, 128], strides = [1, 1]} : vector<512x2048xf32> to vector<512x128xf32>
    %gt3A_51 = arith.cmpf ogt, %slice3A_50, %max3A_45 : vector<512x128xf32>
    %max3A_52 = arith.maximumf %max3A_45, %slice3A_50 : vector<512x128xf32>
    %add3A_53 = arith.constant 384 : i32
    %add3A_54 = vector.broadcast %add3A_53 : i32 to vector<512x128xi32>
    %add3A_55 = arith.addi %iota3A_29, %add3A_54 : vector<512x128xi32>
    %select_n3A_56 = arith.select %gt3A_51, %add3A_55, %select_n3A_49 : vector<512x128xi1>, vector<512x128xi32>
    %slice3A_57 = vector.extract_strided_slice %select_n3A {offsets = [0, 512], sizes = [512, 128], strides = [1, 1]} : vector<512x2048xf32> to vector<512x128xf32>
    %gt3A_58 = arith.cmpf ogt, %slice3A_57, %max3A_52 : vector<512x128xf32>
    %max3A_59 = arith.maximumf %max3A_52, %slice3A_57 : vector<512x128xf32>
    %add3A_60 = arith.constant 512 : i32
    %add3A_61 = vector.broadcast %add3A_60 : i32 to vector<512x128xi32>
    %add3A_62 = arith.addi %iota3A_29, %add3A_61 : vector<512x128xi32>
    %select_n3A_63 = arith.select %gt3A_58, %add3A_62, %select_n3A_56 : vector<512x128xi1>, vector<512x128xi32>
    %slice3A_64 = vector.extract_strided_slice %select_n3A {offsets = [0, 640], sizes = [512, 128], strides = [1, 1]} : vector<512x2048xf32> to vector<512x128xf32>
    %gt3A_65 = arith.cmpf ogt, %slice3A_64, %max3A_59 : vector<512x128xf32>
    %max3A_66 = arith.maximumf %max3A_59, %slice3A_64 : vector<512x128xf32>
    %add3A_67 = arith.constant 640 : i32
    %add3A_68 = vector.broadcast %add3A_67 : i32 to vector<512x128xi32>
    %add3A_69 = arith.addi %iota3A_29, %add3A_68 : vector<512x128xi32>
    %select_n3A_70 = arith.select %gt3A_65, %add3A_69, %select_n3A_63 : vector<512x128xi1>, vector<512x128xi32>
    %slice3A_71 = vector.extract_strided_slice %select_n3A {offsets = [0, 768], sizes = [512, 128], strides = [1, 1]} : vector<512x2048xf32> to vector<512x128xf32>
    %gt3A_72 = arith.cmpf ogt, %slice3A_71, %max3A_66 : vector<512x128xf32>
    %max3A_73 = arith.maximumf %max3A_66, %slice3A_71 : vector<512x128xf32>
    %add3A_74 = arith.constant 768 : i32
    %add3A_75 = vector.broadcast %add3A_74 : i32 to vector<512x128xi32>
    %add3A_76 = arith.addi %iota3A_29, %add3A_75 : vector<512x128xi32>
    %select_n3A_77 = arith.select %gt3A_72, %add3A_76, %select_n3A_70 : vector<512x128xi1>, vector<512x128xi32>
    %slice3A_78 = vector.extract_strided_slice %select_n3A {offsets = [0, 896], sizes = [512, 128], strides = [1, 1]} : vector<512x2048xf32> to vector<512x128xf32>
    %gt3A_79 = arith.cmpf ogt, %slice3A_78, %max3A_73 : vector<512x128xf32>
    %max3A_80 = arith.maximumf %max3A_73, %slice3A_78 : vector<512x128xf32>
    %add3A_81 = arith.constant 896 : i32
    %add3A_82 = vector.broadcast %add3A_81 : i32 to vector<512x128xi32>
    %add3A_83 = arith.addi %iota3A_29, %add3A_82 : vector<512x128xi32>
    %select_n3A_84 = arith.select %gt3A_79, %add3A_83, %select_n3A_77 : vector<512x128xi1>, vector<512x128xi32>
    %slice3A_85 = vector.extract_strided_slice %select_n3A {offsets = [0, 1024], sizes = [512, 128], strides = [1, 1]} : vector<512x2048xf32> to vector<512x128xf32>
    %gt3A_86 = arith.cmpf ogt, %slice3A_85, %max3A_80 : vector<512x128xf32>
    %max3A_87 = arith.maximumf %max3A_80, %slice3A_85 : vector<512x128xf32>
    %add3A_88 = arith.constant 1024 : i32
    %add3A_89 = vector.broadcast %add3A_88 : i32 to vector<512x128xi32>
    %add3A_90 = arith.addi %iota3A_29, %add3A_89 : vector<512x128xi32>
    %select_n3A_91 = arith.select %gt3A_86, %add3A_90, %select_n3A_84 : vector<512x128xi1>, vector<512x128xi32>
    %slice3A_92 = vector.extract_strided_slice %select_n3A {offsets = [0, 1152], sizes = [512, 128], strides = [1, 1]} : vector<512x2048xf32> to vector<512x128xf32>
    %gt3A_93 = arith.cmpf ogt, %slice3A_92, %max3A_87 : vector<512x128xf32>
    %max3A_94 = arith.maximumf %max3A_87, %slice3A_92 : vector<512x128xf32>
    %add3A_95 = arith.constant 1152 : i32
    %add3A_96 = vector.broadcast %add3A_95 : i32 to vector<512x128xi32>
    %add3A_97 = arith.addi %iota3A_29, %add3A_96 : vector<512x128xi32>
    %select_n3A_98 = arith.select %gt3A_93, %add3A_97, %select_n3A_91 : vector<512x128xi1>, vector<512x128xi32>
    %slice3A_99 = vector.extract_strided_slice %select_n3A {offsets = [0, 1280], sizes = [512, 128], strides = [1, 1]} : vector<512x2048xf32> to vector<512x128xf32>
    %gt3A_100 = arith.cmpf ogt, %slice3A_99, %max3A_94 : vector<512x128xf32>
    %max3A_101 = arith.maximumf %max3A_94, %slice3A_99 : vector<512x128xf32>
    %add3A_102 = arith.constant 1280 : i32
    %add3A_103 = vector.broadcast %add3A_102 : i32 to vector<512x128xi32>
    %add3A_104 = arith.addi %iota3A_29, %add3A_103 : vector<512x128xi32>
    %select_n3A_105 = arith.select %gt3A_100, %add3A_104, %select_n3A_98 : vector<512x128xi1>, vector<512x128xi32>
    %slice3A_106 = vector.extract_strided_slice %select_n3A {offsets = [0, 1408], sizes = [512, 128], strides = [1, 1]} : vector<512x2048xf32> to vector<512x128xf32>
    %gt3A_107 = arith.cmpf ogt, %slice3A_106, %max3A_101 : vector<512x128xf32>
    %max3A_108 = arith.maximumf %max3A_101, %slice3A_106 : vector<512x128xf32>
    %add3A_109 = arith.constant 1408 : i32
    %add3A_110 = vector.broadcast %add3A_109 : i32 to vector<512x128xi32>
    %add3A_111 = arith.addi %iota3A_29, %add3A_110 : vector<512x128xi32>
    %select_n3A_112 = arith.select %gt3A_107, %add3A_111, %select_n3A_105 : vector<512x128xi1>, vector<512x128xi32>
    %slice3A_113 = vector.extract_strided_slice %select_n3A {offsets = [0, 1536], sizes = [512, 128], strides = [1, 1]} : vector<512x2048xf32> to vector<512x128xf32>
    %gt3A_114 = arith.cmpf ogt, %slice3A_113, %max3A_108 : vector<512x128xf32>
    %max3A_115 = arith.maximumf %max3A_108, %slice3A_113 : vector<512x128xf32>
    %add3A_116 = arith.constant 1536 : i32
    %add3A_117 = vector.broadcast %add3A_116 : i32 to vector<512x128xi32>
    %add3A_118 = arith.addi %iota3A_29, %add3A_117 : vector<512x128xi32>
    %select_n3A_119 = arith.select %gt3A_114, %add3A_118, %select_n3A_112 : vector<512x128xi1>, vector<512x128xi32>
    %slice3A_120 = vector.extract_strided_slice %select_n3A {offsets = [0, 1664], sizes = [512, 128], strides = [1, 1]} : vector<512x2048xf32> to vector<512x128xf32>
    %gt3A_121 = arith.cmpf ogt, %slice3A_120, %max3A_115 : vector<512x128xf32>
    %max3A_122 = arith.maximumf %max3A_115, %slice3A_120 : vector<512x128xf32>
    %add3A_123 = arith.constant 1664 : i32
    %add3A_124 = vector.broadcast %add3A_123 : i32 to vector<512x128xi32>
    %add3A_125 = arith.addi %iota3A_29, %add3A_124 : vector<512x128xi32>
    %select_n3A_126 = arith.select %gt3A_121, %add3A_125, %select_n3A_119 : vector<512x128xi1>, vector<512x128xi32>
    %slice3A_127 = vector.extract_strided_slice %select_n3A {offsets = [0, 1792], sizes = [512, 128], strides = [1, 1]} : vector<512x2048xf32> to vector<512x128xf32>
    %gt3A_128 = arith.cmpf ogt, %slice3A_127, %max3A_122 : vector<512x128xf32>
    %max3A_129 = arith.maximumf %max3A_122, %slice3A_127 : vector<512x128xf32>
    %add3A_130 = arith.constant 1792 : i32
    %add3A_131 = vector.broadcast %add3A_130 : i32 to vector<512x128xi32>
    %add3A_132 = arith.addi %iota3A_29, %add3A_131 : vector<512x128xi32>
    %select_n3A_133 = arith.select %gt3A_128, %add3A_132, %select_n3A_126 : vector<512x128xi1>, vector<512x128xi32>
    %slice3A_134 = vector.extract_strided_slice %select_n3A {offsets = [0, 1920], sizes = [512, 128], strides = [1, 1]} : vector<512x2048xf32> to vector<512x128xf32>
    %gt3A_135 = arith.cmpf ogt, %slice3A_134, %max3A_129 : vector<512x128xf32>
    %max3A_136 = arith.maximumf %max3A_129, %slice3A_134 : vector<512x128xf32>
    %add3A_137 = arith.constant 1920 : i32
    %add3A_138 = vector.broadcast %add3A_137 : i32 to vector<512x128xi32>
    %add3A_139 = arith.addi %iota3A_29, %add3A_138 : vector<512x128xi32>
    %select_n3A_140 = arith.select %gt3A_135, %add3A_139, %select_n3A_133 : vector<512x128xi1>, vector<512x128xi32>
    %reduce_max3A = arith.constant dense<0xFF800000> : vector<512xf32>
    %reduce_max3A_141 = vector.multi_reduction <maximumf>, %max3A_136, %reduce_max3A [1] : vector<512x128xf32> to vector<512xf32>
    %broadcast_in_dim3A_142 = vector.shape_cast %reduce_max3A_141 : vector<512xf32> to vector<512x1xf32>
    %eq3A_143 = vector.broadcast %broadcast_in_dim3A_142 : vector<512x1xf32> to vector<512x128xf32>
    %eq3A_144 = arith.cmpf oeq, %max3A_136, %eq3A_143 : vector<512x128xf32>
    %jit3A_145 = arith.constant 2048 : i32
    %broadcast_in_dim3A_146 = vector.broadcast %jit3A_145 : i32 to vector<512x128xi32>
    %select_n3A_147 = arith.select %eq3A_144, %select_n3A_140, %broadcast_in_dim3A_146 : vector<512x128xi1>, vector<512x128xi32>
    %reduce_min3A = arith.constant dense<2147483647> : vector<512xi32>
    %reduce_min3A_148 = vector.multi_reduction <minsi>, %select_n3A_147, %reduce_min3A [1] : vector<512x128xi32> to vector<512xi32>
    %broadcast_in_dim3A_149 = vector.shape_cast %reduce_min3A_148 : vector<512xi32> to vector<512x1xi32>
    %eq3A_150 = arith.constant 1 : i32
    %eq3A_151 = vector.broadcast %eq3A_150 : i32 to vector<512x128xi32>
    %eq3A_152 = arith.cmpi eq, %iota3A_29, %eq3A_151 : vector<512x128xi32>
    %broadcast_in_dim3A_153 = vector.shape_cast %broadcast_in_dim3A_149 : vector<512x1xi32> to vector<512x1xi32>
    %broadcast_in_dim3A_154 = vector.broadcast %broadcast_in_dim3A_153 : vector<512x1xi32> to vector<512x128xi32>
    %select_n3A_155 = arith.select %eq3A_152, %broadcast_in_dim3A_154, %select_n3A_37 : vector<512x128xi1>, vector<512x128xi32>
    %eq3A_156 = vector.broadcast %broadcast_in_dim3A_149 : vector<512x1xi32> to vector<512x2048xi32>
    %eq3A_157 = arith.cmpi eq, %iota3A, %eq3A_156 : vector<512x2048xi32>
    %jit3A_158 = arith.constant -1.000000e+30 : f32
    %broadcast_in_dim3A_159 = vector.broadcast %jit3A_158 : f32 to vector<512x2048xf32>
    %select_n3A_160 = arith.select %eq3A_157, %broadcast_in_dim3A_159, %select_n3A : vector<512x2048xi1>, vector<512x2048xf32>
    %slice3A_161 = vector.extract_strided_slice %select_n3A_160 {offsets = [0, 0], sizes = [512, 128], strides = [1, 1]} : vector<512x2048xf32> to vector<512x128xf32>
    %slice3A_162 = vector.extract_strided_slice %select_n3A_160 {offsets = [0, 128], sizes = [512, 128], strides = [1, 1]} : vector<512x2048xf32> to vector<512x128xf32>
    %gt3A_163 = arith.cmpf ogt, %slice3A_162, %slice3A_161 : vector<512x128xf32>
    %max3A_164 = arith.maximumf %slice3A_161, %slice3A_162 : vector<512x128xf32>
    %add3A_165 = arith.constant 128 : i32
    %add3A_166 = vector.broadcast %add3A_165 : i32 to vector<512x128xi32>
    %add3A_167 = arith.addi %iota3A_29, %add3A_166 : vector<512x128xi32>
    %select_n3A_168 = arith.select %gt3A_163, %add3A_167, %iota3A_29 : vector<512x128xi1>, vector<512x128xi32>
    %slice3A_169 = vector.extract_strided_slice %select_n3A_160 {offsets = [0, 256], sizes = [512, 128], strides = [1, 1]} : vector<512x2048xf32> to vector<512x128xf32>
    %gt3A_170 = arith.cmpf ogt, %slice3A_169, %max3A_164 : vector<512x128xf32>
    %max3A_171 = arith.maximumf %max3A_164, %slice3A_169 : vector<512x128xf32>
    %add3A_172 = arith.constant 256 : i32
    %add3A_173 = vector.broadcast %add3A_172 : i32 to vector<512x128xi32>
    %add3A_174 = arith.addi %iota3A_29, %add3A_173 : vector<512x128xi32>
    %select_n3A_175 = arith.select %gt3A_170, %add3A_174, %select_n3A_168 : vector<512x128xi1>, vector<512x128xi32>
    %slice3A_176 = vector.extract_strided_slice %select_n3A_160 {offsets = [0, 384], sizes = [512, 128], strides = [1, 1]} : vector<512x2048xf32> to vector<512x128xf32>
    %gt3A_177 = arith.cmpf ogt, %slice3A_176, %max3A_171 : vector<512x128xf32>
    %max3A_178 = arith.maximumf %max3A_171, %slice3A_176 : vector<512x128xf32>
    %add3A_179 = arith.constant 384 : i32
    %add3A_180 = vector.broadcast %add3A_179 : i32 to vector<512x128xi32>
    %add3A_181 = arith.addi %iota3A_29, %add3A_180 : vector<512x128xi32>
    %select_n3A_182 = arith.select %gt3A_177, %add3A_181, %select_n3A_175 : vector<512x128xi1>, vector<512x128xi32>
    %slice3A_183 = vector.extract_strided_slice %select_n3A_160 {offsets = [0, 512], sizes = [512, 128], strides = [1, 1]} : vector<512x2048xf32> to vector<512x128xf32>
    %gt3A_184 = arith.cmpf ogt, %slice3A_183, %max3A_178 : vector<512x128xf32>
    %max3A_185 = arith.maximumf %max3A_178, %slice3A_183 : vector<512x128xf32>
    %add3A_186 = arith.constant 512 : i32
    %add3A_187 = vector.broadcast %add3A_186 : i32 to vector<512x128xi32>
    %add3A_188 = arith.addi %iota3A_29, %add3A_187 : vector<512x128xi32>
    %select_n3A_189 = arith.select %gt3A_184, %add3A_188, %select_n3A_182 : vector<512x128xi1>, vector<512x128xi32>
    %slice3A_190 = vector.extract_strided_slice %select_n3A_160 {offsets = [0, 640], sizes = [512, 128], strides = [1, 1]} : vector<512x2048xf32> to vector<512x128xf32>
    %gt3A_191 = arith.cmpf ogt, %slice3A_190, %max3A_185 : vector<512x128xf32>
    %max3A_192 = arith.maximumf %max3A_185, %slice3A_190 : vector<512x128xf32>
    %add3A_193 = arith.constant 640 : i32
    %add3A_194 = vector.broadcast %add3A_193 : i32 to vector<512x128xi32>
    %add3A_195 = arith.addi %iota3A_29, %add3A_194 : vector<512x128xi32>
    %select_n3A_196 = arith.select %gt3A_191, %add3A_195, %select_n3A_189 : vector<512x128xi1>, vector<512x128xi32>
    %slice3A_197 = vector.extract_strided_slice %select_n3A_160 {offsets = [0, 768], sizes = [512, 128], strides = [1, 1]} : vector<512x2048xf32> to vector<512x128xf32>
    %gt3A_198 = arith.cmpf ogt, %slice3A_197, %max3A_192 : vector<512x128xf32>
    %max3A_199 = arith.maximumf %max3A_192, %slice3A_197 : vector<512x128xf32>
    %add3A_200 = arith.constant 768 : i32
    %add3A_201 = vector.broadcast %add3A_200 : i32 to vector<512x128xi32>
    %add3A_202 = arith.addi %iota3A_29, %add3A_201 : vector<512x128xi32>
    %select_n3A_203 = arith.select %gt3A_198, %add3A_202, %select_n3A_196 : vector<512x128xi1>, vector<512x128xi32>
    %slice3A_204 = vector.extract_strided_slice %select_n3A_160 {offsets = [0, 896], sizes = [512, 128], strides = [1, 1]} : vector<512x2048xf32> to vector<512x128xf32>
    %gt3A_205 = arith.cmpf ogt, %slice3A_204, %max3A_199 : vector<512x128xf32>
    %max3A_206 = arith.maximumf %max3A_199, %slice3A_204 : vector<512x128xf32>
    %add3A_207 = arith.constant 896 : i32
    %add3A_208 = vector.broadcast %add3A_207 : i32 to vector<512x128xi32>
    %add3A_209 = arith.addi %iota3A_29, %add3A_208 : vector<512x128xi32>
    %select_n3A_210 = arith.select %gt3A_205, %add3A_209, %select_n3A_203 : vector<512x128xi1>, vector<512x128xi32>
    %slice3A_211 = vector.extract_strided_slice %select_n3A_160 {offsets = [0, 1024], sizes = [512, 128], strides = [1, 1]} : vector<512x2048xf32> to vector<512x128xf32>
    %gt3A_212 = arith.cmpf ogt, %slice3A_211, %max3A_206 : vector<512x128xf32>
    %max3A_213 = arith.maximumf %max3A_206, %slice3A_211 : vector<512x128xf32>
    %add3A_214 = arith.constant 1024 : i32
    %add3A_215 = vector.broadcast %add3A_214 : i32 to vector<512x128xi32>
    %add3A_216 = arith.addi %iota3A_29, %add3A_215 : vector<512x128xi32>
    %select_n3A_217 = arith.select %gt3A_212, %add3A_216, %select_n3A_210 : vector<512x128xi1>, vector<512x128xi32>
    %slice3A_218 = vector.extract_strided_slice %select_n3A_160 {offsets = [0, 1152], sizes = [512, 128], strides = [1, 1]} : vector<512x2048xf32> to vector<512x128xf32>
    %gt3A_219 = arith.cmpf ogt, %slice3A_218, %max3A_213 : vector<512x128xf32>
    %max3A_220 = arith.maximumf %max3A_213, %slice3A_218 : vector<512x128xf32>
    %add3A_221 = arith.constant 1152 : i32
    %add3A_222 = vector.broadcast %add3A_221 : i32 to vector<512x128xi32>
    %add3A_223 = arith.addi %iota3A_29, %add3A_222 : vector<512x128xi32>
    %select_n3A_224 = arith.select %gt3A_219, %add3A_223, %select_n3A_217 : vector<512x128xi1>, vector<512x128xi32>
    %slice3A_225 = vector.extract_strided_slice %select_n3A_160 {offsets = [0, 1280], sizes = [512, 128], strides = [1, 1]} : vector<512x2048xf32> to vector<512x128xf32>
    %gt3A_226 = arith.cmpf ogt, %slice3A_225, %max3A_220 : vector<512x128xf32>
    %max3A_227 = arith.maximumf %max3A_220, %slice3A_225 : vector<512x128xf32>
    %add3A_228 = arith.constant 1280 : i32
    %add3A_229 = vector.broadcast %add3A_228 : i32 to vector<512x128xi32>
    %add3A_230 = arith.addi %iota3A_29, %add3A_229 : vector<512x128xi32>
    %select_n3A_231 = arith.select %gt3A_226, %add3A_230, %select_n3A_224 : vector<512x128xi1>, vector<512x128xi32>
    %slice3A_232 = vector.extract_strided_slice %select_n3A_160 {offsets = [0, 1408], sizes = [512, 128], strides = [1, 1]} : vector<512x2048xf32> to vector<512x128xf32>
    %gt3A_233 = arith.cmpf ogt, %slice3A_232, %max3A_227 : vector<512x128xf32>
    %max3A_234 = arith.maximumf %max3A_227, %slice3A_232 : vector<512x128xf32>
    %add3A_235 = arith.constant 1408 : i32
    %add3A_236 = vector.broadcast %add3A_235 : i32 to vector<512x128xi32>
    %add3A_237 = arith.addi %iota3A_29, %add3A_236 : vector<512x128xi32>
    %select_n3A_238 = arith.select %gt3A_233, %add3A_237, %select_n3A_231 : vector<512x128xi1>, vector<512x128xi32>
    %slice3A_239 = vector.extract_strided_slice %select_n3A_160 {offsets = [0, 1536], sizes = [512, 128], strides = [1, 1]} : vector<512x2048xf32> to vector<512x128xf32>
    %gt3A_240 = arith.cmpf ogt, %slice3A_239, %max3A_234 : vector<512x128xf32>
    %max3A_241 = arith.maximumf %max3A_234, %slice3A_239 : vector<512x128xf32>
    %add3A_242 = arith.constant 1536 : i32
    %add3A_243 = vector.broadcast %add3A_242 : i32 to vector<512x128xi32>
    %add3A_244 = arith.addi %iota3A_29, %add3A_243 : vector<512x128xi32>
    %select_n3A_245 = arith.select %gt3A_240, %add3A_244, %select_n3A_238 : vector<512x128xi1>, vector<512x128xi32>
    %slice3A_246 = vector.extract_strided_slice %select_n3A_160 {offsets = [0, 1664], sizes = [512, 128], strides = [1, 1]} : vector<512x2048xf32> to vector<512x128xf32>
    %gt3A_247 = arith.cmpf ogt, %slice3A_246, %max3A_241 : vector<512x128xf32>
    %max3A_248 = arith.maximumf %max3A_241, %slice3A_246 : vector<512x128xf32>
    %add3A_249 = arith.constant 1664 : i32
    %add3A_250 = vector.broadcast %add3A_249 : i32 to vector<512x128xi32>
    %add3A_251 = arith.addi %iota3A_29, %add3A_250 : vector<512x128xi32>
    %select_n3A_252 = arith.select %gt3A_247, %add3A_251, %select_n3A_245 : vector<512x128xi1>, vector<512x128xi32>
    %slice3A_253 = vector.extract_strided_slice %select_n3A_160 {offsets = [0, 1792], sizes = [512, 128], strides = [1, 1]} : vector<512x2048xf32> to vector<512x128xf32>
    %gt3A_254 = arith.cmpf ogt, %slice3A_253, %max3A_248 : vector<512x128xf32>
    %max3A_255 = arith.maximumf %max3A_248, %slice3A_253 : vector<512x128xf32>
    %add3A_256 = arith.constant 1792 : i32
    %add3A_257 = vector.broadcast %add3A_256 : i32 to vector<512x128xi32>
    %add3A_258 = arith.addi %iota3A_29, %add3A_257 : vector<512x128xi32>
    %select_n3A_259 = arith.select %gt3A_254, %add3A_258, %select_n3A_252 : vector<512x128xi1>, vector<512x128xi32>
    %slice3A_260 = vector.extract_strided_slice %select_n3A_160 {offsets = [0, 1920], sizes = [512, 128], strides = [1, 1]} : vector<512x2048xf32> to vector<512x128xf32>
    %gt3A_261 = arith.cmpf ogt, %slice3A_260, %max3A_255 : vector<512x128xf32>
    %max3A_262 = arith.maximumf %max3A_255, %slice3A_260 : vector<512x128xf32>
    %add3A_263 = arith.constant 1920 : i32
    %add3A_264 = vector.broadcast %add3A_263 : i32 to vector<512x128xi32>
    %add3A_265 = arith.addi %iota3A_29, %add3A_264 : vector<512x128xi32>
    %select_n3A_266 = arith.select %gt3A_261, %add3A_265, %select_n3A_259 : vector<512x128xi1>, vector<512x128xi32>
    %reduce_max3A_267 = arith.constant dense<0xFF800000> : vector<512xf32>
    %reduce_max3A_268 = vector.multi_reduction <maximumf>, %max3A_262, %reduce_max3A_267 [1] : vector<512x128xf32> to vector<512xf32>
    %broadcast_in_dim3A_269 = vector.shape_cast %reduce_max3A_268 : vector<512xf32> to vector<512x1xf32>
    %eq3A_270 = vector.broadcast %broadcast_in_dim3A_269 : vector<512x1xf32> to vector<512x128xf32>
    %eq3A_271 = arith.cmpf oeq, %max3A_262, %eq3A_270 : vector<512x128xf32>
    %jit3A_272 = arith.constant 2048 : i32
    %broadcast_in_dim3A_273 = vector.broadcast %jit3A_272 : i32 to vector<512x128xi32>
    %select_n3A_274 = arith.select %eq3A_271, %select_n3A_266, %broadcast_in_dim3A_273 : vector<512x128xi1>, vector<512x128xi32>
    %reduce_min3A_275 = arith.constant dense<2147483647> : vector<512xi32>
    %reduce_min3A_276 = vector.multi_reduction <minsi>, %select_n3A_274, %reduce_min3A_275 [1] : vector<512x128xi32> to vector<512xi32>
    %broadcast_in_dim3A_277 = vector.shape_cast %reduce_min3A_276 : vector<512xi32> to vector<512x1xi32>
    %eq3A_278 = arith.constant 2 : i32
    %eq3A_279 = vector.broadcast %eq3A_278 : i32 to vector<512x128xi32>
    %eq3A_280 = arith.cmpi eq, %iota3A_29, %eq3A_279 : vector<512x128xi32>
    %broadcast_in_dim3A_281 = vector.shape_cast %broadcast_in_dim3A_277 : vector<512x1xi32> to vector<512x1xi32>
    %broadcast_in_dim3A_282 = vector.broadcast %broadcast_in_dim3A_281 : vector<512x1xi32> to vector<512x128xi32>
    %select_n3A_283 = arith.select %eq3A_280, %broadcast_in_dim3A_282, %select_n3A_155 : vector<512x128xi1>, vector<512x128xi32>
    %eq3A_284 = vector.broadcast %broadcast_in_dim3A_277 : vector<512x1xi32> to vector<512x2048xi32>
    %eq3A_285 = arith.cmpi eq, %iota3A, %eq3A_284 : vector<512x2048xi32>
    %jit3A_286 = arith.constant -1.000000e+30 : f32
    %broadcast_in_dim3A_287 = vector.broadcast %jit3A_286 : f32 to vector<512x2048xf32>
    %select_n3A_288 = arith.select %eq3A_285, %broadcast_in_dim3A_287, %select_n3A_160 : vector<512x2048xi1>, vector<512x2048xf32>
    %slice3A_289 = vector.extract_strided_slice %select_n3A_288 {offsets = [0, 0], sizes = [512, 128], strides = [1, 1]} : vector<512x2048xf32> to vector<512x128xf32>
    %slice3A_290 = vector.extract_strided_slice %select_n3A_288 {offsets = [0, 128], sizes = [512, 128], strides = [1, 1]} : vector<512x2048xf32> to vector<512x128xf32>
    %gt3A_291 = arith.cmpf ogt, %slice3A_290, %slice3A_289 : vector<512x128xf32>
    %max3A_292 = arith.maximumf %slice3A_289, %slice3A_290 : vector<512x128xf32>
    %add3A_293 = arith.constant 128 : i32
    %add3A_294 = vector.broadcast %add3A_293 : i32 to vector<512x128xi32>
    %add3A_295 = arith.addi %iota3A_29, %add3A_294 : vector<512x128xi32>
    %select_n3A_296 = arith.select %gt3A_291, %add3A_295, %iota3A_29 : vector<512x128xi1>, vector<512x128xi32>
    %slice3A_297 = vector.extract_strided_slice %select_n3A_288 {offsets = [0, 256], sizes = [512, 128], strides = [1, 1]} : vector<512x2048xf32> to vector<512x128xf32>
    %gt3A_298 = arith.cmpf ogt, %slice3A_297, %max3A_292 : vector<512x128xf32>
    %max3A_299 = arith.maximumf %max3A_292, %slice3A_297 : vector<512x128xf32>
    %add3A_300 = arith.constant 256 : i32
    %add3A_301 = vector.broadcast %add3A_300 : i32 to vector<512x128xi32>
    %add3A_302 = arith.addi %iota3A_29, %add3A_301 : vector<512x128xi32>
    %select_n3A_303 = arith.select %gt3A_298, %add3A_302, %select_n3A_296 : vector<512x128xi1>, vector<512x128xi32>
    %slice3A_304 = vector.extract_strided_slice %select_n3A_288 {offsets = [0, 384], sizes = [512, 128], strides = [1, 1]} : vector<512x2048xf32> to vector<512x128xf32>
    %gt3A_305 = arith.cmpf ogt, %slice3A_304, %max3A_299 : vector<512x128xf32>
    %max3A_306 = arith.maximumf %max3A_299, %slice3A_304 : vector<512x128xf32>
    %add3A_307 = arith.constant 384 : i32
    %add3A_308 = vector.broadcast %add3A_307 : i32 to vector<512x128xi32>
    %add3A_309 = arith.addi %iota3A_29, %add3A_308 : vector<512x128xi32>
    %select_n3A_310 = arith.select %gt3A_305, %add3A_309, %select_n3A_303 : vector<512x128xi1>, vector<512x128xi32>
    %slice3A_311 = vector.extract_strided_slice %select_n3A_288 {offsets = [0, 512], sizes = [512, 128], strides = [1, 1]} : vector<512x2048xf32> to vector<512x128xf32>
    %gt3A_312 = arith.cmpf ogt, %slice3A_311, %max3A_306 : vector<512x128xf32>
    %max3A_313 = arith.maximumf %max3A_306, %slice3A_311 : vector<512x128xf32>
    %add3A_314 = arith.constant 512 : i32
    %add3A_315 = vector.broadcast %add3A_314 : i32 to vector<512x128xi32>
    %add3A_316 = arith.addi %iota3A_29, %add3A_315 : vector<512x128xi32>
    %select_n3A_317 = arith.select %gt3A_312, %add3A_316, %select_n3A_310 : vector<512x128xi1>, vector<512x128xi32>
    %slice3A_318 = vector.extract_strided_slice %select_n3A_288 {offsets = [0, 640], sizes = [512, 128], strides = [1, 1]} : vector<512x2048xf32> to vector<512x128xf32>
    %gt3A_319 = arith.cmpf ogt, %slice3A_318, %max3A_313 : vector<512x128xf32>
    %max3A_320 = arith.maximumf %max3A_313, %slice3A_318 : vector<512x128xf32>
    %add3A_321 = arith.constant 640 : i32
    %add3A_322 = vector.broadcast %add3A_321 : i32 to vector<512x128xi32>
    %add3A_323 = arith.addi %iota3A_29, %add3A_322 : vector<512x128xi32>
    %select_n3A_324 = arith.select %gt3A_319, %add3A_323, %select_n3A_317 : vector<512x128xi1>, vector<512x128xi32>
    %slice3A_325 = vector.extract_strided_slice %select_n3A_288 {offsets = [0, 768], sizes = [512, 128], strides = [1, 1]} : vector<512x2048xf32> to vector<512x128xf32>
    %gt3A_326 = arith.cmpf ogt, %slice3A_325, %max3A_320 : vector<512x128xf32>
    %max3A_327 = arith.maximumf %max3A_320, %slice3A_325 : vector<512x128xf32>
    %add3A_328 = arith.constant 768 : i32
    %add3A_329 = vector.broadcast %add3A_328 : i32 to vector<512x128xi32>
    %add3A_330 = arith.addi %iota3A_29, %add3A_329 : vector<512x128xi32>
    %select_n3A_331 = arith.select %gt3A_326, %add3A_330, %select_n3A_324 : vector<512x128xi1>, vector<512x128xi32>
    %slice3A_332 = vector.extract_strided_slice %select_n3A_288 {offsets = [0, 896], sizes = [512, 128], strides = [1, 1]} : vector<512x2048xf32> to vector<512x128xf32>
    %gt3A_333 = arith.cmpf ogt, %slice3A_332, %max3A_327 : vector<512x128xf32>
    %max3A_334 = arith.maximumf %max3A_327, %slice3A_332 : vector<512x128xf32>
    %add3A_335 = arith.constant 896 : i32
    %add3A_336 = vector.broadcast %add3A_335 : i32 to vector<512x128xi32>
    %add3A_337 = arith.addi %iota3A_29, %add3A_336 : vector<512x128xi32>
    %select_n3A_338 = arith.select %gt3A_333, %add3A_337, %select_n3A_331 : vector<512x128xi1>, vector<512x128xi32>
    %slice3A_339 = vector.extract_strided_slice %select_n3A_288 {offsets = [0, 1024], sizes = [512, 128], strides = [1, 1]} : vector<512x2048xf32> to vector<512x128xf32>
    %gt3A_340 = arith.cmpf ogt, %slice3A_339, %max3A_334 : vector<512x128xf32>
    %max3A_341 = arith.maximumf %max3A_334, %slice3A_339 : vector<512x128xf32>
    %add3A_342 = arith.constant 1024 : i32
    %add3A_343 = vector.broadcast %add3A_342 : i32 to vector<512x128xi32>
    %add3A_344 = arith.addi %iota3A_29, %add3A_343 : vector<512x128xi32>
    %select_n3A_345 = arith.select %gt3A_340, %add3A_344, %select_n3A_338 : vector<512x128xi1>, vector<512x128xi32>
    %slice3A_346 = vector.extract_strided_slice %select_n3A_288 {offsets = [0, 1152], sizes = [512, 128], strides = [1, 1]} : vector<512x2048xf32> to vector<512x128xf32>
    %gt3A_347 = arith.cmpf ogt, %slice3A_346, %max3A_341 : vector<512x128xf32>
    %max3A_348 = arith.maximumf %max3A_341, %slice3A_346 : vector<512x128xf32>
    %add3A_349 = arith.constant 1152 : i32
    %add3A_350 = vector.broadcast %add3A_349 : i32 to vector<512x128xi32>
    %add3A_351 = arith.addi %iota3A_29, %add3A_350 : vector<512x128xi32>
    %select_n3A_352 = arith.select %gt3A_347, %add3A_351, %select_n3A_345 : vector<512x128xi1>, vector<512x128xi32>
    %slice3A_353 = vector.extract_strided_slice %select_n3A_288 {offsets = [0, 1280], sizes = [512, 128], strides = [1, 1]} : vector<512x2048xf32> to vector<512x128xf32>
    %gt3A_354 = arith.cmpf ogt, %slice3A_353, %max3A_348 : vector<512x128xf32>
    %max3A_355 = arith.maximumf %max3A_348, %slice3A_353 : vector<512x128xf32>
    %add3A_356 = arith.constant 1280 : i32
    %add3A_357 = vector.broadcast %add3A_356 : i32 to vector<512x128xi32>
    %add3A_358 = arith.addi %iota3A_29, %add3A_357 : vector<512x128xi32>
    %select_n3A_359 = arith.select %gt3A_354, %add3A_358, %select_n3A_352 : vector<512x128xi1>, vector<512x128xi32>
    %slice3A_360 = vector.extract_strided_slice %select_n3A_288 {offsets = [0, 1408], sizes = [512, 128], strides = [1, 1]} : vector<512x2048xf32> to vector<512x128xf32>
    %gt3A_361 = arith.cmpf ogt, %slice3A_360, %max3A_355 : vector<512x128xf32>
    %max3A_362 = arith.maximumf %max3A_355, %slice3A_360 : vector<512x128xf32>
    %add3A_363 = arith.constant 1408 : i32
    %add3A_364 = vector.broadcast %add3A_363 : i32 to vector<512x128xi32>
    %add3A_365 = arith.addi %iota3A_29, %add3A_364 : vector<512x128xi32>
    %select_n3A_366 = arith.select %gt3A_361, %add3A_365, %select_n3A_359 : vector<512x128xi1>, vector<512x128xi32>
    %slice3A_367 = vector.extract_strided_slice %select_n3A_288 {offsets = [0, 1536], sizes = [512, 128], strides = [1, 1]} : vector<512x2048xf32> to vector<512x128xf32>
    %gt3A_368 = arith.cmpf ogt, %slice3A_367, %max3A_362 : vector<512x128xf32>
    %max3A_369 = arith.maximumf %max3A_362, %slice3A_367 : vector<512x128xf32>
    %add3A_370 = arith.constant 1536 : i32
    %add3A_371 = vector.broadcast %add3A_370 : i32 to vector<512x128xi32>
    %add3A_372 = arith.addi %iota3A_29, %add3A_371 : vector<512x128xi32>
    %select_n3A_373 = arith.select %gt3A_368, %add3A_372, %select_n3A_366 : vector<512x128xi1>, vector<512x128xi32>
    %slice3A_374 = vector.extract_strided_slice %select_n3A_288 {offsets = [0, 1664], sizes = [512, 128], strides = [1, 1]} : vector<512x2048xf32> to vector<512x128xf32>
    %gt3A_375 = arith.cmpf ogt, %slice3A_374, %max3A_369 : vector<512x128xf32>
    %max3A_376 = arith.maximumf %max3A_369, %slice3A_374 : vector<512x128xf32>
    %add3A_377 = arith.constant 1664 : i32
    %add3A_378 = vector.broadcast %add3A_377 : i32 to vector<512x128xi32>
    %add3A_379 = arith.addi %iota3A_29, %add3A_378 : vector<512x128xi32>
    %select_n3A_380 = arith.select %gt3A_375, %add3A_379, %select_n3A_373 : vector<512x128xi1>, vector<512x128xi32>
    %slice3A_381 = vector.extract_strided_slice %select_n3A_288 {offsets = [0, 1792], sizes = [512, 128], strides = [1, 1]} : vector<512x2048xf32> to vector<512x128xf32>
    %gt3A_382 = arith.cmpf ogt, %slice3A_381, %max3A_376 : vector<512x128xf32>
    %max3A_383 = arith.maximumf %max3A_376, %slice3A_381 : vector<512x128xf32>
    %add3A_384 = arith.constant 1792 : i32
    %add3A_385 = vector.broadcast %add3A_384 : i32 to vector<512x128xi32>
    %add3A_386 = arith.addi %iota3A_29, %add3A_385 : vector<512x128xi32>
    %select_n3A_387 = arith.select %gt3A_382, %add3A_386, %select_n3A_380 : vector<512x128xi1>, vector<512x128xi32>
    %slice3A_388 = vector.extract_strided_slice %select_n3A_288 {offsets = [0, 1920], sizes = [512, 128], strides = [1, 1]} : vector<512x2048xf32> to vector<512x128xf32>
    %gt3A_389 = arith.cmpf ogt, %slice3A_388, %max3A_383 : vector<512x128xf32>
    %max3A_390 = arith.maximumf %max3A_383, %slice3A_388 : vector<512x128xf32>
    %add3A_391 = arith.constant 1920 : i32
    %add3A_392 = vector.broadcast %add3A_391 : i32 to vector<512x128xi32>
    %add3A_393 = arith.addi %iota3A_29, %add3A_392 : vector<512x128xi32>
    %select_n3A_394 = arith.select %gt3A_389, %add3A_393, %select_n3A_387 : vector<512x128xi1>, vector<512x128xi32>
    %reduce_max3A_395 = arith.constant dense<0xFF800000> : vector<512xf32>
    %reduce_max3A_396 = vector.multi_reduction <maximumf>, %max3A_390, %reduce_max3A_395 [1] : vector<512x128xf32> to vector<512xf32>
    %broadcast_in_dim3A_397 = vector.shape_cast %reduce_max3A_396 : vector<512xf32> to vector<512x1xf32>
    %eq3A_398 = vector.broadcast %broadcast_in_dim3A_397 : vector<512x1xf32> to vector<512x128xf32>
    %eq3A_399 = arith.cmpf oeq, %max3A_390, %eq3A_398 : vector<512x128xf32>
    %jit3A_400 = arith.constant 2048 : i32
    %broadcast_in_dim3A_401 = vector.broadcast %jit3A_400 : i32 to vector<512x128xi32>
    %select_n3A_402 = arith.select %eq3A_399, %select_n3A_394, %broadcast_in_dim3A_401 : vector<512x128xi1>, vector<512x128xi32>
    %reduce_min3A_403 = arith.constant dense<2147483647> : vector<512xi32>
    %reduce_min3A_404 = vector.multi_reduction <minsi>, %select_n3A_402, %reduce_min3A_403 [1] : vector<512x128xi32> to vector<512xi32>
    %broadcast_in_dim3A_405 = vector.shape_cast %reduce_min3A_404 : vector<512xi32> to vector<512x1xi32>
    %eq3A_406 = arith.constant 3 : i32
    %eq3A_407 = vector.broadcast %eq3A_406 : i32 to vector<512x128xi32>
    %eq3A_408 = arith.cmpi eq, %iota3A_29, %eq3A_407 : vector<512x128xi32>
    %broadcast_in_dim3A_409 = vector.shape_cast %broadcast_in_dim3A_405 : vector<512x1xi32> to vector<512x1xi32>
    %broadcast_in_dim3A_410 = vector.broadcast %broadcast_in_dim3A_409 : vector<512x1xi32> to vector<512x128xi32>
    %select_n3A_411 = arith.select %eq3A_408, %broadcast_in_dim3A_410, %select_n3A_283 : vector<512x128xi1>, vector<512x128xi32>
    %eq3A_412 = vector.broadcast %broadcast_in_dim3A_405 : vector<512x1xi32> to vector<512x2048xi32>
    %eq3A_413 = arith.cmpi eq, %iota3A, %eq3A_412 : vector<512x2048xi32>
    %jit3A_414 = arith.constant -1.000000e+30 : f32
    %broadcast_in_dim3A_415 = vector.broadcast %jit3A_414 : f32 to vector<512x2048xf32>
    %select_n3A_416 = arith.select %eq3A_413, %broadcast_in_dim3A_415, %select_n3A_288 : vector<512x2048xi1>, vector<512x2048xf32>
    %slice3A_417 = vector.extract_strided_slice %select_n3A_416 {offsets = [0, 0], sizes = [512, 128], strides = [1, 1]} : vector<512x2048xf32> to vector<512x128xf32>
    %slice3A_418 = vector.extract_strided_slice %select_n3A_416 {offsets = [0, 128], sizes = [512, 128], strides = [1, 1]} : vector<512x2048xf32> to vector<512x128xf32>
    %gt3A_419 = arith.cmpf ogt, %slice3A_418, %slice3A_417 : vector<512x128xf32>
    %max3A_420 = arith.maximumf %slice3A_417, %slice3A_418 : vector<512x128xf32>
    %add3A_421 = arith.constant 128 : i32
    %add3A_422 = vector.broadcast %add3A_421 : i32 to vector<512x128xi32>
    %add3A_423 = arith.addi %iota3A_29, %add3A_422 : vector<512x128xi32>
    %select_n3A_424 = arith.select %gt3A_419, %add3A_423, %iota3A_29 : vector<512x128xi1>, vector<512x128xi32>
    %slice3A_425 = vector.extract_strided_slice %select_n3A_416 {offsets = [0, 256], sizes = [512, 128], strides = [1, 1]} : vector<512x2048xf32> to vector<512x128xf32>
    %gt3A_426 = arith.cmpf ogt, %slice3A_425, %max3A_420 : vector<512x128xf32>
    %max3A_427 = arith.maximumf %max3A_420, %slice3A_425 : vector<512x128xf32>
    %add3A_428 = arith.constant 256 : i32
    %add3A_429 = vector.broadcast %add3A_428 : i32 to vector<512x128xi32>
    %add3A_430 = arith.addi %iota3A_29, %add3A_429 : vector<512x128xi32>
    %select_n3A_431 = arith.select %gt3A_426, %add3A_430, %select_n3A_424 : vector<512x128xi1>, vector<512x128xi32>
    %slice3A_432 = vector.extract_strided_slice %select_n3A_416 {offsets = [0, 384], sizes = [512, 128], strides = [1, 1]} : vector<512x2048xf32> to vector<512x128xf32>
    %gt3A_433 = arith.cmpf ogt, %slice3A_432, %max3A_427 : vector<512x128xf32>
    %max3A_434 = arith.maximumf %max3A_427, %slice3A_432 : vector<512x128xf32>
    %add3A_435 = arith.constant 384 : i32
    %add3A_436 = vector.broadcast %add3A_435 : i32 to vector<512x128xi32>
    %add3A_437 = arith.addi %iota3A_29, %add3A_436 : vector<512x128xi32>
    %select_n3A_438 = arith.select %gt3A_433, %add3A_437, %select_n3A_431 : vector<512x128xi1>, vector<512x128xi32>
    %slice3A_439 = vector.extract_strided_slice %select_n3A_416 {offsets = [0, 512], sizes = [512, 128], strides = [1, 1]} : vector<512x2048xf32> to vector<512x128xf32>
    %gt3A_440 = arith.cmpf ogt, %slice3A_439, %max3A_434 : vector<512x128xf32>
    %max3A_441 = arith.maximumf %max3A_434, %slice3A_439 : vector<512x128xf32>
    %add3A_442 = arith.constant 512 : i32
    %add3A_443 = vector.broadcast %add3A_442 : i32 to vector<512x128xi32>
    %add3A_444 = arith.addi %iota3A_29, %add3A_443 : vector<512x128xi32>
    %select_n3A_445 = arith.select %gt3A_440, %add3A_444, %select_n3A_438 : vector<512x128xi1>, vector<512x128xi32>
    %slice3A_446 = vector.extract_strided_slice %select_n3A_416 {offsets = [0, 640], sizes = [512, 128], strides = [1, 1]} : vector<512x2048xf32> to vector<512x128xf32>
    %gt3A_447 = arith.cmpf ogt, %slice3A_446, %max3A_441 : vector<512x128xf32>
    %max3A_448 = arith.maximumf %max3A_441, %slice3A_446 : vector<512x128xf32>
    %add3A_449 = arith.constant 640 : i32
    %add3A_450 = vector.broadcast %add3A_449 : i32 to vector<512x128xi32>
    %add3A_451 = arith.addi %iota3A_29, %add3A_450 : vector<512x128xi32>
    %select_n3A_452 = arith.select %gt3A_447, %add3A_451, %select_n3A_445 : vector<512x128xi1>, vector<512x128xi32>
    %slice3A_453 = vector.extract_strided_slice %select_n3A_416 {offsets = [0, 768], sizes = [512, 128], strides = [1, 1]} : vector<512x2048xf32> to vector<512x128xf32>
    %gt3A_454 = arith.cmpf ogt, %slice3A_453, %max3A_448 : vector<512x128xf32>
    %max3A_455 = arith.maximumf %max3A_448, %slice3A_453 : vector<512x128xf32>
    %add3A_456 = arith.constant 768 : i32
    %add3A_457 = vector.broadcast %add3A_456 : i32 to vector<512x128xi32>
    %add3A_458 = arith.addi %iota3A_29, %add3A_457 : vector<512x128xi32>
    %select_n3A_459 = arith.select %gt3A_454, %add3A_458, %select_n3A_452 : vector<512x128xi1>, vector<512x128xi32>
    %slice3A_460 = vector.extract_strided_slice %select_n3A_416 {offsets = [0, 896], sizes = [512, 128], strides = [1, 1]} : vector<512x2048xf32> to vector<512x128xf32>
    %gt3A_461 = arith.cmpf ogt, %slice3A_460, %max3A_455 : vector<512x128xf32>
    %max3A_462 = arith.maximumf %max3A_455, %slice3A_460 : vector<512x128xf32>
    %add3A_463 = arith.constant 896 : i32
    %add3A_464 = vector.broadcast %add3A_463 : i32 to vector<512x128xi32>
    %add3A_465 = arith.addi %iota3A_29, %add3A_464 : vector<512x128xi32>
    %select_n3A_466 = arith.select %gt3A_461, %add3A_465, %select_n3A_459 : vector<512x128xi1>, vector<512x128xi32>
    %slice3A_467 = vector.extract_strided_slice %select_n3A_416 {offsets = [0, 1024], sizes = [512, 128], strides = [1, 1]} : vector<512x2048xf32> to vector<512x128xf32>
    %gt3A_468 = arith.cmpf ogt, %slice3A_467, %max3A_462 : vector<512x128xf32>
    %max3A_469 = arith.maximumf %max3A_462, %slice3A_467 : vector<512x128xf32>
    %add3A_470 = arith.constant 1024 : i32
    %add3A_471 = vector.broadcast %add3A_470 : i32 to vector<512x128xi32>
    %add3A_472 = arith.addi %iota3A_29, %add3A_471 : vector<512x128xi32>
    %select_n3A_473 = arith.select %gt3A_468, %add3A_472, %select_n3A_466 : vector<512x128xi1>, vector<512x128xi32>
    %slice3A_474 = vector.extract_strided_slice %select_n3A_416 {offsets = [0, 1152], sizes = [512, 128], strides = [1, 1]} : vector<512x2048xf32> to vector<512x128xf32>
    %gt3A_475 = arith.cmpf ogt, %slice3A_474, %max3A_469 : vector<512x128xf32>
    %max3A_476 = arith.maximumf %max3A_469, %slice3A_474 : vector<512x128xf32>
    %add3A_477 = arith.constant 1152 : i32
    %add3A_478 = vector.broadcast %add3A_477 : i32 to vector<512x128xi32>
    %add3A_479 = arith.addi %iota3A_29, %add3A_478 : vector<512x128xi32>
    %select_n3A_480 = arith.select %gt3A_475, %add3A_479, %select_n3A_473 : vector<512x128xi1>, vector<512x128xi32>
    %slice3A_481 = vector.extract_strided_slice %select_n3A_416 {offsets = [0, 1280], sizes = [512, 128], strides = [1, 1]} : vector<512x2048xf32> to vector<512x128xf32>
    %gt3A_482 = arith.cmpf ogt, %slice3A_481, %max3A_476 : vector<512x128xf32>
    %max3A_483 = arith.maximumf %max3A_476, %slice3A_481 : vector<512x128xf32>
    %add3A_484 = arith.constant 1280 : i32
    %add3A_485 = vector.broadcast %add3A_484 : i32 to vector<512x128xi32>
    %add3A_486 = arith.addi %iota3A_29, %add3A_485 : vector<512x128xi32>
    %select_n3A_487 = arith.select %gt3A_482, %add3A_486, %select_n3A_480 : vector<512x128xi1>, vector<512x128xi32>
    %slice3A_488 = vector.extract_strided_slice %select_n3A_416 {offsets = [0, 1408], sizes = [512, 128], strides = [1, 1]} : vector<512x2048xf32> to vector<512x128xf32>
    %gt3A_489 = arith.cmpf ogt, %slice3A_488, %max3A_483 : vector<512x128xf32>
    %max3A_490 = arith.maximumf %max3A_483, %slice3A_488 : vector<512x128xf32>
    %add3A_491 = arith.constant 1408 : i32
    %add3A_492 = vector.broadcast %add3A_491 : i32 to vector<512x128xi32>
    %add3A_493 = arith.addi %iota3A_29, %add3A_492 : vector<512x128xi32>
    %select_n3A_494 = arith.select %gt3A_489, %add3A_493, %select_n3A_487 : vector<512x128xi1>, vector<512x128xi32>
    %slice3A_495 = vector.extract_strided_slice %select_n3A_416 {offsets = [0, 1536], sizes = [512, 128], strides = [1, 1]} : vector<512x2048xf32> to vector<512x128xf32>
    %gt3A_496 = arith.cmpf ogt, %slice3A_495, %max3A_490 : vector<512x128xf32>
    %max3A_497 = arith.maximumf %max3A_490, %slice3A_495 : vector<512x128xf32>
    %add3A_498 = arith.constant 1536 : i32
    %add3A_499 = vector.broadcast %add3A_498 : i32 to vector<512x128xi32>
    %add3A_500 = arith.addi %iota3A_29, %add3A_499 : vector<512x128xi32>
    %select_n3A_501 = arith.select %gt3A_496, %add3A_500, %select_n3A_494 : vector<512x128xi1>, vector<512x128xi32>
    %slice3A_502 = vector.extract_strided_slice %select_n3A_416 {offsets = [0, 1664], sizes = [512, 128], strides = [1, 1]} : vector<512x2048xf32> to vector<512x128xf32>
    %gt3A_503 = arith.cmpf ogt, %slice3A_502, %max3A_497 : vector<512x128xf32>
    %max3A_504 = arith.maximumf %max3A_497, %slice3A_502 : vector<512x128xf32>
    %add3A_505 = arith.constant 1664 : i32
    %add3A_506 = vector.broadcast %add3A_505 : i32 to vector<512x128xi32>
    %add3A_507 = arith.addi %iota3A_29, %add3A_506 : vector<512x128xi32>
    %select_n3A_508 = arith.select %gt3A_503, %add3A_507, %select_n3A_501 : vector<512x128xi1>, vector<512x128xi32>
    %slice3A_509 = vector.extract_strided_slice %select_n3A_416 {offsets = [0, 1792], sizes = [512, 128], strides = [1, 1]} : vector<512x2048xf32> to vector<512x128xf32>
    %gt3A_510 = arith.cmpf ogt, %slice3A_509, %max3A_504 : vector<512x128xf32>
    %max3A_511 = arith.maximumf %max3A_504, %slice3A_509 : vector<512x128xf32>
    %add3A_512 = arith.constant 1792 : i32
    %add3A_513 = vector.broadcast %add3A_512 : i32 to vector<512x128xi32>
    %add3A_514 = arith.addi %iota3A_29, %add3A_513 : vector<512x128xi32>
    %select_n3A_515 = arith.select %gt3A_510, %add3A_514, %select_n3A_508 : vector<512x128xi1>, vector<512x128xi32>
    %slice3A_516 = vector.extract_strided_slice %select_n3A_416 {offsets = [0, 1920], sizes = [512, 128], strides = [1, 1]} : vector<512x2048xf32> to vector<512x128xf32>
    %gt3A_517 = arith.cmpf ogt, %slice3A_516, %max3A_511 : vector<512x128xf32>
    %max3A_518 = arith.maximumf %max3A_511, %slice3A_516 : vector<512x128xf32>
    %add3A_519 = arith.constant 1920 : i32
    %add3A_520 = vector.broadcast %add3A_519 : i32 to vector<512x128xi32>
    %add3A_521 = arith.addi %iota3A_29, %add3A_520 : vector<512x128xi32>
    %select_n3A_522 = arith.select %gt3A_517, %add3A_521, %select_n3A_515 : vector<512x128xi1>, vector<512x128xi32>
    %reduce_max3A_523 = arith.constant dense<0xFF800000> : vector<512xf32>
    %reduce_max3A_524 = vector.multi_reduction <maximumf>, %max3A_518, %reduce_max3A_523 [1] : vector<512x128xf32> to vector<512xf32>
    %broadcast_in_dim3A_525 = vector.shape_cast %reduce_max3A_524 : vector<512xf32> to vector<512x1xf32>
    %eq3A_526 = vector.broadcast %broadcast_in_dim3A_525 : vector<512x1xf32> to vector<512x128xf32>
    %eq3A_527 = arith.cmpf oeq, %max3A_518, %eq3A_526 : vector<512x128xf32>
    %jit3A_528 = arith.constant 2048 : i32
    %broadcast_in_dim3A_529 = vector.broadcast %jit3A_528 : i32 to vector<512x128xi32>
    %select_n3A_530 = arith.select %eq3A_527, %select_n3A_522, %broadcast_in_dim3A_529 : vector<512x128xi1>, vector<512x128xi32>
    %reduce_min3A_531 = arith.constant dense<2147483647> : vector<512xi32>
    %reduce_min3A_532 = vector.multi_reduction <minsi>, %select_n3A_530, %reduce_min3A_531 [1] : vector<512x128xi32> to vector<512xi32>
    %broadcast_in_dim3A_533 = vector.shape_cast %reduce_min3A_532 : vector<512xi32> to vector<512x1xi32>
    %eq3A_534 = arith.constant 4 : i32
    %eq3A_535 = vector.broadcast %eq3A_534 : i32 to vector<512x128xi32>
    %eq3A_536 = arith.cmpi eq, %iota3A_29, %eq3A_535 : vector<512x128xi32>
    %broadcast_in_dim3A_537 = vector.shape_cast %broadcast_in_dim3A_533 : vector<512x1xi32> to vector<512x1xi32>
    %broadcast_in_dim3A_538 = vector.broadcast %broadcast_in_dim3A_537 : vector<512x1xi32> to vector<512x128xi32>
    %select_n3A_539 = arith.select %eq3A_536, %broadcast_in_dim3A_538, %select_n3A_411 : vector<512x128xi1>, vector<512x128xi32>
    %eq3A_540 = vector.broadcast %broadcast_in_dim3A_533 : vector<512x1xi32> to vector<512x2048xi32>
    %eq3A_541 = arith.cmpi eq, %iota3A, %eq3A_540 : vector<512x2048xi32>
    %jit3A_542 = arith.constant -1.000000e+30 : f32
    %broadcast_in_dim3A_543 = vector.broadcast %jit3A_542 : f32 to vector<512x2048xf32>
    %select_n3A_544 = arith.select %eq3A_541, %broadcast_in_dim3A_543, %select_n3A_416 : vector<512x2048xi1>, vector<512x2048xf32>
    %slice3A_545 = vector.extract_strided_slice %select_n3A_544 {offsets = [0, 0], sizes = [512, 128], strides = [1, 1]} : vector<512x2048xf32> to vector<512x128xf32>
    %slice3A_546 = vector.extract_strided_slice %select_n3A_544 {offsets = [0, 128], sizes = [512, 128], strides = [1, 1]} : vector<512x2048xf32> to vector<512x128xf32>
    %gt3A_547 = arith.cmpf ogt, %slice3A_546, %slice3A_545 : vector<512x128xf32>
    %max3A_548 = arith.maximumf %slice3A_545, %slice3A_546 : vector<512x128xf32>
    %add3A_549 = arith.constant 128 : i32
    %add3A_550 = vector.broadcast %add3A_549 : i32 to vector<512x128xi32>
    %add3A_551 = arith.addi %iota3A_29, %add3A_550 : vector<512x128xi32>
    %select_n3A_552 = arith.select %gt3A_547, %add3A_551, %iota3A_29 : vector<512x128xi1>, vector<512x128xi32>
    %slice3A_553 = vector.extract_strided_slice %select_n3A_544 {offsets = [0, 256], sizes = [512, 128], strides = [1, 1]} : vector<512x2048xf32> to vector<512x128xf32>
    %gt3A_554 = arith.cmpf ogt, %slice3A_553, %max3A_548 : vector<512x128xf32>
    %max3A_555 = arith.maximumf %max3A_548, %slice3A_553 : vector<512x128xf32>
    %add3A_556 = arith.constant 256 : i32
    %add3A_557 = vector.broadcast %add3A_556 : i32 to vector<512x128xi32>
    %add3A_558 = arith.addi %iota3A_29, %add3A_557 : vector<512x128xi32>
    %select_n3A_559 = arith.select %gt3A_554, %add3A_558, %select_n3A_552 : vector<512x128xi1>, vector<512x128xi32>
    %slice3A_560 = vector.extract_strided_slice %select_n3A_544 {offsets = [0, 384], sizes = [512, 128], strides = [1, 1]} : vector<512x2048xf32> to vector<512x128xf32>
    %gt3A_561 = arith.cmpf ogt, %slice3A_560, %max3A_555 : vector<512x128xf32>
    %max3A_562 = arith.maximumf %max3A_555, %slice3A_560 : vector<512x128xf32>
    %add3A_563 = arith.constant 384 : i32
    %add3A_564 = vector.broadcast %add3A_563 : i32 to vector<512x128xi32>
    %add3A_565 = arith.addi %iota3A_29, %add3A_564 : vector<512x128xi32>
    %select_n3A_566 = arith.select %gt3A_561, %add3A_565, %select_n3A_559 : vector<512x128xi1>, vector<512x128xi32>
    %slice3A_567 = vector.extract_strided_slice %select_n3A_544 {offsets = [0, 512], sizes = [512, 128], strides = [1, 1]} : vector<512x2048xf32> to vector<512x128xf32>
    %gt3A_568 = arith.cmpf ogt, %slice3A_567, %max3A_562 : vector<512x128xf32>
    %max3A_569 = arith.maximumf %max3A_562, %slice3A_567 : vector<512x128xf32>
    %add3A_570 = arith.constant 512 : i32
    %add3A_571 = vector.broadcast %add3A_570 : i32 to vector<512x128xi32>
    %add3A_572 = arith.addi %iota3A_29, %add3A_571 : vector<512x128xi32>
    %select_n3A_573 = arith.select %gt3A_568, %add3A_572, %select_n3A_566 : vector<512x128xi1>, vector<512x128xi32>
    %slice3A_574 = vector.extract_strided_slice %select_n3A_544 {offsets = [0, 640], sizes = [512, 128], strides = [1, 1]} : vector<512x2048xf32> to vector<512x128xf32>
    %gt3A_575 = arith.cmpf ogt, %slice3A_574, %max3A_569 : vector<512x128xf32>
    %max3A_576 = arith.maximumf %max3A_569, %slice3A_574 : vector<512x128xf32>
    %add3A_577 = arith.constant 640 : i32
    %add3A_578 = vector.broadcast %add3A_577 : i32 to vector<512x128xi32>
    %add3A_579 = arith.addi %iota3A_29, %add3A_578 : vector<512x128xi32>
    %select_n3A_580 = arith.select %gt3A_575, %add3A_579, %select_n3A_573 : vector<512x128xi1>, vector<512x128xi32>
    %slice3A_581 = vector.extract_strided_slice %select_n3A_544 {offsets = [0, 768], sizes = [512, 128], strides = [1, 1]} : vector<512x2048xf32> to vector<512x128xf32>
    %gt3A_582 = arith.cmpf ogt, %slice3A_581, %max3A_576 : vector<512x128xf32>
    %max3A_583 = arith.maximumf %max3A_576, %slice3A_581 : vector<512x128xf32>
    %add3A_584 = arith.constant 768 : i32
    %add3A_585 = vector.broadcast %add3A_584 : i32 to vector<512x128xi32>
    %add3A_586 = arith.addi %iota3A_29, %add3A_585 : vector<512x128xi32>
    %select_n3A_587 = arith.select %gt3A_582, %add3A_586, %select_n3A_580 : vector<512x128xi1>, vector<512x128xi32>
    %slice3A_588 = vector.extract_strided_slice %select_n3A_544 {offsets = [0, 896], sizes = [512, 128], strides = [1, 1]} : vector<512x2048xf32> to vector<512x128xf32>
    %gt3A_589 = arith.cmpf ogt, %slice3A_588, %max3A_583 : vector<512x128xf32>
    %max3A_590 = arith.maximumf %max3A_583, %slice3A_588 : vector<512x128xf32>
    %add3A_591 = arith.constant 896 : i32
    %add3A_592 = vector.broadcast %add3A_591 : i32 to vector<512x128xi32>
    %add3A_593 = arith.addi %iota3A_29, %add3A_592 : vector<512x128xi32>
    %select_n3A_594 = arith.select %gt3A_589, %add3A_593, %select_n3A_587 : vector<512x128xi1>, vector<512x128xi32>
    %slice3A_595 = vector.extract_strided_slice %select_n3A_544 {offsets = [0, 1024], sizes = [512, 128], strides = [1, 1]} : vector<512x2048xf32> to vector<512x128xf32>
    %gt3A_596 = arith.cmpf ogt, %slice3A_595, %max3A_590 : vector<512x128xf32>
    %max3A_597 = arith.maximumf %max3A_590, %slice3A_595 : vector<512x128xf32>
    %add3A_598 = arith.constant 1024 : i32
    %add3A_599 = vector.broadcast %add3A_598 : i32 to vector<512x128xi32>
    %add3A_600 = arith.addi %iota3A_29, %add3A_599 : vector<512x128xi32>
    %select_n3A_601 = arith.select %gt3A_596, %add3A_600, %select_n3A_594 : vector<512x128xi1>, vector<512x128xi32>
    %slice3A_602 = vector.extract_strided_slice %select_n3A_544 {offsets = [0, 1152], sizes = [512, 128], strides = [1, 1]} : vector<512x2048xf32> to vector<512x128xf32>
    %gt3A_603 = arith.cmpf ogt, %slice3A_602, %max3A_597 : vector<512x128xf32>
    %max3A_604 = arith.maximumf %max3A_597, %slice3A_602 : vector<512x128xf32>
    %add3A_605 = arith.constant 1152 : i32
    %add3A_606 = vector.broadcast %add3A_605 : i32 to vector<512x128xi32>
    %add3A_607 = arith.addi %iota3A_29, %add3A_606 : vector<512x128xi32>
    %select_n3A_608 = arith.select %gt3A_603, %add3A_607, %select_n3A_601 : vector<512x128xi1>, vector<512x128xi32>
    %slice3A_609 = vector.extract_strided_slice %select_n3A_544 {offsets = [0, 1280], sizes = [512, 128], strides = [1, 1]} : vector<512x2048xf32> to vector<512x128xf32>
    %gt3A_610 = arith.cmpf ogt, %slice3A_609, %max3A_604 : vector<512x128xf32>
    %max3A_611 = arith.maximumf %max3A_604, %slice3A_609 : vector<512x128xf32>
    %add3A_612 = arith.constant 1280 : i32
    %add3A_613 = vector.broadcast %add3A_612 : i32 to vector<512x128xi32>
    %add3A_614 = arith.addi %iota3A_29, %add3A_613 : vector<512x128xi32>
    %select_n3A_615 = arith.select %gt3A_610, %add3A_614, %select_n3A_608 : vector<512x128xi1>, vector<512x128xi32>
    %slice3A_616 = vector.extract_strided_slice %select_n3A_544 {offsets = [0, 1408], sizes = [512, 128], strides = [1, 1]} : vector<512x2048xf32> to vector<512x128xf32>
    %gt3A_617 = arith.cmpf ogt, %slice3A_616, %max3A_611 : vector<512x128xf32>
    %max3A_618 = arith.maximumf %max3A_611, %slice3A_616 : vector<512x128xf32>
    %add3A_619 = arith.constant 1408 : i32
    %add3A_620 = vector.broadcast %add3A_619 : i32 to vector<512x128xi32>
    %add3A_621 = arith.addi %iota3A_29, %add3A_620 : vector<512x128xi32>
    %select_n3A_622 = arith.select %gt3A_617, %add3A_621, %select_n3A_615 : vector<512x128xi1>, vector<512x128xi32>
    %slice3A_623 = vector.extract_strided_slice %select_n3A_544 {offsets = [0, 1536], sizes = [512, 128], strides = [1, 1]} : vector<512x2048xf32> to vector<512x128xf32>
    %gt3A_624 = arith.cmpf ogt, %slice3A_623, %max3A_618 : vector<512x128xf32>
    %max3A_625 = arith.maximumf %max3A_618, %slice3A_623 : vector<512x128xf32>
    %add3A_626 = arith.constant 1536 : i32
    %add3A_627 = vector.broadcast %add3A_626 : i32 to vector<512x128xi32>
    %add3A_628 = arith.addi %iota3A_29, %add3A_627 : vector<512x128xi32>
    %select_n3A_629 = arith.select %gt3A_624, %add3A_628, %select_n3A_622 : vector<512x128xi1>, vector<512x128xi32>
    %slice3A_630 = vector.extract_strided_slice %select_n3A_544 {offsets = [0, 1664], sizes = [512, 128], strides = [1, 1]} : vector<512x2048xf32> to vector<512x128xf32>
    %gt3A_631 = arith.cmpf ogt, %slice3A_630, %max3A_625 : vector<512x128xf32>
    %max3A_632 = arith.maximumf %max3A_625, %slice3A_630 : vector<512x128xf32>
    %add3A_633 = arith.constant 1664 : i32
    %add3A_634 = vector.broadcast %add3A_633 : i32 to vector<512x128xi32>
    %add3A_635 = arith.addi %iota3A_29, %add3A_634 : vector<512x128xi32>
    %select_n3A_636 = arith.select %gt3A_631, %add3A_635, %select_n3A_629 : vector<512x128xi1>, vector<512x128xi32>
    %slice3A_637 = vector.extract_strided_slice %select_n3A_544 {offsets = [0, 1792], sizes = [512, 128], strides = [1, 1]} : vector<512x2048xf32> to vector<512x128xf32>
    %gt3A_638 = arith.cmpf ogt, %slice3A_637, %max3A_632 : vector<512x128xf32>
    %max3A_639 = arith.maximumf %max3A_632, %slice3A_637 : vector<512x128xf32>
    %add3A_640 = arith.constant 1792 : i32
    %add3A_641 = vector.broadcast %add3A_640 : i32 to vector<512x128xi32>
    %add3A_642 = arith.addi %iota3A_29, %add3A_641 : vector<512x128xi32>
    %select_n3A_643 = arith.select %gt3A_638, %add3A_642, %select_n3A_636 : vector<512x128xi1>, vector<512x128xi32>
    %slice3A_644 = vector.extract_strided_slice %select_n3A_544 {offsets = [0, 1920], sizes = [512, 128], strides = [1, 1]} : vector<512x2048xf32> to vector<512x128xf32>
    %gt3A_645 = arith.cmpf ogt, %slice3A_644, %max3A_639 : vector<512x128xf32>
    %max3A_646 = arith.maximumf %max3A_639, %slice3A_644 : vector<512x128xf32>
    %add3A_647 = arith.constant 1920 : i32
    %add3A_648 = vector.broadcast %add3A_647 : i32 to vector<512x128xi32>
    %add3A_649 = arith.addi %iota3A_29, %add3A_648 : vector<512x128xi32>
    %select_n3A_650 = arith.select %gt3A_645, %add3A_649, %select_n3A_643 : vector<512x128xi1>, vector<512x128xi32>
    %reduce_max3A_651 = arith.constant dense<0xFF800000> : vector<512xf32>
    %reduce_max3A_652 = vector.multi_reduction <maximumf>, %max3A_646, %reduce_max3A_651 [1] : vector<512x128xf32> to vector<512xf32>
    %broadcast_in_dim3A_653 = vector.shape_cast %reduce_max3A_652 : vector<512xf32> to vector<512x1xf32>
    %eq3A_654 = vector.broadcast %broadcast_in_dim3A_653 : vector<512x1xf32> to vector<512x128xf32>
    %eq3A_655 = arith.cmpf oeq, %max3A_646, %eq3A_654 : vector<512x128xf32>
    %jit3A_656 = arith.constant 2048 : i32
    %broadcast_in_dim3A_657 = vector.broadcast %jit3A_656 : i32 to vector<512x128xi32>
    %select_n3A_658 = arith.select %eq3A_655, %select_n3A_650, %broadcast_in_dim3A_657 : vector<512x128xi1>, vector<512x128xi32>
    %reduce_min3A_659 = arith.constant dense<2147483647> : vector<512xi32>
    %reduce_min3A_660 = vector.multi_reduction <minsi>, %select_n3A_658, %reduce_min3A_659 [1] : vector<512x128xi32> to vector<512xi32>
    %broadcast_in_dim3A_661 = vector.shape_cast %reduce_min3A_660 : vector<512xi32> to vector<512x1xi32>
    %eq3A_662 = arith.constant 5 : i32
    %eq3A_663 = vector.broadcast %eq3A_662 : i32 to vector<512x128xi32>
    %eq3A_664 = arith.cmpi eq, %iota3A_29, %eq3A_663 : vector<512x128xi32>
    %broadcast_in_dim3A_665 = vector.shape_cast %broadcast_in_dim3A_661 : vector<512x1xi32> to vector<512x1xi32>
    %broadcast_in_dim3A_666 = vector.broadcast %broadcast_in_dim3A_665 : vector<512x1xi32> to vector<512x128xi32>
    %select_n3A_667 = arith.select %eq3A_664, %broadcast_in_dim3A_666, %select_n3A_539 : vector<512x128xi1>, vector<512x128xi32>
    %eq3A_668 = vector.broadcast %broadcast_in_dim3A_661 : vector<512x1xi32> to vector<512x2048xi32>
    %eq3A_669 = arith.cmpi eq, %iota3A, %eq3A_668 : vector<512x2048xi32>
    %jit3A_670 = arith.constant -1.000000e+30 : f32
    %broadcast_in_dim3A_671 = vector.broadcast %jit3A_670 : f32 to vector<512x2048xf32>
    %select_n3A_672 = arith.select %eq3A_669, %broadcast_in_dim3A_671, %select_n3A_544 : vector<512x2048xi1>, vector<512x2048xf32>
    %slice3A_673 = vector.extract_strided_slice %select_n3A_672 {offsets = [0, 0], sizes = [512, 128], strides = [1, 1]} : vector<512x2048xf32> to vector<512x128xf32>
    %slice3A_674 = vector.extract_strided_slice %select_n3A_672 {offsets = [0, 128], sizes = [512, 128], strides = [1, 1]} : vector<512x2048xf32> to vector<512x128xf32>
    %gt3A_675 = arith.cmpf ogt, %slice3A_674, %slice3A_673 : vector<512x128xf32>
    %max3A_676 = arith.maximumf %slice3A_673, %slice3A_674 : vector<512x128xf32>
    %add3A_677 = arith.constant 128 : i32
    %add3A_678 = vector.broadcast %add3A_677 : i32 to vector<512x128xi32>
    %add3A_679 = arith.addi %iota3A_29, %add3A_678 : vector<512x128xi32>
    %select_n3A_680 = arith.select %gt3A_675, %add3A_679, %iota3A_29 : vector<512x128xi1>, vector<512x128xi32>
    %slice3A_681 = vector.extract_strided_slice %select_n3A_672 {offsets = [0, 256], sizes = [512, 128], strides = [1, 1]} : vector<512x2048xf32> to vector<512x128xf32>
    %gt3A_682 = arith.cmpf ogt, %slice3A_681, %max3A_676 : vector<512x128xf32>
    %max3A_683 = arith.maximumf %max3A_676, %slice3A_681 : vector<512x128xf32>
    %add3A_684 = arith.constant 256 : i32
    %add3A_685 = vector.broadcast %add3A_684 : i32 to vector<512x128xi32>
    %add3A_686 = arith.addi %iota3A_29, %add3A_685 : vector<512x128xi32>
    %select_n3A_687 = arith.select %gt3A_682, %add3A_686, %select_n3A_680 : vector<512x128xi1>, vector<512x128xi32>
    %slice3A_688 = vector.extract_strided_slice %select_n3A_672 {offsets = [0, 384], sizes = [512, 128], strides = [1, 1]} : vector<512x2048xf32> to vector<512x128xf32>
    %gt3A_689 = arith.cmpf ogt, %slice3A_688, %max3A_683 : vector<512x128xf32>
    %max3A_690 = arith.maximumf %max3A_683, %slice3A_688 : vector<512x128xf32>
    %add3A_691 = arith.constant 384 : i32
    %add3A_692 = vector.broadcast %add3A_691 : i32 to vector<512x128xi32>
    %add3A_693 = arith.addi %iota3A_29, %add3A_692 : vector<512x128xi32>
    %select_n3A_694 = arith.select %gt3A_689, %add3A_693, %select_n3A_687 : vector<512x128xi1>, vector<512x128xi32>
    %slice3A_695 = vector.extract_strided_slice %select_n3A_672 {offsets = [0, 512], sizes = [512, 128], strides = [1, 1]} : vector<512x2048xf32> to vector<512x128xf32>
    %gt3A_696 = arith.cmpf ogt, %slice3A_695, %max3A_690 : vector<512x128xf32>
    %max3A_697 = arith.maximumf %max3A_690, %slice3A_695 : vector<512x128xf32>
    %add3A_698 = arith.constant 512 : i32
    %add3A_699 = vector.broadcast %add3A_698 : i32 to vector<512x128xi32>
    %add3A_700 = arith.addi %iota3A_29, %add3A_699 : vector<512x128xi32>
    %select_n3A_701 = arith.select %gt3A_696, %add3A_700, %select_n3A_694 : vector<512x128xi1>, vector<512x128xi32>
    %slice3A_702 = vector.extract_strided_slice %select_n3A_672 {offsets = [0, 640], sizes = [512, 128], strides = [1, 1]} : vector<512x2048xf32> to vector<512x128xf32>
    %gt3A_703 = arith.cmpf ogt, %slice3A_702, %max3A_697 : vector<512x128xf32>
    %max3A_704 = arith.maximumf %max3A_697, %slice3A_702 : vector<512x128xf32>
    %add3A_705 = arith.constant 640 : i32
    %add3A_706 = vector.broadcast %add3A_705 : i32 to vector<512x128xi32>
    %add3A_707 = arith.addi %iota3A_29, %add3A_706 : vector<512x128xi32>
    %select_n3A_708 = arith.select %gt3A_703, %add3A_707, %select_n3A_701 : vector<512x128xi1>, vector<512x128xi32>
    %slice3A_709 = vector.extract_strided_slice %select_n3A_672 {offsets = [0, 768], sizes = [512, 128], strides = [1, 1]} : vector<512x2048xf32> to vector<512x128xf32>
    %gt3A_710 = arith.cmpf ogt, %slice3A_709, %max3A_704 : vector<512x128xf32>
    %max3A_711 = arith.maximumf %max3A_704, %slice3A_709 : vector<512x128xf32>
    %add3A_712 = arith.constant 768 : i32
    %add3A_713 = vector.broadcast %add3A_712 : i32 to vector<512x128xi32>
    %add3A_714 = arith.addi %iota3A_29, %add3A_713 : vector<512x128xi32>
    %select_n3A_715 = arith.select %gt3A_710, %add3A_714, %select_n3A_708 : vector<512x128xi1>, vector<512x128xi32>
    %slice3A_716 = vector.extract_strided_slice %select_n3A_672 {offsets = [0, 896], sizes = [512, 128], strides = [1, 1]} : vector<512x2048xf32> to vector<512x128xf32>
    %gt3A_717 = arith.cmpf ogt, %slice3A_716, %max3A_711 : vector<512x128xf32>
    %max3A_718 = arith.maximumf %max3A_711, %slice3A_716 : vector<512x128xf32>
    %add3A_719 = arith.constant 896 : i32
    %add3A_720 = vector.broadcast %add3A_719 : i32 to vector<512x128xi32>
    %add3A_721 = arith.addi %iota3A_29, %add3A_720 : vector<512x128xi32>
    %select_n3A_722 = arith.select %gt3A_717, %add3A_721, %select_n3A_715 : vector<512x128xi1>, vector<512x128xi32>
    %slice3A_723 = vector.extract_strided_slice %select_n3A_672 {offsets = [0, 1024], sizes = [512, 128], strides = [1, 1]} : vector<512x2048xf32> to vector<512x128xf32>
    %gt3A_724 = arith.cmpf ogt, %slice3A_723, %max3A_718 : vector<512x128xf32>
    %max3A_725 = arith.maximumf %max3A_718, %slice3A_723 : vector<512x128xf32>
    %add3A_726 = arith.constant 1024 : i32
    %add3A_727 = vector.broadcast %add3A_726 : i32 to vector<512x128xi32>
    %add3A_728 = arith.addi %iota3A_29, %add3A_727 : vector<512x128xi32>
    %select_n3A_729 = arith.select %gt3A_724, %add3A_728, %select_n3A_722 : vector<512x128xi1>, vector<512x128xi32>
    %slice3A_730 = vector.extract_strided_slice %select_n3A_672 {offsets = [0, 1152], sizes = [512, 128], strides = [1, 1]} : vector<512x2048xf32> to vector<512x128xf32>
    %gt3A_731 = arith.cmpf ogt, %slice3A_730, %max3A_725 : vector<512x128xf32>
    %max3A_732 = arith.maximumf %max3A_725, %slice3A_730 : vector<512x128xf32>
    %add3A_733 = arith.constant 1152 : i32
    %add3A_734 = vector.broadcast %add3A_733 : i32 to vector<512x128xi32>
    %add3A_735 = arith.addi %iota3A_29, %add3A_734 : vector<512x128xi32>
    %select_n3A_736 = arith.select %gt3A_731, %add3A_735, %select_n3A_729 : vector<512x128xi1>, vector<512x128xi32>
    %slice3A_737 = vector.extract_strided_slice %select_n3A_672 {offsets = [0, 1280], sizes = [512, 128], strides = [1, 1]} : vector<512x2048xf32> to vector<512x128xf32>
    %gt3A_738 = arith.cmpf ogt, %slice3A_737, %max3A_732 : vector<512x128xf32>
    %max3A_739 = arith.maximumf %max3A_732, %slice3A_737 : vector<512x128xf32>
    %add3A_740 = arith.constant 1280 : i32
    %add3A_741 = vector.broadcast %add3A_740 : i32 to vector<512x128xi32>
    %add3A_742 = arith.addi %iota3A_29, %add3A_741 : vector<512x128xi32>
    %select_n3A_743 = arith.select %gt3A_738, %add3A_742, %select_n3A_736 : vector<512x128xi1>, vector<512x128xi32>
    %slice3A_744 = vector.extract_strided_slice %select_n3A_672 {offsets = [0, 1408], sizes = [512, 128], strides = [1, 1]} : vector<512x2048xf32> to vector<512x128xf32>
    %gt3A_745 = arith.cmpf ogt, %slice3A_744, %max3A_739 : vector<512x128xf32>
    %max3A_746 = arith.maximumf %max3A_739, %slice3A_744 : vector<512x128xf32>
    %add3A_747 = arith.constant 1408 : i32
    %add3A_748 = vector.broadcast %add3A_747 : i32 to vector<512x128xi32>
    %add3A_749 = arith.addi %iota3A_29, %add3A_748 : vector<512x128xi32>
    %select_n3A_750 = arith.select %gt3A_745, %add3A_749, %select_n3A_743 : vector<512x128xi1>, vector<512x128xi32>
    %slice3A_751 = vector.extract_strided_slice %select_n3A_672 {offsets = [0, 1536], sizes = [512, 128], strides = [1, 1]} : vector<512x2048xf32> to vector<512x128xf32>
    %gt3A_752 = arith.cmpf ogt, %slice3A_751, %max3A_746 : vector<512x128xf32>
    %max3A_753 = arith.maximumf %max3A_746, %slice3A_751 : vector<512x128xf32>
    %add3A_754 = arith.constant 1536 : i32
    %add3A_755 = vector.broadcast %add3A_754 : i32 to vector<512x128xi32>
    %add3A_756 = arith.addi %iota3A_29, %add3A_755 : vector<512x128xi32>
    %select_n3A_757 = arith.select %gt3A_752, %add3A_756, %select_n3A_750 : vector<512x128xi1>, vector<512x128xi32>
    %slice3A_758 = vector.extract_strided_slice %select_n3A_672 {offsets = [0, 1664], sizes = [512, 128], strides = [1, 1]} : vector<512x2048xf32> to vector<512x128xf32>
    %gt3A_759 = arith.cmpf ogt, %slice3A_758, %max3A_753 : vector<512x128xf32>
    %max3A_760 = arith.maximumf %max3A_753, %slice3A_758 : vector<512x128xf32>
    %add3A_761 = arith.constant 1664 : i32
    %add3A_762 = vector.broadcast %add3A_761 : i32 to vector<512x128xi32>
    %add3A_763 = arith.addi %iota3A_29, %add3A_762 : vector<512x128xi32>
    %select_n3A_764 = arith.select %gt3A_759, %add3A_763, %select_n3A_757 : vector<512x128xi1>, vector<512x128xi32>
    %slice3A_765 = vector.extract_strided_slice %select_n3A_672 {offsets = [0, 1792], sizes = [512, 128], strides = [1, 1]} : vector<512x2048xf32> to vector<512x128xf32>
    %gt3A_766 = arith.cmpf ogt, %slice3A_765, %max3A_760 : vector<512x128xf32>
    %max3A_767 = arith.maximumf %max3A_760, %slice3A_765 : vector<512x128xf32>
    %add3A_768 = arith.constant 1792 : i32
    %add3A_769 = vector.broadcast %add3A_768 : i32 to vector<512x128xi32>
    %add3A_770 = arith.addi %iota3A_29, %add3A_769 : vector<512x128xi32>
    %select_n3A_771 = arith.select %gt3A_766, %add3A_770, %select_n3A_764 : vector<512x128xi1>, vector<512x128xi32>
    %slice3A_772 = vector.extract_strided_slice %select_n3A_672 {offsets = [0, 1920], sizes = [512, 128], strides = [1, 1]} : vector<512x2048xf32> to vector<512x128xf32>
    %gt3A_773 = arith.cmpf ogt, %slice3A_772, %max3A_767 : vector<512x128xf32>
    %max3A_774 = arith.maximumf %max3A_767, %slice3A_772 : vector<512x128xf32>
    %add3A_775 = arith.constant 1920 : i32
    %add3A_776 = vector.broadcast %add3A_775 : i32 to vector<512x128xi32>
    %add3A_777 = arith.addi %iota3A_29, %add3A_776 : vector<512x128xi32>
    %select_n3A_778 = arith.select %gt3A_773, %add3A_777, %select_n3A_771 : vector<512x128xi1>, vector<512x128xi32>
    %reduce_max3A_779 = arith.constant dense<0xFF800000> : vector<512xf32>
    %reduce_max3A_780 = vector.multi_reduction <maximumf>, %max3A_774, %reduce_max3A_779 [1] : vector<512x128xf32> to vector<512xf32>
    %broadcast_in_dim3A_781 = vector.shape_cast %reduce_max3A_780 : vector<512xf32> to vector<512x1xf32>
    %eq3A_782 = vector.broadcast %broadcast_in_dim3A_781 : vector<512x1xf32> to vector<512x128xf32>
    %eq3A_783 = arith.cmpf oeq, %max3A_774, %eq3A_782 : vector<512x128xf32>
    %jit3A_784 = arith.constant 2048 : i32
    %broadcast_in_dim3A_785 = vector.broadcast %jit3A_784 : i32 to vector<512x128xi32>
    %select_n3A_786 = arith.select %eq3A_783, %select_n3A_778, %broadcast_in_dim3A_785 : vector<512x128xi1>, vector<512x128xi32>
    %reduce_min3A_787 = arith.constant dense<2147483647> : vector<512xi32>
    %reduce_min3A_788 = vector.multi_reduction <minsi>, %select_n3A_786, %reduce_min3A_787 [1] : vector<512x128xi32> to vector<512xi32>
    %broadcast_in_dim3A_789 = vector.shape_cast %reduce_min3A_788 : vector<512xi32> to vector<512x1xi32>
    %eq3A_790 = arith.constant 6 : i32
    %eq3A_791 = vector.broadcast %eq3A_790 : i32 to vector<512x128xi32>
    %eq3A_792 = arith.cmpi eq, %iota3A_29, %eq3A_791 : vector<512x128xi32>
    %broadcast_in_dim3A_793 = vector.shape_cast %broadcast_in_dim3A_789 : vector<512x1xi32> to vector<512x1xi32>
    %broadcast_in_dim3A_794 = vector.broadcast %broadcast_in_dim3A_793 : vector<512x1xi32> to vector<512x128xi32>
    %select_n3A_795 = arith.select %eq3A_792, %broadcast_in_dim3A_794, %select_n3A_667 : vector<512x128xi1>, vector<512x128xi32>
    %eq3A_796 = vector.broadcast %broadcast_in_dim3A_789 : vector<512x1xi32> to vector<512x2048xi32>
    %eq3A_797 = arith.cmpi eq, %iota3A, %eq3A_796 : vector<512x2048xi32>
    %jit3A_798 = arith.constant -1.000000e+30 : f32
    %broadcast_in_dim3A_799 = vector.broadcast %jit3A_798 : f32 to vector<512x2048xf32>
    %select_n3A_800 = arith.select %eq3A_797, %broadcast_in_dim3A_799, %select_n3A_672 : vector<512x2048xi1>, vector<512x2048xf32>
    %slice3A_801 = vector.extract_strided_slice %select_n3A_800 {offsets = [0, 0], sizes = [512, 128], strides = [1, 1]} : vector<512x2048xf32> to vector<512x128xf32>
    %slice3A_802 = vector.extract_strided_slice %select_n3A_800 {offsets = [0, 128], sizes = [512, 128], strides = [1, 1]} : vector<512x2048xf32> to vector<512x128xf32>
    %gt3A_803 = arith.cmpf ogt, %slice3A_802, %slice3A_801 : vector<512x128xf32>
    %max3A_804 = arith.maximumf %slice3A_801, %slice3A_802 : vector<512x128xf32>
    %add3A_805 = arith.constant 128 : i32
    %add3A_806 = vector.broadcast %add3A_805 : i32 to vector<512x128xi32>
    %add3A_807 = arith.addi %iota3A_29, %add3A_806 : vector<512x128xi32>
    %select_n3A_808 = arith.select %gt3A_803, %add3A_807, %iota3A_29 : vector<512x128xi1>, vector<512x128xi32>
    %slice3A_809 = vector.extract_strided_slice %select_n3A_800 {offsets = [0, 256], sizes = [512, 128], strides = [1, 1]} : vector<512x2048xf32> to vector<512x128xf32>
    %gt3A_810 = arith.cmpf ogt, %slice3A_809, %max3A_804 : vector<512x128xf32>
    %max3A_811 = arith.maximumf %max3A_804, %slice3A_809 : vector<512x128xf32>
    %add3A_812 = arith.constant 256 : i32
    %add3A_813 = vector.broadcast %add3A_812 : i32 to vector<512x128xi32>
    %add3A_814 = arith.addi %iota3A_29, %add3A_813 : vector<512x128xi32>
    %select_n3A_815 = arith.select %gt3A_810, %add3A_814, %select_n3A_808 : vector<512x128xi1>, vector<512x128xi32>
    %slice3A_816 = vector.extract_strided_slice %select_n3A_800 {offsets = [0, 384], sizes = [512, 128], strides = [1, 1]} : vector<512x2048xf32> to vector<512x128xf32>
    %gt3A_817 = arith.cmpf ogt, %slice3A_816, %max3A_811 : vector<512x128xf32>
    %max3A_818 = arith.maximumf %max3A_811, %slice3A_816 : vector<512x128xf32>
    %add3A_819 = arith.constant 384 : i32
    %add3A_820 = vector.broadcast %add3A_819 : i32 to vector<512x128xi32>
    %add3A_821 = arith.addi %iota3A_29, %add3A_820 : vector<512x128xi32>
    %select_n3A_822 = arith.select %gt3A_817, %add3A_821, %select_n3A_815 : vector<512x128xi1>, vector<512x128xi32>
    %slice3A_823 = vector.extract_strided_slice %select_n3A_800 {offsets = [0, 512], sizes = [512, 128], strides = [1, 1]} : vector<512x2048xf32> to vector<512x128xf32>
    %gt3A_824 = arith.cmpf ogt, %slice3A_823, %max3A_818 : vector<512x128xf32>
    %max3A_825 = arith.maximumf %max3A_818, %slice3A_823 : vector<512x128xf32>
    %add3A_826 = arith.constant 512 : i32
    %add3A_827 = vector.broadcast %add3A_826 : i32 to vector<512x128xi32>
    %add3A_828 = arith.addi %iota3A_29, %add3A_827 : vector<512x128xi32>
    %select_n3A_829 = arith.select %gt3A_824, %add3A_828, %select_n3A_822 : vector<512x128xi1>, vector<512x128xi32>
    %slice3A_830 = vector.extract_strided_slice %select_n3A_800 {offsets = [0, 640], sizes = [512, 128], strides = [1, 1]} : vector<512x2048xf32> to vector<512x128xf32>
    %gt3A_831 = arith.cmpf ogt, %slice3A_830, %max3A_825 : vector<512x128xf32>
    %max3A_832 = arith.maximumf %max3A_825, %slice3A_830 : vector<512x128xf32>
    %add3A_833 = arith.constant 640 : i32
    %add3A_834 = vector.broadcast %add3A_833 : i32 to vector<512x128xi32>
    %add3A_835 = arith.addi %iota3A_29, %add3A_834 : vector<512x128xi32>
    %select_n3A_836 = arith.select %gt3A_831, %add3A_835, %select_n3A_829 : vector<512x128xi1>, vector<512x128xi32>
    %slice3A_837 = vector.extract_strided_slice %select_n3A_800 {offsets = [0, 768], sizes = [512, 128], strides = [1, 1]} : vector<512x2048xf32> to vector<512x128xf32>
    %gt3A_838 = arith.cmpf ogt, %slice3A_837, %max3A_832 : vector<512x128xf32>
    %max3A_839 = arith.maximumf %max3A_832, %slice3A_837 : vector<512x128xf32>
    %add3A_840 = arith.constant 768 : i32
    %add3A_841 = vector.broadcast %add3A_840 : i32 to vector<512x128xi32>
    %add3A_842 = arith.addi %iota3A_29, %add3A_841 : vector<512x128xi32>
    %select_n3A_843 = arith.select %gt3A_838, %add3A_842, %select_n3A_836 : vector<512x128xi1>, vector<512x128xi32>
    %slice3A_844 = vector.extract_strided_slice %select_n3A_800 {offsets = [0, 896], sizes = [512, 128], strides = [1, 1]} : vector<512x2048xf32> to vector<512x128xf32>
    %gt3A_845 = arith.cmpf ogt, %slice3A_844, %max3A_839 : vector<512x128xf32>
    %max3A_846 = arith.maximumf %max3A_839, %slice3A_844 : vector<512x128xf32>
    %add3A_847 = arith.constant 896 : i32
    %add3A_848 = vector.broadcast %add3A_847 : i32 to vector<512x128xi32>
    %add3A_849 = arith.addi %iota3A_29, %add3A_848 : vector<512x128xi32>
    %select_n3A_850 = arith.select %gt3A_845, %add3A_849, %select_n3A_843 : vector<512x128xi1>, vector<512x128xi32>
    %slice3A_851 = vector.extract_strided_slice %select_n3A_800 {offsets = [0, 1024], sizes = [512, 128], strides = [1, 1]} : vector<512x2048xf32> to vector<512x128xf32>
    %gt3A_852 = arith.cmpf ogt, %slice3A_851, %max3A_846 : vector<512x128xf32>
    %max3A_853 = arith.maximumf %max3A_846, %slice3A_851 : vector<512x128xf32>
    %add3A_854 = arith.constant 1024 : i32
    %add3A_855 = vector.broadcast %add3A_854 : i32 to vector<512x128xi32>
    %add3A_856 = arith.addi %iota3A_29, %add3A_855 : vector<512x128xi32>
    %select_n3A_857 = arith.select %gt3A_852, %add3A_856, %select_n3A_850 : vector<512x128xi1>, vector<512x128xi32>
    %slice3A_858 = vector.extract_strided_slice %select_n3A_800 {offsets = [0, 1152], sizes = [512, 128], strides = [1, 1]} : vector<512x2048xf32> to vector<512x128xf32>
    %gt3A_859 = arith.cmpf ogt, %slice3A_858, %max3A_853 : vector<512x128xf32>
    %max3A_860 = arith.maximumf %max3A_853, %slice3A_858 : vector<512x128xf32>
    %add3A_861 = arith.constant 1152 : i32
    %add3A_862 = vector.broadcast %add3A_861 : i32 to vector<512x128xi32>
    %add3A_863 = arith.addi %iota3A_29, %add3A_862 : vector<512x128xi32>
    %select_n3A_864 = arith.select %gt3A_859, %add3A_863, %select_n3A_857 : vector<512x128xi1>, vector<512x128xi32>
    %slice3A_865 = vector.extract_strided_slice %select_n3A_800 {offsets = [0, 1280], sizes = [512, 128], strides = [1, 1]} : vector<512x2048xf32> to vector<512x128xf32>
    %gt3A_866 = arith.cmpf ogt, %slice3A_865, %max3A_860 : vector<512x128xf32>
    %max3A_867 = arith.maximumf %max3A_860, %slice3A_865 : vector<512x128xf32>
    %add3A_868 = arith.constant 1280 : i32
    %add3A_869 = vector.broadcast %add3A_868 : i32 to vector<512x128xi32>
    %add3A_870 = arith.addi %iota3A_29, %add3A_869 : vector<512x128xi32>
    %select_n3A_871 = arith.select %gt3A_866, %add3A_870, %select_n3A_864 : vector<512x128xi1>, vector<512x128xi32>
    %slice3A_872 = vector.extract_strided_slice %select_n3A_800 {offsets = [0, 1408], sizes = [512, 128], strides = [1, 1]} : vector<512x2048xf32> to vector<512x128xf32>
    %gt3A_873 = arith.cmpf ogt, %slice3A_872, %max3A_867 : vector<512x128xf32>
    %max3A_874 = arith.maximumf %max3A_867, %slice3A_872 : vector<512x128xf32>
    %add3A_875 = arith.constant 1408 : i32
    %add3A_876 = vector.broadcast %add3A_875 : i32 to vector<512x128xi32>
    %add3A_877 = arith.addi %iota3A_29, %add3A_876 : vector<512x128xi32>
    %select_n3A_878 = arith.select %gt3A_873, %add3A_877, %select_n3A_871 : vector<512x128xi1>, vector<512x128xi32>
    %slice3A_879 = vector.extract_strided_slice %select_n3A_800 {offsets = [0, 1536], sizes = [512, 128], strides = [1, 1]} : vector<512x2048xf32> to vector<512x128xf32>
    %gt3A_880 = arith.cmpf ogt, %slice3A_879, %max3A_874 : vector<512x128xf32>
    %max3A_881 = arith.maximumf %max3A_874, %slice3A_879 : vector<512x128xf32>
    %add3A_882 = arith.constant 1536 : i32
    %add3A_883 = vector.broadcast %add3A_882 : i32 to vector<512x128xi32>
    %add3A_884 = arith.addi %iota3A_29, %add3A_883 : vector<512x128xi32>
    %select_n3A_885 = arith.select %gt3A_880, %add3A_884, %select_n3A_878 : vector<512x128xi1>, vector<512x128xi32>
    %slice3A_886 = vector.extract_strided_slice %select_n3A_800 {offsets = [0, 1664], sizes = [512, 128], strides = [1, 1]} : vector<512x2048xf32> to vector<512x128xf32>
    %gt3A_887 = arith.cmpf ogt, %slice3A_886, %max3A_881 : vector<512x128xf32>
    %max3A_888 = arith.maximumf %max3A_881, %slice3A_886 : vector<512x128xf32>
    %add3A_889 = arith.constant 1664 : i32
    %add3A_890 = vector.broadcast %add3A_889 : i32 to vector<512x128xi32>
    %add3A_891 = arith.addi %iota3A_29, %add3A_890 : vector<512x128xi32>
    %select_n3A_892 = arith.select %gt3A_887, %add3A_891, %select_n3A_885 : vector<512x128xi1>, vector<512x128xi32>
    %slice3A_893 = vector.extract_strided_slice %select_n3A_800 {offsets = [0, 1792], sizes = [512, 128], strides = [1, 1]} : vector<512x2048xf32> to vector<512x128xf32>
    %gt3A_894 = arith.cmpf ogt, %slice3A_893, %max3A_888 : vector<512x128xf32>
    %max3A_895 = arith.maximumf %max3A_888, %slice3A_893 : vector<512x128xf32>
    %add3A_896 = arith.constant 1792 : i32
    %add3A_897 = vector.broadcast %add3A_896 : i32 to vector<512x128xi32>
    %add3A_898 = arith.addi %iota3A_29, %add3A_897 : vector<512x128xi32>
    %select_n3A_899 = arith.select %gt3A_894, %add3A_898, %select_n3A_892 : vector<512x128xi1>, vector<512x128xi32>
    %slice3A_900 = vector.extract_strided_slice %select_n3A_800 {offsets = [0, 1920], sizes = [512, 128], strides = [1, 1]} : vector<512x2048xf32> to vector<512x128xf32>
    %gt3A_901 = arith.cmpf ogt, %slice3A_900, %max3A_895 : vector<512x128xf32>
    %max3A_902 = arith.maximumf %max3A_895, %slice3A_900 : vector<512x128xf32>
    %add3A_903 = arith.constant 1920 : i32
    %add3A_904 = vector.broadcast %add3A_903 : i32 to vector<512x128xi32>
    %add3A_905 = arith.addi %iota3A_29, %add3A_904 : vector<512x128xi32>
    %select_n3A_906 = arith.select %gt3A_901, %add3A_905, %select_n3A_899 : vector<512x128xi1>, vector<512x128xi32>
    %reduce_max3A_907 = arith.constant dense<0xFF800000> : vector<512xf32>
    %reduce_max3A_908 = vector.multi_reduction <maximumf>, %max3A_902, %reduce_max3A_907 [1] : vector<512x128xf32> to vector<512xf32>
    %broadcast_in_dim3A_909 = vector.shape_cast %reduce_max3A_908 : vector<512xf32> to vector<512x1xf32>
    %eq3A_910 = vector.broadcast %broadcast_in_dim3A_909 : vector<512x1xf32> to vector<512x128xf32>
    %eq3A_911 = arith.cmpf oeq, %max3A_902, %eq3A_910 : vector<512x128xf32>
    %jit3A_912 = arith.constant 2048 : i32
    %broadcast_in_dim3A_913 = vector.broadcast %jit3A_912 : i32 to vector<512x128xi32>
    %select_n3A_914 = arith.select %eq3A_911, %select_n3A_906, %broadcast_in_dim3A_913 : vector<512x128xi1>, vector<512x128xi32>
    %reduce_min3A_915 = arith.constant dense<2147483647> : vector<512xi32>
    %reduce_min3A_916 = vector.multi_reduction <minsi>, %select_n3A_914, %reduce_min3A_915 [1] : vector<512x128xi32> to vector<512xi32>
    %broadcast_in_dim3A_917 = vector.shape_cast %reduce_min3A_916 : vector<512xi32> to vector<512x1xi32>
    %eq3A_918 = arith.constant 7 : i32
    %eq3A_919 = vector.broadcast %eq3A_918 : i32 to vector<512x128xi32>
    %eq3A_920 = arith.cmpi eq, %iota3A_29, %eq3A_919 : vector<512x128xi32>
    %broadcast_in_dim3A_921 = vector.shape_cast %broadcast_in_dim3A_917 : vector<512x1xi32> to vector<512x1xi32>
    %broadcast_in_dim3A_922 = vector.broadcast %broadcast_in_dim3A_921 : vector<512x1xi32> to vector<512x128xi32>
    %select_n3A_923 = arith.select %eq3A_920, %broadcast_in_dim3A_922, %select_n3A_795 : vector<512x128xi1>, vector<512x128xi32>
    %eq3A_924 = vector.broadcast %broadcast_in_dim3A_917 : vector<512x1xi32> to vector<512x2048xi32>
    %eq3A_925 = arith.cmpi eq, %iota3A, %eq3A_924 : vector<512x2048xi32>
    %jit3A_926 = arith.constant -1.000000e+30 : f32
    %broadcast_in_dim3A_927 = vector.broadcast %jit3A_926 : f32 to vector<512x2048xf32>
    %select_n3A_928 = arith.select %eq3A_925, %broadcast_in_dim3A_927, %select_n3A_800 : vector<512x2048xi1>, vector<512x2048xf32>
    %slice3A_929 = vector.extract_strided_slice %select_n3A_928 {offsets = [0, 0], sizes = [512, 128], strides = [1, 1]} : vector<512x2048xf32> to vector<512x128xf32>
    %slice3A_930 = vector.extract_strided_slice %select_n3A_928 {offsets = [0, 128], sizes = [512, 128], strides = [1, 1]} : vector<512x2048xf32> to vector<512x128xf32>
    %gt3A_931 = arith.cmpf ogt, %slice3A_930, %slice3A_929 : vector<512x128xf32>
    %max3A_932 = arith.maximumf %slice3A_929, %slice3A_930 : vector<512x128xf32>
    %add3A_933 = arith.constant 128 : i32
    %add3A_934 = vector.broadcast %add3A_933 : i32 to vector<512x128xi32>
    %add3A_935 = arith.addi %iota3A_29, %add3A_934 : vector<512x128xi32>
    %select_n3A_936 = arith.select %gt3A_931, %add3A_935, %iota3A_29 : vector<512x128xi1>, vector<512x128xi32>
    %slice3A_937 = vector.extract_strided_slice %select_n3A_928 {offsets = [0, 256], sizes = [512, 128], strides = [1, 1]} : vector<512x2048xf32> to vector<512x128xf32>
    %gt3A_938 = arith.cmpf ogt, %slice3A_937, %max3A_932 : vector<512x128xf32>
    %max3A_939 = arith.maximumf %max3A_932, %slice3A_937 : vector<512x128xf32>
    %add3A_940 = arith.constant 256 : i32
    %add3A_941 = vector.broadcast %add3A_940 : i32 to vector<512x128xi32>
    %add3A_942 = arith.addi %iota3A_29, %add3A_941 : vector<512x128xi32>
    %select_n3A_943 = arith.select %gt3A_938, %add3A_942, %select_n3A_936 : vector<512x128xi1>, vector<512x128xi32>
    %slice3A_944 = vector.extract_strided_slice %select_n3A_928 {offsets = [0, 384], sizes = [512, 128], strides = [1, 1]} : vector<512x2048xf32> to vector<512x128xf32>
    %gt3A_945 = arith.cmpf ogt, %slice3A_944, %max3A_939 : vector<512x128xf32>
    %max3A_946 = arith.maximumf %max3A_939, %slice3A_944 : vector<512x128xf32>
    %add3A_947 = arith.constant 384 : i32
    %add3A_948 = vector.broadcast %add3A_947 : i32 to vector<512x128xi32>
    %add3A_949 = arith.addi %iota3A_29, %add3A_948 : vector<512x128xi32>
    %select_n3A_950 = arith.select %gt3A_945, %add3A_949, %select_n3A_943 : vector<512x128xi1>, vector<512x128xi32>
    %slice3A_951 = vector.extract_strided_slice %select_n3A_928 {offsets = [0, 512], sizes = [512, 128], strides = [1, 1]} : vector<512x2048xf32> to vector<512x128xf32>
    %gt3A_952 = arith.cmpf ogt, %slice3A_951, %max3A_946 : vector<512x128xf32>
    %max3A_953 = arith.maximumf %max3A_946, %slice3A_951 : vector<512x128xf32>
    %add3A_954 = arith.constant 512 : i32
    %add3A_955 = vector.broadcast %add3A_954 : i32 to vector<512x128xi32>
    %add3A_956 = arith.addi %iota3A_29, %add3A_955 : vector<512x128xi32>
    %select_n3A_957 = arith.select %gt3A_952, %add3A_956, %select_n3A_950 : vector<512x128xi1>, vector<512x128xi32>
    %slice3A_958 = vector.extract_strided_slice %select_n3A_928 {offsets = [0, 640], sizes = [512, 128], strides = [1, 1]} : vector<512x2048xf32> to vector<512x128xf32>
    %gt3A_959 = arith.cmpf ogt, %slice3A_958, %max3A_953 : vector<512x128xf32>
    %max3A_960 = arith.maximumf %max3A_953, %slice3A_958 : vector<512x128xf32>
    %add3A_961 = arith.constant 640 : i32
    %add3A_962 = vector.broadcast %add3A_961 : i32 to vector<512x128xi32>
    %add3A_963 = arith.addi %iota3A_29, %add3A_962 : vector<512x128xi32>
    %select_n3A_964 = arith.select %gt3A_959, %add3A_963, %select_n3A_957 : vector<512x128xi1>, vector<512x128xi32>
    %slice3A_965 = vector.extract_strided_slice %select_n3A_928 {offsets = [0, 768], sizes = [512, 128], strides = [1, 1]} : vector<512x2048xf32> to vector<512x128xf32>
    %gt3A_966 = arith.cmpf ogt, %slice3A_965, %max3A_960 : vector<512x128xf32>
    %max3A_967 = arith.maximumf %max3A_960, %slice3A_965 : vector<512x128xf32>
    %add3A_968 = arith.constant 768 : i32
    %add3A_969 = vector.broadcast %add3A_968 : i32 to vector<512x128xi32>
    %add3A_970 = arith.addi %iota3A_29, %add3A_969 : vector<512x128xi32>
    %select_n3A_971 = arith.select %gt3A_966, %add3A_970, %select_n3A_964 : vector<512x128xi1>, vector<512x128xi32>
    %slice3A_972 = vector.extract_strided_slice %select_n3A_928 {offsets = [0, 896], sizes = [512, 128], strides = [1, 1]} : vector<512x2048xf32> to vector<512x128xf32>
    %gt3A_973 = arith.cmpf ogt, %slice3A_972, %max3A_967 : vector<512x128xf32>
    %max3A_974 = arith.maximumf %max3A_967, %slice3A_972 : vector<512x128xf32>
    %add3A_975 = arith.constant 896 : i32
    %add3A_976 = vector.broadcast %add3A_975 : i32 to vector<512x128xi32>
    %add3A_977 = arith.addi %iota3A_29, %add3A_976 : vector<512x128xi32>
    %select_n3A_978 = arith.select %gt3A_973, %add3A_977, %select_n3A_971 : vector<512x128xi1>, vector<512x128xi32>
    %slice3A_979 = vector.extract_strided_slice %select_n3A_928 {offsets = [0, 1024], sizes = [512, 128], strides = [1, 1]} : vector<512x2048xf32> to vector<512x128xf32>
    %gt3A_980 = arith.cmpf ogt, %slice3A_979, %max3A_974 : vector<512x128xf32>
    %max3A_981 = arith.maximumf %max3A_974, %slice3A_979 : vector<512x128xf32>
    %add3A_982 = arith.constant 1024 : i32
    %add3A_983 = vector.broadcast %add3A_982 : i32 to vector<512x128xi32>
    %add3A_984 = arith.addi %iota3A_29, %add3A_983 : vector<512x128xi32>
    %select_n3A_985 = arith.select %gt3A_980, %add3A_984, %select_n3A_978 : vector<512x128xi1>, vector<512x128xi32>
    %slice3A_986 = vector.extract_strided_slice %select_n3A_928 {offsets = [0, 1152], sizes = [512, 128], strides = [1, 1]} : vector<512x2048xf32> to vector<512x128xf32>
    %gt3A_987 = arith.cmpf ogt, %slice3A_986, %max3A_981 : vector<512x128xf32>
    %max3A_988 = arith.maximumf %max3A_981, %slice3A_986 : vector<512x128xf32>
    %add3A_989 = arith.constant 1152 : i32
    %add3A_990 = vector.broadcast %add3A_989 : i32 to vector<512x128xi32>
    %add3A_991 = arith.addi %iota3A_29, %add3A_990 : vector<512x128xi32>
    %select_n3A_992 = arith.select %gt3A_987, %add3A_991, %select_n3A_985 : vector<512x128xi1>, vector<512x128xi32>
    %slice3A_993 = vector.extract_strided_slice %select_n3A_928 {offsets = [0, 1280], sizes = [512, 128], strides = [1, 1]} : vector<512x2048xf32> to vector<512x128xf32>
    %gt3A_994 = arith.cmpf ogt, %slice3A_993, %max3A_988 : vector<512x128xf32>
    %max3A_995 = arith.maximumf %max3A_988, %slice3A_993 : vector<512x128xf32>
    %add3A_996 = arith.constant 1280 : i32
    %add3A_997 = vector.broadcast %add3A_996 : i32 to vector<512x128xi32>
    %add3A_998 = arith.addi %iota3A_29, %add3A_997 : vector<512x128xi32>
    %select_n3A_999 = arith.select %gt3A_994, %add3A_998, %select_n3A_992 : vector<512x128xi1>, vector<512x128xi32>
    %slice3A_1000 = vector.extract_strided_slice %select_n3A_928 {offsets = [0, 1408], sizes = [512, 128], strides = [1, 1]} : vector<512x2048xf32> to vector<512x128xf32>
    %gt3A_1001 = arith.cmpf ogt, %slice3A_1000, %max3A_995 : vector<512x128xf32>
    %max3A_1002 = arith.maximumf %max3A_995, %slice3A_1000 : vector<512x128xf32>
    %add3A_1003 = arith.constant 1408 : i32
    %add3A_1004 = vector.broadcast %add3A_1003 : i32 to vector<512x128xi32>
    %add3A_1005 = arith.addi %iota3A_29, %add3A_1004 : vector<512x128xi32>
    %select_n3A_1006 = arith.select %gt3A_1001, %add3A_1005, %select_n3A_999 : vector<512x128xi1>, vector<512x128xi32>
    %slice3A_1007 = vector.extract_strided_slice %select_n3A_928 {offsets = [0, 1536], sizes = [512, 128], strides = [1, 1]} : vector<512x2048xf32> to vector<512x128xf32>
    %gt3A_1008 = arith.cmpf ogt, %slice3A_1007, %max3A_1002 : vector<512x128xf32>
    %max3A_1009 = arith.maximumf %max3A_1002, %slice3A_1007 : vector<512x128xf32>
    %add3A_1010 = arith.constant 1536 : i32
    %add3A_1011 = vector.broadcast %add3A_1010 : i32 to vector<512x128xi32>
    %add3A_1012 = arith.addi %iota3A_29, %add3A_1011 : vector<512x128xi32>
    %select_n3A_1013 = arith.select %gt3A_1008, %add3A_1012, %select_n3A_1006 : vector<512x128xi1>, vector<512x128xi32>
    %slice3A_1014 = vector.extract_strided_slice %select_n3A_928 {offsets = [0, 1664], sizes = [512, 128], strides = [1, 1]} : vector<512x2048xf32> to vector<512x128xf32>
    %gt3A_1015 = arith.cmpf ogt, %slice3A_1014, %max3A_1009 : vector<512x128xf32>
    %max3A_1016 = arith.maximumf %max3A_1009, %slice3A_1014 : vector<512x128xf32>
    %add3A_1017 = arith.constant 1664 : i32
    %add3A_1018 = vector.broadcast %add3A_1017 : i32 to vector<512x128xi32>
    %add3A_1019 = arith.addi %iota3A_29, %add3A_1018 : vector<512x128xi32>
    %select_n3A_1020 = arith.select %gt3A_1015, %add3A_1019, %select_n3A_1013 : vector<512x128xi1>, vector<512x128xi32>
    %slice3A_1021 = vector.extract_strided_slice %select_n3A_928 {offsets = [0, 1792], sizes = [512, 128], strides = [1, 1]} : vector<512x2048xf32> to vector<512x128xf32>
    %gt3A_1022 = arith.cmpf ogt, %slice3A_1021, %max3A_1016 : vector<512x128xf32>
    %max3A_1023 = arith.maximumf %max3A_1016, %slice3A_1021 : vector<512x128xf32>
    %add3A_1024 = arith.constant 1792 : i32
    %add3A_1025 = vector.broadcast %add3A_1024 : i32 to vector<512x128xi32>
    %add3A_1026 = arith.addi %iota3A_29, %add3A_1025 : vector<512x128xi32>
    %select_n3A_1027 = arith.select %gt3A_1022, %add3A_1026, %select_n3A_1020 : vector<512x128xi1>, vector<512x128xi32>
    %slice3A_1028 = vector.extract_strided_slice %select_n3A_928 {offsets = [0, 1920], sizes = [512, 128], strides = [1, 1]} : vector<512x2048xf32> to vector<512x128xf32>
    %gt3A_1029 = arith.cmpf ogt, %slice3A_1028, %max3A_1023 : vector<512x128xf32>
    %max3A_1030 = arith.maximumf %max3A_1023, %slice3A_1028 : vector<512x128xf32>
    %add3A_1031 = arith.constant 1920 : i32
    %add3A_1032 = vector.broadcast %add3A_1031 : i32 to vector<512x128xi32>
    %add3A_1033 = arith.addi %iota3A_29, %add3A_1032 : vector<512x128xi32>
    %select_n3A_1034 = arith.select %gt3A_1029, %add3A_1033, %select_n3A_1027 : vector<512x128xi1>, vector<512x128xi32>
    %reduce_max3A_1035 = arith.constant dense<0xFF800000> : vector<512xf32>
    %reduce_max3A_1036 = vector.multi_reduction <maximumf>, %max3A_1030, %reduce_max3A_1035 [1] : vector<512x128xf32> to vector<512xf32>
    %broadcast_in_dim3A_1037 = vector.shape_cast %reduce_max3A_1036 : vector<512xf32> to vector<512x1xf32>
    %eq3A_1038 = vector.broadcast %broadcast_in_dim3A_1037 : vector<512x1xf32> to vector<512x128xf32>
    %eq3A_1039 = arith.cmpf oeq, %max3A_1030, %eq3A_1038 : vector<512x128xf32>
    %jit3A_1040 = arith.constant 2048 : i32
    %broadcast_in_dim3A_1041 = vector.broadcast %jit3A_1040 : i32 to vector<512x128xi32>
    %select_n3A_1042 = arith.select %eq3A_1039, %select_n3A_1034, %broadcast_in_dim3A_1041 : vector<512x128xi1>, vector<512x128xi32>
    %reduce_min3A_1043 = arith.constant dense<2147483647> : vector<512xi32>
    %reduce_min3A_1044 = vector.multi_reduction <minsi>, %select_n3A_1042, %reduce_min3A_1043 [1] : vector<512x128xi32> to vector<512xi32>
    %broadcast_in_dim3A_1045 = vector.shape_cast %reduce_min3A_1044 : vector<512xi32> to vector<512x1xi32>
    %eq3A_1046 = arith.constant 8 : i32
    %eq3A_1047 = vector.broadcast %eq3A_1046 : i32 to vector<512x128xi32>
    %eq3A_1048 = arith.cmpi eq, %iota3A_29, %eq3A_1047 : vector<512x128xi32>
    %broadcast_in_dim3A_1049 = vector.shape_cast %broadcast_in_dim3A_1045 : vector<512x1xi32> to vector<512x1xi32>
    %broadcast_in_dim3A_1050 = vector.broadcast %broadcast_in_dim3A_1049 : vector<512x1xi32> to vector<512x128xi32>
    %select_n3A_1051 = arith.select %eq3A_1048, %broadcast_in_dim3A_1050, %select_n3A_923 : vector<512x128xi1>, vector<512x128xi32>
    %eq3A_1052 = vector.broadcast %broadcast_in_dim3A_1045 : vector<512x1xi32> to vector<512x2048xi32>
    %eq3A_1053 = arith.cmpi eq, %iota3A, %eq3A_1052 : vector<512x2048xi32>
    %jit3A_1054 = arith.constant -1.000000e+30 : f32
    %broadcast_in_dim3A_1055 = vector.broadcast %jit3A_1054 : f32 to vector<512x2048xf32>
    %select_n3A_1056 = arith.select %eq3A_1053, %broadcast_in_dim3A_1055, %select_n3A_928 : vector<512x2048xi1>, vector<512x2048xf32>
    %slice3A_1057 = vector.extract_strided_slice %select_n3A_1056 {offsets = [0, 0], sizes = [512, 128], strides = [1, 1]} : vector<512x2048xf32> to vector<512x128xf32>
    %slice3A_1058 = vector.extract_strided_slice %select_n3A_1056 {offsets = [0, 128], sizes = [512, 128], strides = [1, 1]} : vector<512x2048xf32> to vector<512x128xf32>
    %gt3A_1059 = arith.cmpf ogt, %slice3A_1058, %slice3A_1057 : vector<512x128xf32>
    %max3A_1060 = arith.maximumf %slice3A_1057, %slice3A_1058 : vector<512x128xf32>
    %add3A_1061 = arith.constant 128 : i32
    %add3A_1062 = vector.broadcast %add3A_1061 : i32 to vector<512x128xi32>
    %add3A_1063 = arith.addi %iota3A_29, %add3A_1062 : vector<512x128xi32>
    %select_n3A_1064 = arith.select %gt3A_1059, %add3A_1063, %iota3A_29 : vector<512x128xi1>, vector<512x128xi32>
    %slice3A_1065 = vector.extract_strided_slice %select_n3A_1056 {offsets = [0, 256], sizes = [512, 128], strides = [1, 1]} : vector<512x2048xf32> to vector<512x128xf32>
    %gt3A_1066 = arith.cmpf ogt, %slice3A_1065, %max3A_1060 : vector<512x128xf32>
    %max3A_1067 = arith.maximumf %max3A_1060, %slice3A_1065 : vector<512x128xf32>
    %add3A_1068 = arith.constant 256 : i32
    %add3A_1069 = vector.broadcast %add3A_1068 : i32 to vector<512x128xi32>
    %add3A_1070 = arith.addi %iota3A_29, %add3A_1069 : vector<512x128xi32>
    %select_n3A_1071 = arith.select %gt3A_1066, %add3A_1070, %select_n3A_1064 : vector<512x128xi1>, vector<512x128xi32>
    %slice3A_1072 = vector.extract_strided_slice %select_n3A_1056 {offsets = [0, 384], sizes = [512, 128], strides = [1, 1]} : vector<512x2048xf32> to vector<512x128xf32>
    %gt3A_1073 = arith.cmpf ogt, %slice3A_1072, %max3A_1067 : vector<512x128xf32>
    %max3A_1074 = arith.maximumf %max3A_1067, %slice3A_1072 : vector<512x128xf32>
    %add3A_1075 = arith.constant 384 : i32
    %add3A_1076 = vector.broadcast %add3A_1075 : i32 to vector<512x128xi32>
    %add3A_1077 = arith.addi %iota3A_29, %add3A_1076 : vector<512x128xi32>
    %select_n3A_1078 = arith.select %gt3A_1073, %add3A_1077, %select_n3A_1071 : vector<512x128xi1>, vector<512x128xi32>
    %slice3A_1079 = vector.extract_strided_slice %select_n3A_1056 {offsets = [0, 512], sizes = [512, 128], strides = [1, 1]} : vector<512x2048xf32> to vector<512x128xf32>
    %gt3A_1080 = arith.cmpf ogt, %slice3A_1079, %max3A_1074 : vector<512x128xf32>
    %max3A_1081 = arith.maximumf %max3A_1074, %slice3A_1079 : vector<512x128xf32>
    %add3A_1082 = arith.constant 512 : i32
    %add3A_1083 = vector.broadcast %add3A_1082 : i32 to vector<512x128xi32>
    %add3A_1084 = arith.addi %iota3A_29, %add3A_1083 : vector<512x128xi32>
    %select_n3A_1085 = arith.select %gt3A_1080, %add3A_1084, %select_n3A_1078 : vector<512x128xi1>, vector<512x128xi32>
    %slice3A_1086 = vector.extract_strided_slice %select_n3A_1056 {offsets = [0, 640], sizes = [512, 128], strides = [1, 1]} : vector<512x2048xf32> to vector<512x128xf32>
    %gt3A_1087 = arith.cmpf ogt, %slice3A_1086, %max3A_1081 : vector<512x128xf32>
    %max3A_1088 = arith.maximumf %max3A_1081, %slice3A_1086 : vector<512x128xf32>
    %add3A_1089 = arith.constant 640 : i32
    %add3A_1090 = vector.broadcast %add3A_1089 : i32 to vector<512x128xi32>
    %add3A_1091 = arith.addi %iota3A_29, %add3A_1090 : vector<512x128xi32>
    %select_n3A_1092 = arith.select %gt3A_1087, %add3A_1091, %select_n3A_1085 : vector<512x128xi1>, vector<512x128xi32>
    %slice3A_1093 = vector.extract_strided_slice %select_n3A_1056 {offsets = [0, 768], sizes = [512, 128], strides = [1, 1]} : vector<512x2048xf32> to vector<512x128xf32>
    %gt3A_1094 = arith.cmpf ogt, %slice3A_1093, %max3A_1088 : vector<512x128xf32>
    %max3A_1095 = arith.maximumf %max3A_1088, %slice3A_1093 : vector<512x128xf32>
    %add3A_1096 = arith.constant 768 : i32
    %add3A_1097 = vector.broadcast %add3A_1096 : i32 to vector<512x128xi32>
    %add3A_1098 = arith.addi %iota3A_29, %add3A_1097 : vector<512x128xi32>
    %select_n3A_1099 = arith.select %gt3A_1094, %add3A_1098, %select_n3A_1092 : vector<512x128xi1>, vector<512x128xi32>
    %slice3A_1100 = vector.extract_strided_slice %select_n3A_1056 {offsets = [0, 896], sizes = [512, 128], strides = [1, 1]} : vector<512x2048xf32> to vector<512x128xf32>
    %gt3A_1101 = arith.cmpf ogt, %slice3A_1100, %max3A_1095 : vector<512x128xf32>
    %max3A_1102 = arith.maximumf %max3A_1095, %slice3A_1100 : vector<512x128xf32>
    %add3A_1103 = arith.constant 896 : i32
    %add3A_1104 = vector.broadcast %add3A_1103 : i32 to vector<512x128xi32>
    %add3A_1105 = arith.addi %iota3A_29, %add3A_1104 : vector<512x128xi32>
    %select_n3A_1106 = arith.select %gt3A_1101, %add3A_1105, %select_n3A_1099 : vector<512x128xi1>, vector<512x128xi32>
    %slice3A_1107 = vector.extract_strided_slice %select_n3A_1056 {offsets = [0, 1024], sizes = [512, 128], strides = [1, 1]} : vector<512x2048xf32> to vector<512x128xf32>
    %gt3A_1108 = arith.cmpf ogt, %slice3A_1107, %max3A_1102 : vector<512x128xf32>
    %max3A_1109 = arith.maximumf %max3A_1102, %slice3A_1107 : vector<512x128xf32>
    %add3A_1110 = arith.constant 1024 : i32
    %add3A_1111 = vector.broadcast %add3A_1110 : i32 to vector<512x128xi32>
    %add3A_1112 = arith.addi %iota3A_29, %add3A_1111 : vector<512x128xi32>
    %select_n3A_1113 = arith.select %gt3A_1108, %add3A_1112, %select_n3A_1106 : vector<512x128xi1>, vector<512x128xi32>
    %slice3A_1114 = vector.extract_strided_slice %select_n3A_1056 {offsets = [0, 1152], sizes = [512, 128], strides = [1, 1]} : vector<512x2048xf32> to vector<512x128xf32>
    %gt3A_1115 = arith.cmpf ogt, %slice3A_1114, %max3A_1109 : vector<512x128xf32>
    %max3A_1116 = arith.maximumf %max3A_1109, %slice3A_1114 : vector<512x128xf32>
    %add3A_1117 = arith.constant 1152 : i32
    %add3A_1118 = vector.broadcast %add3A_1117 : i32 to vector<512x128xi32>
    %add3A_1119 = arith.addi %iota3A_29, %add3A_1118 : vector<512x128xi32>
    %select_n3A_1120 = arith.select %gt3A_1115, %add3A_1119, %select_n3A_1113 : vector<512x128xi1>, vector<512x128xi32>
    %slice3A_1121 = vector.extract_strided_slice %select_n3A_1056 {offsets = [0, 1280], sizes = [512, 128], strides = [1, 1]} : vector<512x2048xf32> to vector<512x128xf32>
    %gt3A_1122 = arith.cmpf ogt, %slice3A_1121, %max3A_1116 : vector<512x128xf32>
    %max3A_1123 = arith.maximumf %max3A_1116, %slice3A_1121 : vector<512x128xf32>
    %add3A_1124 = arith.constant 1280 : i32
    %add3A_1125 = vector.broadcast %add3A_1124 : i32 to vector<512x128xi32>
    %add3A_1126 = arith.addi %iota3A_29, %add3A_1125 : vector<512x128xi32>
    %select_n3A_1127 = arith.select %gt3A_1122, %add3A_1126, %select_n3A_1120 : vector<512x128xi1>, vector<512x128xi32>
    %slice3A_1128 = vector.extract_strided_slice %select_n3A_1056 {offsets = [0, 1408], sizes = [512, 128], strides = [1, 1]} : vector<512x2048xf32> to vector<512x128xf32>
    %gt3A_1129 = arith.cmpf ogt, %slice3A_1128, %max3A_1123 : vector<512x128xf32>
    %max3A_1130 = arith.maximumf %max3A_1123, %slice3A_1128 : vector<512x128xf32>
    %add3A_1131 = arith.constant 1408 : i32
    %add3A_1132 = vector.broadcast %add3A_1131 : i32 to vector<512x128xi32>
    %add3A_1133 = arith.addi %iota3A_29, %add3A_1132 : vector<512x128xi32>
    %select_n3A_1134 = arith.select %gt3A_1129, %add3A_1133, %select_n3A_1127 : vector<512x128xi1>, vector<512x128xi32>
    %slice3A_1135 = vector.extract_strided_slice %select_n3A_1056 {offsets = [0, 1536], sizes = [512, 128], strides = [1, 1]} : vector<512x2048xf32> to vector<512x128xf32>
    %gt3A_1136 = arith.cmpf ogt, %slice3A_1135, %max3A_1130 : vector<512x128xf32>
    %max3A_1137 = arith.maximumf %max3A_1130, %slice3A_1135 : vector<512x128xf32>
    %add3A_1138 = arith.constant 1536 : i32
    %add3A_1139 = vector.broadcast %add3A_1138 : i32 to vector<512x128xi32>
    %add3A_1140 = arith.addi %iota3A_29, %add3A_1139 : vector<512x128xi32>
    %select_n3A_1141 = arith.select %gt3A_1136, %add3A_1140, %select_n3A_1134 : vector<512x128xi1>, vector<512x128xi32>
    %slice3A_1142 = vector.extract_strided_slice %select_n3A_1056 {offsets = [0, 1664], sizes = [512, 128], strides = [1, 1]} : vector<512x2048xf32> to vector<512x128xf32>
    %gt3A_1143 = arith.cmpf ogt, %slice3A_1142, %max3A_1137 : vector<512x128xf32>
    %max3A_1144 = arith.maximumf %max3A_1137, %slice3A_1142 : vector<512x128xf32>
    %add3A_1145 = arith.constant 1664 : i32
    %add3A_1146 = vector.broadcast %add3A_1145 : i32 to vector<512x128xi32>
    %add3A_1147 = arith.addi %iota3A_29, %add3A_1146 : vector<512x128xi32>
    %select_n3A_1148 = arith.select %gt3A_1143, %add3A_1147, %select_n3A_1141 : vector<512x128xi1>, vector<512x128xi32>
    %slice3A_1149 = vector.extract_strided_slice %select_n3A_1056 {offsets = [0, 1792], sizes = [512, 128], strides = [1, 1]} : vector<512x2048xf32> to vector<512x128xf32>
    %gt3A_1150 = arith.cmpf ogt, %slice3A_1149, %max3A_1144 : vector<512x128xf32>
    %max3A_1151 = arith.maximumf %max3A_1144, %slice3A_1149 : vector<512x128xf32>
    %add3A_1152 = arith.constant 1792 : i32
    %add3A_1153 = vector.broadcast %add3A_1152 : i32 to vector<512x128xi32>
    %add3A_1154 = arith.addi %iota3A_29, %add3A_1153 : vector<512x128xi32>
    %select_n3A_1155 = arith.select %gt3A_1150, %add3A_1154, %select_n3A_1148 : vector<512x128xi1>, vector<512x128xi32>
    %slice3A_1156 = vector.extract_strided_slice %select_n3A_1056 {offsets = [0, 1920], sizes = [512, 128], strides = [1, 1]} : vector<512x2048xf32> to vector<512x128xf32>
    %gt3A_1157 = arith.cmpf ogt, %slice3A_1156, %max3A_1151 : vector<512x128xf32>
    %max3A_1158 = arith.maximumf %max3A_1151, %slice3A_1156 : vector<512x128xf32>
    %add3A_1159 = arith.constant 1920 : i32
    %add3A_1160 = vector.broadcast %add3A_1159 : i32 to vector<512x128xi32>
    %add3A_1161 = arith.addi %iota3A_29, %add3A_1160 : vector<512x128xi32>
    %select_n3A_1162 = arith.select %gt3A_1157, %add3A_1161, %select_n3A_1155 : vector<512x128xi1>, vector<512x128xi32>
    %reduce_max3A_1163 = arith.constant dense<0xFF800000> : vector<512xf32>
    %reduce_max3A_1164 = vector.multi_reduction <maximumf>, %max3A_1158, %reduce_max3A_1163 [1] : vector<512x128xf32> to vector<512xf32>
    %broadcast_in_dim3A_1165 = vector.shape_cast %reduce_max3A_1164 : vector<512xf32> to vector<512x1xf32>
    %eq3A_1166 = vector.broadcast %broadcast_in_dim3A_1165 : vector<512x1xf32> to vector<512x128xf32>
    %eq3A_1167 = arith.cmpf oeq, %max3A_1158, %eq3A_1166 : vector<512x128xf32>
    %jit3A_1168 = arith.constant 2048 : i32
    %broadcast_in_dim3A_1169 = vector.broadcast %jit3A_1168 : i32 to vector<512x128xi32>
    %select_n3A_1170 = arith.select %eq3A_1167, %select_n3A_1162, %broadcast_in_dim3A_1169 : vector<512x128xi1>, vector<512x128xi32>
    %reduce_min3A_1171 = arith.constant dense<2147483647> : vector<512xi32>
    %reduce_min3A_1172 = vector.multi_reduction <minsi>, %select_n3A_1170, %reduce_min3A_1171 [1] : vector<512x128xi32> to vector<512xi32>
    %broadcast_in_dim3A_1173 = vector.shape_cast %reduce_min3A_1172 : vector<512xi32> to vector<512x1xi32>
    %eq3A_1174 = arith.constant 9 : i32
    %eq3A_1175 = vector.broadcast %eq3A_1174 : i32 to vector<512x128xi32>
    %eq3A_1176 = arith.cmpi eq, %iota3A_29, %eq3A_1175 : vector<512x128xi32>
    %broadcast_in_dim3A_1177 = vector.shape_cast %broadcast_in_dim3A_1173 : vector<512x1xi32> to vector<512x1xi32>
    %broadcast_in_dim3A_1178 = vector.broadcast %broadcast_in_dim3A_1177 : vector<512x1xi32> to vector<512x128xi32>
    %select_n3A_1179 = arith.select %eq3A_1176, %broadcast_in_dim3A_1178, %select_n3A_1051 : vector<512x128xi1>, vector<512x128xi32>
    %slice3A_1180 = vector.extract_strided_slice %select_n3A_1179 {offsets = [0, 0], sizes = [512, 16], strides = [1, 1]} : vector<512x128xi32> to vector<512x16xi32>
    %transpose3A = tpu.transpose %slice3A_1180, [1, 0] : vector<512x16xi32> -> vector<16x512xi32>
    %slice3A_1181 = vector.extract_strided_slice %transpose3A {offsets = [0, 0], sizes = [10, 512], strides = [1, 1]} : vector<16x512xi32> to vector<10x512xi32>
    %mul3A_1182 = arith.constant 2048 : i32
    %mul3A_1183 = arith.muli %arg0, %mul3A_1182 : i32
    %add3A_1184 = vector.broadcast %mul3A_1183 : i32 to vector<10x512xi32>
    %add3A_1185 = arith.addi %slice3A_1181, %add3A_1184 : vector<10x512xi32>
    %swap3A = arith.constant 0 : index
    %swap3A_1186 = arith.constant 0 : index
    %swap3A_1187 = vector.load %arg4[%swap3A, %swap3A_1186] : memref<10x512xi32, #tpu.memory_space<vmem>>, vector<10x512xi32>
    tpu.vector_store %arg4[%swap3A, %swap3A_1186], %add3A_1185 {strides = array<i32>} : memref<10x512xi32, #tpu.memory_space<vmem>>, vector<10x512xi32>,
    return
  }
  func.func @transform_0(%arg0: i32, %arg1: i32) -> (i32, i32, i32) {
    %c0_i32 = arith.constant 0 : i32
    %c0_i32_0 = arith.constant 0 : i32
    return %arg0, %arg1, %c0_i32 : i32, i32, i32
  }
  func.func @transform_1(%arg0: i32, %arg1: i32) -> (i32, i32, i32) {
    %c0_i32 = arith.constant 0 : i32
    %c0_i32_0 = arith.constant 0 : i32
    %c0_i32_1 = arith.constant 0 : i32
    return %arg0, %c0_i32, %c0_i32_0 : i32, i32, i32
  }
  func.func @transform_2(%arg0: i32, %arg1: i32) -> (i32, i32) {
    %mul3A = arith.constant 4 : i32
    %mul3A_0 = arith.muli %arg0, %mul3A : i32
    %add3A = arith.addi %mul3A_0, %arg1 : i32
    %c0_i32 = arith.constant 0 : i32
    %c0_i32_1 = arith.constant 0 : i32
    return %c0_i32, %add3A : i32, i32
  }
}

module attributes {stable_mosaic.version = 14 : i64} {
  func.func @_conv_max_body(%arg0: i32, %arg1: memref<512x64xf32, #tpu.memory_space<vmem>>, %arg2: memref<10x512x64xf32, #tpu.memory_space<vmem>>, %arg3: memref<64x128xf32, #tpu.memory_space<vmem>>, %arg4: memref<512x64xf32, #tpu.memory_space<vmem>>) attributes {dimension_semantics = [#tpu.dimension_semantics<arbitrary>], iteration_bounds = array<i64: 64>, scalar_prefetch = 0 : i64, scratch_operands = 0 : i64, tpu.core_type = #tpu.core_type<tc>, window_params = [{transform_indices = @transform_0, window_bounds = array<i64: 512, 64>}, {transform_indices = @transform_1, window_bounds = array<i64: 10, 512, 64>}, {pipeline_mode = #tpu.pipeline_mode<synchronous>, transform_indices = @transform_2, window_bounds = array<i64: 64, 128>}, {transform_indices = @transform_3, window_bounds = array<i64: 512, 64>}]} {
    %get3A = arith.constant 0 : index
    %get3A_0 = arith.constant 0 : index
    %get3A_1 = vector.load %arg1[%get3A, %get3A_0] : memref<512x64xf32, #tpu.memory_space<vmem>>, vector<512x64xf32>
    %get3A_2 = arith.constant 0 : index
    %get3A_3 = arith.constant 0 : index
    %get3A_4 = vector.load %arg3[%get3A_2, %get3A_3] : memref<64x128xf32, #tpu.memory_space<vmem>>, vector<64x128xf32>
    %get3A_5 = arith.constant 0 : index
    %get3A_6 = arith.constant 0 : index
    %get3A_7 = arith.constant 0 : index
    %get3A_8 = vector.load %arg2[%get3A_5, %get3A_6, %get3A_7] : memref<10x512x64xf32, #tpu.memory_space<vmem>>, vector<1x512x64xf32>
    %get3A_9 = vector.shape_cast %get3A_8 : vector<1x512x64xf32> to vector<512x64xf32>
    %sub3A = arith.subf %get3A_9, %get3A_1 : vector<512x64xf32>
    %concatenate3A = tpu.concatenate %sub3A, %get3A_1 in 1 : vector<512x64xf32>, vector<512x64xf32> -> vector<512x128xf32>
    %dot_general3A = arith.constant dense<0.000000e+00> : vector<512x64xf32>
    %dot_general3A_10 = tpu.matmul %concatenate3A, %get3A_4, %dot_general3A {dimension_numbers = #tpu.dot_dimension_numbers<[1], [1], [0], [0], [0, 0, 1, 0], [], []>, transpose_lhs_hint = false} : vector<512x128xf32>, vector<64x128xf32>, vector<512x64xf32> -> vector<512x64xf32>
    %get3A_11 = arith.constant 1 : index
    %get3A_12 = arith.constant 0 : index
    %get3A_13 = arith.constant 0 : index
    %get3A_14 = vector.load %arg2[%get3A_11, %get3A_12, %get3A_13] : memref<10x512x64xf32, #tpu.memory_space<vmem>>, vector<1x512x64xf32>
    %get3A_15 = vector.shape_cast %get3A_14 : vector<1x512x64xf32> to vector<512x64xf32>
    %sub3A_16 = arith.subf %get3A_15, %get3A_1 : vector<512x64xf32>
    %concatenate3A_17 = tpu.concatenate %sub3A_16, %get3A_1 in 1 : vector<512x64xf32>, vector<512x64xf32> -> vector<512x128xf32>
    %dot_general3A_18 = arith.constant dense<0.000000e+00> : vector<512x64xf32>
    %dot_general3A_19 = tpu.matmul %concatenate3A_17, %get3A_4, %dot_general3A_18 {dimension_numbers = #tpu.dot_dimension_numbers<[1], [1], [0], [0], [0, 0, 1, 0], [], []>, transpose_lhs_hint = false} : vector<512x128xf32>, vector<64x128xf32>, vector<512x64xf32> -> vector<512x64xf32>
    %max3A = arith.maximumf %dot_general3A_10, %dot_general3A_19 : vector<512x64xf32>
    %get3A_20 = arith.constant 2 : index
    %get3A_21 = arith.constant 0 : index
    %get3A_22 = arith.constant 0 : index
    %get3A_23 = vector.load %arg2[%get3A_20, %get3A_21, %get3A_22] : memref<10x512x64xf32, #tpu.memory_space<vmem>>, vector<1x512x64xf32>
    %get3A_24 = vector.shape_cast %get3A_23 : vector<1x512x64xf32> to vector<512x64xf32>
    %sub3A_25 = arith.subf %get3A_24, %get3A_1 : vector<512x64xf32>
    %concatenate3A_26 = tpu.concatenate %sub3A_25, %get3A_1 in 1 : vector<512x64xf32>, vector<512x64xf32> -> vector<512x128xf32>
    %dot_general3A_27 = arith.constant dense<0.000000e+00> : vector<512x64xf32>
    %dot_general3A_28 = tpu.matmul %concatenate3A_26, %get3A_4, %dot_general3A_27 {dimension_numbers = #tpu.dot_dimension_numbers<[1], [1], [0], [0], [0, 0, 1, 0], [], []>, transpose_lhs_hint = false} : vector<512x128xf32>, vector<64x128xf32>, vector<512x64xf32> -> vector<512x64xf32>
    %max3A_29 = arith.maximumf %max3A, %dot_general3A_28 : vector<512x64xf32>
    %get3A_30 = arith.constant 3 : index
    %get3A_31 = arith.constant 0 : index
    %get3A_32 = arith.constant 0 : index
    %get3A_33 = vector.load %arg2[%get3A_30, %get3A_31, %get3A_32] : memref<10x512x64xf32, #tpu.memory_space<vmem>>, vector<1x512x64xf32>
    %get3A_34 = vector.shape_cast %get3A_33 : vector<1x512x64xf32> to vector<512x64xf32>
    %sub3A_35 = arith.subf %get3A_34, %get3A_1 : vector<512x64xf32>
    %concatenate3A_36 = tpu.concatenate %sub3A_35, %get3A_1 in 1 : vector<512x64xf32>, vector<512x64xf32> -> vector<512x128xf32>
    %dot_general3A_37 = arith.constant dense<0.000000e+00> : vector<512x64xf32>
    %dot_general3A_38 = tpu.matmul %concatenate3A_36, %get3A_4, %dot_general3A_37 {dimension_numbers = #tpu.dot_dimension_numbers<[1], [1], [0], [0], [0, 0, 1, 0], [], []>, transpose_lhs_hint = false} : vector<512x128xf32>, vector<64x128xf32>, vector<512x64xf32> -> vector<512x64xf32>
    %max3A_39 = arith.maximumf %max3A_29, %dot_general3A_38 : vector<512x64xf32>
    %get3A_40 = arith.constant 4 : index
    %get3A_41 = arith.constant 0 : index
    %get3A_42 = arith.constant 0 : index
    %get3A_43 = vector.load %arg2[%get3A_40, %get3A_41, %get3A_42] : memref<10x512x64xf32, #tpu.memory_space<vmem>>, vector<1x512x64xf32>
    %get3A_44 = vector.shape_cast %get3A_43 : vector<1x512x64xf32> to vector<512x64xf32>
    %sub3A_45 = arith.subf %get3A_44, %get3A_1 : vector<512x64xf32>
    %concatenate3A_46 = tpu.concatenate %sub3A_45, %get3A_1 in 1 : vector<512x64xf32>, vector<512x64xf32> -> vector<512x128xf32>
    %dot_general3A_47 = arith.constant dense<0.000000e+00> : vector<512x64xf32>
    %dot_general3A_48 = tpu.matmul %concatenate3A_46, %get3A_4, %dot_general3A_47 {dimension_numbers = #tpu.dot_dimension_numbers<[1], [1], [0], [0], [0, 0, 1, 0], [], []>, transpose_lhs_hint = false} : vector<512x128xf32>, vector<64x128xf32>, vector<512x64xf32> -> vector<512x64xf32>
    %max3A_49 = arith.maximumf %max3A_39, %dot_general3A_48 : vector<512x64xf32>
    %get3A_50 = arith.constant 5 : index
    %get3A_51 = arith.constant 0 : index
    %get3A_52 = arith.constant 0 : index
    %get3A_53 = vector.load %arg2[%get3A_50, %get3A_51, %get3A_52] : memref<10x512x64xf32, #tpu.memory_space<vmem>>, vector<1x512x64xf32>
    %get3A_54 = vector.shape_cast %get3A_53 : vector<1x512x64xf32> to vector<512x64xf32>
    %sub3A_55 = arith.subf %get3A_54, %get3A_1 : vector<512x64xf32>
    %concatenate3A_56 = tpu.concatenate %sub3A_55, %get3A_1 in 1 : vector<512x64xf32>, vector<512x64xf32> -> vector<512x128xf32>
    %dot_general3A_57 = arith.constant dense<0.000000e+00> : vector<512x64xf32>
    %dot_general3A_58 = tpu.matmul %concatenate3A_56, %get3A_4, %dot_general3A_57 {dimension_numbers = #tpu.dot_dimension_numbers<[1], [1], [0], [0], [0, 0, 1, 0], [], []>, transpose_lhs_hint = false} : vector<512x128xf32>, vector<64x128xf32>, vector<512x64xf32> -> vector<512x64xf32>
    %max3A_59 = arith.maximumf %max3A_49, %dot_general3A_58 : vector<512x64xf32>
    %get3A_60 = arith.constant 6 : index
    %get3A_61 = arith.constant 0 : index
    %get3A_62 = arith.constant 0 : index
    %get3A_63 = vector.load %arg2[%get3A_60, %get3A_61, %get3A_62] : memref<10x512x64xf32, #tpu.memory_space<vmem>>, vector<1x512x64xf32>
    %get3A_64 = vector.shape_cast %get3A_63 : vector<1x512x64xf32> to vector<512x64xf32>
    %sub3A_65 = arith.subf %get3A_64, %get3A_1 : vector<512x64xf32>
    %concatenate3A_66 = tpu.concatenate %sub3A_65, %get3A_1 in 1 : vector<512x64xf32>, vector<512x64xf32> -> vector<512x128xf32>
    %dot_general3A_67 = arith.constant dense<0.000000e+00> : vector<512x64xf32>
    %dot_general3A_68 = tpu.matmul %concatenate3A_66, %get3A_4, %dot_general3A_67 {dimension_numbers = #tpu.dot_dimension_numbers<[1], [1], [0], [0], [0, 0, 1, 0], [], []>, transpose_lhs_hint = false} : vector<512x128xf32>, vector<64x128xf32>, vector<512x64xf32> -> vector<512x64xf32>
    %max3A_69 = arith.maximumf %max3A_59, %dot_general3A_68 : vector<512x64xf32>
    %get3A_70 = arith.constant 7 : index
    %get3A_71 = arith.constant 0 : index
    %get3A_72 = arith.constant 0 : index
    %get3A_73 = vector.load %arg2[%get3A_70, %get3A_71, %get3A_72] : memref<10x512x64xf32, #tpu.memory_space<vmem>>, vector<1x512x64xf32>
    %get3A_74 = vector.shape_cast %get3A_73 : vector<1x512x64xf32> to vector<512x64xf32>
    %sub3A_75 = arith.subf %get3A_74, %get3A_1 : vector<512x64xf32>
    %concatenate3A_76 = tpu.concatenate %sub3A_75, %get3A_1 in 1 : vector<512x64xf32>, vector<512x64xf32> -> vector<512x128xf32>
    %dot_general3A_77 = arith.constant dense<0.000000e+00> : vector<512x64xf32>
    %dot_general3A_78 = tpu.matmul %concatenate3A_76, %get3A_4, %dot_general3A_77 {dimension_numbers = #tpu.dot_dimension_numbers<[1], [1], [0], [0], [0, 0, 1, 0], [], []>, transpose_lhs_hint = false} : vector<512x128xf32>, vector<64x128xf32>, vector<512x64xf32> -> vector<512x64xf32>
    %max3A_79 = arith.maximumf %max3A_69, %dot_general3A_78 : vector<512x64xf32>
    %get3A_80 = arith.constant 8 : index
    %get3A_81 = arith.constant 0 : index
    %get3A_82 = arith.constant 0 : index
    %get3A_83 = vector.load %arg2[%get3A_80, %get3A_81, %get3A_82] : memref<10x512x64xf32, #tpu.memory_space<vmem>>, vector<1x512x64xf32>
    %get3A_84 = vector.shape_cast %get3A_83 : vector<1x512x64xf32> to vector<512x64xf32>
    %sub3A_85 = arith.subf %get3A_84, %get3A_1 : vector<512x64xf32>
    %concatenate3A_86 = tpu.concatenate %sub3A_85, %get3A_1 in 1 : vector<512x64xf32>, vector<512x64xf32> -> vector<512x128xf32>
    %dot_general3A_87 = arith.constant dense<0.000000e+00> : vector<512x64xf32>
    %dot_general3A_88 = tpu.matmul %concatenate3A_86, %get3A_4, %dot_general3A_87 {dimension_numbers = #tpu.dot_dimension_numbers<[1], [1], [0], [0], [0, 0, 1, 0], [], []>, transpose_lhs_hint = false} : vector<512x128xf32>, vector<64x128xf32>, vector<512x64xf32> -> vector<512x64xf32>
    %max3A_89 = arith.maximumf %max3A_79, %dot_general3A_88 : vector<512x64xf32>
    %get3A_90 = arith.constant 9 : index
    %get3A_91 = arith.constant 0 : index
    %get3A_92 = arith.constant 0 : index
    %get3A_93 = vector.load %arg2[%get3A_90, %get3A_91, %get3A_92] : memref<10x512x64xf32, #tpu.memory_space<vmem>>, vector<1x512x64xf32>
    %get3A_94 = vector.shape_cast %get3A_93 : vector<1x512x64xf32> to vector<512x64xf32>
    %sub3A_95 = arith.subf %get3A_94, %get3A_1 : vector<512x64xf32>
    %concatenate3A_96 = tpu.concatenate %sub3A_95, %get3A_1 in 1 : vector<512x64xf32>, vector<512x64xf32> -> vector<512x128xf32>
    %dot_general3A_97 = arith.constant dense<0.000000e+00> : vector<512x64xf32>
    %dot_general3A_98 = tpu.matmul %concatenate3A_96, %get3A_4, %dot_general3A_97 {dimension_numbers = #tpu.dot_dimension_numbers<[1], [1], [0], [0], [0, 0, 1, 0], [], []>, transpose_lhs_hint = false} : vector<512x128xf32>, vector<64x128xf32>, vector<512x64xf32> -> vector<512x64xf32>
    %max3A_99 = arith.maximumf %max3A_89, %dot_general3A_98 : vector<512x64xf32>
    %mul3A = arith.constant 2.000000e-01 : f32
    %mul3A_100 = vector.broadcast %mul3A : f32 to vector<512x64xf32>
    %mul3A_101 = arith.mulf %mul3A_100, %max3A_99 : vector<512x64xf32>
    %max3A_102 = arith.maximumf %max3A_99, %mul3A_101 : vector<512x64xf32>
    %swap3A = arith.constant 0 : index
    %swap3A_103 = arith.constant 0 : index
    %swap3A_104 = vector.load %arg4[%swap3A, %swap3A_103] : memref<512x64xf32, #tpu.memory_space<vmem>>, vector<512x64xf32>
    tpu.vector_store %arg4[%swap3A, %swap3A_103], %max3A_102 {strides = array<i32>} : memref<512x64xf32, #tpu.memory_space<vmem>>, vector<512x64xf32>,
    return
  }
  func.func @transform_0(%arg0: i32) -> (i32, i32) {
    %c0_i32 = arith.constant 0 : i32
    %c0_i32_0 = arith.constant 0 : i32
    return %arg0, %c0_i32 : i32, i32
  }
  func.func @transform_1(%arg0: i32) -> (i32, i32, i32) {
    %c0_i32 = arith.constant 0 : i32
    %c0_i32_0 = arith.constant 0 : i32
    %c0_i32_1 = arith.constant 0 : i32
    return %c0_i32, %arg0, %c0_i32_0 : i32, i32, i32
  }
  func.func @transform_2(%arg0: i32) -> (i32, i32) {
    %c0_i32 = arith.constant 0 : i32
    %c0_i32_0 = arith.constant 0 : i32
    %c0_i32_1 = arith.constant 0 : i32
    return %c0_i32, %c0_i32_0 : i32, i32
  }
  func.func @transform_3(%arg0: i32) -> (i32, i32) {
    %c0_i32 = arith.constant 0 : i32
    %c0_i32_0 = arith.constant 0 : i32
    return %arg0, %c0_i32 : i32, i32
  }
}

module attributes {stable_mosaic.version = 14 : i64} {
  func.func @_conv_max_body(%arg0: i32, %arg1: memref<512x64xf32, #tpu.memory_space<vmem>>, %arg2: memref<10x512x64xf32, #tpu.memory_space<vmem>>, %arg3: memref<128x128xf32, #tpu.memory_space<vmem>>, %arg4: memref<512x128xf32, #tpu.memory_space<vmem>>) attributes {dimension_semantics = [#tpu.dimension_semantics<arbitrary>], iteration_bounds = array<i64: 64>, scalar_prefetch = 0 : i64, scratch_operands = 0 : i64, tpu.core_type = #tpu.core_type<tc>, window_params = [{transform_indices = @transform_0, window_bounds = array<i64: 512, 64>}, {transform_indices = @transform_1, window_bounds = array<i64: 10, 512, 64>}, {pipeline_mode = #tpu.pipeline_mode<synchronous>, transform_indices = @transform_2, window_bounds = array<i64: 128, 128>}, {transform_indices = @transform_3, window_bounds = array<i64: 512, 128>}]} {
    %get3A = arith.constant 0 : index
    %get3A_0 = arith.constant 0 : index
    %get3A_1 = vector.load %arg1[%get3A, %get3A_0] : memref<512x64xf32, #tpu.memory_space<vmem>>, vector<512x64xf32>
    %get3A_2 = arith.constant 0 : index
    %get3A_3 = arith.constant 0 : index
    %get3A_4 = vector.load %arg3[%get3A_2, %get3A_3] : memref<128x128xf32, #tpu.memory_space<vmem>>, vector<128x128xf32>
    %get3A_5 = arith.constant 0 : index
    %get3A_6 = arith.constant 0 : index
    %get3A_7 = arith.constant 0 : index
    %get3A_8 = vector.load %arg2[%get3A_5, %get3A_6, %get3A_7] : memref<10x512x64xf32, #tpu.memory_space<vmem>>, vector<1x512x64xf32>
    %get3A_9 = vector.shape_cast %get3A_8 : vector<1x512x64xf32> to vector<512x64xf32>
    %sub3A = arith.subf %get3A_9, %get3A_1 : vector<512x64xf32>
    %concatenate3A = tpu.concatenate %sub3A, %get3A_1 in 1 : vector<512x64xf32>, vector<512x64xf32> -> vector<512x128xf32>
    %dot_general3A = arith.constant dense<0.000000e+00> : vector<512x128xf32>
    %dot_general3A_10 = tpu.matmul %concatenate3A, %get3A_4, %dot_general3A {dimension_numbers = #tpu.dot_dimension_numbers<[1], [1], [0], [0], [0, 0, 1, 0], [], []>, transpose_lhs_hint = false} : vector<512x128xf32>, vector<128x128xf32>, vector<512x128xf32> -> vector<512x128xf32>
    %get3A_11 = arith.constant 1 : index
    %get3A_12 = arith.constant 0 : index
    %get3A_13 = arith.constant 0 : index
    %get3A_14 = vector.load %arg2[%get3A_11, %get3A_12, %get3A_13] : memref<10x512x64xf32, #tpu.memory_space<vmem>>, vector<1x512x64xf32>
    %get3A_15 = vector.shape_cast %get3A_14 : vector<1x512x64xf32> to vector<512x64xf32>
    %sub3A_16 = arith.subf %get3A_15, %get3A_1 : vector<512x64xf32>
    %concatenate3A_17 = tpu.concatenate %sub3A_16, %get3A_1 in 1 : vector<512x64xf32>, vector<512x64xf32> -> vector<512x128xf32>
    %dot_general3A_18 = arith.constant dense<0.000000e+00> : vector<512x128xf32>
    %dot_general3A_19 = tpu.matmul %concatenate3A_17, %get3A_4, %dot_general3A_18 {dimension_numbers = #tpu.dot_dimension_numbers<[1], [1], [0], [0], [0, 0, 1, 0], [], []>, transpose_lhs_hint = false} : vector<512x128xf32>, vector<128x128xf32>, vector<512x128xf32> -> vector<512x128xf32>
    %max3A = arith.maximumf %dot_general3A_10, %dot_general3A_19 : vector<512x128xf32>
    %get3A_20 = arith.constant 2 : index
    %get3A_21 = arith.constant 0 : index
    %get3A_22 = arith.constant 0 : index
    %get3A_23 = vector.load %arg2[%get3A_20, %get3A_21, %get3A_22] : memref<10x512x64xf32, #tpu.memory_space<vmem>>, vector<1x512x64xf32>
    %get3A_24 = vector.shape_cast %get3A_23 : vector<1x512x64xf32> to vector<512x64xf32>
    %sub3A_25 = arith.subf %get3A_24, %get3A_1 : vector<512x64xf32>
    %concatenate3A_26 = tpu.concatenate %sub3A_25, %get3A_1 in 1 : vector<512x64xf32>, vector<512x64xf32> -> vector<512x128xf32>
    %dot_general3A_27 = arith.constant dense<0.000000e+00> : vector<512x128xf32>
    %dot_general3A_28 = tpu.matmul %concatenate3A_26, %get3A_4, %dot_general3A_27 {dimension_numbers = #tpu.dot_dimension_numbers<[1], [1], [0], [0], [0, 0, 1, 0], [], []>, transpose_lhs_hint = false} : vector<512x128xf32>, vector<128x128xf32>, vector<512x128xf32> -> vector<512x128xf32>
    %max3A_29 = arith.maximumf %max3A, %dot_general3A_28 : vector<512x128xf32>
    %get3A_30 = arith.constant 3 : index
    %get3A_31 = arith.constant 0 : index
    %get3A_32 = arith.constant 0 : index
    %get3A_33 = vector.load %arg2[%get3A_30, %get3A_31, %get3A_32] : memref<10x512x64xf32, #tpu.memory_space<vmem>>, vector<1x512x64xf32>
    %get3A_34 = vector.shape_cast %get3A_33 : vector<1x512x64xf32> to vector<512x64xf32>
    %sub3A_35 = arith.subf %get3A_34, %get3A_1 : vector<512x64xf32>
    %concatenate3A_36 = tpu.concatenate %sub3A_35, %get3A_1 in 1 : vector<512x64xf32>, vector<512x64xf32> -> vector<512x128xf32>
    %dot_general3A_37 = arith.constant dense<0.000000e+00> : vector<512x128xf32>
    %dot_general3A_38 = tpu.matmul %concatenate3A_36, %get3A_4, %dot_general3A_37 {dimension_numbers = #tpu.dot_dimension_numbers<[1], [1], [0], [0], [0, 0, 1, 0], [], []>, transpose_lhs_hint = false} : vector<512x128xf32>, vector<128x128xf32>, vector<512x128xf32> -> vector<512x128xf32>
    %max3A_39 = arith.maximumf %max3A_29, %dot_general3A_38 : vector<512x128xf32>
    %get3A_40 = arith.constant 4 : index
    %get3A_41 = arith.constant 0 : index
    %get3A_42 = arith.constant 0 : index
    %get3A_43 = vector.load %arg2[%get3A_40, %get3A_41, %get3A_42] : memref<10x512x64xf32, #tpu.memory_space<vmem>>, vector<1x512x64xf32>
    %get3A_44 = vector.shape_cast %get3A_43 : vector<1x512x64xf32> to vector<512x64xf32>
    %sub3A_45 = arith.subf %get3A_44, %get3A_1 : vector<512x64xf32>
    %concatenate3A_46 = tpu.concatenate %sub3A_45, %get3A_1 in 1 : vector<512x64xf32>, vector<512x64xf32> -> vector<512x128xf32>
    %dot_general3A_47 = arith.constant dense<0.000000e+00> : vector<512x128xf32>
    %dot_general3A_48 = tpu.matmul %concatenate3A_46, %get3A_4, %dot_general3A_47 {dimension_numbers = #tpu.dot_dimension_numbers<[1], [1], [0], [0], [0, 0, 1, 0], [], []>, transpose_lhs_hint = false} : vector<512x128xf32>, vector<128x128xf32>, vector<512x128xf32> -> vector<512x128xf32>
    %max3A_49 = arith.maximumf %max3A_39, %dot_general3A_48 : vector<512x128xf32>
    %get3A_50 = arith.constant 5 : index
    %get3A_51 = arith.constant 0 : index
    %get3A_52 = arith.constant 0 : index
    %get3A_53 = vector.load %arg2[%get3A_50, %get3A_51, %get3A_52] : memref<10x512x64xf32, #tpu.memory_space<vmem>>, vector<1x512x64xf32>
    %get3A_54 = vector.shape_cast %get3A_53 : vector<1x512x64xf32> to vector<512x64xf32>
    %sub3A_55 = arith.subf %get3A_54, %get3A_1 : vector<512x64xf32>
    %concatenate3A_56 = tpu.concatenate %sub3A_55, %get3A_1 in 1 : vector<512x64xf32>, vector<512x64xf32> -> vector<512x128xf32>
    %dot_general3A_57 = arith.constant dense<0.000000e+00> : vector<512x128xf32>
    %dot_general3A_58 = tpu.matmul %concatenate3A_56, %get3A_4, %dot_general3A_57 {dimension_numbers = #tpu.dot_dimension_numbers<[1], [1], [0], [0], [0, 0, 1, 0], [], []>, transpose_lhs_hint = false} : vector<512x128xf32>, vector<128x128xf32>, vector<512x128xf32> -> vector<512x128xf32>
    %max3A_59 = arith.maximumf %max3A_49, %dot_general3A_58 : vector<512x128xf32>
    %get3A_60 = arith.constant 6 : index
    %get3A_61 = arith.constant 0 : index
    %get3A_62 = arith.constant 0 : index
    %get3A_63 = vector.load %arg2[%get3A_60, %get3A_61, %get3A_62] : memref<10x512x64xf32, #tpu.memory_space<vmem>>, vector<1x512x64xf32>
    %get3A_64 = vector.shape_cast %get3A_63 : vector<1x512x64xf32> to vector<512x64xf32>
    %sub3A_65 = arith.subf %get3A_64, %get3A_1 : vector<512x64xf32>
    %concatenate3A_66 = tpu.concatenate %sub3A_65, %get3A_1 in 1 : vector<512x64xf32>, vector<512x64xf32> -> vector<512x128xf32>
    %dot_general3A_67 = arith.constant dense<0.000000e+00> : vector<512x128xf32>
    %dot_general3A_68 = tpu.matmul %concatenate3A_66, %get3A_4, %dot_general3A_67 {dimension_numbers = #tpu.dot_dimension_numbers<[1], [1], [0], [0], [0, 0, 1, 0], [], []>, transpose_lhs_hint = false} : vector<512x128xf32>, vector<128x128xf32>, vector<512x128xf32> -> vector<512x128xf32>
    %max3A_69 = arith.maximumf %max3A_59, %dot_general3A_68 : vector<512x128xf32>
    %get3A_70 = arith.constant 7 : index
    %get3A_71 = arith.constant 0 : index
    %get3A_72 = arith.constant 0 : index
    %get3A_73 = vector.load %arg2[%get3A_70, %get3A_71, %get3A_72] : memref<10x512x64xf32, #tpu.memory_space<vmem>>, vector<1x512x64xf32>
    %get3A_74 = vector.shape_cast %get3A_73 : vector<1x512x64xf32> to vector<512x64xf32>
    %sub3A_75 = arith.subf %get3A_74, %get3A_1 : vector<512x64xf32>
    %concatenate3A_76 = tpu.concatenate %sub3A_75, %get3A_1 in 1 : vector<512x64xf32>, vector<512x64xf32> -> vector<512x128xf32>
    %dot_general3A_77 = arith.constant dense<0.000000e+00> : vector<512x128xf32>
    %dot_general3A_78 = tpu.matmul %concatenate3A_76, %get3A_4, %dot_general3A_77 {dimension_numbers = #tpu.dot_dimension_numbers<[1], [1], [0], [0], [0, 0, 1, 0], [], []>, transpose_lhs_hint = false} : vector<512x128xf32>, vector<128x128xf32>, vector<512x128xf32> -> vector<512x128xf32>
    %max3A_79 = arith.maximumf %max3A_69, %dot_general3A_78 : vector<512x128xf32>
    %get3A_80 = arith.constant 8 : index
    %get3A_81 = arith.constant 0 : index
    %get3A_82 = arith.constant 0 : index
    %get3A_83 = vector.load %arg2[%get3A_80, %get3A_81, %get3A_82] : memref<10x512x64xf32, #tpu.memory_space<vmem>>, vector<1x512x64xf32>
    %get3A_84 = vector.shape_cast %get3A_83 : vector<1x512x64xf32> to vector<512x64xf32>
    %sub3A_85 = arith.subf %get3A_84, %get3A_1 : vector<512x64xf32>
    %concatenate3A_86 = tpu.concatenate %sub3A_85, %get3A_1 in 1 : vector<512x64xf32>, vector<512x64xf32> -> vector<512x128xf32>
    %dot_general3A_87 = arith.constant dense<0.000000e+00> : vector<512x128xf32>
    %dot_general3A_88 = tpu.matmul %concatenate3A_86, %get3A_4, %dot_general3A_87 {dimension_numbers = #tpu.dot_dimension_numbers<[1], [1], [0], [0], [0, 0, 1, 0], [], []>, transpose_lhs_hint = false} : vector<512x128xf32>, vector<128x128xf32>, vector<512x128xf32> -> vector<512x128xf32>
    %max3A_89 = arith.maximumf %max3A_79, %dot_general3A_88 : vector<512x128xf32>
    %get3A_90 = arith.constant 9 : index
    %get3A_91 = arith.constant 0 : index
    %get3A_92 = arith.constant 0 : index
    %get3A_93 = vector.load %arg2[%get3A_90, %get3A_91, %get3A_92] : memref<10x512x64xf32, #tpu.memory_space<vmem>>, vector<1x512x64xf32>
    %get3A_94 = vector.shape_cast %get3A_93 : vector<1x512x64xf32> to vector<512x64xf32>
    %sub3A_95 = arith.subf %get3A_94, %get3A_1 : vector<512x64xf32>
    %concatenate3A_96 = tpu.concatenate %sub3A_95, %get3A_1 in 1 : vector<512x64xf32>, vector<512x64xf32> -> vector<512x128xf32>
    %dot_general3A_97 = arith.constant dense<0.000000e+00> : vector<512x128xf32>
    %dot_general3A_98 = tpu.matmul %concatenate3A_96, %get3A_4, %dot_general3A_97 {dimension_numbers = #tpu.dot_dimension_numbers<[1], [1], [0], [0], [0, 0, 1, 0], [], []>, transpose_lhs_hint = false} : vector<512x128xf32>, vector<128x128xf32>, vector<512x128xf32> -> vector<512x128xf32>
    %max3A_99 = arith.maximumf %max3A_89, %dot_general3A_98 : vector<512x128xf32>
    %mul3A = arith.constant 2.000000e-01 : f32
    %mul3A_100 = vector.broadcast %mul3A : f32 to vector<512x128xf32>
    %mul3A_101 = arith.mulf %mul3A_100, %max3A_99 : vector<512x128xf32>
    %max3A_102 = arith.maximumf %max3A_99, %mul3A_101 : vector<512x128xf32>
    %swap3A = arith.constant 0 : index
    %swap3A_103 = arith.constant 0 : index
    %swap3A_104 = vector.load %arg4[%swap3A, %swap3A_103] : memref<512x128xf32, #tpu.memory_space<vmem>>, vector<512x128xf32>
    tpu.vector_store %arg4[%swap3A, %swap3A_103], %max3A_102 {strides = array<i32>} : memref<512x128xf32, #tpu.memory_space<vmem>>, vector<512x128xf32>,
    return
  }
  func.func @transform_0(%arg0: i32) -> (i32, i32) {
    %c0_i32 = arith.constant 0 : i32
    %c0_i32_0 = arith.constant 0 : i32
    return %arg0, %c0_i32 : i32, i32
  }
  func.func @transform_1(%arg0: i32) -> (i32, i32, i32) {
    %c0_i32 = arith.constant 0 : i32
    %c0_i32_0 = arith.constant 0 : i32
    %c0_i32_1 = arith.constant 0 : i32
    return %c0_i32, %arg0, %c0_i32_0 : i32, i32, i32
  }
  func.func @transform_2(%arg0: i32) -> (i32, i32) {
    %c0_i32 = arith.constant 0 : i32
    %c0_i32_0 = arith.constant 0 : i32
    %c0_i32_1 = arith.constant 0 : i32
    return %c0_i32, %c0_i32_0 : i32, i32
  }
  func.func @transform_3(%arg0: i32) -> (i32, i32) {
    %c0_i32 = arith.constant 0 : i32
    %c0_i32_0 = arith.constant 0 : i32
    return %arg0, %c0_i32 : i32, i32
  }
}

module attributes {stable_mosaic.version = 14 : i64} {
  func.func @_knn_body(%arg0: i32, %arg1: i32, %arg2: memref<1x512x128xf32, #tpu.memory_space<vmem>>, %arg3: memref<1x2048x128xf32, #tpu.memory_space<vmem>>, %arg4: memref<10x512xi32, #tpu.memory_space<vmem>>, %arg5: memref<1x2048xf32, #tpu.memory_space<vmem>>) attributes {dimension_semantics = [#tpu.dimension_semantics<arbitrary>, #tpu.dimension_semantics<arbitrary>], iteration_bounds = array<i64: 16, 4>, scalar_prefetch = 0 : i64, scratch_operands = 1 : i64, tpu.core_type = #tpu.core_type<tc>, window_params = [{transform_indices = @transform_0, window_bounds = array<i64: 1, 512, 128>}, {transform_indices = @transform_1, window_bounds = array<i64: 1, 2048, 128>}, {transform_indices = @transform_2, window_bounds = array<i64: 10, 512>}]} {
    %get3A = arith.constant 0 : index
    %get3A_0 = arith.constant 0 : index
    %get3A_1 = arith.constant 0 : index
    %get3A_2 = vector.load %arg2[%get3A, %get3A_0, %get3A_1] : memref<1x512x128xf32, #tpu.memory_space<vmem>>, vector<1x512x128xf32>
    %get3A_3 = vector.shape_cast %get3A_2 : vector<1x512x128xf32> to vector<512x128xf32>
    %get3A_4 = arith.constant 0 : index
    %get3A_5 = arith.constant 0 : index
    %get3A_6 = arith.constant 0 : index
    %get3A_7 = vector.load %arg3[%get3A_4, %get3A_5, %get3A_6] : memref<1x2048x128xf32, #tpu.memory_space<vmem>>, vector<1x2048x128xf32>
    %get3A_8 = vector.shape_cast %get3A_7 : vector<1x2048x128xf32> to vector<2048x128xf32>
    %eq3A = arith.constant 0 : i32
    %eq3A_9 = arith.cmpi eq, %arg1, %eq3A : i32
    %convert_element_type3A = arith.extui %eq3A_9 : i1 to i32
    %cond3A = arith.constant 0 : i32
    %cond3A_10 = arith.cmpi ne, %convert_element_type3A, %cond3A : i32
    scf.if %cond3A_10 {
      %mul3A_1188 = arith.mulf %get3A_8, %get3A_8 : vector<2048x128xf32>
      %reduce_sum3A_1189 = arith.constant dense<0.000000e+00> : vector<2048xf32>
      %reduce_sum3A_1190 = vector.multi_reduction <add>, %mul3A_1188, %reduce_sum3A_1189 [1] : vector<2048x128xf32> to vector<2048xf32>
      %broadcast_in_dim3A_1191 = vector.shape_cast %reduce_sum3A_1190 : vector<2048xf32> to vector<2048x1xf32>
      %transpose3A_1192 = tpu.transpose %broadcast_in_dim3A_1191, [1, 0] : vector<2048x1xf32> -> vector<1x2048xf32>
      %swap3A_1193 = arith.constant 0 : index
      %swap3A_1194 = arith.constant 0 : index
      %swap3A_1195 = vector.load %arg5[%swap3A_1193, %swap3A_1194] : memref<1x2048xf32, #tpu.memory_space<vmem>>, vector<1x2048xf32>
      tpu.vector_store %arg5[%swap3A_1193, %swap3A_1194], %transpose3A_1192 {strides = array<i32>} : memref<1x2048xf32, #tpu.memory_space<vmem>>, vector<1x2048xf32>,
    } else {
    }
    %dot_general3A = arith.constant dense<0.000000e+00> : vector<512x2048xf32>
    %dot_general3A_11 = tpu.matmul %get3A_3, %get3A_8, %dot_general3A {dimension_numbers = #tpu.dot_dimension_numbers<[1], [1], [0], [0], [0, 0, 1, 0], [], []>, transpose_lhs_hint = false} : vector<512x128xf32>, vector<2048x128xf32>, vector<512x2048xf32> -> vector<512x2048xf32>
    %mul3A = arith.mulf %get3A_3, %get3A_3 : vector<512x128xf32>
    %reduce_sum3A = arith.constant dense<0.000000e+00> : vector<512xf32>
    %reduce_sum3A_12 = vector.multi_reduction <add>, %mul3A, %reduce_sum3A [1] : vector<512x128xf32> to vector<512xf32>
    %broadcast_in_dim3A = vector.shape_cast %reduce_sum3A_12 : vector<512xf32> to vector<512x1xf32>
    %mul3A_13 = arith.constant 2.000000e+00 : f32
    %mul3A_14 = vector.broadcast %mul3A_13 : f32 to vector<512x2048xf32>
    %mul3A_15 = arith.mulf %mul3A_14, %dot_general3A_11 : vector<512x2048xf32>
    %sub3A = vector.broadcast %broadcast_in_dim3A : vector<512x1xf32> to vector<512x2048xf32>
    %sub3A_16 = arith.subf %mul3A_15, %sub3A : vector<512x2048xf32>
    %get3A_17 = arith.constant 0 : index
    %get3A_18 = arith.constant 0 : index
    %get3A_19 = vector.load %arg5[%get3A_17, %get3A_18] : memref<1x2048xf32, #tpu.memory_space<vmem>>, vector<1x2048xf32>
    %sub3A_20 = vector.broadcast %get3A_19 : vector<1x2048xf32> to vector<512x2048xf32>
    %sub3A_21 = arith.subf %sub3A_16, %sub3A_20 : vector<512x2048xf32>
    %iota3A = tpu.iota {dimensions = array<i32: 1>} : vector<512x2048xi32>
    %mul3A_22 = arith.constant 512 : i32
    %mul3A_23 = arith.muli %arg1, %mul3A_22 : i32
    %iota3A_24 = tpu.iota {dimensions = array<i32: 0>} : vector<512x1xi32>
    %add3A = vector.broadcast %mul3A_23 : i32 to vector<512x1xi32>
    %add3A_25 = arith.addi %add3A, %iota3A_24 : vector<512x1xi32>
    %eq3A_26 = vector.broadcast %add3A_25 : vector<512x1xi32> to vector<512x2048xi32>
    %eq3A_27 = arith.cmpi eq, %iota3A, %eq3A_26 : vector<512x2048xi32>
    %jit3A = arith.constant -1.000000e+30 : f32
    %broadcast_in_dim3A_28 = vector.broadcast %jit3A : f32 to vector<512x2048xf32>
    %select_n3A = arith.select %eq3A_27, %broadcast_in_dim3A_28, %sub3A_21 : vector<512x2048xi1>, vector<512x2048xf32>
    %iota3A_29 = tpu.iota {dimensions = array<i32: 1>} : vector<512x128xi32>
    %eq3A_30 = arith.constant 0 : i32
    %eq3A_31 = vector.broadcast %eq3A_30 : i32 to vector<512x128xi32>
    %eq3A_32 = arith.cmpi eq, %iota3A_29, %eq3A_31 : vector<512x128xi32>
    %jit3A_33 = arith.constant 0 : i32
    %broadcast_in_dim3A_34 = vector.shape_cast %add3A_25 : vector<512x1xi32> to vector<512x1xi32>
    %broadcast_in_dim3A_35 = vector.broadcast %broadcast_in_dim3A_34 : vector<512x1xi32> to vector<512x128xi32>
    %broadcast_in_dim3A_36 = vector.broadcast %jit3A_33 : i32 to vector<512x128xi32>
    %select_n3A_37 = arith.select %eq3A_32, %broadcast_in_dim3A_35, %broadcast_in_dim3A_36 : vector<512x128xi1>, vector<512x128xi32>
    %slice3A = vector.extract_strided_slice %select_n3A {offsets = [0, 0], sizes = [512, 128], strides = [1, 1]} : vector<512x2048xf32> to vector<512x128xf32>
    %slice3A_38 = vector.extract_strided_slice %select_n3A {offsets = [0, 128], sizes = [512, 128], strides = [1, 1]} : vector<512x2048xf32> to vector<512x128xf32>
    %gt3A = arith.cmpf ogt, %slice3A_38, %slice3A : vector<512x128xf32>
    %max3A = arith.maximumf %slice3A, %slice3A_38 : vector<512x128xf32>
    %add3A_39 = arith.constant 128 : i32
    %add3A_40 = vector.broadcast %add3A_39 : i32 to vector<512x128xi32>
    %add3A_41 = arith.addi %iota3A_29, %add3A_40 : vector<512x128xi32>
    %select_n3A_42 = arith.select %gt3A, %add3A_41, %iota3A_29 : vector<512x128xi1>, vector<512x128xi32>
    %slice3A_43 = vector.extract_strided_slice %select_n3A {offsets = [0, 256], sizes = [512, 128], strides = [1, 1]} : vector<512x2048xf32> to vector<512x128xf32>
    %gt3A_44 = arith.cmpf ogt, %slice3A_43, %max3A : vector<512x128xf32>
    %max3A_45 = arith.maximumf %max3A, %slice3A_43 : vector<512x128xf32>
    %add3A_46 = arith.constant 256 : i32
    %add3A_47 = vector.broadcast %add3A_46 : i32 to vector<512x128xi32>
    %add3A_48 = arith.addi %iota3A_29, %add3A_47 : vector<512x128xi32>
    %select_n3A_49 = arith.select %gt3A_44, %add3A_48, %select_n3A_42 : vector<512x128xi1>, vector<512x128xi32>
    %slice3A_50 = vector.extract_strided_slice %select_n3A {offsets = [0, 384], sizes = [512, 128], strides = [1, 1]} : vector<512x2048xf32> to vector<512x128xf32>
    %gt3A_51 = arith.cmpf ogt, %slice3A_50, %max3A_45 : vector<512x128xf32>
    %max3A_52 = arith.maximumf %max3A_45, %slice3A_50 : vector<512x128xf32>
    %add3A_53 = arith.constant 384 : i32
    %add3A_54 = vector.broadcast %add3A_53 : i32 to vector<512x128xi32>
    %add3A_55 = arith.addi %iota3A_29, %add3A_54 : vector<512x128xi32>
    %select_n3A_56 = arith.select %gt3A_51, %add3A_55, %select_n3A_49 : vector<512x128xi1>, vector<512x128xi32>
    %slice3A_57 = vector.extract_strided_slice %select_n3A {offsets = [0, 512], sizes = [512, 128], strides = [1, 1]} : vector<512x2048xf32> to vector<512x128xf32>
    %gt3A_58 = arith.cmpf ogt, %slice3A_57, %max3A_52 : vector<512x128xf32>
    %max3A_59 = arith.maximumf %max3A_52, %slice3A_57 : vector<512x128xf32>
    %add3A_60 = arith.constant 512 : i32
    %add3A_61 = vector.broadcast %add3A_60 : i32 to vector<512x128xi32>
    %add3A_62 = arith.addi %iota3A_29, %add3A_61 : vector<512x128xi32>
    %select_n3A_63 = arith.select %gt3A_58, %add3A_62, %select_n3A_56 : vector<512x128xi1>, vector<512x128xi32>
    %slice3A_64 = vector.extract_strided_slice %select_n3A {offsets = [0, 640], sizes = [512, 128], strides = [1, 1]} : vector<512x2048xf32> to vector<512x128xf32>
    %gt3A_65 = arith.cmpf ogt, %slice3A_64, %max3A_59 : vector<512x128xf32>
    %max3A_66 = arith.maximumf %max3A_59, %slice3A_64 : vector<512x128xf32>
    %add3A_67 = arith.constant 640 : i32
    %add3A_68 = vector.broadcast %add3A_67 : i32 to vector<512x128xi32>
    %add3A_69 = arith.addi %iota3A_29, %add3A_68 : vector<512x128xi32>
    %select_n3A_70 = arith.select %gt3A_65, %add3A_69, %select_n3A_63 : vector<512x128xi1>, vector<512x128xi32>
    %slice3A_71 = vector.extract_strided_slice %select_n3A {offsets = [0, 768], sizes = [512, 128], strides = [1, 1]} : vector<512x2048xf32> to vector<512x128xf32>
    %gt3A_72 = arith.cmpf ogt, %slice3A_71, %max3A_66 : vector<512x128xf32>
    %max3A_73 = arith.maximumf %max3A_66, %slice3A_71 : vector<512x128xf32>
    %add3A_74 = arith.constant 768 : i32
    %add3A_75 = vector.broadcast %add3A_74 : i32 to vector<512x128xi32>
    %add3A_76 = arith.addi %iota3A_29, %add3A_75 : vector<512x128xi32>
    %select_n3A_77 = arith.select %gt3A_72, %add3A_76, %select_n3A_70 : vector<512x128xi1>, vector<512x128xi32>
    %slice3A_78 = vector.extract_strided_slice %select_n3A {offsets = [0, 896], sizes = [512, 128], strides = [1, 1]} : vector<512x2048xf32> to vector<512x128xf32>
    %gt3A_79 = arith.cmpf ogt, %slice3A_78, %max3A_73 : vector<512x128xf32>
    %max3A_80 = arith.maximumf %max3A_73, %slice3A_78 : vector<512x128xf32>
    %add3A_81 = arith.constant 896 : i32
    %add3A_82 = vector.broadcast %add3A_81 : i32 to vector<512x128xi32>
    %add3A_83 = arith.addi %iota3A_29, %add3A_82 : vector<512x128xi32>
    %select_n3A_84 = arith.select %gt3A_79, %add3A_83, %select_n3A_77 : vector<512x128xi1>, vector<512x128xi32>
    %slice3A_85 = vector.extract_strided_slice %select_n3A {offsets = [0, 1024], sizes = [512, 128], strides = [1, 1]} : vector<512x2048xf32> to vector<512x128xf32>
    %gt3A_86 = arith.cmpf ogt, %slice3A_85, %max3A_80 : vector<512x128xf32>
    %max3A_87 = arith.maximumf %max3A_80, %slice3A_85 : vector<512x128xf32>
    %add3A_88 = arith.constant 1024 : i32
    %add3A_89 = vector.broadcast %add3A_88 : i32 to vector<512x128xi32>
    %add3A_90 = arith.addi %iota3A_29, %add3A_89 : vector<512x128xi32>
    %select_n3A_91 = arith.select %gt3A_86, %add3A_90, %select_n3A_84 : vector<512x128xi1>, vector<512x128xi32>
    %slice3A_92 = vector.extract_strided_slice %select_n3A {offsets = [0, 1152], sizes = [512, 128], strides = [1, 1]} : vector<512x2048xf32> to vector<512x128xf32>
    %gt3A_93 = arith.cmpf ogt, %slice3A_92, %max3A_87 : vector<512x128xf32>
    %max3A_94 = arith.maximumf %max3A_87, %slice3A_92 : vector<512x128xf32>
    %add3A_95 = arith.constant 1152 : i32
    %add3A_96 = vector.broadcast %add3A_95 : i32 to vector<512x128xi32>
    %add3A_97 = arith.addi %iota3A_29, %add3A_96 : vector<512x128xi32>
    %select_n3A_98 = arith.select %gt3A_93, %add3A_97, %select_n3A_91 : vector<512x128xi1>, vector<512x128xi32>
    %slice3A_99 = vector.extract_strided_slice %select_n3A {offsets = [0, 1280], sizes = [512, 128], strides = [1, 1]} : vector<512x2048xf32> to vector<512x128xf32>
    %gt3A_100 = arith.cmpf ogt, %slice3A_99, %max3A_94 : vector<512x128xf32>
    %max3A_101 = arith.maximumf %max3A_94, %slice3A_99 : vector<512x128xf32>
    %add3A_102 = arith.constant 1280 : i32
    %add3A_103 = vector.broadcast %add3A_102 : i32 to vector<512x128xi32>
    %add3A_104 = arith.addi %iota3A_29, %add3A_103 : vector<512x128xi32>
    %select_n3A_105 = arith.select %gt3A_100, %add3A_104, %select_n3A_98 : vector<512x128xi1>, vector<512x128xi32>
    %slice3A_106 = vector.extract_strided_slice %select_n3A {offsets = [0, 1408], sizes = [512, 128], strides = [1, 1]} : vector<512x2048xf32> to vector<512x128xf32>
    %gt3A_107 = arith.cmpf ogt, %slice3A_106, %max3A_101 : vector<512x128xf32>
    %max3A_108 = arith.maximumf %max3A_101, %slice3A_106 : vector<512x128xf32>
    %add3A_109 = arith.constant 1408 : i32
    %add3A_110 = vector.broadcast %add3A_109 : i32 to vector<512x128xi32>
    %add3A_111 = arith.addi %iota3A_29, %add3A_110 : vector<512x128xi32>
    %select_n3A_112 = arith.select %gt3A_107, %add3A_111, %select_n3A_105 : vector<512x128xi1>, vector<512x128xi32>
    %slice3A_113 = vector.extract_strided_slice %select_n3A {offsets = [0, 1536], sizes = [512, 128], strides = [1, 1]} : vector<512x2048xf32> to vector<512x128xf32>
    %gt3A_114 = arith.cmpf ogt, %slice3A_113, %max3A_108 : vector<512x128xf32>
    %max3A_115 = arith.maximumf %max3A_108, %slice3A_113 : vector<512x128xf32>
    %add3A_116 = arith.constant 1536 : i32
    %add3A_117 = vector.broadcast %add3A_116 : i32 to vector<512x128xi32>
    %add3A_118 = arith.addi %iota3A_29, %add3A_117 : vector<512x128xi32>
    %select_n3A_119 = arith.select %gt3A_114, %add3A_118, %select_n3A_112 : vector<512x128xi1>, vector<512x128xi32>
    %slice3A_120 = vector.extract_strided_slice %select_n3A {offsets = [0, 1664], sizes = [512, 128], strides = [1, 1]} : vector<512x2048xf32> to vector<512x128xf32>
    %gt3A_121 = arith.cmpf ogt, %slice3A_120, %max3A_115 : vector<512x128xf32>
    %max3A_122 = arith.maximumf %max3A_115, %slice3A_120 : vector<512x128xf32>
    %add3A_123 = arith.constant 1664 : i32
    %add3A_124 = vector.broadcast %add3A_123 : i32 to vector<512x128xi32>
    %add3A_125 = arith.addi %iota3A_29, %add3A_124 : vector<512x128xi32>
    %select_n3A_126 = arith.select %gt3A_121, %add3A_125, %select_n3A_119 : vector<512x128xi1>, vector<512x128xi32>
    %slice3A_127 = vector.extract_strided_slice %select_n3A {offsets = [0, 1792], sizes = [512, 128], strides = [1, 1]} : vector<512x2048xf32> to vector<512x128xf32>
    %gt3A_128 = arith.cmpf ogt, %slice3A_127, %max3A_122 : vector<512x128xf32>
    %max3A_129 = arith.maximumf %max3A_122, %slice3A_127 : vector<512x128xf32>
    %add3A_130 = arith.constant 1792 : i32
    %add3A_131 = vector.broadcast %add3A_130 : i32 to vector<512x128xi32>
    %add3A_132 = arith.addi %iota3A_29, %add3A_131 : vector<512x128xi32>
    %select_n3A_133 = arith.select %gt3A_128, %add3A_132, %select_n3A_126 : vector<512x128xi1>, vector<512x128xi32>
    %slice3A_134 = vector.extract_strided_slice %select_n3A {offsets = [0, 1920], sizes = [512, 128], strides = [1, 1]} : vector<512x2048xf32> to vector<512x128xf32>
    %gt3A_135 = arith.cmpf ogt, %slice3A_134, %max3A_129 : vector<512x128xf32>
    %max3A_136 = arith.maximumf %max3A_129, %slice3A_134 : vector<512x128xf32>
    %add3A_137 = arith.constant 1920 : i32
    %add3A_138 = vector.broadcast %add3A_137 : i32 to vector<512x128xi32>
    %add3A_139 = arith.addi %iota3A_29, %add3A_138 : vector<512x128xi32>
    %select_n3A_140 = arith.select %gt3A_135, %add3A_139, %select_n3A_133 : vector<512x128xi1>, vector<512x128xi32>
    %reduce_max3A = arith.constant dense<0xFF800000> : vector<512xf32>
    %reduce_max3A_141 = vector.multi_reduction <maximumf>, %max3A_136, %reduce_max3A [1] : vector<512x128xf32> to vector<512xf32>
    %broadcast_in_dim3A_142 = vector.shape_cast %reduce_max3A_141 : vector<512xf32> to vector<512x1xf32>
    %eq3A_143 = vector.broadcast %broadcast_in_dim3A_142 : vector<512x1xf32> to vector<512x128xf32>
    %eq3A_144 = arith.cmpf oeq, %max3A_136, %eq3A_143 : vector<512x128xf32>
    %jit3A_145 = arith.constant 2048 : i32
    %broadcast_in_dim3A_146 = vector.broadcast %jit3A_145 : i32 to vector<512x128xi32>
    %select_n3A_147 = arith.select %eq3A_144, %select_n3A_140, %broadcast_in_dim3A_146 : vector<512x128xi1>, vector<512x128xi32>
    %reduce_min3A = arith.constant dense<2147483647> : vector<512xi32>
    %reduce_min3A_148 = vector.multi_reduction <minsi>, %select_n3A_147, %reduce_min3A [1] : vector<512x128xi32> to vector<512xi32>
    %broadcast_in_dim3A_149 = vector.shape_cast %reduce_min3A_148 : vector<512xi32> to vector<512x1xi32>
    %eq3A_150 = arith.constant 1 : i32
    %eq3A_151 = vector.broadcast %eq3A_150 : i32 to vector<512x128xi32>
    %eq3A_152 = arith.cmpi eq, %iota3A_29, %eq3A_151 : vector<512x128xi32>
    %broadcast_in_dim3A_153 = vector.shape_cast %broadcast_in_dim3A_149 : vector<512x1xi32> to vector<512x1xi32>
    %broadcast_in_dim3A_154 = vector.broadcast %broadcast_in_dim3A_153 : vector<512x1xi32> to vector<512x128xi32>
    %select_n3A_155 = arith.select %eq3A_152, %broadcast_in_dim3A_154, %select_n3A_37 : vector<512x128xi1>, vector<512x128xi32>
    %eq3A_156 = vector.broadcast %broadcast_in_dim3A_149 : vector<512x1xi32> to vector<512x2048xi32>
    %eq3A_157 = arith.cmpi eq, %iota3A, %eq3A_156 : vector<512x2048xi32>
    %jit3A_158 = arith.constant -1.000000e+30 : f32
    %broadcast_in_dim3A_159 = vector.broadcast %jit3A_158 : f32 to vector<512x2048xf32>
    %select_n3A_160 = arith.select %eq3A_157, %broadcast_in_dim3A_159, %select_n3A : vector<512x2048xi1>, vector<512x2048xf32>
    %slice3A_161 = vector.extract_strided_slice %select_n3A_160 {offsets = [0, 0], sizes = [512, 128], strides = [1, 1]} : vector<512x2048xf32> to vector<512x128xf32>
    %slice3A_162 = vector.extract_strided_slice %select_n3A_160 {offsets = [0, 128], sizes = [512, 128], strides = [1, 1]} : vector<512x2048xf32> to vector<512x128xf32>
    %gt3A_163 = arith.cmpf ogt, %slice3A_162, %slice3A_161 : vector<512x128xf32>
    %max3A_164 = arith.maximumf %slice3A_161, %slice3A_162 : vector<512x128xf32>
    %add3A_165 = arith.constant 128 : i32
    %add3A_166 = vector.broadcast %add3A_165 : i32 to vector<512x128xi32>
    %add3A_167 = arith.addi %iota3A_29, %add3A_166 : vector<512x128xi32>
    %select_n3A_168 = arith.select %gt3A_163, %add3A_167, %iota3A_29 : vector<512x128xi1>, vector<512x128xi32>
    %slice3A_169 = vector.extract_strided_slice %select_n3A_160 {offsets = [0, 256], sizes = [512, 128], strides = [1, 1]} : vector<512x2048xf32> to vector<512x128xf32>
    %gt3A_170 = arith.cmpf ogt, %slice3A_169, %max3A_164 : vector<512x128xf32>
    %max3A_171 = arith.maximumf %max3A_164, %slice3A_169 : vector<512x128xf32>
    %add3A_172 = arith.constant 256 : i32
    %add3A_173 = vector.broadcast %add3A_172 : i32 to vector<512x128xi32>
    %add3A_174 = arith.addi %iota3A_29, %add3A_173 : vector<512x128xi32>
    %select_n3A_175 = arith.select %gt3A_170, %add3A_174, %select_n3A_168 : vector<512x128xi1>, vector<512x128xi32>
    %slice3A_176 = vector.extract_strided_slice %select_n3A_160 {offsets = [0, 384], sizes = [512, 128], strides = [1, 1]} : vector<512x2048xf32> to vector<512x128xf32>
    %gt3A_177 = arith.cmpf ogt, %slice3A_176, %max3A_171 : vector<512x128xf32>
    %max3A_178 = arith.maximumf %max3A_171, %slice3A_176 : vector<512x128xf32>
    %add3A_179 = arith.constant 384 : i32
    %add3A_180 = vector.broadcast %add3A_179 : i32 to vector<512x128xi32>
    %add3A_181 = arith.addi %iota3A_29, %add3A_180 : vector<512x128xi32>
    %select_n3A_182 = arith.select %gt3A_177, %add3A_181, %select_n3A_175 : vector<512x128xi1>, vector<512x128xi32>
    %slice3A_183 = vector.extract_strided_slice %select_n3A_160 {offsets = [0, 512], sizes = [512, 128], strides = [1, 1]} : vector<512x2048xf32> to vector<512x128xf32>
    %gt3A_184 = arith.cmpf ogt, %slice3A_183, %max3A_178 : vector<512x128xf32>
    %max3A_185 = arith.maximumf %max3A_178, %slice3A_183 : vector<512x128xf32>
    %add3A_186 = arith.constant 512 : i32
    %add3A_187 = vector.broadcast %add3A_186 : i32 to vector<512x128xi32>
    %add3A_188 = arith.addi %iota3A_29, %add3A_187 : vector<512x128xi32>
    %select_n3A_189 = arith.select %gt3A_184, %add3A_188, %select_n3A_182 : vector<512x128xi1>, vector<512x128xi32>
    %slice3A_190 = vector.extract_strided_slice %select_n3A_160 {offsets = [0, 640], sizes = [512, 128], strides = [1, 1]} : vector<512x2048xf32> to vector<512x128xf32>
    %gt3A_191 = arith.cmpf ogt, %slice3A_190, %max3A_185 : vector<512x128xf32>
    %max3A_192 = arith.maximumf %max3A_185, %slice3A_190 : vector<512x128xf32>
    %add3A_193 = arith.constant 640 : i32
    %add3A_194 = vector.broadcast %add3A_193 : i32 to vector<512x128xi32>
    %add3A_195 = arith.addi %iota3A_29, %add3A_194 : vector<512x128xi32>
    %select_n3A_196 = arith.select %gt3A_191, %add3A_195, %select_n3A_189 : vector<512x128xi1>, vector<512x128xi32>
    %slice3A_197 = vector.extract_strided_slice %select_n3A_160 {offsets = [0, 768], sizes = [512, 128], strides = [1, 1]} : vector<512x2048xf32> to vector<512x128xf32>
    %gt3A_198 = arith.cmpf ogt, %slice3A_197, %max3A_192 : vector<512x128xf32>
    %max3A_199 = arith.maximumf %max3A_192, %slice3A_197 : vector<512x128xf32>
    %add3A_200 = arith.constant 768 : i32
    %add3A_201 = vector.broadcast %add3A_200 : i32 to vector<512x128xi32>
    %add3A_202 = arith.addi %iota3A_29, %add3A_201 : vector<512x128xi32>
    %select_n3A_203 = arith.select %gt3A_198, %add3A_202, %select_n3A_196 : vector<512x128xi1>, vector<512x128xi32>
    %slice3A_204 = vector.extract_strided_slice %select_n3A_160 {offsets = [0, 896], sizes = [512, 128], strides = [1, 1]} : vector<512x2048xf32> to vector<512x128xf32>
    %gt3A_205 = arith.cmpf ogt, %slice3A_204, %max3A_199 : vector<512x128xf32>
    %max3A_206 = arith.maximumf %max3A_199, %slice3A_204 : vector<512x128xf32>
    %add3A_207 = arith.constant 896 : i32
    %add3A_208 = vector.broadcast %add3A_207 : i32 to vector<512x128xi32>
    %add3A_209 = arith.addi %iota3A_29, %add3A_208 : vector<512x128xi32>
    %select_n3A_210 = arith.select %gt3A_205, %add3A_209, %select_n3A_203 : vector<512x128xi1>, vector<512x128xi32>
    %slice3A_211 = vector.extract_strided_slice %select_n3A_160 {offsets = [0, 1024], sizes = [512, 128], strides = [1, 1]} : vector<512x2048xf32> to vector<512x128xf32>
    %gt3A_212 = arith.cmpf ogt, %slice3A_211, %max3A_206 : vector<512x128xf32>
    %max3A_213 = arith.maximumf %max3A_206, %slice3A_211 : vector<512x128xf32>
    %add3A_214 = arith.constant 1024 : i32
    %add3A_215 = vector.broadcast %add3A_214 : i32 to vector<512x128xi32>
    %add3A_216 = arith.addi %iota3A_29, %add3A_215 : vector<512x128xi32>
    %select_n3A_217 = arith.select %gt3A_212, %add3A_216, %select_n3A_210 : vector<512x128xi1>, vector<512x128xi32>
    %slice3A_218 = vector.extract_strided_slice %select_n3A_160 {offsets = [0, 1152], sizes = [512, 128], strides = [1, 1]} : vector<512x2048xf32> to vector<512x128xf32>
    %gt3A_219 = arith.cmpf ogt, %slice3A_218, %max3A_213 : vector<512x128xf32>
    %max3A_220 = arith.maximumf %max3A_213, %slice3A_218 : vector<512x128xf32>
    %add3A_221 = arith.constant 1152 : i32
    %add3A_222 = vector.broadcast %add3A_221 : i32 to vector<512x128xi32>
    %add3A_223 = arith.addi %iota3A_29, %add3A_222 : vector<512x128xi32>
    %select_n3A_224 = arith.select %gt3A_219, %add3A_223, %select_n3A_217 : vector<512x128xi1>, vector<512x128xi32>
    %slice3A_225 = vector.extract_strided_slice %select_n3A_160 {offsets = [0, 1280], sizes = [512, 128], strides = [1, 1]} : vector<512x2048xf32> to vector<512x128xf32>
    %gt3A_226 = arith.cmpf ogt, %slice3A_225, %max3A_220 : vector<512x128xf32>
    %max3A_227 = arith.maximumf %max3A_220, %slice3A_225 : vector<512x128xf32>
    %add3A_228 = arith.constant 1280 : i32
    %add3A_229 = vector.broadcast %add3A_228 : i32 to vector<512x128xi32>
    %add3A_230 = arith.addi %iota3A_29, %add3A_229 : vector<512x128xi32>
    %select_n3A_231 = arith.select %gt3A_226, %add3A_230, %select_n3A_224 : vector<512x128xi1>, vector<512x128xi32>
    %slice3A_232 = vector.extract_strided_slice %select_n3A_160 {offsets = [0, 1408], sizes = [512, 128], strides = [1, 1]} : vector<512x2048xf32> to vector<512x128xf32>
    %gt3A_233 = arith.cmpf ogt, %slice3A_232, %max3A_227 : vector<512x128xf32>
    %max3A_234 = arith.maximumf %max3A_227, %slice3A_232 : vector<512x128xf32>
    %add3A_235 = arith.constant 1408 : i32
    %add3A_236 = vector.broadcast %add3A_235 : i32 to vector<512x128xi32>
    %add3A_237 = arith.addi %iota3A_29, %add3A_236 : vector<512x128xi32>
    %select_n3A_238 = arith.select %gt3A_233, %add3A_237, %select_n3A_231 : vector<512x128xi1>, vector<512x128xi32>
    %slice3A_239 = vector.extract_strided_slice %select_n3A_160 {offsets = [0, 1536], sizes = [512, 128], strides = [1, 1]} : vector<512x2048xf32> to vector<512x128xf32>
    %gt3A_240 = arith.cmpf ogt, %slice3A_239, %max3A_234 : vector<512x128xf32>
    %max3A_241 = arith.maximumf %max3A_234, %slice3A_239 : vector<512x128xf32>
    %add3A_242 = arith.constant 1536 : i32
    %add3A_243 = vector.broadcast %add3A_242 : i32 to vector<512x128xi32>
    %add3A_244 = arith.addi %iota3A_29, %add3A_243 : vector<512x128xi32>
    %select_n3A_245 = arith.select %gt3A_240, %add3A_244, %select_n3A_238 : vector<512x128xi1>, vector<512x128xi32>
    %slice3A_246 = vector.extract_strided_slice %select_n3A_160 {offsets = [0, 1664], sizes = [512, 128], strides = [1, 1]} : vector<512x2048xf32> to vector<512x128xf32>
    %gt3A_247 = arith.cmpf ogt, %slice3A_246, %max3A_241 : vector<512x128xf32>
    %max3A_248 = arith.maximumf %max3A_241, %slice3A_246 : vector<512x128xf32>
    %add3A_249 = arith.constant 1664 : i32
    %add3A_250 = vector.broadcast %add3A_249 : i32 to vector<512x128xi32>
    %add3A_251 = arith.addi %iota3A_29, %add3A_250 : vector<512x128xi32>
    %select_n3A_252 = arith.select %gt3A_247, %add3A_251, %select_n3A_245 : vector<512x128xi1>, vector<512x128xi32>
    %slice3A_253 = vector.extract_strided_slice %select_n3A_160 {offsets = [0, 1792], sizes = [512, 128], strides = [1, 1]} : vector<512x2048xf32> to vector<512x128xf32>
    %gt3A_254 = arith.cmpf ogt, %slice3A_253, %max3A_248 : vector<512x128xf32>
    %max3A_255 = arith.maximumf %max3A_248, %slice3A_253 : vector<512x128xf32>
    %add3A_256 = arith.constant 1792 : i32
    %add3A_257 = vector.broadcast %add3A_256 : i32 to vector<512x128xi32>
    %add3A_258 = arith.addi %iota3A_29, %add3A_257 : vector<512x128xi32>
    %select_n3A_259 = arith.select %gt3A_254, %add3A_258, %select_n3A_252 : vector<512x128xi1>, vector<512x128xi32>
    %slice3A_260 = vector.extract_strided_slice %select_n3A_160 {offsets = [0, 1920], sizes = [512, 128], strides = [1, 1]} : vector<512x2048xf32> to vector<512x128xf32>
    %gt3A_261 = arith.cmpf ogt, %slice3A_260, %max3A_255 : vector<512x128xf32>
    %max3A_262 = arith.maximumf %max3A_255, %slice3A_260 : vector<512x128xf32>
    %add3A_263 = arith.constant 1920 : i32
    %add3A_264 = vector.broadcast %add3A_263 : i32 to vector<512x128xi32>
    %add3A_265 = arith.addi %iota3A_29, %add3A_264 : vector<512x128xi32>
    %select_n3A_266 = arith.select %gt3A_261, %add3A_265, %select_n3A_259 : vector<512x128xi1>, vector<512x128xi32>
    %reduce_max3A_267 = arith.constant dense<0xFF800000> : vector<512xf32>
    %reduce_max3A_268 = vector.multi_reduction <maximumf>, %max3A_262, %reduce_max3A_267 [1] : vector<512x128xf32> to vector<512xf32>
    %broadcast_in_dim3A_269 = vector.shape_cast %reduce_max3A_268 : vector<512xf32> to vector<512x1xf32>
    %eq3A_270 = vector.broadcast %broadcast_in_dim3A_269 : vector<512x1xf32> to vector<512x128xf32>
    %eq3A_271 = arith.cmpf oeq, %max3A_262, %eq3A_270 : vector<512x128xf32>
    %jit3A_272 = arith.constant 2048 : i32
    %broadcast_in_dim3A_273 = vector.broadcast %jit3A_272 : i32 to vector<512x128xi32>
    %select_n3A_274 = arith.select %eq3A_271, %select_n3A_266, %broadcast_in_dim3A_273 : vector<512x128xi1>, vector<512x128xi32>
    %reduce_min3A_275 = arith.constant dense<2147483647> : vector<512xi32>
    %reduce_min3A_276 = vector.multi_reduction <minsi>, %select_n3A_274, %reduce_min3A_275 [1] : vector<512x128xi32> to vector<512xi32>
    %broadcast_in_dim3A_277 = vector.shape_cast %reduce_min3A_276 : vector<512xi32> to vector<512x1xi32>
    %eq3A_278 = arith.constant 2 : i32
    %eq3A_279 = vector.broadcast %eq3A_278 : i32 to vector<512x128xi32>
    %eq3A_280 = arith.cmpi eq, %iota3A_29, %eq3A_279 : vector<512x128xi32>
    %broadcast_in_dim3A_281 = vector.shape_cast %broadcast_in_dim3A_277 : vector<512x1xi32> to vector<512x1xi32>
    %broadcast_in_dim3A_282 = vector.broadcast %broadcast_in_dim3A_281 : vector<512x1xi32> to vector<512x128xi32>
    %select_n3A_283 = arith.select %eq3A_280, %broadcast_in_dim3A_282, %select_n3A_155 : vector<512x128xi1>, vector<512x128xi32>
    %eq3A_284 = vector.broadcast %broadcast_in_dim3A_277 : vector<512x1xi32> to vector<512x2048xi32>
    %eq3A_285 = arith.cmpi eq, %iota3A, %eq3A_284 : vector<512x2048xi32>
    %jit3A_286 = arith.constant -1.000000e+30 : f32
    %broadcast_in_dim3A_287 = vector.broadcast %jit3A_286 : f32 to vector<512x2048xf32>
    %select_n3A_288 = arith.select %eq3A_285, %broadcast_in_dim3A_287, %select_n3A_160 : vector<512x2048xi1>, vector<512x2048xf32>
    %slice3A_289 = vector.extract_strided_slice %select_n3A_288 {offsets = [0, 0], sizes = [512, 128], strides = [1, 1]} : vector<512x2048xf32> to vector<512x128xf32>
    %slice3A_290 = vector.extract_strided_slice %select_n3A_288 {offsets = [0, 128], sizes = [512, 128], strides = [1, 1]} : vector<512x2048xf32> to vector<512x128xf32>
    %gt3A_291 = arith.cmpf ogt, %slice3A_290, %slice3A_289 : vector<512x128xf32>
    %max3A_292 = arith.maximumf %slice3A_289, %slice3A_290 : vector<512x128xf32>
    %add3A_293 = arith.constant 128 : i32
    %add3A_294 = vector.broadcast %add3A_293 : i32 to vector<512x128xi32>
    %add3A_295 = arith.addi %iota3A_29, %add3A_294 : vector<512x128xi32>
    %select_n3A_296 = arith.select %gt3A_291, %add3A_295, %iota3A_29 : vector<512x128xi1>, vector<512x128xi32>
    %slice3A_297 = vector.extract_strided_slice %select_n3A_288 {offsets = [0, 256], sizes = [512, 128], strides = [1, 1]} : vector<512x2048xf32> to vector<512x128xf32>
    %gt3A_298 = arith.cmpf ogt, %slice3A_297, %max3A_292 : vector<512x128xf32>
    %max3A_299 = arith.maximumf %max3A_292, %slice3A_297 : vector<512x128xf32>
    %add3A_300 = arith.constant 256 : i32
    %add3A_301 = vector.broadcast %add3A_300 : i32 to vector<512x128xi32>
    %add3A_302 = arith.addi %iota3A_29, %add3A_301 : vector<512x128xi32>
    %select_n3A_303 = arith.select %gt3A_298, %add3A_302, %select_n3A_296 : vector<512x128xi1>, vector<512x128xi32>
    %slice3A_304 = vector.extract_strided_slice %select_n3A_288 {offsets = [0, 384], sizes = [512, 128], strides = [1, 1]} : vector<512x2048xf32> to vector<512x128xf32>
    %gt3A_305 = arith.cmpf ogt, %slice3A_304, %max3A_299 : vector<512x128xf32>
    %max3A_306 = arith.maximumf %max3A_299, %slice3A_304 : vector<512x128xf32>
    %add3A_307 = arith.constant 384 : i32
    %add3A_308 = vector.broadcast %add3A_307 : i32 to vector<512x128xi32>
    %add3A_309 = arith.addi %iota3A_29, %add3A_308 : vector<512x128xi32>
    %select_n3A_310 = arith.select %gt3A_305, %add3A_309, %select_n3A_303 : vector<512x128xi1>, vector<512x128xi32>
    %slice3A_311 = vector.extract_strided_slice %select_n3A_288 {offsets = [0, 512], sizes = [512, 128], strides = [1, 1]} : vector<512x2048xf32> to vector<512x128xf32>
    %gt3A_312 = arith.cmpf ogt, %slice3A_311, %max3A_306 : vector<512x128xf32>
    %max3A_313 = arith.maximumf %max3A_306, %slice3A_311 : vector<512x128xf32>
    %add3A_314 = arith.constant 512 : i32
    %add3A_315 = vector.broadcast %add3A_314 : i32 to vector<512x128xi32>
    %add3A_316 = arith.addi %iota3A_29, %add3A_315 : vector<512x128xi32>
    %select_n3A_317 = arith.select %gt3A_312, %add3A_316, %select_n3A_310 : vector<512x128xi1>, vector<512x128xi32>
    %slice3A_318 = vector.extract_strided_slice %select_n3A_288 {offsets = [0, 640], sizes = [512, 128], strides = [1, 1]} : vector<512x2048xf32> to vector<512x128xf32>
    %gt3A_319 = arith.cmpf ogt, %slice3A_318, %max3A_313 : vector<512x128xf32>
    %max3A_320 = arith.maximumf %max3A_313, %slice3A_318 : vector<512x128xf32>
    %add3A_321 = arith.constant 640 : i32
    %add3A_322 = vector.broadcast %add3A_321 : i32 to vector<512x128xi32>
    %add3A_323 = arith.addi %iota3A_29, %add3A_322 : vector<512x128xi32>
    %select_n3A_324 = arith.select %gt3A_319, %add3A_323, %select_n3A_317 : vector<512x128xi1>, vector<512x128xi32>
    %slice3A_325 = vector.extract_strided_slice %select_n3A_288 {offsets = [0, 768], sizes = [512, 128], strides = [1, 1]} : vector<512x2048xf32> to vector<512x128xf32>
    %gt3A_326 = arith.cmpf ogt, %slice3A_325, %max3A_320 : vector<512x128xf32>
    %max3A_327 = arith.maximumf %max3A_320, %slice3A_325 : vector<512x128xf32>
    %add3A_328 = arith.constant 768 : i32
    %add3A_329 = vector.broadcast %add3A_328 : i32 to vector<512x128xi32>
    %add3A_330 = arith.addi %iota3A_29, %add3A_329 : vector<512x128xi32>
    %select_n3A_331 = arith.select %gt3A_326, %add3A_330, %select_n3A_324 : vector<512x128xi1>, vector<512x128xi32>
    %slice3A_332 = vector.extract_strided_slice %select_n3A_288 {offsets = [0, 896], sizes = [512, 128], strides = [1, 1]} : vector<512x2048xf32> to vector<512x128xf32>
    %gt3A_333 = arith.cmpf ogt, %slice3A_332, %max3A_327 : vector<512x128xf32>
    %max3A_334 = arith.maximumf %max3A_327, %slice3A_332 : vector<512x128xf32>
    %add3A_335 = arith.constant 896 : i32
    %add3A_336 = vector.broadcast %add3A_335 : i32 to vector<512x128xi32>
    %add3A_337 = arith.addi %iota3A_29, %add3A_336 : vector<512x128xi32>
    %select_n3A_338 = arith.select %gt3A_333, %add3A_337, %select_n3A_331 : vector<512x128xi1>, vector<512x128xi32>
    %slice3A_339 = vector.extract_strided_slice %select_n3A_288 {offsets = [0, 1024], sizes = [512, 128], strides = [1, 1]} : vector<512x2048xf32> to vector<512x128xf32>
    %gt3A_340 = arith.cmpf ogt, %slice3A_339, %max3A_334 : vector<512x128xf32>
    %max3A_341 = arith.maximumf %max3A_334, %slice3A_339 : vector<512x128xf32>
    %add3A_342 = arith.constant 1024 : i32
    %add3A_343 = vector.broadcast %add3A_342 : i32 to vector<512x128xi32>
    %add3A_344 = arith.addi %iota3A_29, %add3A_343 : vector<512x128xi32>
    %select_n3A_345 = arith.select %gt3A_340, %add3A_344, %select_n3A_338 : vector<512x128xi1>, vector<512x128xi32>
    %slice3A_346 = vector.extract_strided_slice %select_n3A_288 {offsets = [0, 1152], sizes = [512, 128], strides = [1, 1]} : vector<512x2048xf32> to vector<512x128xf32>
    %gt3A_347 = arith.cmpf ogt, %slice3A_346, %max3A_341 : vector<512x128xf32>
    %max3A_348 = arith.maximumf %max3A_341, %slice3A_346 : vector<512x128xf32>
    %add3A_349 = arith.constant 1152 : i32
    %add3A_350 = vector.broadcast %add3A_349 : i32 to vector<512x128xi32>
    %add3A_351 = arith.addi %iota3A_29, %add3A_350 : vector<512x128xi32>
    %select_n3A_352 = arith.select %gt3A_347, %add3A_351, %select_n3A_345 : vector<512x128xi1>, vector<512x128xi32>
    %slice3A_353 = vector.extract_strided_slice %select_n3A_288 {offsets = [0, 1280], sizes = [512, 128], strides = [1, 1]} : vector<512x2048xf32> to vector<512x128xf32>
    %gt3A_354 = arith.cmpf ogt, %slice3A_353, %max3A_348 : vector<512x128xf32>
    %max3A_355 = arith.maximumf %max3A_348, %slice3A_353 : vector<512x128xf32>
    %add3A_356 = arith.constant 1280 : i32
    %add3A_357 = vector.broadcast %add3A_356 : i32 to vector<512x128xi32>
    %add3A_358 = arith.addi %iota3A_29, %add3A_357 : vector<512x128xi32>
    %select_n3A_359 = arith.select %gt3A_354, %add3A_358, %select_n3A_352 : vector<512x128xi1>, vector<512x128xi32>
    %slice3A_360 = vector.extract_strided_slice %select_n3A_288 {offsets = [0, 1408], sizes = [512, 128], strides = [1, 1]} : vector<512x2048xf32> to vector<512x128xf32>
    %gt3A_361 = arith.cmpf ogt, %slice3A_360, %max3A_355 : vector<512x128xf32>
    %max3A_362 = arith.maximumf %max3A_355, %slice3A_360 : vector<512x128xf32>
    %add3A_363 = arith.constant 1408 : i32
    %add3A_364 = vector.broadcast %add3A_363 : i32 to vector<512x128xi32>
    %add3A_365 = arith.addi %iota3A_29, %add3A_364 : vector<512x128xi32>
    %select_n3A_366 = arith.select %gt3A_361, %add3A_365, %select_n3A_359 : vector<512x128xi1>, vector<512x128xi32>
    %slice3A_367 = vector.extract_strided_slice %select_n3A_288 {offsets = [0, 1536], sizes = [512, 128], strides = [1, 1]} : vector<512x2048xf32> to vector<512x128xf32>
    %gt3A_368 = arith.cmpf ogt, %slice3A_367, %max3A_362 : vector<512x128xf32>
    %max3A_369 = arith.maximumf %max3A_362, %slice3A_367 : vector<512x128xf32>
    %add3A_370 = arith.constant 1536 : i32
    %add3A_371 = vector.broadcast %add3A_370 : i32 to vector<512x128xi32>
    %add3A_372 = arith.addi %iota3A_29, %add3A_371 : vector<512x128xi32>
    %select_n3A_373 = arith.select %gt3A_368, %add3A_372, %select_n3A_366 : vector<512x128xi1>, vector<512x128xi32>
    %slice3A_374 = vector.extract_strided_slice %select_n3A_288 {offsets = [0, 1664], sizes = [512, 128], strides = [1, 1]} : vector<512x2048xf32> to vector<512x128xf32>
    %gt3A_375 = arith.cmpf ogt, %slice3A_374, %max3A_369 : vector<512x128xf32>
    %max3A_376 = arith.maximumf %max3A_369, %slice3A_374 : vector<512x128xf32>
    %add3A_377 = arith.constant 1664 : i32
    %add3A_378 = vector.broadcast %add3A_377 : i32 to vector<512x128xi32>
    %add3A_379 = arith.addi %iota3A_29, %add3A_378 : vector<512x128xi32>
    %select_n3A_380 = arith.select %gt3A_375, %add3A_379, %select_n3A_373 : vector<512x128xi1>, vector<512x128xi32>
    %slice3A_381 = vector.extract_strided_slice %select_n3A_288 {offsets = [0, 1792], sizes = [512, 128], strides = [1, 1]} : vector<512x2048xf32> to vector<512x128xf32>
    %gt3A_382 = arith.cmpf ogt, %slice3A_381, %max3A_376 : vector<512x128xf32>
    %max3A_383 = arith.maximumf %max3A_376, %slice3A_381 : vector<512x128xf32>
    %add3A_384 = arith.constant 1792 : i32
    %add3A_385 = vector.broadcast %add3A_384 : i32 to vector<512x128xi32>
    %add3A_386 = arith.addi %iota3A_29, %add3A_385 : vector<512x128xi32>
    %select_n3A_387 = arith.select %gt3A_382, %add3A_386, %select_n3A_380 : vector<512x128xi1>, vector<512x128xi32>
    %slice3A_388 = vector.extract_strided_slice %select_n3A_288 {offsets = [0, 1920], sizes = [512, 128], strides = [1, 1]} : vector<512x2048xf32> to vector<512x128xf32>
    %gt3A_389 = arith.cmpf ogt, %slice3A_388, %max3A_383 : vector<512x128xf32>
    %max3A_390 = arith.maximumf %max3A_383, %slice3A_388 : vector<512x128xf32>
    %add3A_391 = arith.constant 1920 : i32
    %add3A_392 = vector.broadcast %add3A_391 : i32 to vector<512x128xi32>
    %add3A_393 = arith.addi %iota3A_29, %add3A_392 : vector<512x128xi32>
    %select_n3A_394 = arith.select %gt3A_389, %add3A_393, %select_n3A_387 : vector<512x128xi1>, vector<512x128xi32>
    %reduce_max3A_395 = arith.constant dense<0xFF800000> : vector<512xf32>
    %reduce_max3A_396 = vector.multi_reduction <maximumf>, %max3A_390, %reduce_max3A_395 [1] : vector<512x128xf32> to vector<512xf32>
    %broadcast_in_dim3A_397 = vector.shape_cast %reduce_max3A_396 : vector<512xf32> to vector<512x1xf32>
    %eq3A_398 = vector.broadcast %broadcast_in_dim3A_397 : vector<512x1xf32> to vector<512x128xf32>
    %eq3A_399 = arith.cmpf oeq, %max3A_390, %eq3A_398 : vector<512x128xf32>
    %jit3A_400 = arith.constant 2048 : i32
    %broadcast_in_dim3A_401 = vector.broadcast %jit3A_400 : i32 to vector<512x128xi32>
    %select_n3A_402 = arith.select %eq3A_399, %select_n3A_394, %broadcast_in_dim3A_401 : vector<512x128xi1>, vector<512x128xi32>
    %reduce_min3A_403 = arith.constant dense<2147483647> : vector<512xi32>
    %reduce_min3A_404 = vector.multi_reduction <minsi>, %select_n3A_402, %reduce_min3A_403 [1] : vector<512x128xi32> to vector<512xi32>
    %broadcast_in_dim3A_405 = vector.shape_cast %reduce_min3A_404 : vector<512xi32> to vector<512x1xi32>
    %eq3A_406 = arith.constant 3 : i32
    %eq3A_407 = vector.broadcast %eq3A_406 : i32 to vector<512x128xi32>
    %eq3A_408 = arith.cmpi eq, %iota3A_29, %eq3A_407 : vector<512x128xi32>
    %broadcast_in_dim3A_409 = vector.shape_cast %broadcast_in_dim3A_405 : vector<512x1xi32> to vector<512x1xi32>
    %broadcast_in_dim3A_410 = vector.broadcast %broadcast_in_dim3A_409 : vector<512x1xi32> to vector<512x128xi32>
    %select_n3A_411 = arith.select %eq3A_408, %broadcast_in_dim3A_410, %select_n3A_283 : vector<512x128xi1>, vector<512x128xi32>
    %eq3A_412 = vector.broadcast %broadcast_in_dim3A_405 : vector<512x1xi32> to vector<512x2048xi32>
    %eq3A_413 = arith.cmpi eq, %iota3A, %eq3A_412 : vector<512x2048xi32>
    %jit3A_414 = arith.constant -1.000000e+30 : f32
    %broadcast_in_dim3A_415 = vector.broadcast %jit3A_414 : f32 to vector<512x2048xf32>
    %select_n3A_416 = arith.select %eq3A_413, %broadcast_in_dim3A_415, %select_n3A_288 : vector<512x2048xi1>, vector<512x2048xf32>
    %slice3A_417 = vector.extract_strided_slice %select_n3A_416 {offsets = [0, 0], sizes = [512, 128], strides = [1, 1]} : vector<512x2048xf32> to vector<512x128xf32>
    %slice3A_418 = vector.extract_strided_slice %select_n3A_416 {offsets = [0, 128], sizes = [512, 128], strides = [1, 1]} : vector<512x2048xf32> to vector<512x128xf32>
    %gt3A_419 = arith.cmpf ogt, %slice3A_418, %slice3A_417 : vector<512x128xf32>
    %max3A_420 = arith.maximumf %slice3A_417, %slice3A_418 : vector<512x128xf32>
    %add3A_421 = arith.constant 128 : i32
    %add3A_422 = vector.broadcast %add3A_421 : i32 to vector<512x128xi32>
    %add3A_423 = arith.addi %iota3A_29, %add3A_422 : vector<512x128xi32>
    %select_n3A_424 = arith.select %gt3A_419, %add3A_423, %iota3A_29 : vector<512x128xi1>, vector<512x128xi32>
    %slice3A_425 = vector.extract_strided_slice %select_n3A_416 {offsets = [0, 256], sizes = [512, 128], strides = [1, 1]} : vector<512x2048xf32> to vector<512x128xf32>
    %gt3A_426 = arith.cmpf ogt, %slice3A_425, %max3A_420 : vector<512x128xf32>
    %max3A_427 = arith.maximumf %max3A_420, %slice3A_425 : vector<512x128xf32>
    %add3A_428 = arith.constant 256 : i32
    %add3A_429 = vector.broadcast %add3A_428 : i32 to vector<512x128xi32>
    %add3A_430 = arith.addi %iota3A_29, %add3A_429 : vector<512x128xi32>
    %select_n3A_431 = arith.select %gt3A_426, %add3A_430, %select_n3A_424 : vector<512x128xi1>, vector<512x128xi32>
    %slice3A_432 = vector.extract_strided_slice %select_n3A_416 {offsets = [0, 384], sizes = [512, 128], strides = [1, 1]} : vector<512x2048xf32> to vector<512x128xf32>
    %gt3A_433 = arith.cmpf ogt, %slice3A_432, %max3A_427 : vector<512x128xf32>
    %max3A_434 = arith.maximumf %max3A_427, %slice3A_432 : vector<512x128xf32>
    %add3A_435 = arith.constant 384 : i32
    %add3A_436 = vector.broadcast %add3A_435 : i32 to vector<512x128xi32>
    %add3A_437 = arith.addi %iota3A_29, %add3A_436 : vector<512x128xi32>
    %select_n3A_438 = arith.select %gt3A_433, %add3A_437, %select_n3A_431 : vector<512x128xi1>, vector<512x128xi32>
    %slice3A_439 = vector.extract_strided_slice %select_n3A_416 {offsets = [0, 512], sizes = [512, 128], strides = [1, 1]} : vector<512x2048xf32> to vector<512x128xf32>
    %gt3A_440 = arith.cmpf ogt, %slice3A_439, %max3A_434 : vector<512x128xf32>
    %max3A_441 = arith.maximumf %max3A_434, %slice3A_439 : vector<512x128xf32>
    %add3A_442 = arith.constant 512 : i32
    %add3A_443 = vector.broadcast %add3A_442 : i32 to vector<512x128xi32>
    %add3A_444 = arith.addi %iota3A_29, %add3A_443 : vector<512x128xi32>
    %select_n3A_445 = arith.select %gt3A_440, %add3A_444, %select_n3A_438 : vector<512x128xi1>, vector<512x128xi32>
    %slice3A_446 = vector.extract_strided_slice %select_n3A_416 {offsets = [0, 640], sizes = [512, 128], strides = [1, 1]} : vector<512x2048xf32> to vector<512x128xf32>
    %gt3A_447 = arith.cmpf ogt, %slice3A_446, %max3A_441 : vector<512x128xf32>
    %max3A_448 = arith.maximumf %max3A_441, %slice3A_446 : vector<512x128xf32>
    %add3A_449 = arith.constant 640 : i32
    %add3A_450 = vector.broadcast %add3A_449 : i32 to vector<512x128xi32>
    %add3A_451 = arith.addi %iota3A_29, %add3A_450 : vector<512x128xi32>
    %select_n3A_452 = arith.select %gt3A_447, %add3A_451, %select_n3A_445 : vector<512x128xi1>, vector<512x128xi32>
    %slice3A_453 = vector.extract_strided_slice %select_n3A_416 {offsets = [0, 768], sizes = [512, 128], strides = [1, 1]} : vector<512x2048xf32> to vector<512x128xf32>
    %gt3A_454 = arith.cmpf ogt, %slice3A_453, %max3A_448 : vector<512x128xf32>
    %max3A_455 = arith.maximumf %max3A_448, %slice3A_453 : vector<512x128xf32>
    %add3A_456 = arith.constant 768 : i32
    %add3A_457 = vector.broadcast %add3A_456 : i32 to vector<512x128xi32>
    %add3A_458 = arith.addi %iota3A_29, %add3A_457 : vector<512x128xi32>
    %select_n3A_459 = arith.select %gt3A_454, %add3A_458, %select_n3A_452 : vector<512x128xi1>, vector<512x128xi32>
    %slice3A_460 = vector.extract_strided_slice %select_n3A_416 {offsets = [0, 896], sizes = [512, 128], strides = [1, 1]} : vector<512x2048xf32> to vector<512x128xf32>
    %gt3A_461 = arith.cmpf ogt, %slice3A_460, %max3A_455 : vector<512x128xf32>
    %max3A_462 = arith.maximumf %max3A_455, %slice3A_460 : vector<512x128xf32>
    %add3A_463 = arith.constant 896 : i32
    %add3A_464 = vector.broadcast %add3A_463 : i32 to vector<512x128xi32>
    %add3A_465 = arith.addi %iota3A_29, %add3A_464 : vector<512x128xi32>
    %select_n3A_466 = arith.select %gt3A_461, %add3A_465, %select_n3A_459 : vector<512x128xi1>, vector<512x128xi32>
    %slice3A_467 = vector.extract_strided_slice %select_n3A_416 {offsets = [0, 1024], sizes = [512, 128], strides = [1, 1]} : vector<512x2048xf32> to vector<512x128xf32>
    %gt3A_468 = arith.cmpf ogt, %slice3A_467, %max3A_462 : vector<512x128xf32>
    %max3A_469 = arith.maximumf %max3A_462, %slice3A_467 : vector<512x128xf32>
    %add3A_470 = arith.constant 1024 : i32
    %add3A_471 = vector.broadcast %add3A_470 : i32 to vector<512x128xi32>
    %add3A_472 = arith.addi %iota3A_29, %add3A_471 : vector<512x128xi32>
    %select_n3A_473 = arith.select %gt3A_468, %add3A_472, %select_n3A_466 : vector<512x128xi1>, vector<512x128xi32>
    %slice3A_474 = vector.extract_strided_slice %select_n3A_416 {offsets = [0, 1152], sizes = [512, 128], strides = [1, 1]} : vector<512x2048xf32> to vector<512x128xf32>
    %gt3A_475 = arith.cmpf ogt, %slice3A_474, %max3A_469 : vector<512x128xf32>
    %max3A_476 = arith.maximumf %max3A_469, %slice3A_474 : vector<512x128xf32>
    %add3A_477 = arith.constant 1152 : i32
    %add3A_478 = vector.broadcast %add3A_477 : i32 to vector<512x128xi32>
    %add3A_479 = arith.addi %iota3A_29, %add3A_478 : vector<512x128xi32>
    %select_n3A_480 = arith.select %gt3A_475, %add3A_479, %select_n3A_473 : vector<512x128xi1>, vector<512x128xi32>
    %slice3A_481 = vector.extract_strided_slice %select_n3A_416 {offsets = [0, 1280], sizes = [512, 128], strides = [1, 1]} : vector<512x2048xf32> to vector<512x128xf32>
    %gt3A_482 = arith.cmpf ogt, %slice3A_481, %max3A_476 : vector<512x128xf32>
    %max3A_483 = arith.maximumf %max3A_476, %slice3A_481 : vector<512x128xf32>
    %add3A_484 = arith.constant 1280 : i32
    %add3A_485 = vector.broadcast %add3A_484 : i32 to vector<512x128xi32>
    %add3A_486 = arith.addi %iota3A_29, %add3A_485 : vector<512x128xi32>
    %select_n3A_487 = arith.select %gt3A_482, %add3A_486, %select_n3A_480 : vector<512x128xi1>, vector<512x128xi32>
    %slice3A_488 = vector.extract_strided_slice %select_n3A_416 {offsets = [0, 1408], sizes = [512, 128], strides = [1, 1]} : vector<512x2048xf32> to vector<512x128xf32>
    %gt3A_489 = arith.cmpf ogt, %slice3A_488, %max3A_483 : vector<512x128xf32>
    %max3A_490 = arith.maximumf %max3A_483, %slice3A_488 : vector<512x128xf32>
    %add3A_491 = arith.constant 1408 : i32
    %add3A_492 = vector.broadcast %add3A_491 : i32 to vector<512x128xi32>
    %add3A_493 = arith.addi %iota3A_29, %add3A_492 : vector<512x128xi32>
    %select_n3A_494 = arith.select %gt3A_489, %add3A_493, %select_n3A_487 : vector<512x128xi1>, vector<512x128xi32>
    %slice3A_495 = vector.extract_strided_slice %select_n3A_416 {offsets = [0, 1536], sizes = [512, 128], strides = [1, 1]} : vector<512x2048xf32> to vector<512x128xf32>
    %gt3A_496 = arith.cmpf ogt, %slice3A_495, %max3A_490 : vector<512x128xf32>
    %max3A_497 = arith.maximumf %max3A_490, %slice3A_495 : vector<512x128xf32>
    %add3A_498 = arith.constant 1536 : i32
    %add3A_499 = vector.broadcast %add3A_498 : i32 to vector<512x128xi32>
    %add3A_500 = arith.addi %iota3A_29, %add3A_499 : vector<512x128xi32>
    %select_n3A_501 = arith.select %gt3A_496, %add3A_500, %select_n3A_494 : vector<512x128xi1>, vector<512x128xi32>
    %slice3A_502 = vector.extract_strided_slice %select_n3A_416 {offsets = [0, 1664], sizes = [512, 128], strides = [1, 1]} : vector<512x2048xf32> to vector<512x128xf32>
    %gt3A_503 = arith.cmpf ogt, %slice3A_502, %max3A_497 : vector<512x128xf32>
    %max3A_504 = arith.maximumf %max3A_497, %slice3A_502 : vector<512x128xf32>
    %add3A_505 = arith.constant 1664 : i32
    %add3A_506 = vector.broadcast %add3A_505 : i32 to vector<512x128xi32>
    %add3A_507 = arith.addi %iota3A_29, %add3A_506 : vector<512x128xi32>
    %select_n3A_508 = arith.select %gt3A_503, %add3A_507, %select_n3A_501 : vector<512x128xi1>, vector<512x128xi32>
    %slice3A_509 = vector.extract_strided_slice %select_n3A_416 {offsets = [0, 1792], sizes = [512, 128], strides = [1, 1]} : vector<512x2048xf32> to vector<512x128xf32>
    %gt3A_510 = arith.cmpf ogt, %slice3A_509, %max3A_504 : vector<512x128xf32>
    %max3A_511 = arith.maximumf %max3A_504, %slice3A_509 : vector<512x128xf32>
    %add3A_512 = arith.constant 1792 : i32
    %add3A_513 = vector.broadcast %add3A_512 : i32 to vector<512x128xi32>
    %add3A_514 = arith.addi %iota3A_29, %add3A_513 : vector<512x128xi32>
    %select_n3A_515 = arith.select %gt3A_510, %add3A_514, %select_n3A_508 : vector<512x128xi1>, vector<512x128xi32>
    %slice3A_516 = vector.extract_strided_slice %select_n3A_416 {offsets = [0, 1920], sizes = [512, 128], strides = [1, 1]} : vector<512x2048xf32> to vector<512x128xf32>
    %gt3A_517 = arith.cmpf ogt, %slice3A_516, %max3A_511 : vector<512x128xf32>
    %max3A_518 = arith.maximumf %max3A_511, %slice3A_516 : vector<512x128xf32>
    %add3A_519 = arith.constant 1920 : i32
    %add3A_520 = vector.broadcast %add3A_519 : i32 to vector<512x128xi32>
    %add3A_521 = arith.addi %iota3A_29, %add3A_520 : vector<512x128xi32>
    %select_n3A_522 = arith.select %gt3A_517, %add3A_521, %select_n3A_515 : vector<512x128xi1>, vector<512x128xi32>
    %reduce_max3A_523 = arith.constant dense<0xFF800000> : vector<512xf32>
    %reduce_max3A_524 = vector.multi_reduction <maximumf>, %max3A_518, %reduce_max3A_523 [1] : vector<512x128xf32> to vector<512xf32>
    %broadcast_in_dim3A_525 = vector.shape_cast %reduce_max3A_524 : vector<512xf32> to vector<512x1xf32>
    %eq3A_526 = vector.broadcast %broadcast_in_dim3A_525 : vector<512x1xf32> to vector<512x128xf32>
    %eq3A_527 = arith.cmpf oeq, %max3A_518, %eq3A_526 : vector<512x128xf32>
    %jit3A_528 = arith.constant 2048 : i32
    %broadcast_in_dim3A_529 = vector.broadcast %jit3A_528 : i32 to vector<512x128xi32>
    %select_n3A_530 = arith.select %eq3A_527, %select_n3A_522, %broadcast_in_dim3A_529 : vector<512x128xi1>, vector<512x128xi32>
    %reduce_min3A_531 = arith.constant dense<2147483647> : vector<512xi32>
    %reduce_min3A_532 = vector.multi_reduction <minsi>, %select_n3A_530, %reduce_min3A_531 [1] : vector<512x128xi32> to vector<512xi32>
    %broadcast_in_dim3A_533 = vector.shape_cast %reduce_min3A_532 : vector<512xi32> to vector<512x1xi32>
    %eq3A_534 = arith.constant 4 : i32
    %eq3A_535 = vector.broadcast %eq3A_534 : i32 to vector<512x128xi32>
    %eq3A_536 = arith.cmpi eq, %iota3A_29, %eq3A_535 : vector<512x128xi32>
    %broadcast_in_dim3A_537 = vector.shape_cast %broadcast_in_dim3A_533 : vector<512x1xi32> to vector<512x1xi32>
    %broadcast_in_dim3A_538 = vector.broadcast %broadcast_in_dim3A_537 : vector<512x1xi32> to vector<512x128xi32>
    %select_n3A_539 = arith.select %eq3A_536, %broadcast_in_dim3A_538, %select_n3A_411 : vector<512x128xi1>, vector<512x128xi32>
    %eq3A_540 = vector.broadcast %broadcast_in_dim3A_533 : vector<512x1xi32> to vector<512x2048xi32>
    %eq3A_541 = arith.cmpi eq, %iota3A, %eq3A_540 : vector<512x2048xi32>
    %jit3A_542 = arith.constant -1.000000e+30 : f32
    %broadcast_in_dim3A_543 = vector.broadcast %jit3A_542 : f32 to vector<512x2048xf32>
    %select_n3A_544 = arith.select %eq3A_541, %broadcast_in_dim3A_543, %select_n3A_416 : vector<512x2048xi1>, vector<512x2048xf32>
    %slice3A_545 = vector.extract_strided_slice %select_n3A_544 {offsets = [0, 0], sizes = [512, 128], strides = [1, 1]} : vector<512x2048xf32> to vector<512x128xf32>
    %slice3A_546 = vector.extract_strided_slice %select_n3A_544 {offsets = [0, 128], sizes = [512, 128], strides = [1, 1]} : vector<512x2048xf32> to vector<512x128xf32>
    %gt3A_547 = arith.cmpf ogt, %slice3A_546, %slice3A_545 : vector<512x128xf32>
    %max3A_548 = arith.maximumf %slice3A_545, %slice3A_546 : vector<512x128xf32>
    %add3A_549 = arith.constant 128 : i32
    %add3A_550 = vector.broadcast %add3A_549 : i32 to vector<512x128xi32>
    %add3A_551 = arith.addi %iota3A_29, %add3A_550 : vector<512x128xi32>
    %select_n3A_552 = arith.select %gt3A_547, %add3A_551, %iota3A_29 : vector<512x128xi1>, vector<512x128xi32>
    %slice3A_553 = vector.extract_strided_slice %select_n3A_544 {offsets = [0, 256], sizes = [512, 128], strides = [1, 1]} : vector<512x2048xf32> to vector<512x128xf32>
    %gt3A_554 = arith.cmpf ogt, %slice3A_553, %max3A_548 : vector<512x128xf32>
    %max3A_555 = arith.maximumf %max3A_548, %slice3A_553 : vector<512x128xf32>
    %add3A_556 = arith.constant 256 : i32
    %add3A_557 = vector.broadcast %add3A_556 : i32 to vector<512x128xi32>
    %add3A_558 = arith.addi %iota3A_29, %add3A_557 : vector<512x128xi32>
    %select_n3A_559 = arith.select %gt3A_554, %add3A_558, %select_n3A_552 : vector<512x128xi1>, vector<512x128xi32>
    %slice3A_560 = vector.extract_strided_slice %select_n3A_544 {offsets = [0, 384], sizes = [512, 128], strides = [1, 1]} : vector<512x2048xf32> to vector<512x128xf32>
    %gt3A_561 = arith.cmpf ogt, %slice3A_560, %max3A_555 : vector<512x128xf32>
    %max3A_562 = arith.maximumf %max3A_555, %slice3A_560 : vector<512x128xf32>
    %add3A_563 = arith.constant 384 : i32
    %add3A_564 = vector.broadcast %add3A_563 : i32 to vector<512x128xi32>
    %add3A_565 = arith.addi %iota3A_29, %add3A_564 : vector<512x128xi32>
    %select_n3A_566 = arith.select %gt3A_561, %add3A_565, %select_n3A_559 : vector<512x128xi1>, vector<512x128xi32>
    %slice3A_567 = vector.extract_strided_slice %select_n3A_544 {offsets = [0, 512], sizes = [512, 128], strides = [1, 1]} : vector<512x2048xf32> to vector<512x128xf32>
    %gt3A_568 = arith.cmpf ogt, %slice3A_567, %max3A_562 : vector<512x128xf32>
    %max3A_569 = arith.maximumf %max3A_562, %slice3A_567 : vector<512x128xf32>
    %add3A_570 = arith.constant 512 : i32
    %add3A_571 = vector.broadcast %add3A_570 : i32 to vector<512x128xi32>
    %add3A_572 = arith.addi %iota3A_29, %add3A_571 : vector<512x128xi32>
    %select_n3A_573 = arith.select %gt3A_568, %add3A_572, %select_n3A_566 : vector<512x128xi1>, vector<512x128xi32>
    %slice3A_574 = vector.extract_strided_slice %select_n3A_544 {offsets = [0, 640], sizes = [512, 128], strides = [1, 1]} : vector<512x2048xf32> to vector<512x128xf32>
    %gt3A_575 = arith.cmpf ogt, %slice3A_574, %max3A_569 : vector<512x128xf32>
    %max3A_576 = arith.maximumf %max3A_569, %slice3A_574 : vector<512x128xf32>
    %add3A_577 = arith.constant 640 : i32
    %add3A_578 = vector.broadcast %add3A_577 : i32 to vector<512x128xi32>
    %add3A_579 = arith.addi %iota3A_29, %add3A_578 : vector<512x128xi32>
    %select_n3A_580 = arith.select %gt3A_575, %add3A_579, %select_n3A_573 : vector<512x128xi1>, vector<512x128xi32>
    %slice3A_581 = vector.extract_strided_slice %select_n3A_544 {offsets = [0, 768], sizes = [512, 128], strides = [1, 1]} : vector<512x2048xf32> to vector<512x128xf32>
    %gt3A_582 = arith.cmpf ogt, %slice3A_581, %max3A_576 : vector<512x128xf32>
    %max3A_583 = arith.maximumf %max3A_576, %slice3A_581 : vector<512x128xf32>
    %add3A_584 = arith.constant 768 : i32
    %add3A_585 = vector.broadcast %add3A_584 : i32 to vector<512x128xi32>
    %add3A_586 = arith.addi %iota3A_29, %add3A_585 : vector<512x128xi32>
    %select_n3A_587 = arith.select %gt3A_582, %add3A_586, %select_n3A_580 : vector<512x128xi1>, vector<512x128xi32>
    %slice3A_588 = vector.extract_strided_slice %select_n3A_544 {offsets = [0, 896], sizes = [512, 128], strides = [1, 1]} : vector<512x2048xf32> to vector<512x128xf32>
    %gt3A_589 = arith.cmpf ogt, %slice3A_588, %max3A_583 : vector<512x128xf32>
    %max3A_590 = arith.maximumf %max3A_583, %slice3A_588 : vector<512x128xf32>
    %add3A_591 = arith.constant 896 : i32
    %add3A_592 = vector.broadcast %add3A_591 : i32 to vector<512x128xi32>
    %add3A_593 = arith.addi %iota3A_29, %add3A_592 : vector<512x128xi32>
    %select_n3A_594 = arith.select %gt3A_589, %add3A_593, %select_n3A_587 : vector<512x128xi1>, vector<512x128xi32>
    %slice3A_595 = vector.extract_strided_slice %select_n3A_544 {offsets = [0, 1024], sizes = [512, 128], strides = [1, 1]} : vector<512x2048xf32> to vector<512x128xf32>
    %gt3A_596 = arith.cmpf ogt, %slice3A_595, %max3A_590 : vector<512x128xf32>
    %max3A_597 = arith.maximumf %max3A_590, %slice3A_595 : vector<512x128xf32>
    %add3A_598 = arith.constant 1024 : i32
    %add3A_599 = vector.broadcast %add3A_598 : i32 to vector<512x128xi32>
    %add3A_600 = arith.addi %iota3A_29, %add3A_599 : vector<512x128xi32>
    %select_n3A_601 = arith.select %gt3A_596, %add3A_600, %select_n3A_594 : vector<512x128xi1>, vector<512x128xi32>
    %slice3A_602 = vector.extract_strided_slice %select_n3A_544 {offsets = [0, 1152], sizes = [512, 128], strides = [1, 1]} : vector<512x2048xf32> to vector<512x128xf32>
    %gt3A_603 = arith.cmpf ogt, %slice3A_602, %max3A_597 : vector<512x128xf32>
    %max3A_604 = arith.maximumf %max3A_597, %slice3A_602 : vector<512x128xf32>
    %add3A_605 = arith.constant 1152 : i32
    %add3A_606 = vector.broadcast %add3A_605 : i32 to vector<512x128xi32>
    %add3A_607 = arith.addi %iota3A_29, %add3A_606 : vector<512x128xi32>
    %select_n3A_608 = arith.select %gt3A_603, %add3A_607, %select_n3A_601 : vector<512x128xi1>, vector<512x128xi32>
    %slice3A_609 = vector.extract_strided_slice %select_n3A_544 {offsets = [0, 1280], sizes = [512, 128], strides = [1, 1]} : vector<512x2048xf32> to vector<512x128xf32>
    %gt3A_610 = arith.cmpf ogt, %slice3A_609, %max3A_604 : vector<512x128xf32>
    %max3A_611 = arith.maximumf %max3A_604, %slice3A_609 : vector<512x128xf32>
    %add3A_612 = arith.constant 1280 : i32
    %add3A_613 = vector.broadcast %add3A_612 : i32 to vector<512x128xi32>
    %add3A_614 = arith.addi %iota3A_29, %add3A_613 : vector<512x128xi32>
    %select_n3A_615 = arith.select %gt3A_610, %add3A_614, %select_n3A_608 : vector<512x128xi1>, vector<512x128xi32>
    %slice3A_616 = vector.extract_strided_slice %select_n3A_544 {offsets = [0, 1408], sizes = [512, 128], strides = [1, 1]} : vector<512x2048xf32> to vector<512x128xf32>
    %gt3A_617 = arith.cmpf ogt, %slice3A_616, %max3A_611 : vector<512x128xf32>
    %max3A_618 = arith.maximumf %max3A_611, %slice3A_616 : vector<512x128xf32>
    %add3A_619 = arith.constant 1408 : i32
    %add3A_620 = vector.broadcast %add3A_619 : i32 to vector<512x128xi32>
    %add3A_621 = arith.addi %iota3A_29, %add3A_620 : vector<512x128xi32>
    %select_n3A_622 = arith.select %gt3A_617, %add3A_621, %select_n3A_615 : vector<512x128xi1>, vector<512x128xi32>
    %slice3A_623 = vector.extract_strided_slice %select_n3A_544 {offsets = [0, 1536], sizes = [512, 128], strides = [1, 1]} : vector<512x2048xf32> to vector<512x128xf32>
    %gt3A_624 = arith.cmpf ogt, %slice3A_623, %max3A_618 : vector<512x128xf32>
    %max3A_625 = arith.maximumf %max3A_618, %slice3A_623 : vector<512x128xf32>
    %add3A_626 = arith.constant 1536 : i32
    %add3A_627 = vector.broadcast %add3A_626 : i32 to vector<512x128xi32>
    %add3A_628 = arith.addi %iota3A_29, %add3A_627 : vector<512x128xi32>
    %select_n3A_629 = arith.select %gt3A_624, %add3A_628, %select_n3A_622 : vector<512x128xi1>, vector<512x128xi32>
    %slice3A_630 = vector.extract_strided_slice %select_n3A_544 {offsets = [0, 1664], sizes = [512, 128], strides = [1, 1]} : vector<512x2048xf32> to vector<512x128xf32>
    %gt3A_631 = arith.cmpf ogt, %slice3A_630, %max3A_625 : vector<512x128xf32>
    %max3A_632 = arith.maximumf %max3A_625, %slice3A_630 : vector<512x128xf32>
    %add3A_633 = arith.constant 1664 : i32
    %add3A_634 = vector.broadcast %add3A_633 : i32 to vector<512x128xi32>
    %add3A_635 = arith.addi %iota3A_29, %add3A_634 : vector<512x128xi32>
    %select_n3A_636 = arith.select %gt3A_631, %add3A_635, %select_n3A_629 : vector<512x128xi1>, vector<512x128xi32>
    %slice3A_637 = vector.extract_strided_slice %select_n3A_544 {offsets = [0, 1792], sizes = [512, 128], strides = [1, 1]} : vector<512x2048xf32> to vector<512x128xf32>
    %gt3A_638 = arith.cmpf ogt, %slice3A_637, %max3A_632 : vector<512x128xf32>
    %max3A_639 = arith.maximumf %max3A_632, %slice3A_637 : vector<512x128xf32>
    %add3A_640 = arith.constant 1792 : i32
    %add3A_641 = vector.broadcast %add3A_640 : i32 to vector<512x128xi32>
    %add3A_642 = arith.addi %iota3A_29, %add3A_641 : vector<512x128xi32>
    %select_n3A_643 = arith.select %gt3A_638, %add3A_642, %select_n3A_636 : vector<512x128xi1>, vector<512x128xi32>
    %slice3A_644 = vector.extract_strided_slice %select_n3A_544 {offsets = [0, 1920], sizes = [512, 128], strides = [1, 1]} : vector<512x2048xf32> to vector<512x128xf32>
    %gt3A_645 = arith.cmpf ogt, %slice3A_644, %max3A_639 : vector<512x128xf32>
    %max3A_646 = arith.maximumf %max3A_639, %slice3A_644 : vector<512x128xf32>
    %add3A_647 = arith.constant 1920 : i32
    %add3A_648 = vector.broadcast %add3A_647 : i32 to vector<512x128xi32>
    %add3A_649 = arith.addi %iota3A_29, %add3A_648 : vector<512x128xi32>
    %select_n3A_650 = arith.select %gt3A_645, %add3A_649, %select_n3A_643 : vector<512x128xi1>, vector<512x128xi32>
    %reduce_max3A_651 = arith.constant dense<0xFF800000> : vector<512xf32>
    %reduce_max3A_652 = vector.multi_reduction <maximumf>, %max3A_646, %reduce_max3A_651 [1] : vector<512x128xf32> to vector<512xf32>
    %broadcast_in_dim3A_653 = vector.shape_cast %reduce_max3A_652 : vector<512xf32> to vector<512x1xf32>
    %eq3A_654 = vector.broadcast %broadcast_in_dim3A_653 : vector<512x1xf32> to vector<512x128xf32>
    %eq3A_655 = arith.cmpf oeq, %max3A_646, %eq3A_654 : vector<512x128xf32>
    %jit3A_656 = arith.constant 2048 : i32
    %broadcast_in_dim3A_657 = vector.broadcast %jit3A_656 : i32 to vector<512x128xi32>
    %select_n3A_658 = arith.select %eq3A_655, %select_n3A_650, %broadcast_in_dim3A_657 : vector<512x128xi1>, vector<512x128xi32>
    %reduce_min3A_659 = arith.constant dense<2147483647> : vector<512xi32>
    %reduce_min3A_660 = vector.multi_reduction <minsi>, %select_n3A_658, %reduce_min3A_659 [1] : vector<512x128xi32> to vector<512xi32>
    %broadcast_in_dim3A_661 = vector.shape_cast %reduce_min3A_660 : vector<512xi32> to vector<512x1xi32>
    %eq3A_662 = arith.constant 5 : i32
    %eq3A_663 = vector.broadcast %eq3A_662 : i32 to vector<512x128xi32>
    %eq3A_664 = arith.cmpi eq, %iota3A_29, %eq3A_663 : vector<512x128xi32>
    %broadcast_in_dim3A_665 = vector.shape_cast %broadcast_in_dim3A_661 : vector<512x1xi32> to vector<512x1xi32>
    %broadcast_in_dim3A_666 = vector.broadcast %broadcast_in_dim3A_665 : vector<512x1xi32> to vector<512x128xi32>
    %select_n3A_667 = arith.select %eq3A_664, %broadcast_in_dim3A_666, %select_n3A_539 : vector<512x128xi1>, vector<512x128xi32>
    %eq3A_668 = vector.broadcast %broadcast_in_dim3A_661 : vector<512x1xi32> to vector<512x2048xi32>
    %eq3A_669 = arith.cmpi eq, %iota3A, %eq3A_668 : vector<512x2048xi32>
    %jit3A_670 = arith.constant -1.000000e+30 : f32
    %broadcast_in_dim3A_671 = vector.broadcast %jit3A_670 : f32 to vector<512x2048xf32>
    %select_n3A_672 = arith.select %eq3A_669, %broadcast_in_dim3A_671, %select_n3A_544 : vector<512x2048xi1>, vector<512x2048xf32>
    %slice3A_673 = vector.extract_strided_slice %select_n3A_672 {offsets = [0, 0], sizes = [512, 128], strides = [1, 1]} : vector<512x2048xf32> to vector<512x128xf32>
    %slice3A_674 = vector.extract_strided_slice %select_n3A_672 {offsets = [0, 128], sizes = [512, 128], strides = [1, 1]} : vector<512x2048xf32> to vector<512x128xf32>
    %gt3A_675 = arith.cmpf ogt, %slice3A_674, %slice3A_673 : vector<512x128xf32>
    %max3A_676 = arith.maximumf %slice3A_673, %slice3A_674 : vector<512x128xf32>
    %add3A_677 = arith.constant 128 : i32
    %add3A_678 = vector.broadcast %add3A_677 : i32 to vector<512x128xi32>
    %add3A_679 = arith.addi %iota3A_29, %add3A_678 : vector<512x128xi32>
    %select_n3A_680 = arith.select %gt3A_675, %add3A_679, %iota3A_29 : vector<512x128xi1>, vector<512x128xi32>
    %slice3A_681 = vector.extract_strided_slice %select_n3A_672 {offsets = [0, 256], sizes = [512, 128], strides = [1, 1]} : vector<512x2048xf32> to vector<512x128xf32>
    %gt3A_682 = arith.cmpf ogt, %slice3A_681, %max3A_676 : vector<512x128xf32>
    %max3A_683 = arith.maximumf %max3A_676, %slice3A_681 : vector<512x128xf32>
    %add3A_684 = arith.constant 256 : i32
    %add3A_685 = vector.broadcast %add3A_684 : i32 to vector<512x128xi32>
    %add3A_686 = arith.addi %iota3A_29, %add3A_685 : vector<512x128xi32>
    %select_n3A_687 = arith.select %gt3A_682, %add3A_686, %select_n3A_680 : vector<512x128xi1>, vector<512x128xi32>
    %slice3A_688 = vector.extract_strided_slice %select_n3A_672 {offsets = [0, 384], sizes = [512, 128], strides = [1, 1]} : vector<512x2048xf32> to vector<512x128xf32>
    %gt3A_689 = arith.cmpf ogt, %slice3A_688, %max3A_683 : vector<512x128xf32>
    %max3A_690 = arith.maximumf %max3A_683, %slice3A_688 : vector<512x128xf32>
    %add3A_691 = arith.constant 384 : i32
    %add3A_692 = vector.broadcast %add3A_691 : i32 to vector<512x128xi32>
    %add3A_693 = arith.addi %iota3A_29, %add3A_692 : vector<512x128xi32>
    %select_n3A_694 = arith.select %gt3A_689, %add3A_693, %select_n3A_687 : vector<512x128xi1>, vector<512x128xi32>
    %slice3A_695 = vector.extract_strided_slice %select_n3A_672 {offsets = [0, 512], sizes = [512, 128], strides = [1, 1]} : vector<512x2048xf32> to vector<512x128xf32>
    %gt3A_696 = arith.cmpf ogt, %slice3A_695, %max3A_690 : vector<512x128xf32>
    %max3A_697 = arith.maximumf %max3A_690, %slice3A_695 : vector<512x128xf32>
    %add3A_698 = arith.constant 512 : i32
    %add3A_699 = vector.broadcast %add3A_698 : i32 to vector<512x128xi32>
    %add3A_700 = arith.addi %iota3A_29, %add3A_699 : vector<512x128xi32>
    %select_n3A_701 = arith.select %gt3A_696, %add3A_700, %select_n3A_694 : vector<512x128xi1>, vector<512x128xi32>
    %slice3A_702 = vector.extract_strided_slice %select_n3A_672 {offsets = [0, 640], sizes = [512, 128], strides = [1, 1]} : vector<512x2048xf32> to vector<512x128xf32>
    %gt3A_703 = arith.cmpf ogt, %slice3A_702, %max3A_697 : vector<512x128xf32>
    %max3A_704 = arith.maximumf %max3A_697, %slice3A_702 : vector<512x128xf32>
    %add3A_705 = arith.constant 640 : i32
    %add3A_706 = vector.broadcast %add3A_705 : i32 to vector<512x128xi32>
    %add3A_707 = arith.addi %iota3A_29, %add3A_706 : vector<512x128xi32>
    %select_n3A_708 = arith.select %gt3A_703, %add3A_707, %select_n3A_701 : vector<512x128xi1>, vector<512x128xi32>
    %slice3A_709 = vector.extract_strided_slice %select_n3A_672 {offsets = [0, 768], sizes = [512, 128], strides = [1, 1]} : vector<512x2048xf32> to vector<512x128xf32>
    %gt3A_710 = arith.cmpf ogt, %slice3A_709, %max3A_704 : vector<512x128xf32>
    %max3A_711 = arith.maximumf %max3A_704, %slice3A_709 : vector<512x128xf32>
    %add3A_712 = arith.constant 768 : i32
    %add3A_713 = vector.broadcast %add3A_712 : i32 to vector<512x128xi32>
    %add3A_714 = arith.addi %iota3A_29, %add3A_713 : vector<512x128xi32>
    %select_n3A_715 = arith.select %gt3A_710, %add3A_714, %select_n3A_708 : vector<512x128xi1>, vector<512x128xi32>
    %slice3A_716 = vector.extract_strided_slice %select_n3A_672 {offsets = [0, 896], sizes = [512, 128], strides = [1, 1]} : vector<512x2048xf32> to vector<512x128xf32>
    %gt3A_717 = arith.cmpf ogt, %slice3A_716, %max3A_711 : vector<512x128xf32>
    %max3A_718 = arith.maximumf %max3A_711, %slice3A_716 : vector<512x128xf32>
    %add3A_719 = arith.constant 896 : i32
    %add3A_720 = vector.broadcast %add3A_719 : i32 to vector<512x128xi32>
    %add3A_721 = arith.addi %iota3A_29, %add3A_720 : vector<512x128xi32>
    %select_n3A_722 = arith.select %gt3A_717, %add3A_721, %select_n3A_715 : vector<512x128xi1>, vector<512x128xi32>
    %slice3A_723 = vector.extract_strided_slice %select_n3A_672 {offsets = [0, 1024], sizes = [512, 128], strides = [1, 1]} : vector<512x2048xf32> to vector<512x128xf32>
    %gt3A_724 = arith.cmpf ogt, %slice3A_723, %max3A_718 : vector<512x128xf32>
    %max3A_725 = arith.maximumf %max3A_718, %slice3A_723 : vector<512x128xf32>
    %add3A_726 = arith.constant 1024 : i32
    %add3A_727 = vector.broadcast %add3A_726 : i32 to vector<512x128xi32>
    %add3A_728 = arith.addi %iota3A_29, %add3A_727 : vector<512x128xi32>
    %select_n3A_729 = arith.select %gt3A_724, %add3A_728, %select_n3A_722 : vector<512x128xi1>, vector<512x128xi32>
    %slice3A_730 = vector.extract_strided_slice %select_n3A_672 {offsets = [0, 1152], sizes = [512, 128], strides = [1, 1]} : vector<512x2048xf32> to vector<512x128xf32>
    %gt3A_731 = arith.cmpf ogt, %slice3A_730, %max3A_725 : vector<512x128xf32>
    %max3A_732 = arith.maximumf %max3A_725, %slice3A_730 : vector<512x128xf32>
    %add3A_733 = arith.constant 1152 : i32
    %add3A_734 = vector.broadcast %add3A_733 : i32 to vector<512x128xi32>
    %add3A_735 = arith.addi %iota3A_29, %add3A_734 : vector<512x128xi32>
    %select_n3A_736 = arith.select %gt3A_731, %add3A_735, %select_n3A_729 : vector<512x128xi1>, vector<512x128xi32>
    %slice3A_737 = vector.extract_strided_slice %select_n3A_672 {offsets = [0, 1280], sizes = [512, 128], strides = [1, 1]} : vector<512x2048xf32> to vector<512x128xf32>
    %gt3A_738 = arith.cmpf ogt, %slice3A_737, %max3A_732 : vector<512x128xf32>
    %max3A_739 = arith.maximumf %max3A_732, %slice3A_737 : vector<512x128xf32>
    %add3A_740 = arith.constant 1280 : i32
    %add3A_741 = vector.broadcast %add3A_740 : i32 to vector<512x128xi32>
    %add3A_742 = arith.addi %iota3A_29, %add3A_741 : vector<512x128xi32>
    %select_n3A_743 = arith.select %gt3A_738, %add3A_742, %select_n3A_736 : vector<512x128xi1>, vector<512x128xi32>
    %slice3A_744 = vector.extract_strided_slice %select_n3A_672 {offsets = [0, 1408], sizes = [512, 128], strides = [1, 1]} : vector<512x2048xf32> to vector<512x128xf32>
    %gt3A_745 = arith.cmpf ogt, %slice3A_744, %max3A_739 : vector<512x128xf32>
    %max3A_746 = arith.maximumf %max3A_739, %slice3A_744 : vector<512x128xf32>
    %add3A_747 = arith.constant 1408 : i32
    %add3A_748 = vector.broadcast %add3A_747 : i32 to vector<512x128xi32>
    %add3A_749 = arith.addi %iota3A_29, %add3A_748 : vector<512x128xi32>
    %select_n3A_750 = arith.select %gt3A_745, %add3A_749, %select_n3A_743 : vector<512x128xi1>, vector<512x128xi32>
    %slice3A_751 = vector.extract_strided_slice %select_n3A_672 {offsets = [0, 1536], sizes = [512, 128], strides = [1, 1]} : vector<512x2048xf32> to vector<512x128xf32>
    %gt3A_752 = arith.cmpf ogt, %slice3A_751, %max3A_746 : vector<512x128xf32>
    %max3A_753 = arith.maximumf %max3A_746, %slice3A_751 : vector<512x128xf32>
    %add3A_754 = arith.constant 1536 : i32
    %add3A_755 = vector.broadcast %add3A_754 : i32 to vector<512x128xi32>
    %add3A_756 = arith.addi %iota3A_29, %add3A_755 : vector<512x128xi32>
    %select_n3A_757 = arith.select %gt3A_752, %add3A_756, %select_n3A_750 : vector<512x128xi1>, vector<512x128xi32>
    %slice3A_758 = vector.extract_strided_slice %select_n3A_672 {offsets = [0, 1664], sizes = [512, 128], strides = [1, 1]} : vector<512x2048xf32> to vector<512x128xf32>
    %gt3A_759 = arith.cmpf ogt, %slice3A_758, %max3A_753 : vector<512x128xf32>
    %max3A_760 = arith.maximumf %max3A_753, %slice3A_758 : vector<512x128xf32>
    %add3A_761 = arith.constant 1664 : i32
    %add3A_762 = vector.broadcast %add3A_761 : i32 to vector<512x128xi32>
    %add3A_763 = arith.addi %iota3A_29, %add3A_762 : vector<512x128xi32>
    %select_n3A_764 = arith.select %gt3A_759, %add3A_763, %select_n3A_757 : vector<512x128xi1>, vector<512x128xi32>
    %slice3A_765 = vector.extract_strided_slice %select_n3A_672 {offsets = [0, 1792], sizes = [512, 128], strides = [1, 1]} : vector<512x2048xf32> to vector<512x128xf32>
    %gt3A_766 = arith.cmpf ogt, %slice3A_765, %max3A_760 : vector<512x128xf32>
    %max3A_767 = arith.maximumf %max3A_760, %slice3A_765 : vector<512x128xf32>
    %add3A_768 = arith.constant 1792 : i32
    %add3A_769 = vector.broadcast %add3A_768 : i32 to vector<512x128xi32>
    %add3A_770 = arith.addi %iota3A_29, %add3A_769 : vector<512x128xi32>
    %select_n3A_771 = arith.select %gt3A_766, %add3A_770, %select_n3A_764 : vector<512x128xi1>, vector<512x128xi32>
    %slice3A_772 = vector.extract_strided_slice %select_n3A_672 {offsets = [0, 1920], sizes = [512, 128], strides = [1, 1]} : vector<512x2048xf32> to vector<512x128xf32>
    %gt3A_773 = arith.cmpf ogt, %slice3A_772, %max3A_767 : vector<512x128xf32>
    %max3A_774 = arith.maximumf %max3A_767, %slice3A_772 : vector<512x128xf32>
    %add3A_775 = arith.constant 1920 : i32
    %add3A_776 = vector.broadcast %add3A_775 : i32 to vector<512x128xi32>
    %add3A_777 = arith.addi %iota3A_29, %add3A_776 : vector<512x128xi32>
    %select_n3A_778 = arith.select %gt3A_773, %add3A_777, %select_n3A_771 : vector<512x128xi1>, vector<512x128xi32>
    %reduce_max3A_779 = arith.constant dense<0xFF800000> : vector<512xf32>
    %reduce_max3A_780 = vector.multi_reduction <maximumf>, %max3A_774, %reduce_max3A_779 [1] : vector<512x128xf32> to vector<512xf32>
    %broadcast_in_dim3A_781 = vector.shape_cast %reduce_max3A_780 : vector<512xf32> to vector<512x1xf32>
    %eq3A_782 = vector.broadcast %broadcast_in_dim3A_781 : vector<512x1xf32> to vector<512x128xf32>
    %eq3A_783 = arith.cmpf oeq, %max3A_774, %eq3A_782 : vector<512x128xf32>
    %jit3A_784 = arith.constant 2048 : i32
    %broadcast_in_dim3A_785 = vector.broadcast %jit3A_784 : i32 to vector<512x128xi32>
    %select_n3A_786 = arith.select %eq3A_783, %select_n3A_778, %broadcast_in_dim3A_785 : vector<512x128xi1>, vector<512x128xi32>
    %reduce_min3A_787 = arith.constant dense<2147483647> : vector<512xi32>
    %reduce_min3A_788 = vector.multi_reduction <minsi>, %select_n3A_786, %reduce_min3A_787 [1] : vector<512x128xi32> to vector<512xi32>
    %broadcast_in_dim3A_789 = vector.shape_cast %reduce_min3A_788 : vector<512xi32> to vector<512x1xi32>
    %eq3A_790 = arith.constant 6 : i32
    %eq3A_791 = vector.broadcast %eq3A_790 : i32 to vector<512x128xi32>
    %eq3A_792 = arith.cmpi eq, %iota3A_29, %eq3A_791 : vector<512x128xi32>
    %broadcast_in_dim3A_793 = vector.shape_cast %broadcast_in_dim3A_789 : vector<512x1xi32> to vector<512x1xi32>
    %broadcast_in_dim3A_794 = vector.broadcast %broadcast_in_dim3A_793 : vector<512x1xi32> to vector<512x128xi32>
    %select_n3A_795 = arith.select %eq3A_792, %broadcast_in_dim3A_794, %select_n3A_667 : vector<512x128xi1>, vector<512x128xi32>
    %eq3A_796 = vector.broadcast %broadcast_in_dim3A_789 : vector<512x1xi32> to vector<512x2048xi32>
    %eq3A_797 = arith.cmpi eq, %iota3A, %eq3A_796 : vector<512x2048xi32>
    %jit3A_798 = arith.constant -1.000000e+30 : f32
    %broadcast_in_dim3A_799 = vector.broadcast %jit3A_798 : f32 to vector<512x2048xf32>
    %select_n3A_800 = arith.select %eq3A_797, %broadcast_in_dim3A_799, %select_n3A_672 : vector<512x2048xi1>, vector<512x2048xf32>
    %slice3A_801 = vector.extract_strided_slice %select_n3A_800 {offsets = [0, 0], sizes = [512, 128], strides = [1, 1]} : vector<512x2048xf32> to vector<512x128xf32>
    %slice3A_802 = vector.extract_strided_slice %select_n3A_800 {offsets = [0, 128], sizes = [512, 128], strides = [1, 1]} : vector<512x2048xf32> to vector<512x128xf32>
    %gt3A_803 = arith.cmpf ogt, %slice3A_802, %slice3A_801 : vector<512x128xf32>
    %max3A_804 = arith.maximumf %slice3A_801, %slice3A_802 : vector<512x128xf32>
    %add3A_805 = arith.constant 128 : i32
    %add3A_806 = vector.broadcast %add3A_805 : i32 to vector<512x128xi32>
    %add3A_807 = arith.addi %iota3A_29, %add3A_806 : vector<512x128xi32>
    %select_n3A_808 = arith.select %gt3A_803, %add3A_807, %iota3A_29 : vector<512x128xi1>, vector<512x128xi32>
    %slice3A_809 = vector.extract_strided_slice %select_n3A_800 {offsets = [0, 256], sizes = [512, 128], strides = [1, 1]} : vector<512x2048xf32> to vector<512x128xf32>
    %gt3A_810 = arith.cmpf ogt, %slice3A_809, %max3A_804 : vector<512x128xf32>
    %max3A_811 = arith.maximumf %max3A_804, %slice3A_809 : vector<512x128xf32>
    %add3A_812 = arith.constant 256 : i32
    %add3A_813 = vector.broadcast %add3A_812 : i32 to vector<512x128xi32>
    %add3A_814 = arith.addi %iota3A_29, %add3A_813 : vector<512x128xi32>
    %select_n3A_815 = arith.select %gt3A_810, %add3A_814, %select_n3A_808 : vector<512x128xi1>, vector<512x128xi32>
    %slice3A_816 = vector.extract_strided_slice %select_n3A_800 {offsets = [0, 384], sizes = [512, 128], strides = [1, 1]} : vector<512x2048xf32> to vector<512x128xf32>
    %gt3A_817 = arith.cmpf ogt, %slice3A_816, %max3A_811 : vector<512x128xf32>
    %max3A_818 = arith.maximumf %max3A_811, %slice3A_816 : vector<512x128xf32>
    %add3A_819 = arith.constant 384 : i32
    %add3A_820 = vector.broadcast %add3A_819 : i32 to vector<512x128xi32>
    %add3A_821 = arith.addi %iota3A_29, %add3A_820 : vector<512x128xi32>
    %select_n3A_822 = arith.select %gt3A_817, %add3A_821, %select_n3A_815 : vector<512x128xi1>, vector<512x128xi32>
    %slice3A_823 = vector.extract_strided_slice %select_n3A_800 {offsets = [0, 512], sizes = [512, 128], strides = [1, 1]} : vector<512x2048xf32> to vector<512x128xf32>
    %gt3A_824 = arith.cmpf ogt, %slice3A_823, %max3A_818 : vector<512x128xf32>
    %max3A_825 = arith.maximumf %max3A_818, %slice3A_823 : vector<512x128xf32>
    %add3A_826 = arith.constant 512 : i32
    %add3A_827 = vector.broadcast %add3A_826 : i32 to vector<512x128xi32>
    %add3A_828 = arith.addi %iota3A_29, %add3A_827 : vector<512x128xi32>
    %select_n3A_829 = arith.select %gt3A_824, %add3A_828, %select_n3A_822 : vector<512x128xi1>, vector<512x128xi32>
    %slice3A_830 = vector.extract_strided_slice %select_n3A_800 {offsets = [0, 640], sizes = [512, 128], strides = [1, 1]} : vector<512x2048xf32> to vector<512x128xf32>
    %gt3A_831 = arith.cmpf ogt, %slice3A_830, %max3A_825 : vector<512x128xf32>
    %max3A_832 = arith.maximumf %max3A_825, %slice3A_830 : vector<512x128xf32>
    %add3A_833 = arith.constant 640 : i32
    %add3A_834 = vector.broadcast %add3A_833 : i32 to vector<512x128xi32>
    %add3A_835 = arith.addi %iota3A_29, %add3A_834 : vector<512x128xi32>
    %select_n3A_836 = arith.select %gt3A_831, %add3A_835, %select_n3A_829 : vector<512x128xi1>, vector<512x128xi32>
    %slice3A_837 = vector.extract_strided_slice %select_n3A_800 {offsets = [0, 768], sizes = [512, 128], strides = [1, 1]} : vector<512x2048xf32> to vector<512x128xf32>
    %gt3A_838 = arith.cmpf ogt, %slice3A_837, %max3A_832 : vector<512x128xf32>
    %max3A_839 = arith.maximumf %max3A_832, %slice3A_837 : vector<512x128xf32>
    %add3A_840 = arith.constant 768 : i32
    %add3A_841 = vector.broadcast %add3A_840 : i32 to vector<512x128xi32>
    %add3A_842 = arith.addi %iota3A_29, %add3A_841 : vector<512x128xi32>
    %select_n3A_843 = arith.select %gt3A_838, %add3A_842, %select_n3A_836 : vector<512x128xi1>, vector<512x128xi32>
    %slice3A_844 = vector.extract_strided_slice %select_n3A_800 {offsets = [0, 896], sizes = [512, 128], strides = [1, 1]} : vector<512x2048xf32> to vector<512x128xf32>
    %gt3A_845 = arith.cmpf ogt, %slice3A_844, %max3A_839 : vector<512x128xf32>
    %max3A_846 = arith.maximumf %max3A_839, %slice3A_844 : vector<512x128xf32>
    %add3A_847 = arith.constant 896 : i32
    %add3A_848 = vector.broadcast %add3A_847 : i32 to vector<512x128xi32>
    %add3A_849 = arith.addi %iota3A_29, %add3A_848 : vector<512x128xi32>
    %select_n3A_850 = arith.select %gt3A_845, %add3A_849, %select_n3A_843 : vector<512x128xi1>, vector<512x128xi32>
    %slice3A_851 = vector.extract_strided_slice %select_n3A_800 {offsets = [0, 1024], sizes = [512, 128], strides = [1, 1]} : vector<512x2048xf32> to vector<512x128xf32>
    %gt3A_852 = arith.cmpf ogt, %slice3A_851, %max3A_846 : vector<512x128xf32>
    %max3A_853 = arith.maximumf %max3A_846, %slice3A_851 : vector<512x128xf32>
    %add3A_854 = arith.constant 1024 : i32
    %add3A_855 = vector.broadcast %add3A_854 : i32 to vector<512x128xi32>
    %add3A_856 = arith.addi %iota3A_29, %add3A_855 : vector<512x128xi32>
    %select_n3A_857 = arith.select %gt3A_852, %add3A_856, %select_n3A_850 : vector<512x128xi1>, vector<512x128xi32>
    %slice3A_858 = vector.extract_strided_slice %select_n3A_800 {offsets = [0, 1152], sizes = [512, 128], strides = [1, 1]} : vector<512x2048xf32> to vector<512x128xf32>
    %gt3A_859 = arith.cmpf ogt, %slice3A_858, %max3A_853 : vector<512x128xf32>
    %max3A_860 = arith.maximumf %max3A_853, %slice3A_858 : vector<512x128xf32>
    %add3A_861 = arith.constant 1152 : i32
    %add3A_862 = vector.broadcast %add3A_861 : i32 to vector<512x128xi32>
    %add3A_863 = arith.addi %iota3A_29, %add3A_862 : vector<512x128xi32>
    %select_n3A_864 = arith.select %gt3A_859, %add3A_863, %select_n3A_857 : vector<512x128xi1>, vector<512x128xi32>
    %slice3A_865 = vector.extract_strided_slice %select_n3A_800 {offsets = [0, 1280], sizes = [512, 128], strides = [1, 1]} : vector<512x2048xf32> to vector<512x128xf32>
    %gt3A_866 = arith.cmpf ogt, %slice3A_865, %max3A_860 : vector<512x128xf32>
    %max3A_867 = arith.maximumf %max3A_860, %slice3A_865 : vector<512x128xf32>
    %add3A_868 = arith.constant 1280 : i32
    %add3A_869 = vector.broadcast %add3A_868 : i32 to vector<512x128xi32>
    %add3A_870 = arith.addi %iota3A_29, %add3A_869 : vector<512x128xi32>
    %select_n3A_871 = arith.select %gt3A_866, %add3A_870, %select_n3A_864 : vector<512x128xi1>, vector<512x128xi32>
    %slice3A_872 = vector.extract_strided_slice %select_n3A_800 {offsets = [0, 1408], sizes = [512, 128], strides = [1, 1]} : vector<512x2048xf32> to vector<512x128xf32>
    %gt3A_873 = arith.cmpf ogt, %slice3A_872, %max3A_867 : vector<512x128xf32>
    %max3A_874 = arith.maximumf %max3A_867, %slice3A_872 : vector<512x128xf32>
    %add3A_875 = arith.constant 1408 : i32
    %add3A_876 = vector.broadcast %add3A_875 : i32 to vector<512x128xi32>
    %add3A_877 = arith.addi %iota3A_29, %add3A_876 : vector<512x128xi32>
    %select_n3A_878 = arith.select %gt3A_873, %add3A_877, %select_n3A_871 : vector<512x128xi1>, vector<512x128xi32>
    %slice3A_879 = vector.extract_strided_slice %select_n3A_800 {offsets = [0, 1536], sizes = [512, 128], strides = [1, 1]} : vector<512x2048xf32> to vector<512x128xf32>
    %gt3A_880 = arith.cmpf ogt, %slice3A_879, %max3A_874 : vector<512x128xf32>
    %max3A_881 = arith.maximumf %max3A_874, %slice3A_879 : vector<512x128xf32>
    %add3A_882 = arith.constant 1536 : i32
    %add3A_883 = vector.broadcast %add3A_882 : i32 to vector<512x128xi32>
    %add3A_884 = arith.addi %iota3A_29, %add3A_883 : vector<512x128xi32>
    %select_n3A_885 = arith.select %gt3A_880, %add3A_884, %select_n3A_878 : vector<512x128xi1>, vector<512x128xi32>
    %slice3A_886 = vector.extract_strided_slice %select_n3A_800 {offsets = [0, 1664], sizes = [512, 128], strides = [1, 1]} : vector<512x2048xf32> to vector<512x128xf32>
    %gt3A_887 = arith.cmpf ogt, %slice3A_886, %max3A_881 : vector<512x128xf32>
    %max3A_888 = arith.maximumf %max3A_881, %slice3A_886 : vector<512x128xf32>
    %add3A_889 = arith.constant 1664 : i32
    %add3A_890 = vector.broadcast %add3A_889 : i32 to vector<512x128xi32>
    %add3A_891 = arith.addi %iota3A_29, %add3A_890 : vector<512x128xi32>
    %select_n3A_892 = arith.select %gt3A_887, %add3A_891, %select_n3A_885 : vector<512x128xi1>, vector<512x128xi32>
    %slice3A_893 = vector.extract_strided_slice %select_n3A_800 {offsets = [0, 1792], sizes = [512, 128], strides = [1, 1]} : vector<512x2048xf32> to vector<512x128xf32>
    %gt3A_894 = arith.cmpf ogt, %slice3A_893, %max3A_888 : vector<512x128xf32>
    %max3A_895 = arith.maximumf %max3A_888, %slice3A_893 : vector<512x128xf32>
    %add3A_896 = arith.constant 1792 : i32
    %add3A_897 = vector.broadcast %add3A_896 : i32 to vector<512x128xi32>
    %add3A_898 = arith.addi %iota3A_29, %add3A_897 : vector<512x128xi32>
    %select_n3A_899 = arith.select %gt3A_894, %add3A_898, %select_n3A_892 : vector<512x128xi1>, vector<512x128xi32>
    %slice3A_900 = vector.extract_strided_slice %select_n3A_800 {offsets = [0, 1920], sizes = [512, 128], strides = [1, 1]} : vector<512x2048xf32> to vector<512x128xf32>
    %gt3A_901 = arith.cmpf ogt, %slice3A_900, %max3A_895 : vector<512x128xf32>
    %max3A_902 = arith.maximumf %max3A_895, %slice3A_900 : vector<512x128xf32>
    %add3A_903 = arith.constant 1920 : i32
    %add3A_904 = vector.broadcast %add3A_903 : i32 to vector<512x128xi32>
    %add3A_905 = arith.addi %iota3A_29, %add3A_904 : vector<512x128xi32>
    %select_n3A_906 = arith.select %gt3A_901, %add3A_905, %select_n3A_899 : vector<512x128xi1>, vector<512x128xi32>
    %reduce_max3A_907 = arith.constant dense<0xFF800000> : vector<512xf32>
    %reduce_max3A_908 = vector.multi_reduction <maximumf>, %max3A_902, %reduce_max3A_907 [1] : vector<512x128xf32> to vector<512xf32>
    %broadcast_in_dim3A_909 = vector.shape_cast %reduce_max3A_908 : vector<512xf32> to vector<512x1xf32>
    %eq3A_910 = vector.broadcast %broadcast_in_dim3A_909 : vector<512x1xf32> to vector<512x128xf32>
    %eq3A_911 = arith.cmpf oeq, %max3A_902, %eq3A_910 : vector<512x128xf32>
    %jit3A_912 = arith.constant 2048 : i32
    %broadcast_in_dim3A_913 = vector.broadcast %jit3A_912 : i32 to vector<512x128xi32>
    %select_n3A_914 = arith.select %eq3A_911, %select_n3A_906, %broadcast_in_dim3A_913 : vector<512x128xi1>, vector<512x128xi32>
    %reduce_min3A_915 = arith.constant dense<2147483647> : vector<512xi32>
    %reduce_min3A_916 = vector.multi_reduction <minsi>, %select_n3A_914, %reduce_min3A_915 [1] : vector<512x128xi32> to vector<512xi32>
    %broadcast_in_dim3A_917 = vector.shape_cast %reduce_min3A_916 : vector<512xi32> to vector<512x1xi32>
    %eq3A_918 = arith.constant 7 : i32
    %eq3A_919 = vector.broadcast %eq3A_918 : i32 to vector<512x128xi32>
    %eq3A_920 = arith.cmpi eq, %iota3A_29, %eq3A_919 : vector<512x128xi32>
    %broadcast_in_dim3A_921 = vector.shape_cast %broadcast_in_dim3A_917 : vector<512x1xi32> to vector<512x1xi32>
    %broadcast_in_dim3A_922 = vector.broadcast %broadcast_in_dim3A_921 : vector<512x1xi32> to vector<512x128xi32>
    %select_n3A_923 = arith.select %eq3A_920, %broadcast_in_dim3A_922, %select_n3A_795 : vector<512x128xi1>, vector<512x128xi32>
    %eq3A_924 = vector.broadcast %broadcast_in_dim3A_917 : vector<512x1xi32> to vector<512x2048xi32>
    %eq3A_925 = arith.cmpi eq, %iota3A, %eq3A_924 : vector<512x2048xi32>
    %jit3A_926 = arith.constant -1.000000e+30 : f32
    %broadcast_in_dim3A_927 = vector.broadcast %jit3A_926 : f32 to vector<512x2048xf32>
    %select_n3A_928 = arith.select %eq3A_925, %broadcast_in_dim3A_927, %select_n3A_800 : vector<512x2048xi1>, vector<512x2048xf32>
    %slice3A_929 = vector.extract_strided_slice %select_n3A_928 {offsets = [0, 0], sizes = [512, 128], strides = [1, 1]} : vector<512x2048xf32> to vector<512x128xf32>
    %slice3A_930 = vector.extract_strided_slice %select_n3A_928 {offsets = [0, 128], sizes = [512, 128], strides = [1, 1]} : vector<512x2048xf32> to vector<512x128xf32>
    %gt3A_931 = arith.cmpf ogt, %slice3A_930, %slice3A_929 : vector<512x128xf32>
    %max3A_932 = arith.maximumf %slice3A_929, %slice3A_930 : vector<512x128xf32>
    %add3A_933 = arith.constant 128 : i32
    %add3A_934 = vector.broadcast %add3A_933 : i32 to vector<512x128xi32>
    %add3A_935 = arith.addi %iota3A_29, %add3A_934 : vector<512x128xi32>
    %select_n3A_936 = arith.select %gt3A_931, %add3A_935, %iota3A_29 : vector<512x128xi1>, vector<512x128xi32>
    %slice3A_937 = vector.extract_strided_slice %select_n3A_928 {offsets = [0, 256], sizes = [512, 128], strides = [1, 1]} : vector<512x2048xf32> to vector<512x128xf32>
    %gt3A_938 = arith.cmpf ogt, %slice3A_937, %max3A_932 : vector<512x128xf32>
    %max3A_939 = arith.maximumf %max3A_932, %slice3A_937 : vector<512x128xf32>
    %add3A_940 = arith.constant 256 : i32
    %add3A_941 = vector.broadcast %add3A_940 : i32 to vector<512x128xi32>
    %add3A_942 = arith.addi %iota3A_29, %add3A_941 : vector<512x128xi32>
    %select_n3A_943 = arith.select %gt3A_938, %add3A_942, %select_n3A_936 : vector<512x128xi1>, vector<512x128xi32>
    %slice3A_944 = vector.extract_strided_slice %select_n3A_928 {offsets = [0, 384], sizes = [512, 128], strides = [1, 1]} : vector<512x2048xf32> to vector<512x128xf32>
    %gt3A_945 = arith.cmpf ogt, %slice3A_944, %max3A_939 : vector<512x128xf32>
    %max3A_946 = arith.maximumf %max3A_939, %slice3A_944 : vector<512x128xf32>
    %add3A_947 = arith.constant 384 : i32
    %add3A_948 = vector.broadcast %add3A_947 : i32 to vector<512x128xi32>
    %add3A_949 = arith.addi %iota3A_29, %add3A_948 : vector<512x128xi32>
    %select_n3A_950 = arith.select %gt3A_945, %add3A_949, %select_n3A_943 : vector<512x128xi1>, vector<512x128xi32>
    %slice3A_951 = vector.extract_strided_slice %select_n3A_928 {offsets = [0, 512], sizes = [512, 128], strides = [1, 1]} : vector<512x2048xf32> to vector<512x128xf32>
    %gt3A_952 = arith.cmpf ogt, %slice3A_951, %max3A_946 : vector<512x128xf32>
    %max3A_953 = arith.maximumf %max3A_946, %slice3A_951 : vector<512x128xf32>
    %add3A_954 = arith.constant 512 : i32
    %add3A_955 = vector.broadcast %add3A_954 : i32 to vector<512x128xi32>
    %add3A_956 = arith.addi %iota3A_29, %add3A_955 : vector<512x128xi32>
    %select_n3A_957 = arith.select %gt3A_952, %add3A_956, %select_n3A_950 : vector<512x128xi1>, vector<512x128xi32>
    %slice3A_958 = vector.extract_strided_slice %select_n3A_928 {offsets = [0, 640], sizes = [512, 128], strides = [1, 1]} : vector<512x2048xf32> to vector<512x128xf32>
    %gt3A_959 = arith.cmpf ogt, %slice3A_958, %max3A_953 : vector<512x128xf32>
    %max3A_960 = arith.maximumf %max3A_953, %slice3A_958 : vector<512x128xf32>
    %add3A_961 = arith.constant 640 : i32
    %add3A_962 = vector.broadcast %add3A_961 : i32 to vector<512x128xi32>
    %add3A_963 = arith.addi %iota3A_29, %add3A_962 : vector<512x128xi32>
    %select_n3A_964 = arith.select %gt3A_959, %add3A_963, %select_n3A_957 : vector<512x128xi1>, vector<512x128xi32>
    %slice3A_965 = vector.extract_strided_slice %select_n3A_928 {offsets = [0, 768], sizes = [512, 128], strides = [1, 1]} : vector<512x2048xf32> to vector<512x128xf32>
    %gt3A_966 = arith.cmpf ogt, %slice3A_965, %max3A_960 : vector<512x128xf32>
    %max3A_967 = arith.maximumf %max3A_960, %slice3A_965 : vector<512x128xf32>
    %add3A_968 = arith.constant 768 : i32
    %add3A_969 = vector.broadcast %add3A_968 : i32 to vector<512x128xi32>
    %add3A_970 = arith.addi %iota3A_29, %add3A_969 : vector<512x128xi32>
    %select_n3A_971 = arith.select %gt3A_966, %add3A_970, %select_n3A_964 : vector<512x128xi1>, vector<512x128xi32>
    %slice3A_972 = vector.extract_strided_slice %select_n3A_928 {offsets = [0, 896], sizes = [512, 128], strides = [1, 1]} : vector<512x2048xf32> to vector<512x128xf32>
    %gt3A_973 = arith.cmpf ogt, %slice3A_972, %max3A_967 : vector<512x128xf32>
    %max3A_974 = arith.maximumf %max3A_967, %slice3A_972 : vector<512x128xf32>
    %add3A_975 = arith.constant 896 : i32
    %add3A_976 = vector.broadcast %add3A_975 : i32 to vector<512x128xi32>
    %add3A_977 = arith.addi %iota3A_29, %add3A_976 : vector<512x128xi32>
    %select_n3A_978 = arith.select %gt3A_973, %add3A_977, %select_n3A_971 : vector<512x128xi1>, vector<512x128xi32>
    %slice3A_979 = vector.extract_strided_slice %select_n3A_928 {offsets = [0, 1024], sizes = [512, 128], strides = [1, 1]} : vector<512x2048xf32> to vector<512x128xf32>
    %gt3A_980 = arith.cmpf ogt, %slice3A_979, %max3A_974 : vector<512x128xf32>
    %max3A_981 = arith.maximumf %max3A_974, %slice3A_979 : vector<512x128xf32>
    %add3A_982 = arith.constant 1024 : i32
    %add3A_983 = vector.broadcast %add3A_982 : i32 to vector<512x128xi32>
    %add3A_984 = arith.addi %iota3A_29, %add3A_983 : vector<512x128xi32>
    %select_n3A_985 = arith.select %gt3A_980, %add3A_984, %select_n3A_978 : vector<512x128xi1>, vector<512x128xi32>
    %slice3A_986 = vector.extract_strided_slice %select_n3A_928 {offsets = [0, 1152], sizes = [512, 128], strides = [1, 1]} : vector<512x2048xf32> to vector<512x128xf32>
    %gt3A_987 = arith.cmpf ogt, %slice3A_986, %max3A_981 : vector<512x128xf32>
    %max3A_988 = arith.maximumf %max3A_981, %slice3A_986 : vector<512x128xf32>
    %add3A_989 = arith.constant 1152 : i32
    %add3A_990 = vector.broadcast %add3A_989 : i32 to vector<512x128xi32>
    %add3A_991 = arith.addi %iota3A_29, %add3A_990 : vector<512x128xi32>
    %select_n3A_992 = arith.select %gt3A_987, %add3A_991, %select_n3A_985 : vector<512x128xi1>, vector<512x128xi32>
    %slice3A_993 = vector.extract_strided_slice %select_n3A_928 {offsets = [0, 1280], sizes = [512, 128], strides = [1, 1]} : vector<512x2048xf32> to vector<512x128xf32>
    %gt3A_994 = arith.cmpf ogt, %slice3A_993, %max3A_988 : vector<512x128xf32>
    %max3A_995 = arith.maximumf %max3A_988, %slice3A_993 : vector<512x128xf32>
    %add3A_996 = arith.constant 1280 : i32
    %add3A_997 = vector.broadcast %add3A_996 : i32 to vector<512x128xi32>
    %add3A_998 = arith.addi %iota3A_29, %add3A_997 : vector<512x128xi32>
    %select_n3A_999 = arith.select %gt3A_994, %add3A_998, %select_n3A_992 : vector<512x128xi1>, vector<512x128xi32>
    %slice3A_1000 = vector.extract_strided_slice %select_n3A_928 {offsets = [0, 1408], sizes = [512, 128], strides = [1, 1]} : vector<512x2048xf32> to vector<512x128xf32>
    %gt3A_1001 = arith.cmpf ogt, %slice3A_1000, %max3A_995 : vector<512x128xf32>
    %max3A_1002 = arith.maximumf %max3A_995, %slice3A_1000 : vector<512x128xf32>
    %add3A_1003 = arith.constant 1408 : i32
    %add3A_1004 = vector.broadcast %add3A_1003 : i32 to vector<512x128xi32>
    %add3A_1005 = arith.addi %iota3A_29, %add3A_1004 : vector<512x128xi32>
    %select_n3A_1006 = arith.select %gt3A_1001, %add3A_1005, %select_n3A_999 : vector<512x128xi1>, vector<512x128xi32>
    %slice3A_1007 = vector.extract_strided_slice %select_n3A_928 {offsets = [0, 1536], sizes = [512, 128], strides = [1, 1]} : vector<512x2048xf32> to vector<512x128xf32>
    %gt3A_1008 = arith.cmpf ogt, %slice3A_1007, %max3A_1002 : vector<512x128xf32>
    %max3A_1009 = arith.maximumf %max3A_1002, %slice3A_1007 : vector<512x128xf32>
    %add3A_1010 = arith.constant 1536 : i32
    %add3A_1011 = vector.broadcast %add3A_1010 : i32 to vector<512x128xi32>
    %add3A_1012 = arith.addi %iota3A_29, %add3A_1011 : vector<512x128xi32>
    %select_n3A_1013 = arith.select %gt3A_1008, %add3A_1012, %select_n3A_1006 : vector<512x128xi1>, vector<512x128xi32>
    %slice3A_1014 = vector.extract_strided_slice %select_n3A_928 {offsets = [0, 1664], sizes = [512, 128], strides = [1, 1]} : vector<512x2048xf32> to vector<512x128xf32>
    %gt3A_1015 = arith.cmpf ogt, %slice3A_1014, %max3A_1009 : vector<512x128xf32>
    %max3A_1016 = arith.maximumf %max3A_1009, %slice3A_1014 : vector<512x128xf32>
    %add3A_1017 = arith.constant 1664 : i32
    %add3A_1018 = vector.broadcast %add3A_1017 : i32 to vector<512x128xi32>
    %add3A_1019 = arith.addi %iota3A_29, %add3A_1018 : vector<512x128xi32>
    %select_n3A_1020 = arith.select %gt3A_1015, %add3A_1019, %select_n3A_1013 : vector<512x128xi1>, vector<512x128xi32>
    %slice3A_1021 = vector.extract_strided_slice %select_n3A_928 {offsets = [0, 1792], sizes = [512, 128], strides = [1, 1]} : vector<512x2048xf32> to vector<512x128xf32>
    %gt3A_1022 = arith.cmpf ogt, %slice3A_1021, %max3A_1016 : vector<512x128xf32>
    %max3A_1023 = arith.maximumf %max3A_1016, %slice3A_1021 : vector<512x128xf32>
    %add3A_1024 = arith.constant 1792 : i32
    %add3A_1025 = vector.broadcast %add3A_1024 : i32 to vector<512x128xi32>
    %add3A_1026 = arith.addi %iota3A_29, %add3A_1025 : vector<512x128xi32>
    %select_n3A_1027 = arith.select %gt3A_1022, %add3A_1026, %select_n3A_1020 : vector<512x128xi1>, vector<512x128xi32>
    %slice3A_1028 = vector.extract_strided_slice %select_n3A_928 {offsets = [0, 1920], sizes = [512, 128], strides = [1, 1]} : vector<512x2048xf32> to vector<512x128xf32>
    %gt3A_1029 = arith.cmpf ogt, %slice3A_1028, %max3A_1023 : vector<512x128xf32>
    %max3A_1030 = arith.maximumf %max3A_1023, %slice3A_1028 : vector<512x128xf32>
    %add3A_1031 = arith.constant 1920 : i32
    %add3A_1032 = vector.broadcast %add3A_1031 : i32 to vector<512x128xi32>
    %add3A_1033 = arith.addi %iota3A_29, %add3A_1032 : vector<512x128xi32>
    %select_n3A_1034 = arith.select %gt3A_1029, %add3A_1033, %select_n3A_1027 : vector<512x128xi1>, vector<512x128xi32>
    %reduce_max3A_1035 = arith.constant dense<0xFF800000> : vector<512xf32>
    %reduce_max3A_1036 = vector.multi_reduction <maximumf>, %max3A_1030, %reduce_max3A_1035 [1] : vector<512x128xf32> to vector<512xf32>
    %broadcast_in_dim3A_1037 = vector.shape_cast %reduce_max3A_1036 : vector<512xf32> to vector<512x1xf32>
    %eq3A_1038 = vector.broadcast %broadcast_in_dim3A_1037 : vector<512x1xf32> to vector<512x128xf32>
    %eq3A_1039 = arith.cmpf oeq, %max3A_1030, %eq3A_1038 : vector<512x128xf32>
    %jit3A_1040 = arith.constant 2048 : i32
    %broadcast_in_dim3A_1041 = vector.broadcast %jit3A_1040 : i32 to vector<512x128xi32>
    %select_n3A_1042 = arith.select %eq3A_1039, %select_n3A_1034, %broadcast_in_dim3A_1041 : vector<512x128xi1>, vector<512x128xi32>
    %reduce_min3A_1043 = arith.constant dense<2147483647> : vector<512xi32>
    %reduce_min3A_1044 = vector.multi_reduction <minsi>, %select_n3A_1042, %reduce_min3A_1043 [1] : vector<512x128xi32> to vector<512xi32>
    %broadcast_in_dim3A_1045 = vector.shape_cast %reduce_min3A_1044 : vector<512xi32> to vector<512x1xi32>
    %eq3A_1046 = arith.constant 8 : i32
    %eq3A_1047 = vector.broadcast %eq3A_1046 : i32 to vector<512x128xi32>
    %eq3A_1048 = arith.cmpi eq, %iota3A_29, %eq3A_1047 : vector<512x128xi32>
    %broadcast_in_dim3A_1049 = vector.shape_cast %broadcast_in_dim3A_1045 : vector<512x1xi32> to vector<512x1xi32>
    %broadcast_in_dim3A_1050 = vector.broadcast %broadcast_in_dim3A_1049 : vector<512x1xi32> to vector<512x128xi32>
    %select_n3A_1051 = arith.select %eq3A_1048, %broadcast_in_dim3A_1050, %select_n3A_923 : vector<512x128xi1>, vector<512x128xi32>
    %eq3A_1052 = vector.broadcast %broadcast_in_dim3A_1045 : vector<512x1xi32> to vector<512x2048xi32>
    %eq3A_1053 = arith.cmpi eq, %iota3A, %eq3A_1052 : vector<512x2048xi32>
    %jit3A_1054 = arith.constant -1.000000e+30 : f32
    %broadcast_in_dim3A_1055 = vector.broadcast %jit3A_1054 : f32 to vector<512x2048xf32>
    %select_n3A_1056 = arith.select %eq3A_1053, %broadcast_in_dim3A_1055, %select_n3A_928 : vector<512x2048xi1>, vector<512x2048xf32>
    %slice3A_1057 = vector.extract_strided_slice %select_n3A_1056 {offsets = [0, 0], sizes = [512, 128], strides = [1, 1]} : vector<512x2048xf32> to vector<512x128xf32>
    %slice3A_1058 = vector.extract_strided_slice %select_n3A_1056 {offsets = [0, 128], sizes = [512, 128], strides = [1, 1]} : vector<512x2048xf32> to vector<512x128xf32>
    %gt3A_1059 = arith.cmpf ogt, %slice3A_1058, %slice3A_1057 : vector<512x128xf32>
    %max3A_1060 = arith.maximumf %slice3A_1057, %slice3A_1058 : vector<512x128xf32>
    %add3A_1061 = arith.constant 128 : i32
    %add3A_1062 = vector.broadcast %add3A_1061 : i32 to vector<512x128xi32>
    %add3A_1063 = arith.addi %iota3A_29, %add3A_1062 : vector<512x128xi32>
    %select_n3A_1064 = arith.select %gt3A_1059, %add3A_1063, %iota3A_29 : vector<512x128xi1>, vector<512x128xi32>
    %slice3A_1065 = vector.extract_strided_slice %select_n3A_1056 {offsets = [0, 256], sizes = [512, 128], strides = [1, 1]} : vector<512x2048xf32> to vector<512x128xf32>
    %gt3A_1066 = arith.cmpf ogt, %slice3A_1065, %max3A_1060 : vector<512x128xf32>
    %max3A_1067 = arith.maximumf %max3A_1060, %slice3A_1065 : vector<512x128xf32>
    %add3A_1068 = arith.constant 256 : i32
    %add3A_1069 = vector.broadcast %add3A_1068 : i32 to vector<512x128xi32>
    %add3A_1070 = arith.addi %iota3A_29, %add3A_1069 : vector<512x128xi32>
    %select_n3A_1071 = arith.select %gt3A_1066, %add3A_1070, %select_n3A_1064 : vector<512x128xi1>, vector<512x128xi32>
    %slice3A_1072 = vector.extract_strided_slice %select_n3A_1056 {offsets = [0, 384], sizes = [512, 128], strides = [1, 1]} : vector<512x2048xf32> to vector<512x128xf32>
    %gt3A_1073 = arith.cmpf ogt, %slice3A_1072, %max3A_1067 : vector<512x128xf32>
    %max3A_1074 = arith.maximumf %max3A_1067, %slice3A_1072 : vector<512x128xf32>
    %add3A_1075 = arith.constant 384 : i32
    %add3A_1076 = vector.broadcast %add3A_1075 : i32 to vector<512x128xi32>
    %add3A_1077 = arith.addi %iota3A_29, %add3A_1076 : vector<512x128xi32>
    %select_n3A_1078 = arith.select %gt3A_1073, %add3A_1077, %select_n3A_1071 : vector<512x128xi1>, vector<512x128xi32>
    %slice3A_1079 = vector.extract_strided_slice %select_n3A_1056 {offsets = [0, 512], sizes = [512, 128], strides = [1, 1]} : vector<512x2048xf32> to vector<512x128xf32>
    %gt3A_1080 = arith.cmpf ogt, %slice3A_1079, %max3A_1074 : vector<512x128xf32>
    %max3A_1081 = arith.maximumf %max3A_1074, %slice3A_1079 : vector<512x128xf32>
    %add3A_1082 = arith.constant 512 : i32
    %add3A_1083 = vector.broadcast %add3A_1082 : i32 to vector<512x128xi32>
    %add3A_1084 = arith.addi %iota3A_29, %add3A_1083 : vector<512x128xi32>
    %select_n3A_1085 = arith.select %gt3A_1080, %add3A_1084, %select_n3A_1078 : vector<512x128xi1>, vector<512x128xi32>
    %slice3A_1086 = vector.extract_strided_slice %select_n3A_1056 {offsets = [0, 640], sizes = [512, 128], strides = [1, 1]} : vector<512x2048xf32> to vector<512x128xf32>
    %gt3A_1087 = arith.cmpf ogt, %slice3A_1086, %max3A_1081 : vector<512x128xf32>
    %max3A_1088 = arith.maximumf %max3A_1081, %slice3A_1086 : vector<512x128xf32>
    %add3A_1089 = arith.constant 640 : i32
    %add3A_1090 = vector.broadcast %add3A_1089 : i32 to vector<512x128xi32>
    %add3A_1091 = arith.addi %iota3A_29, %add3A_1090 : vector<512x128xi32>
    %select_n3A_1092 = arith.select %gt3A_1087, %add3A_1091, %select_n3A_1085 : vector<512x128xi1>, vector<512x128xi32>
    %slice3A_1093 = vector.extract_strided_slice %select_n3A_1056 {offsets = [0, 768], sizes = [512, 128], strides = [1, 1]} : vector<512x2048xf32> to vector<512x128xf32>
    %gt3A_1094 = arith.cmpf ogt, %slice3A_1093, %max3A_1088 : vector<512x128xf32>
    %max3A_1095 = arith.maximumf %max3A_1088, %slice3A_1093 : vector<512x128xf32>
    %add3A_1096 = arith.constant 768 : i32
    %add3A_1097 = vector.broadcast %add3A_1096 : i32 to vector<512x128xi32>
    %add3A_1098 = arith.addi %iota3A_29, %add3A_1097 : vector<512x128xi32>
    %select_n3A_1099 = arith.select %gt3A_1094, %add3A_1098, %select_n3A_1092 : vector<512x128xi1>, vector<512x128xi32>
    %slice3A_1100 = vector.extract_strided_slice %select_n3A_1056 {offsets = [0, 896], sizes = [512, 128], strides = [1, 1]} : vector<512x2048xf32> to vector<512x128xf32>
    %gt3A_1101 = arith.cmpf ogt, %slice3A_1100, %max3A_1095 : vector<512x128xf32>
    %max3A_1102 = arith.maximumf %max3A_1095, %slice3A_1100 : vector<512x128xf32>
    %add3A_1103 = arith.constant 896 : i32
    %add3A_1104 = vector.broadcast %add3A_1103 : i32 to vector<512x128xi32>
    %add3A_1105 = arith.addi %iota3A_29, %add3A_1104 : vector<512x128xi32>
    %select_n3A_1106 = arith.select %gt3A_1101, %add3A_1105, %select_n3A_1099 : vector<512x128xi1>, vector<512x128xi32>
    %slice3A_1107 = vector.extract_strided_slice %select_n3A_1056 {offsets = [0, 1024], sizes = [512, 128], strides = [1, 1]} : vector<512x2048xf32> to vector<512x128xf32>
    %gt3A_1108 = arith.cmpf ogt, %slice3A_1107, %max3A_1102 : vector<512x128xf32>
    %max3A_1109 = arith.maximumf %max3A_1102, %slice3A_1107 : vector<512x128xf32>
    %add3A_1110 = arith.constant 1024 : i32
    %add3A_1111 = vector.broadcast %add3A_1110 : i32 to vector<512x128xi32>
    %add3A_1112 = arith.addi %iota3A_29, %add3A_1111 : vector<512x128xi32>
    %select_n3A_1113 = arith.select %gt3A_1108, %add3A_1112, %select_n3A_1106 : vector<512x128xi1>, vector<512x128xi32>
    %slice3A_1114 = vector.extract_strided_slice %select_n3A_1056 {offsets = [0, 1152], sizes = [512, 128], strides = [1, 1]} : vector<512x2048xf32> to vector<512x128xf32>
    %gt3A_1115 = arith.cmpf ogt, %slice3A_1114, %max3A_1109 : vector<512x128xf32>
    %max3A_1116 = arith.maximumf %max3A_1109, %slice3A_1114 : vector<512x128xf32>
    %add3A_1117 = arith.constant 1152 : i32
    %add3A_1118 = vector.broadcast %add3A_1117 : i32 to vector<512x128xi32>
    %add3A_1119 = arith.addi %iota3A_29, %add3A_1118 : vector<512x128xi32>
    %select_n3A_1120 = arith.select %gt3A_1115, %add3A_1119, %select_n3A_1113 : vector<512x128xi1>, vector<512x128xi32>
    %slice3A_1121 = vector.extract_strided_slice %select_n3A_1056 {offsets = [0, 1280], sizes = [512, 128], strides = [1, 1]} : vector<512x2048xf32> to vector<512x128xf32>
    %gt3A_1122 = arith.cmpf ogt, %slice3A_1121, %max3A_1116 : vector<512x128xf32>
    %max3A_1123 = arith.maximumf %max3A_1116, %slice3A_1121 : vector<512x128xf32>
    %add3A_1124 = arith.constant 1280 : i32
    %add3A_1125 = vector.broadcast %add3A_1124 : i32 to vector<512x128xi32>
    %add3A_1126 = arith.addi %iota3A_29, %add3A_1125 : vector<512x128xi32>
    %select_n3A_1127 = arith.select %gt3A_1122, %add3A_1126, %select_n3A_1120 : vector<512x128xi1>, vector<512x128xi32>
    %slice3A_1128 = vector.extract_strided_slice %select_n3A_1056 {offsets = [0, 1408], sizes = [512, 128], strides = [1, 1]} : vector<512x2048xf32> to vector<512x128xf32>
    %gt3A_1129 = arith.cmpf ogt, %slice3A_1128, %max3A_1123 : vector<512x128xf32>
    %max3A_1130 = arith.maximumf %max3A_1123, %slice3A_1128 : vector<512x128xf32>
    %add3A_1131 = arith.constant 1408 : i32
    %add3A_1132 = vector.broadcast %add3A_1131 : i32 to vector<512x128xi32>
    %add3A_1133 = arith.addi %iota3A_29, %add3A_1132 : vector<512x128xi32>
    %select_n3A_1134 = arith.select %gt3A_1129, %add3A_1133, %select_n3A_1127 : vector<512x128xi1>, vector<512x128xi32>
    %slice3A_1135 = vector.extract_strided_slice %select_n3A_1056 {offsets = [0, 1536], sizes = [512, 128], strides = [1, 1]} : vector<512x2048xf32> to vector<512x128xf32>
    %gt3A_1136 = arith.cmpf ogt, %slice3A_1135, %max3A_1130 : vector<512x128xf32>
    %max3A_1137 = arith.maximumf %max3A_1130, %slice3A_1135 : vector<512x128xf32>
    %add3A_1138 = arith.constant 1536 : i32
    %add3A_1139 = vector.broadcast %add3A_1138 : i32 to vector<512x128xi32>
    %add3A_1140 = arith.addi %iota3A_29, %add3A_1139 : vector<512x128xi32>
    %select_n3A_1141 = arith.select %gt3A_1136, %add3A_1140, %select_n3A_1134 : vector<512x128xi1>, vector<512x128xi32>
    %slice3A_1142 = vector.extract_strided_slice %select_n3A_1056 {offsets = [0, 1664], sizes = [512, 128], strides = [1, 1]} : vector<512x2048xf32> to vector<512x128xf32>
    %gt3A_1143 = arith.cmpf ogt, %slice3A_1142, %max3A_1137 : vector<512x128xf32>
    %max3A_1144 = arith.maximumf %max3A_1137, %slice3A_1142 : vector<512x128xf32>
    %add3A_1145 = arith.constant 1664 : i32
    %add3A_1146 = vector.broadcast %add3A_1145 : i32 to vector<512x128xi32>
    %add3A_1147 = arith.addi %iota3A_29, %add3A_1146 : vector<512x128xi32>
    %select_n3A_1148 = arith.select %gt3A_1143, %add3A_1147, %select_n3A_1141 : vector<512x128xi1>, vector<512x128xi32>
    %slice3A_1149 = vector.extract_strided_slice %select_n3A_1056 {offsets = [0, 1792], sizes = [512, 128], strides = [1, 1]} : vector<512x2048xf32> to vector<512x128xf32>
    %gt3A_1150 = arith.cmpf ogt, %slice3A_1149, %max3A_1144 : vector<512x128xf32>
    %max3A_1151 = arith.maximumf %max3A_1144, %slice3A_1149 : vector<512x128xf32>
    %add3A_1152 = arith.constant 1792 : i32
    %add3A_1153 = vector.broadcast %add3A_1152 : i32 to vector<512x128xi32>
    %add3A_1154 = arith.addi %iota3A_29, %add3A_1153 : vector<512x128xi32>
    %select_n3A_1155 = arith.select %gt3A_1150, %add3A_1154, %select_n3A_1148 : vector<512x128xi1>, vector<512x128xi32>
    %slice3A_1156 = vector.extract_strided_slice %select_n3A_1056 {offsets = [0, 1920], sizes = [512, 128], strides = [1, 1]} : vector<512x2048xf32> to vector<512x128xf32>
    %gt3A_1157 = arith.cmpf ogt, %slice3A_1156, %max3A_1151 : vector<512x128xf32>
    %max3A_1158 = arith.maximumf %max3A_1151, %slice3A_1156 : vector<512x128xf32>
    %add3A_1159 = arith.constant 1920 : i32
    %add3A_1160 = vector.broadcast %add3A_1159 : i32 to vector<512x128xi32>
    %add3A_1161 = arith.addi %iota3A_29, %add3A_1160 : vector<512x128xi32>
    %select_n3A_1162 = arith.select %gt3A_1157, %add3A_1161, %select_n3A_1155 : vector<512x128xi1>, vector<512x128xi32>
    %reduce_max3A_1163 = arith.constant dense<0xFF800000> : vector<512xf32>
    %reduce_max3A_1164 = vector.multi_reduction <maximumf>, %max3A_1158, %reduce_max3A_1163 [1] : vector<512x128xf32> to vector<512xf32>
    %broadcast_in_dim3A_1165 = vector.shape_cast %reduce_max3A_1164 : vector<512xf32> to vector<512x1xf32>
    %eq3A_1166 = vector.broadcast %broadcast_in_dim3A_1165 : vector<512x1xf32> to vector<512x128xf32>
    %eq3A_1167 = arith.cmpf oeq, %max3A_1158, %eq3A_1166 : vector<512x128xf32>
    %jit3A_1168 = arith.constant 2048 : i32
    %broadcast_in_dim3A_1169 = vector.broadcast %jit3A_1168 : i32 to vector<512x128xi32>
    %select_n3A_1170 = arith.select %eq3A_1167, %select_n3A_1162, %broadcast_in_dim3A_1169 : vector<512x128xi1>, vector<512x128xi32>
    %reduce_min3A_1171 = arith.constant dense<2147483647> : vector<512xi32>
    %reduce_min3A_1172 = vector.multi_reduction <minsi>, %select_n3A_1170, %reduce_min3A_1171 [1] : vector<512x128xi32> to vector<512xi32>
    %broadcast_in_dim3A_1173 = vector.shape_cast %reduce_min3A_1172 : vector<512xi32> to vector<512x1xi32>
    %eq3A_1174 = arith.constant 9 : i32
    %eq3A_1175 = vector.broadcast %eq3A_1174 : i32 to vector<512x128xi32>
    %eq3A_1176 = arith.cmpi eq, %iota3A_29, %eq3A_1175 : vector<512x128xi32>
    %broadcast_in_dim3A_1177 = vector.shape_cast %broadcast_in_dim3A_1173 : vector<512x1xi32> to vector<512x1xi32>
    %broadcast_in_dim3A_1178 = vector.broadcast %broadcast_in_dim3A_1177 : vector<512x1xi32> to vector<512x128xi32>
    %select_n3A_1179 = arith.select %eq3A_1176, %broadcast_in_dim3A_1178, %select_n3A_1051 : vector<512x128xi1>, vector<512x128xi32>
    %slice3A_1180 = vector.extract_strided_slice %select_n3A_1179 {offsets = [0, 0], sizes = [512, 16], strides = [1, 1]} : vector<512x128xi32> to vector<512x16xi32>
    %transpose3A = tpu.transpose %slice3A_1180, [1, 0] : vector<512x16xi32> -> vector<16x512xi32>
    %slice3A_1181 = vector.extract_strided_slice %transpose3A {offsets = [0, 0], sizes = [10, 512], strides = [1, 1]} : vector<16x512xi32> to vector<10x512xi32>
    %mul3A_1182 = arith.constant 2048 : i32
    %mul3A_1183 = arith.muli %arg0, %mul3A_1182 : i32
    %add3A_1184 = vector.broadcast %mul3A_1183 : i32 to vector<10x512xi32>
    %add3A_1185 = arith.addi %slice3A_1181, %add3A_1184 : vector<10x512xi32>
    %swap3A = arith.constant 0 : index
    %swap3A_1186 = arith.constant 0 : index
    %swap3A_1187 = vector.load %arg4[%swap3A, %swap3A_1186] : memref<10x512xi32, #tpu.memory_space<vmem>>, vector<10x512xi32>
    tpu.vector_store %arg4[%swap3A, %swap3A_1186], %add3A_1185 {strides = array<i32>} : memref<10x512xi32, #tpu.memory_space<vmem>>, vector<10x512xi32>,
    return
  }
  func.func @transform_0(%arg0: i32, %arg1: i32) -> (i32, i32, i32) {
    %c0_i32 = arith.constant 0 : i32
    %c0_i32_0 = arith.constant 0 : i32
    return %arg0, %arg1, %c0_i32 : i32, i32, i32
  }
  func.func @transform_1(%arg0: i32, %arg1: i32) -> (i32, i32, i32) {
    %c0_i32 = arith.constant 0 : i32
    %c0_i32_0 = arith.constant 0 : i32
    %c0_i32_1 = arith.constant 0 : i32
    return %arg0, %c0_i32, %c0_i32_0 : i32, i32, i32
  }
  func.func @transform_2(%arg0: i32, %arg1: i32) -> (i32, i32) {
    %mul3A = arith.constant 4 : i32
    %mul3A_0 = arith.muli %arg0, %mul3A : i32
    %add3A = arith.addi %mul3A_0, %arg1 : i32
    %c0_i32 = arith.constant 0 : i32
    %c0_i32_1 = arith.constant 0 : i32
    return %c0_i32, %add3A : i32, i32
  }
}

module attributes {stable_mosaic.version = 14 : i64} {
  func.func @_conv_max_body(%arg0: i32, %arg1: memref<512x128xf32, #tpu.memory_space<vmem>>, %arg2: memref<10x512x128xf32, #tpu.memory_space<vmem>>, %arg3: memref<256x256xf32, #tpu.memory_space<vmem>>, %arg4: memref<512x256xf32, #tpu.memory_space<vmem>>) attributes {dimension_semantics = [#tpu.dimension_semantics<arbitrary>], iteration_bounds = array<i64: 64>, scalar_prefetch = 0 : i64, scratch_operands = 0 : i64, tpu.core_type = #tpu.core_type<tc>, window_params = [{transform_indices = @transform_0, window_bounds = array<i64: 512, 128>}, {transform_indices = @transform_1, window_bounds = array<i64: 10, 512, 128>}, {pipeline_mode = #tpu.pipeline_mode<synchronous>, transform_indices = @transform_2, window_bounds = array<i64: 256, 256>}, {transform_indices = @transform_3, window_bounds = array<i64: 512, 256>}]} {
    %get3A = arith.constant 0 : index
    %get3A_0 = arith.constant 0 : index
    %get3A_1 = vector.load %arg1[%get3A, %get3A_0] : memref<512x128xf32, #tpu.memory_space<vmem>>, vector<512x128xf32>
    %get3A_2 = arith.constant 0 : index
    %get3A_3 = arith.constant 0 : index
    %get3A_4 = vector.load %arg3[%get3A_2, %get3A_3] : memref<256x256xf32, #tpu.memory_space<vmem>>, vector<256x256xf32>
    %get3A_5 = arith.constant 0 : index
    %get3A_6 = arith.constant 0 : index
    %get3A_7 = arith.constant 0 : index
    %get3A_8 = vector.load %arg2[%get3A_5, %get3A_6, %get3A_7] : memref<10x512x128xf32, #tpu.memory_space<vmem>>, vector<1x512x128xf32>
    %get3A_9 = vector.shape_cast %get3A_8 : vector<1x512x128xf32> to vector<512x128xf32>
    %sub3A = arith.subf %get3A_9, %get3A_1 : vector<512x128xf32>
    %concatenate3A = tpu.concatenate %sub3A, %get3A_1 in 1 : vector<512x128xf32>, vector<512x128xf32> -> vector<512x256xf32>
    %dot_general3A = arith.constant dense<0.000000e+00> : vector<512x256xf32>
    %dot_general3A_10 = tpu.matmul %concatenate3A, %get3A_4, %dot_general3A {dimension_numbers = #tpu.dot_dimension_numbers<[1], [1], [0], [0], [0, 0, 1, 0], [], []>, transpose_lhs_hint = false} : vector<512x256xf32>, vector<256x256xf32>, vector<512x256xf32> -> vector<512x256xf32>
    %get3A_11 = arith.constant 1 : index
    %get3A_12 = arith.constant 0 : index
    %get3A_13 = arith.constant 0 : index
    %get3A_14 = vector.load %arg2[%get3A_11, %get3A_12, %get3A_13] : memref<10x512x128xf32, #tpu.memory_space<vmem>>, vector<1x512x128xf32>
    %get3A_15 = vector.shape_cast %get3A_14 : vector<1x512x128xf32> to vector<512x128xf32>
    %sub3A_16 = arith.subf %get3A_15, %get3A_1 : vector<512x128xf32>
    %concatenate3A_17 = tpu.concatenate %sub3A_16, %get3A_1 in 1 : vector<512x128xf32>, vector<512x128xf32> -> vector<512x256xf32>
    %dot_general3A_18 = arith.constant dense<0.000000e+00> : vector<512x256xf32>
    %dot_general3A_19 = tpu.matmul %concatenate3A_17, %get3A_4, %dot_general3A_18 {dimension_numbers = #tpu.dot_dimension_numbers<[1], [1], [0], [0], [0, 0, 1, 0], [], []>, transpose_lhs_hint = false} : vector<512x256xf32>, vector<256x256xf32>, vector<512x256xf32> -> vector<512x256xf32>
    %max3A = arith.maximumf %dot_general3A_10, %dot_general3A_19 : vector<512x256xf32>
    %get3A_20 = arith.constant 2 : index
    %get3A_21 = arith.constant 0 : index
    %get3A_22 = arith.constant 0 : index
    %get3A_23 = vector.load %arg2[%get3A_20, %get3A_21, %get3A_22] : memref<10x512x128xf32, #tpu.memory_space<vmem>>, vector<1x512x128xf32>
    %get3A_24 = vector.shape_cast %get3A_23 : vector<1x512x128xf32> to vector<512x128xf32>
    %sub3A_25 = arith.subf %get3A_24, %get3A_1 : vector<512x128xf32>
    %concatenate3A_26 = tpu.concatenate %sub3A_25, %get3A_1 in 1 : vector<512x128xf32>, vector<512x128xf32> -> vector<512x256xf32>
    %dot_general3A_27 = arith.constant dense<0.000000e+00> : vector<512x256xf32>
    %dot_general3A_28 = tpu.matmul %concatenate3A_26, %get3A_4, %dot_general3A_27 {dimension_numbers = #tpu.dot_dimension_numbers<[1], [1], [0], [0], [0, 0, 1, 0], [], []>, transpose_lhs_hint = false} : vector<512x256xf32>, vector<256x256xf32>, vector<512x256xf32> -> vector<512x256xf32>
    %max3A_29 = arith.maximumf %max3A, %dot_general3A_28 : vector<512x256xf32>
    %get3A_30 = arith.constant 3 : index
    %get3A_31 = arith.constant 0 : index
    %get3A_32 = arith.constant 0 : index
    %get3A_33 = vector.load %arg2[%get3A_30, %get3A_31, %get3A_32] : memref<10x512x128xf32, #tpu.memory_space<vmem>>, vector<1x512x128xf32>
    %get3A_34 = vector.shape_cast %get3A_33 : vector<1x512x128xf32> to vector<512x128xf32>
    %sub3A_35 = arith.subf %get3A_34, %get3A_1 : vector<512x128xf32>
    %concatenate3A_36 = tpu.concatenate %sub3A_35, %get3A_1 in 1 : vector<512x128xf32>, vector<512x128xf32> -> vector<512x256xf32>
    %dot_general3A_37 = arith.constant dense<0.000000e+00> : vector<512x256xf32>
    %dot_general3A_38 = tpu.matmul %concatenate3A_36, %get3A_4, %dot_general3A_37 {dimension_numbers = #tpu.dot_dimension_numbers<[1], [1], [0], [0], [0, 0, 1, 0], [], []>, transpose_lhs_hint = false} : vector<512x256xf32>, vector<256x256xf32>, vector<512x256xf32> -> vector<512x256xf32>
    %max3A_39 = arith.maximumf %max3A_29, %dot_general3A_38 : vector<512x256xf32>
    %get3A_40 = arith.constant 4 : index
    %get3A_41 = arith.constant 0 : index
    %get3A_42 = arith.constant 0 : index
    %get3A_43 = vector.load %arg2[%get3A_40, %get3A_41, %get3A_42] : memref<10x512x128xf32, #tpu.memory_space<vmem>>, vector<1x512x128xf32>
    %get3A_44 = vector.shape_cast %get3A_43 : vector<1x512x128xf32> to vector<512x128xf32>
    %sub3A_45 = arith.subf %get3A_44, %get3A_1 : vector<512x128xf32>
    %concatenate3A_46 = tpu.concatenate %sub3A_45, %get3A_1 in 1 : vector<512x128xf32>, vector<512x128xf32> -> vector<512x256xf32>
    %dot_general3A_47 = arith.constant dense<0.000000e+00> : vector<512x256xf32>
    %dot_general3A_48 = tpu.matmul %concatenate3A_46, %get3A_4, %dot_general3A_47 {dimension_numbers = #tpu.dot_dimension_numbers<[1], [1], [0], [0], [0, 0, 1, 0], [], []>, transpose_lhs_hint = false} : vector<512x256xf32>, vector<256x256xf32>, vector<512x256xf32> -> vector<512x256xf32>
    %max3A_49 = arith.maximumf %max3A_39, %dot_general3A_48 : vector<512x256xf32>
    %get3A_50 = arith.constant 5 : index
    %get3A_51 = arith.constant 0 : index
    %get3A_52 = arith.constant 0 : index
    %get3A_53 = vector.load %arg2[%get3A_50, %get3A_51, %get3A_52] : memref<10x512x128xf32, #tpu.memory_space<vmem>>, vector<1x512x128xf32>
    %get3A_54 = vector.shape_cast %get3A_53 : vector<1x512x128xf32> to vector<512x128xf32>
    %sub3A_55 = arith.subf %get3A_54, %get3A_1 : vector<512x128xf32>
    %concatenate3A_56 = tpu.concatenate %sub3A_55, %get3A_1 in 1 : vector<512x128xf32>, vector<512x128xf32> -> vector<512x256xf32>
    %dot_general3A_57 = arith.constant dense<0.000000e+00> : vector<512x256xf32>
    %dot_general3A_58 = tpu.matmul %concatenate3A_56, %get3A_4, %dot_general3A_57 {dimension_numbers = #tpu.dot_dimension_numbers<[1], [1], [0], [0], [0, 0, 1, 0], [], []>, transpose_lhs_hint = false} : vector<512x256xf32>, vector<256x256xf32>, vector<512x256xf32> -> vector<512x256xf32>
    %max3A_59 = arith.maximumf %max3A_49, %dot_general3A_58 : vector<512x256xf32>
    %get3A_60 = arith.constant 6 : index
    %get3A_61 = arith.constant 0 : index
    %get3A_62 = arith.constant 0 : index
    %get3A_63 = vector.load %arg2[%get3A_60, %get3A_61, %get3A_62] : memref<10x512x128xf32, #tpu.memory_space<vmem>>, vector<1x512x128xf32>
    %get3A_64 = vector.shape_cast %get3A_63 : vector<1x512x128xf32> to vector<512x128xf32>
    %sub3A_65 = arith.subf %get3A_64, %get3A_1 : vector<512x128xf32>
    %concatenate3A_66 = tpu.concatenate %sub3A_65, %get3A_1 in 1 : vector<512x128xf32>, vector<512x128xf32> -> vector<512x256xf32>
    %dot_general3A_67 = arith.constant dense<0.000000e+00> : vector<512x256xf32>
    %dot_general3A_68 = tpu.matmul %concatenate3A_66, %get3A_4, %dot_general3A_67 {dimension_numbers = #tpu.dot_dimension_numbers<[1], [1], [0], [0], [0, 0, 1, 0], [], []>, transpose_lhs_hint = false} : vector<512x256xf32>, vector<256x256xf32>, vector<512x256xf32> -> vector<512x256xf32>
    %max3A_69 = arith.maximumf %max3A_59, %dot_general3A_68 : vector<512x256xf32>
    %get3A_70 = arith.constant 7 : index
    %get3A_71 = arith.constant 0 : index
    %get3A_72 = arith.constant 0 : index
    %get3A_73 = vector.load %arg2[%get3A_70, %get3A_71, %get3A_72] : memref<10x512x128xf32, #tpu.memory_space<vmem>>, vector<1x512x128xf32>
    %get3A_74 = vector.shape_cast %get3A_73 : vector<1x512x128xf32> to vector<512x128xf32>
    %sub3A_75 = arith.subf %get3A_74, %get3A_1 : vector<512x128xf32>
    %concatenate3A_76 = tpu.concatenate %sub3A_75, %get3A_1 in 1 : vector<512x128xf32>, vector<512x128xf32> -> vector<512x256xf32>
    %dot_general3A_77 = arith.constant dense<0.000000e+00> : vector<512x256xf32>
    %dot_general3A_78 = tpu.matmul %concatenate3A_76, %get3A_4, %dot_general3A_77 {dimension_numbers = #tpu.dot_dimension_numbers<[1], [1], [0], [0], [0, 0, 1, 0], [], []>, transpose_lhs_hint = false} : vector<512x256xf32>, vector<256x256xf32>, vector<512x256xf32> -> vector<512x256xf32>
    %max3A_79 = arith.maximumf %max3A_69, %dot_general3A_78 : vector<512x256xf32>
    %get3A_80 = arith.constant 8 : index
    %get3A_81 = arith.constant 0 : index
    %get3A_82 = arith.constant 0 : index
    %get3A_83 = vector.load %arg2[%get3A_80, %get3A_81, %get3A_82] : memref<10x512x128xf32, #tpu.memory_space<vmem>>, vector<1x512x128xf32>
    %get3A_84 = vector.shape_cast %get3A_83 : vector<1x512x128xf32> to vector<512x128xf32>
    %sub3A_85 = arith.subf %get3A_84, %get3A_1 : vector<512x128xf32>
    %concatenate3A_86 = tpu.concatenate %sub3A_85, %get3A_1 in 1 : vector<512x128xf32>, vector<512x128xf32> -> vector<512x256xf32>
    %dot_general3A_87 = arith.constant dense<0.000000e+00> : vector<512x256xf32>
    %dot_general3A_88 = tpu.matmul %concatenate3A_86, %get3A_4, %dot_general3A_87 {dimension_numbers = #tpu.dot_dimension_numbers<[1], [1], [0], [0], [0, 0, 1, 0], [], []>, transpose_lhs_hint = false} : vector<512x256xf32>, vector<256x256xf32>, vector<512x256xf32> -> vector<512x256xf32>
    %max3A_89 = arith.maximumf %max3A_79, %dot_general3A_88 : vector<512x256xf32>
    %get3A_90 = arith.constant 9 : index
    %get3A_91 = arith.constant 0 : index
    %get3A_92 = arith.constant 0 : index
    %get3A_93 = vector.load %arg2[%get3A_90, %get3A_91, %get3A_92] : memref<10x512x128xf32, #tpu.memory_space<vmem>>, vector<1x512x128xf32>
    %get3A_94 = vector.shape_cast %get3A_93 : vector<1x512x128xf32> to vector<512x128xf32>
    %sub3A_95 = arith.subf %get3A_94, %get3A_1 : vector<512x128xf32>
    %concatenate3A_96 = tpu.concatenate %sub3A_95, %get3A_1 in 1 : vector<512x128xf32>, vector<512x128xf32> -> vector<512x256xf32>
    %dot_general3A_97 = arith.constant dense<0.000000e+00> : vector<512x256xf32>
    %dot_general3A_98 = tpu.matmul %concatenate3A_96, %get3A_4, %dot_general3A_97 {dimension_numbers = #tpu.dot_dimension_numbers<[1], [1], [0], [0], [0, 0, 1, 0], [], []>, transpose_lhs_hint = false} : vector<512x256xf32>, vector<256x256xf32>, vector<512x256xf32> -> vector<512x256xf32>
    %max3A_99 = arith.maximumf %max3A_89, %dot_general3A_98 : vector<512x256xf32>
    %mul3A = arith.constant 2.000000e-01 : f32
    %mul3A_100 = vector.broadcast %mul3A : f32 to vector<512x256xf32>
    %mul3A_101 = arith.mulf %mul3A_100, %max3A_99 : vector<512x256xf32>
    %max3A_102 = arith.maximumf %max3A_99, %mul3A_101 : vector<512x256xf32>
    %swap3A = arith.constant 0 : index
    %swap3A_103 = arith.constant 0 : index
    %swap3A_104 = vector.load %arg4[%swap3A, %swap3A_103] : memref<512x256xf32, #tpu.memory_space<vmem>>, vector<512x256xf32>
    tpu.vector_store %arg4[%swap3A, %swap3A_103], %max3A_102 {strides = array<i32>} : memref<512x256xf32, #tpu.memory_space<vmem>>, vector<512x256xf32>,
    return
  }
  func.func @transform_0(%arg0: i32) -> (i32, i32) {
    %c0_i32 = arith.constant 0 : i32
    %c0_i32_0 = arith.constant 0 : i32
    return %arg0, %c0_i32 : i32, i32
  }
  func.func @transform_1(%arg0: i32) -> (i32, i32, i32) {
    %c0_i32 = arith.constant 0 : i32
    %c0_i32_0 = arith.constant 0 : i32
    %c0_i32_1 = arith.constant 0 : i32
    return %c0_i32, %arg0, %c0_i32_0 : i32, i32, i32
  }
  func.func @transform_2(%arg0: i32) -> (i32, i32) {
    %c0_i32 = arith.constant 0 : i32
    %c0_i32_0 = arith.constant 0 : i32
    %c0_i32_1 = arith.constant 0 : i32
    return %c0_i32, %c0_i32_0 : i32, i32
  }
  func.func @transform_3(%arg0: i32) -> (i32, i32) {
    %c0_i32 = arith.constant 0 : i32
    %c0_i32_0 = arith.constant 0 : i32
    return %arg0, %c0_i32 : i32, i32
  }
}

module attributes {stable_mosaic.version = 14 : i64} {
  func.func @_head_body(%arg0: i32, %arg1: memref<2048x64xf32, #tpu.memory_space<vmem>>, %arg2: memref<2048x64xf32, #tpu.memory_space<vmem>>, %arg3: memref<2048x128xf32, #tpu.memory_space<vmem>>, %arg4: memref<2048x256xf32, #tpu.memory_space<vmem>>, %arg5: memref<512x64xf32, #tpu.memory_space<vmem>>, %arg6: memref<512x64xf32, #tpu.memory_space<vmem>>, %arg7: memref<512x128xf32, #tpu.memory_space<vmem>>, %arg8: memref<512x256xf32, #tpu.memory_space<vmem>>, %arg9: memref<512x1024xf32, #tpu.memory_space<vmem>>, %arg10: memref<256x512xf32, #tpu.memory_space<vmem>>, %arg11: memref<1x256xf32, #tpu.memory_space<vmem>>, %arg12: memref<1x1x256xf32, #tpu.memory_space<vmem>>) attributes {dimension_semantics = [#tpu.dimension_semantics<arbitrary>], iteration_bounds = array<i64: 16>, scalar_prefetch = 0 : i64, scratch_operands = 0 : i64, tpu.core_type = #tpu.core_type<tc>, window_params = [{transform_indices = @transform_0, window_bounds = array<i64: 2048, 64>}, {transform_indices = @transform_1, window_bounds = array<i64: 2048, 64>}, {transform_indices = @transform_2, window_bounds = array<i64: 2048, 128>}, {transform_indices = @transform_3, window_bounds = array<i64: 2048, 256>}, {pipeline_mode = #tpu.pipeline_mode<synchronous>, transform_indices = @transform_4, window_bounds = array<i64: 512, 64>}, {pipeline_mode = #tpu.pipeline_mode<synchronous>, transform_indices = @transform_5, window_bounds = array<i64: 512, 64>}, {pipeline_mode = #tpu.pipeline_mode<synchronous>, transform_indices = @transform_6, window_bounds = array<i64: 512, 128>}, {pipeline_mode = #tpu.pipeline_mode<synchronous>, transform_indices = @transform_7, window_bounds = array<i64: 512, 256>}, {pipeline_mode = #tpu.pipeline_mode<synchronous>, transform_indices = @transform_8, window_bounds = array<i64: 512, 1024>}, {pipeline_mode = #tpu.pipeline_mode<synchronous>, transform_indices = @transform_9, window_bounds = array<i64: 256, 512>}, {pipeline_mode = #tpu.pipeline_mode<synchronous>, transform_indices = @transform_10, window_bounds = array<i64: 1, 256>}, {transform_indices = @transform_11, window_bounds = array<i64: 1, 1, 256>}]} {
    %get3A = arith.constant 0 : index
    %get3A_0 = arith.constant 0 : index
    %get3A_1 = vector.load %arg1[%get3A, %get3A_0] : memref<2048x64xf32, #tpu.memory_space<vmem>>, vector<2048x64xf32>
    %get3A_2 = arith.constant 0 : index
    %get3A_3 = arith.constant 0 : index
    %get3A_4 = vector.load %arg5[%get3A_2, %get3A_3] : memref<512x64xf32, #tpu.memory_space<vmem>>, vector<512x64xf32>
    %dot_general3A = arith.constant dense<0.000000e+00> : vector<2048x512xf32>
    %dot_general3A_5 = tpu.matmul %get3A_1, %get3A_4, %dot_general3A {dimension_numbers = #tpu.dot_dimension_numbers<[1], [1], [0], [0], [0, 0, 1, 0], [], []>, transpose_lhs_hint = false} : vector<2048x64xf32>, vector<512x64xf32>, vector<2048x512xf32> -> vector<2048x512xf32>
    %get3A_6 = arith.constant 0 : index
    %get3A_7 = arith.constant 0 : index
    %get3A_8 = vector.load %arg2[%get3A_6, %get3A_7] : memref<2048x64xf32, #tpu.memory_space<vmem>>, vector<2048x64xf32>
    %get3A_9 = arith.constant 0 : index
    %get3A_10 = arith.constant 0 : index
    %get3A_11 = vector.load %arg6[%get3A_9, %get3A_10] : memref<512x64xf32, #tpu.memory_space<vmem>>, vector<512x64xf32>
    %dot_general3A_12 = arith.constant dense<0.000000e+00> : vector<2048x512xf32>
    %dot_general3A_13 = tpu.matmul %get3A_8, %get3A_11, %dot_general3A_12 {dimension_numbers = #tpu.dot_dimension_numbers<[1], [1], [0], [0], [0, 0, 1, 0], [], []>, transpose_lhs_hint = false} : vector<2048x64xf32>, vector<512x64xf32>, vector<2048x512xf32> -> vector<2048x512xf32>
    %add3A = arith.addf %dot_general3A_5, %dot_general3A_13 : vector<2048x512xf32>
    %get3A_14 = arith.constant 0 : index
    %get3A_15 = arith.constant 0 : index
    %get3A_16 = vector.load %arg3[%get3A_14, %get3A_15] : memref<2048x128xf32, #tpu.memory_space<vmem>>, vector<2048x128xf32>
    %get3A_17 = arith.constant 0 : index
    %get3A_18 = arith.constant 0 : index
    %get3A_19 = vector.load %arg7[%get3A_17, %get3A_18] : memref<512x128xf32, #tpu.memory_space<vmem>>, vector<512x128xf32>
    %dot_general3A_20 = arith.constant dense<0.000000e+00> : vector<2048x512xf32>
    %dot_general3A_21 = tpu.matmul %get3A_16, %get3A_19, %dot_general3A_20 {dimension_numbers = #tpu.dot_dimension_numbers<[1], [1], [0], [0], [0, 0, 1, 0], [], []>, transpose_lhs_hint = false} : vector<2048x128xf32>, vector<512x128xf32>, vector<2048x512xf32> -> vector<2048x512xf32>
    %add3A_22 = arith.addf %add3A, %dot_general3A_21 : vector<2048x512xf32>
    %get3A_23 = arith.constant 0 : index
    %get3A_24 = arith.constant 0 : index
    %get3A_25 = vector.load %arg4[%get3A_23, %get3A_24] : memref<2048x256xf32, #tpu.memory_space<vmem>>, vector<2048x256xf32>
    %get3A_26 = arith.constant 0 : index
    %get3A_27 = arith.constant 0 : index
    %get3A_28 = vector.load %arg8[%get3A_26, %get3A_27] : memref<512x256xf32, #tpu.memory_space<vmem>>, vector<512x256xf32>
    %dot_general3A_29 = arith.constant dense<0.000000e+00> : vector<2048x512xf32>
    %dot_general3A_30 = tpu.matmul %get3A_25, %get3A_28, %dot_general3A_29 {dimension_numbers = #tpu.dot_dimension_numbers<[1], [1], [0], [0], [0, 0, 1, 0], [], []>, transpose_lhs_hint = false} : vector<2048x256xf32>, vector<512x256xf32>, vector<2048x512xf32> -> vector<2048x512xf32>
    %add3A_31 = arith.addf %add3A_22, %dot_general3A_30 : vector<2048x512xf32>
    %mul3A = arith.constant 2.000000e-01 : f32
    %mul3A_32 = vector.broadcast %mul3A : f32 to vector<2048x512xf32>
    %mul3A_33 = arith.mulf %mul3A_32, %add3A_31 : vector<2048x512xf32>
    %max3A = arith.maximumf %add3A_31, %mul3A_33 : vector<2048x512xf32>
    %reduce_max3A = arith.constant dense<0xFF800000> : vector<512xf32>
    %reduce_max3A_34 = vector.multi_reduction <maximumf>, %max3A, %reduce_max3A [0] : vector<2048x512xf32> to vector<512xf32>
    %broadcast_in_dim3A = vector.shape_cast %reduce_max3A_34 : vector<512xf32> to vector<1x512xf32>
    %reduce_sum3A = arith.constant dense<0.000000e+00> : vector<512xf32>
    %reduce_sum3A_35 = vector.multi_reduction <add>, %max3A, %reduce_sum3A [0] : vector<2048x512xf32> to vector<512xf32>
    %broadcast_in_dim3A_36 = vector.shape_cast %reduce_sum3A_35 : vector<512xf32> to vector<1x512xf32>
    %mul3A_37 = arith.constant 4.8828125E-4 : f32
    %mul3A_38 = vector.broadcast %mul3A_37 : f32 to vector<1x512xf32>
    %mul3A_39 = arith.mulf %broadcast_in_dim3A_36, %mul3A_38 : vector<1x512xf32>
    %concatenate3A = tpu.concatenate %broadcast_in_dim3A, %mul3A_39 in 1 : vector<1x512xf32>, vector<1x512xf32> -> vector<1x1024xf32>
    %get3A_40 = arith.constant 0 : index
    %get3A_41 = arith.constant 0 : index
    %get3A_42 = vector.load %arg9[%get3A_40, %get3A_41] : memref<512x1024xf32, #tpu.memory_space<vmem>>, vector<512x1024xf32>
    %dot_general3A_43 = arith.constant dense<0.000000e+00> : vector<1x512xf32>
    %dot_general3A_44 = tpu.matmul %concatenate3A, %get3A_42, %dot_general3A_43 {dimension_numbers = #tpu.dot_dimension_numbers<[1], [1], [0], [0], [0, 0, 1, 0], [], []>, transpose_lhs_hint = false} : vector<1x1024xf32>, vector<512x1024xf32>, vector<1x512xf32> -> vector<1x512xf32>
    %mul3A_45 = arith.constant 2.000000e-01 : f32
    %mul3A_46 = vector.broadcast %mul3A_45 : f32 to vector<1x512xf32>
    %mul3A_47 = arith.mulf %mul3A_46, %dot_general3A_44 : vector<1x512xf32>
    %max3A_48 = arith.maximumf %dot_general3A_44, %mul3A_47 : vector<1x512xf32>
    %get3A_49 = arith.constant 0 : index
    %get3A_50 = arith.constant 0 : index
    %get3A_51 = vector.load %arg10[%get3A_49, %get3A_50] : memref<256x512xf32, #tpu.memory_space<vmem>>, vector<256x512xf32>
    %dot_general3A_52 = arith.constant dense<0.000000e+00> : vector<1x256xf32>
    %dot_general3A_53 = tpu.matmul %max3A_48, %get3A_51, %dot_general3A_52 {dimension_numbers = #tpu.dot_dimension_numbers<[1], [1], [0], [0], [0, 0, 1, 0], [], []>, transpose_lhs_hint = false} : vector<1x512xf32>, vector<256x512xf32>, vector<1x256xf32> -> vector<1x256xf32>
    %get3A_54 = arith.constant 0 : index
    %get3A_55 = arith.constant 0 : index
    %get3A_56 = vector.load %arg11[%get3A_54, %get3A_55] : memref<1x256xf32, #tpu.memory_space<vmem>>, vector<1x256xf32>
    %add3A_57 = arith.addf %dot_general3A_53, %get3A_56 : vector<1x256xf32>
    %mul3A_58 = arith.constant 2.000000e-01 : f32
    %mul3A_59 = vector.broadcast %mul3A_58 : f32 to vector<1x256xf32>
    %mul3A_60 = arith.mulf %mul3A_59, %add3A_57 : vector<1x256xf32>
    %max3A_61 = arith.maximumf %add3A_57, %mul3A_60 : vector<1x256xf32>
    %swap3A = arith.constant 0 : index
    %swap3A_62 = arith.constant 0 : index
    %swap3A_63 = arith.constant 0 : index
    %swap3A_64 = vector.load %arg12[%swap3A, %swap3A_62, %swap3A_63] : memref<1x1x256xf32, #tpu.memory_space<vmem>>, vector<1x1x256xf32>
    %swap3A_65 = vector.shape_cast %swap3A_64 : vector<1x1x256xf32> to vector<1x256xf32>
    %swap3A_66 = vector.shape_cast %max3A_61 : vector<1x256xf32> to vector<1x1x256xf32>
    tpu.vector_store %arg12[%swap3A, %swap3A_62, %swap3A_63], %swap3A_66 {strides = array<i32>} : memref<1x1x256xf32, #tpu.memory_space<vmem>>, vector<1x1x256xf32>,
    return
  }
  func.func @transform_0(%arg0: i32) -> (i32, i32) {
    %c0_i32 = arith.constant 0 : i32
    %c0_i32_0 = arith.constant 0 : i32
    return %arg0, %c0_i32 : i32, i32
  }
  func.func @transform_1(%arg0: i32) -> (i32, i32) {
    %c0_i32 = arith.constant 0 : i32
    %c0_i32_0 = arith.constant 0 : i32
    return %arg0, %c0_i32 : i32, i32
  }
  func.func @transform_2(%arg0: i32) -> (i32, i32) {
    %c0_i32 = arith.constant 0 : i32
    %c0_i32_0 = arith.constant 0 : i32
    return %arg0, %c0_i32 : i32, i32
  }
  func.func @transform_3(%arg0: i32) -> (i32, i32) {
    %c0_i32 = arith.constant 0 : i32
    %c0_i32_0 = arith.constant 0 : i32
    return %arg0, %c0_i32 : i32, i32
  }
  func.func @transform_4(%arg0: i32) -> (i32, i32) {
    %c0_i32 = arith.constant 0 : i32
    %c0_i32_0 = arith.constant 0 : i32
    %c0_i32_1 = arith.constant 0 : i32
    return %c0_i32, %c0_i32_0 : i32, i32
  }
  func.func @transform_5(%arg0: i32) -> (i32, i32) {
    %c0_i32 = arith.constant 0 : i32
    %c0_i32_0 = arith.constant 0 : i32
    %c0_i32_1 = arith.constant 0 : i32
    return %c0_i32, %c0_i32_0 : i32, i32
  }
  func.func @transform_6(%arg0: i32) -> (i32, i32) {
    %c0_i32 = arith.constant 0 : i32
    %c0_i32_0 = arith.constant 0 : i32
    %c0_i32_1 = arith.constant 0 : i32
    return %c0_i32, %c0_i32_0 : i32, i32
  }
  func.func @transform_7(%arg0: i32) -> (i32, i32) {
    %c0_i32 = arith.constant 0 : i32
    %c0_i32_0 = arith.constant 0 : i32
    %c0_i32_1 = arith.constant 0 : i32
    return %c0_i32, %c0_i32_0 : i32, i32
  }
  func.func @transform_8(%arg0: i32) -> (i32, i32) {
    %c0_i32 = arith.constant 0 : i32
    %c0_i32_0 = arith.constant 0 : i32
    %c0_i32_1 = arith.constant 0 : i32
    return %c0_i32, %c0_i32_0 : i32, i32
  }
  func.func @transform_9(%arg0: i32) -> (i32, i32) {
    %c0_i32 = arith.constant 0 : i32
    %c0_i32_0 = arith.constant 0 : i32
    %c0_i32_1 = arith.constant 0 : i32
    return %c0_i32, %c0_i32_0 : i32, i32
  }
  func.func @transform_10(%arg0: i32) -> (i32, i32) {
    %c0_i32 = arith.constant 0 : i32
    %c0_i32_0 = arith.constant 0 : i32
    %c0_i32_1 = arith.constant 0 : i32
    return %c0_i32, %c0_i32_0 : i32, i32
  }
  func.func @transform_11(%arg0: i32) -> (i32, i32, i32) {
    %c0_i32 = arith.constant 0 : i32
    %c0_i32_0 = arith.constant 0 : i32
    %c0_i32_1 = arith.constant 0 : i32
    return %arg0, %c0_i32, %c0_i32_0 : i32, i32, i32
  }
}

</mosaic_0001>

<sc_bundles>
// kernel: kernel.15.cloned.1.call-start
scs
__scs_entry_jumppad:
0x0: {  	(pc) =	sbr.rel $0x88, $3  }
0x1: {  	(tag) =	ssettag $0x0;
	lr =	simm.s32 $0x1  }
0x2: {  	[smem:$0x3F98] =	sst lr;
	_ =	strace $0xD0000000  }
0x3: {  	_ = 	snop  }
0x4: {  	_ = 	snop  }
0x5: {  	_ = 	snop  }
0x6: {  	_ = 	snop  }
0x7: {  	_ = 	snop  }
__scs_overlays_trampoline_lowered:
0x8: {  	[smem:$0x3FA7] =	sst s0  }
0x9: {  	[smem:$0x3FA8] =	sst s1  }
0xa: {  	[smem:$0x3FA9] =	sst s2  }
0xb: {  	[smem:$0x3FAA] =	sst s3  }
0xc: {  	[smem:$0x3FAB] =	sst s4  }
0xd: {  	[smem:$0x3FAC] =	sst s5  }
0xe: {  	[smem:$0x3FAD] =	sst s6  }
0xf: {  	[smem:$0x3FAE] =	sst s7  }
0x10: {  	[smem:$0x3FAF] =	sst s8  }
0x11: {  	[smem:$0x3FB0] =	sst s9;
	s0 =	simm.s32 @!p0 $0x0  }
0x12: {  	s1 =	sld [smem:$0x3F96];
	s0 =	simm.s32 @p0 $0x1  }
0x13: {  	[smem:$0x3FB1] =	sst s0;
	s0 =	simm.s32 @!p1 $0x0  }
0x14: {  	s2 =	sld [smem:$0x3F95];
	s0 =	simm.s32 @p1 $0x1  }
0x15: {  	[smem:$0x3FB2] =	sst s0;
	s0 =	simm.s32 @!p2 $0x0  }
0x16: {  	s3 =	sld [smem:$0x3FDB];
	s0 =	simm.s32 @p2 $0x1  }
0x17: {  	s4 =	simm.s32 $0x1BF5;
	[smem:$0x3FB4] =	sst s0  }
0x18: {  	s0 =	sld [smem:$0x3F97];
	_ =	swait.ge [sflag:s4], $0x0  }
0x19: {  	s7 =	sld [smem:$0x3F98]  }
0x1a: {  	s8 =	sadd.s32 $0xFFFFE003, lr  }
0x1b: {  	s9 =	sadd.s32 $0xFFFFFEF7, lr;
	s5 =	simm.s32 $0xFFFFFFFF;
	p2 =	slt.u32 s8, $0xFFFFF086  }
0x1c: {  	p1 =	slt.u32 s9, $0xF7A;
	s5 =	simm.s32 @!p2 $0x0  }
0x1d: {  	s5 =	simm.s32 @p1 $0x1;
	p0 =	seq.s32 s7, s2  }
0x1e: {  	s7 =	smul.u32 @!p0 $0xF7A, s2;
	p2 =	seq.s32 @!p0 s5, $0x0  }
0x1f: {  	s9 =	smul.u32 $0xF7A, s1;
	s8 =	simm.s32 @!p0 $0x1BF5;
	p2 =	por !p2, p0  }
0x20: {  	[sflag:s8] =	ssyncset.s32 @!p0 $0xFFFFF086;
	s6 =	sadd.s32 @!p0 s3, s7;
	s7 =	simm.s32 @!p0 $0x108  }
0x21: {  	s3 =	sadd.s32 s3, s9;
	s6 =	sadd.s32 @!p0 $0x88, s6;
	s7 =	simm.s32 @p2 $0x1082  }
0x22: {  	[simem:s7], [sflag:s8] =	dma.local @!p0 [hbm:s6], $0xF7A  }
0x23: {  	s9 =	sor.u32 $0xD0000000, s2;
	s6 =	simm.s32 $0x108;
	_ =	swait.ge @!p0 [sflag:s8], $0x0  }
0x24: {  	s3 =	sadd.s32 $0x88, s3;
	s6 =	simm.s32 @!p1 $0x1082;
	[sflag:s4] =	ssyncset.s32 $0xFFFFF086  }
0x25: {  	[simem:s6], [sflag:s4] =	dma.local [hbm:s3], $0xF7A  }
0x26: {  	[smem:$0x3F98] =	sst s1;
	(tag) =	ssettag s2;
	_ =	strace s9  }
0x27: {  	s1 =	sld [smem:$0x3FA8]  }
0x28: {  	s2 =	sld [smem:$0x3FA9]  }
0x29: {  	s4 =	sld [smem:$0x3FAB]  }
0x2a: {  	p0 =	seq.s32 s5, $0x0;
	s5 =	sld [smem:$0x3FAC]  }
0x2b: {  	s6 =	sld [smem:$0x3FAD]  }
0x2c: {  	s7 =	sld [smem:$0x3FAE]  }
0x2d: {  	s3 =	simm.s32 $0x108;
	s8 =	sld [smem:$0x3FAF]  }
0x2e: {  	s3 =	simm.s32 @!p0 $0x1082;
	s9 =	sld [smem:$0x3FB0]  }
0x2f: {  	lr =	sadd.s32 s0, s3;
	s0 =	sld [smem:$0x3FA7]  }
0x30: {  	s3 =	sld [smem:$0x3FAA]  }
0x31: {  	[smem:$0x3FB3] =	sst s10  }
0x32: {  	s10 =	sld [smem:$0x3FB1];
	_ =	sdelay $0x3  }
0x33: {  	p0 =	seq.s32 s10, $0x1;
	s10 =	sld [smem:$0x3FB3];
	_ =	sdelay $0x3  }
0x34: {  	[smem:$0x3FB3] =	sst s10  }
0x35: {  	s10 =	sld [smem:$0x3FB2];
	_ =	sdelay $0x3  }
0x36: {  	p1 =	seq.s32 s10, $0x1;
	s10 =	sld [smem:$0x3FB3];
	_ =	sdelay $0x3  }
0x37: {  	[smem:$0x3FB3] =	sst s10  }
0x38: {  	s10 =	sld [smem:$0x3FB4]  }
0x39: {  	_ = 	snop;
	(pc) =	sbr.ind lr, $3  }
0x3a: {  	_ = 	snop  }
0x3b: {  	_ = 	snop  }
0x3c: {  	p2 =	seq.s32 s10, $0x1;
	s10 =	sld [smem:$0x3FB3]  }
0x3d: {  	_ =	shalt  }
0x3e: {  	_ =	shalt  }
0x3f: {  	_ =	shalt  }
0x40: {  	_ =	shalt  }
0x41: {  	_ =	shalt  }
0x42: {  	_ =	shalt  }
0x43: {  	_ =	shalt  }
0x44: {  	_ =	shalt  }
0x45: {  	_ =	shalt  }
0x46: {  	_ =	shalt  }
0x47: {  	_ =	shalt  }
0x48: {  	_ =	shalt  }
0x49: {  	_ =	shalt  }
0x4a: {  	_ =	shalt  }
0x4b: {  	_ =	shalt  }
0x4c: {  	_ =	shalt  }
0x4d: {  	_ =	shalt  }
0x4e: {  	_ =	shalt  }
0x4f: {  	_ =	shalt  }
0x50: {  	_ =	shalt  }
0x51: {  	_ =	shalt  }
0x52: {  	_ =	shalt  }
0x53: {  	_ =	shalt  }
0x54: {  	_ =	shalt  }
0x55: {  	_ =	shalt  }
0x56: {  	_ =	shalt  }
0x57: {  	_ =	shalt  }
0x58: {  	_ =	shalt  }
0x59: {  	_ =	shalt  }
0x5a: {  	_ =	shalt  }
0x5b: {  	_ =	shalt  }
0x5c: {  	_ =	shalt  }
0x5d: {  	_ =	shalt  }
0x5e: {  	_ =	shalt  }
0x5f: {  	_ =	shalt  }
0x60: {  	_ =	shalt  }
0x61: {  	_ =	shalt  }
0x62: {  	_ =	shalt  }
0x63: {  	_ =	shalt  }
0x64: {  	_ =	shalt  }
0x65: {  	_ =	shalt  }
0x66: {  	_ =	shalt  }
0x67: {  	_ =	shalt  }
0x68: {  	_ =	shalt  }
0x69: {  	_ =	shalt  }
0x6a: {  	_ =	shalt  }
0x6b: {  	_ =	shalt  }
0x6c: {  	_ =	shalt  }
0x6d: {  	_ =	shalt  }
0x6e: {  	_ =	shalt  }
0x6f: {  	_ =	shalt  }
0x70: {  	_ =	shalt  }
0x71: {  	_ =	shalt  }
0x72: {  	_ =	shalt  }
0x73: {  	_ =	shalt  }
0x74: {  	_ =	shalt  }
0x75: {  	_ =	shalt  }
0x76: {  	_ =	shalt  }
0x77: {  	_ =	shalt  }
0x78: {  	_ =	shalt  }
0x79: {  	_ =	shalt  }
0x7a: {  	_ =	shalt  }
0x7b: {  	_ =	shalt  }
0x7c: {  	_ =	shalt  }
0x7d: {  	_ =	shalt  }
0x7e: {  	_ =	shalt  }
0x7f: {  	_ =	shalt  }
0x80: {  	_ =	shalt  }
0x81: {  	_ =	shalt  }
0x82: {  	_ =	shalt  }
0x83: {  	_ =	shalt  }
0x84: {  	_ =	shalt  }
0x85: {  	_ =	shalt  }
0x86: {  	_ =	shalt  }
0x87: {  	_ =	shalt  }
.Lfunc_end0:
.L_simem_size_0:
called_computation_lowered:
.L_overlay_start_0:
0x88: {  	s2 =	sld [smem:$0x3FD9]  }
0x89: {  	s3 =	sld [smem:$0x3FFE];
	_ =	sdelay $0x1  }
0x8a: {  	s1 =	srdreg.scid  }
0x8b: {  	s0 =	sand.u32 $0x1, s1  }
0x8c: {  	s16 =	sshll.u32 s0, $0xA;
	s2 =	sadd.s32 s3, s2  }
0x8d: {  	s2 =	sadd.s32 s2, s16  }
0x8e: {  	[smem:$0x3FBF] =	sst s2  }
0x8f: {  	_ = 	snop  }
0x90: {  	(tm) =	ssettm $0x1  }
0x91: {  	s17 =	sld [smem:$0x3FFB];
	_ =	sdelay $0x3  }
0x92: {  	_ =	strace s17  }
0x93: {  	s2 =	sld [smem:$0x3FFC];
	_ =	sdelay $0x3  }
0x94: {  	_ =	strace s2  }
0x95: {  	s2 =	sld [smem:$0x3FFD];
	_ =	sdelay $0x3  }
0x96: {  	_ =	strace s2  }
0x97: {  	_ =	strace $0x8FFFFFFF  }
0x98: {  	s18 =	sld [smem:$0x3FDB];
	_ =	sdelay $0x1  }
0x99: {  	s19 =	simm.s32 $_scs_section_size  }
0x9a: {  	s4 =	simm.s32 $_size__tile_overlayer_lowered;
	s5 =	simm.s32 $_tile_overlayer_lowered  }
0x9b: {  	s22 =	simm.s32 $0x1BFF;
	s21 =	sshll.u32 s5, $0x1;
	s2 =	sadd.s32 s19, s18  }
0x9c: {  	s6 =	simm.s32 $0x0;
	s20 =	sshll.u32 s4, $0x1;
	s4 =	sadd.s32 s21, s2  }
0x9d: {  	[timem:s6], [sflag:s22] =	dma.local [hbm:s4], s20  }
0x9e: {  	_ =	swait.ge [sflag:s22], s20  }
0x9f: {  	s3 =	ssub.s32 $0x0, s20;
	[sflag:s22] =	ssyncset.done $0x0  }
0xa0: {  	[sflag:s22] =	ssyncadd.s32 s3;
	_ =	sdelay $0x1  }
0xa1: {  	s23 =	simm.s32 $0x1B8B  }
0xa2: {  	_ =	swait.ge [sflag:s23], $0x1  }
0xa3: {  	[sflag:s23] =	ssyncset.done $0x0  }
0xa4: {  	s25 =	simm.s32 $0x1B8E;
	s24 =	sld [smem:$0x3FFE];
	[sflag:s23] =	ssyncadd.s32 $0xFFFFFFFF  }
0xa5: {  	s26 =	simm.s32 $execute0_lowered;
	[smem:$0x3FD2] =	sst s25  }
0xa6: {  	s4 =	sshll.u32 s26, $0x1;
	_ =	strace $0x80000046;
	[dreg:$0x1] =	wrdreg $0xFFFFFFFF  }
0xa7: {  	s28 =	simm.s32 $_size_execute0_lowered;
	s2 =	sadd.s32 s2, s4;
	[dreg:$0x0] =	wrdreg $0x0  }
0xa8: {  	s4 =	sshll.u32 s28, $0x1;
	[dreg:$0x2] =	wrdreg s2  }
0xa9: {  	[dreg:$0x3] =	wrdreg s4  }
0xaa: {  	[dreg:$0x4] =	wrdreg $0xC0  }
0xab: {  	_ =	task [dreg:s6], $0x5FFFF  }
0xac: {  	[dreg:$0x1] =	wrdreg $0xFFFFFFFF  }
0xad: {  	[dreg:$0x0] =	wrdreg $0x60  }
0xae: {  	[dreg:$0x2] =	wrdreg s24  }
0xaf: {  	[dreg:$0x3] =	wrdreg $0x9  }
0xb0: {  	_ =	task.clear_ibuf [dreg:s6], $0x4FFFF;
	_ =	strace $0x90000046  }
0xb1: {  	s29 =	simm.s32 $0x9;
	_ =	strace $0x80000048  }
0xb2: {  	_ =	swait.ge [sflag:s29], $0x1  }
0xb3: {  	[sflag:s29] =	ssyncadd.s32 $0xFFFFFFFF  }
0xb4: {  	_ =	strace $0x90000048  }
0xb5: {  	_ =	sfence  }
0xb6: {  	s30 =	sld [smem:$0x0];
	_ =	sdelay $0x2  }
0xb7: {  	s31 =	sshll.u32 s1, $0xD;
	s1 =	sshrl.u32 s1, $0x2  }
0xb8: {  	s3 =	sand.u32 $0x4000, s31;
	s1 =	sadd.s32 s1, s30  }
0xb9: {  	s0 =	sor.u32 s3, s0;
	s1 =	sshll.u32 s1, $0x11  }
0xba: {  	s0 =	sor.u32 s1, s0  }
0xbb: {  	s0 =	sadd.s32 $0x8F2B, s0  }
0xbc: {  	[sflag:s0] =	ssyncadd.remote.s32 $0x1  }
0xbd: {  	_ =	sfence.sel $0xFFFF  }
0xbe: {  	[dreg:$0x0] =	wrdreg $0xFFFFFFFF;
	(pc) =	sbr.abs _section_cstart, $3  }
0xbf: {  	[dreg:$0x1] =	wrdreg $0xFFFFFFFF  }
0xc0: {  	_ =	task.clear_ibuf [dreg:s6], $0x2FFFF;
	_ =	strace $0x9FFFFFFF  }
0xc1: {  	(tm) =	ssettm $0x7FFFFFFF  }
tec
execute0_lowered:
.L_overlay_start_1:
0x0: {  	(tag) =	ssettag $0x1  }
0x1: {  	s1 =	srdreg.scid  }
0x2: {  	s0 =	stileid.u32;
	s5 =	rddreg [dreg:$0x0];
	s2 =	simm.s32 $0x0  }
0x3: {  	s17 =	simm.s32 $0x4800;
	s18 =	simm.s32 $0x1;
	s19 =	simm.s32 $0x3  }
0x4: {  	s20 =	simm.s32 $0x2;
	s21 =	simm.s32 $0x4;
	s13 =	smul.u32 $0x50000, s0  }
0x5: {  	s22 =	simm.s32 $0x0;
	s7 =	sand.u32 $0x1, s1;
	s15 =	smul.u32 $0x5000, s0  }
0x6: {  	s3 =	sshll.u32 s0, $0x1;
	s1 =	rddreg [dreg:$0x1];
	s14 =	smul.u32 $0x28000, s7  }
0x7: {  	[smem:$0x7FF] =	sst s2;
	s6 =	sor.u32 s7, s3;
	s16 =	smul.u32 $0x2800, s7  }
0x8: {  	s4 =	sadd.s32 $0x93200, s5;
	s12 =	sadd.s32 $0x9D200, s5;
	s8 =	smul.u32 $0x2800, s6  }
0x9: {  	_ =	strace $0x80000047;
	s10 =	ssub.s32 $0x2, s7;
	s9 =	smul.u32 $0x28000, s6  }
0xa: {  	s3 =	sadd.s32 $0x83200, s5;
	s11 =	smul.u32 $0x5000, s6;
	s23 =	sshrl.u32 s10, $0x1  }
0xb: {  	s10 =	ssub.s32 s10, s23;
	s28 =	sadd.s32 s14, s13;
	s29 =	sadd.s32 s16, s15  }
0xc: {  	s14 =	simm.s32 $0x5;
	s15 =	simm.s32 $0x400;
	s16 =	simm.s32 $0x800  }
0xd: {  	s24 =	sshrl.u32 s8, $0x3;
	s25 =	sshrl.u32 s9, $0x3;
	s7 =	smax.u32 s10, $0x1  }
0xe: {  	s26 =	sadd.s32 s12, s11;
	s10 =	sshrl.u32 s28, $0x3;
	s30 =	sadd.s32 $0xC00, s29  }
0xf: {  	s31 =	sshll.u32 s29, $0x1;
	s13 =	sadd.s32 $0x800, s29;
	s5 =	sadd.s32 s4, s24  }
0x10: {  	s8 =	sadd.s32 s12, s25;
	s9 =	sadd.s32 $0x4800, s26;
	s10 =	sadd.s32 s10, s12  }
0x11: {  	s11 =	sshrl.u32 s30, $0x3;
	s12 =	sadd.s32 s31, s12;
	s6 =	sadd.s32 $0x80, s5  }
0x12: {  	s8 =	sadd.s32 $0x4000, s8;
	s11 =	sadd.s32 s11, s4;
	s12 =	sadd.s32 $0x800, s12  }
.LBB2_1:
0x13: {  	[tilespmem:s2], [sflag:$0x5] =	stream.linear.gather [hbm4b:s5+s2], $0x400, $0x38;
	[tilespmem:$0x8800] =	vst v63  }
0x14: {  	_ =	swait.ge [sflag:s14], $0x400  }
0x15: {  	[sflag:s14] =	ssyncset.done $0x0  }
0x16: {  	[sflag:s14] =	ssyncadd.s32 $0xFFFFFC00  }
0x17: {  	[tilespmem:s16], [sflag:$0x1] =	stream.indirect.gather [hbm4b:s3+s15], $0x10, s2, s15, $0xb8;
	[tilespmem:$0x8800] =	vst v63  }
0x18: {  	_ = 	snop  }
0x19: {  	[tilespmem:s15], [sflag:$0x5] =	stream.linear.gather [hbm4b:s6+s2], $0x400, $0x38;
	[tilespmem:$0x8800] =	vst v63  }
0x1a: {  	_ =	swait.ge [sflag:s14], $0x400  }
0x1b: {  	[sflag:s14] =	ssyncset.done $0x0  }
0x1c: {  	[sflag:s14] =	ssyncadd.s32 $0xFFFFFC00  }
0x1d: {  	[tilespmem:s17], [sflag:$0x2] =	stream.indirect.gather [hbm4b:s3+s15], $0x10, s15, s15, $0xb8;
	[tilespmem:$0x8800] =	vst v63  }
0x1e: {  	_ =	swait.ge [sflag:s18], $0x4000  }
0x1f: {  	[sflag:s18] =	ssyncset.done $0x0  }
0x20: {  	s23 =	sadd.s32 $0x0, s10;
	s24 =	sshrl.u32 s13, $0x3;
	[sflag:s18] =	ssyncadd.s32 $0xFFFFC000  }
0x21: {  	[hbm4b:s23+s2] =	stream.linear.scatter [tilespmem:s16], [sflag:$0x3], $0x4000, $0x38;
	[tilespmem:$0x8800] =	vst v63  }
0x22: {  	s30 =	sadd.s32 s4, s24  }
0x23: {  	[tilespmem:s2], [sflag:$0x5] =	stream.linear.gather [hbm4b:s30+s2], $0x400, $0x38;
	[tilespmem:$0x8800] =	vst v63  }
0x24: {  	_ =	swait.ge [sflag:s14], $0x400  }
0x25: {  	[sflag:s14] =	ssyncset.done $0x0  }
0x26: {  	[sflag:s14] =	ssyncadd.s32 $0xFFFFFC00  }
0x27: {  	_ =	swait.ge [sflag:s19], $0x4000  }
0x28: {  	[sflag:s19] =	ssyncset.done $0x0  }
0x29: {  	[sflag:s19] =	ssyncadd.s32 $0xFFFFC000  }
0x2a: {  	[tilespmem:s16], [sflag:$0x1] =	stream.indirect.gather [hbm4b:s3+s15], $0x10, s2, s15, $0xb8;
	[tilespmem:$0x8800] =	vst v63  }
0x2b: {  	_ =	swait.ge [sflag:s20], $0x4000  }
0x2c: {  	[sflag:s20] =	ssyncset.done $0x0  }
0x2d: {  	s31 =	sadd.s32 $0x0, s12;
	[sflag:s20] =	ssyncadd.s32 $0xFFFFC000  }
0x2e: {  	[hbm4b:s31+s2] =	stream.linear.scatter [tilespmem:s17], [sflag:$0x4], $0x4000, $0x38;
	[tilespmem:$0x8800] =	vst v63  }
0x2f: {  	_ = 	snop  }
0x30: {  	[tilespmem:s15], [sflag:$0x5] =	stream.linear.gather [hbm4b:s11+s2], $0x400, $0x38;
	[tilespmem:$0x8800] =	vst v63  }
0x31: {  	_ =	swait.ge [sflag:s14], $0x400  }
0x32: {  	[sflag:s14] =	ssyncset.done $0x0  }
0x33: {  	[sflag:s14] =	ssyncadd.s32 $0xFFFFFC00  }
0x34: {  	_ =	swait.ge [sflag:s21], $0x4000  }
0x35: {  	s25 =	sadd.s32 $0x800, s13;
	[sflag:s21] =	ssyncset.done $0x0  }
0x36: {  	s24 =	sadd.s32 $0x100, s11;
	s23 =	simm.s32 $0x1000;
	[sflag:s21] =	ssyncadd.s32 $0xFFFFC000  }
.LBB2_2:
0x37: {  	[tilespmem:s17], [sflag:$0x2] =	stream.indirect.gather [hbm4b:s3+s15], $0x10, s15, s15, $0xb8;
	[tilespmem:$0x8800] =	vst v63  }
0x38: {  	s26 =	smov.u32 s23  }
0x39: {  	p0 =	sne.s32 s23, $0x3000;
	s23 =	sadd.s32 $0x1000, s23;
	_ =	swait.ge [sflag:s18], $0x4000  }
0x3a: {  	[sflag:s18] =	ssyncset.done $0x0  }
0x3b: {  	s29 =	sshrl.u32 s25, $0x3;
	s28 =	sadd.s32 s26, s10;
	[sflag:s18] =	ssyncadd.s32 $0xFFFFC000  }
0x3c: {  	[hbm4b:s28+s2] =	stream.linear.scatter [tilespmem:s16], [sflag:$0x3], $0x4000, $0x38;
	[tilespmem:$0x8800] =	vst v63  }
0x3d: {  	s28 =	sadd.s32 s4, s29  }
0x3e: {  	[tilespmem:s2], [sflag:$0x5] =	stream.linear.gather [hbm4b:s28+s2], $0x400, $0x38;
	[tilespmem:$0x8800] =	vst v63  }
0x3f: {  	_ =	swait.ge [sflag:s14], $0x400  }
0x40: {  	[sflag:s14] =	ssyncset.done $0x0  }
0x41: {  	[sflag:s14] =	ssyncadd.s32 $0xFFFFFC00  }
0x42: {  	_ =	swait.ge [sflag:s19], $0x4000  }
0x43: {  	[sflag:s19] =	ssyncset.done $0x0  }
0x44: {  	[sflag:s19] =	ssyncadd.s32 $0xFFFFC000  }
0x45: {  	[tilespmem:s16], [sflag:$0x1] =	stream.indirect.gather [hbm4b:s3+s15], $0x10, s2, s15, $0xb8;
	[tilespmem:$0x8800] =	vst v63  }
0x46: {  	_ =	swait.ge [sflag:s20], $0x4000  }
0x47: {  	[sflag:s20] =	ssyncset.done $0x0  }
0x48: {  	s26 =	sadd.s32 s26, s12;
	[sflag:s20] =	ssyncadd.s32 $0xFFFFC000  }
0x49: {  	[hbm4b:s26+s2] =	stream.linear.scatter [tilespmem:s17], [sflag:$0x4], $0x4000, $0x38;
	[tilespmem:$0x8800] =	vst v63  }
0x4a: {  	_ = 	snop  }
0x4b: {  	[tilespmem:s15], [sflag:$0x5] =	stream.linear.gather [hbm4b:s24+s2], $0x400, $0x38;
	[tilespmem:$0x8800] =	vst v63  }
0x4c: {  	_ =	swait.ge [sflag:s14], $0x400  }
.Ltmp0:
0x4d: {  	[sflag:s14] =	ssyncset.done $0x0;
	(pc) =	sbr.rel @p0 .LBB2_2-.Ltmp0, $4  }
0x4e: {  	[sflag:s14] =	ssyncadd.s32 $0xFFFFFC00  }
0x4f: {  	_ =	swait.ge [sflag:s21], $0x4000  }
0x50: {  	[sflag:s21] =	ssyncset.done $0x0  }
0x51: {  	s25 =	sadd.s32 $0x800, s25;
	s24 =	sadd.s32 $0x100, s24;
	[sflag:s21] =	ssyncadd.s32 $0xFFFFC000  }
0x52: {  	[tilespmem:s17], [sflag:$0x2] =	stream.indirect.gather [hbm4b:s3+s15], $0x10, s15, s15, $0xb8;
	[tilespmem:$0x8800] =	vst v63  }
0x53: {  	_ =	swait.ge [sflag:s18], $0x4000  }
0x54: {  	[sflag:s18] =	ssyncset.done $0x0  }
0x55: {  	[sflag:s18] =	ssyncadd.s32 $0xFFFFC000  }
0x56: {  	[hbm4b:s8+s2] =	stream.linear.scatter [tilespmem:s16], [sflag:$0x3], $0x4000, $0x38;
	[tilespmem:$0x8800] =	vst v63  }
0x57: {  	_ =	swait.ge [sflag:s20], $0x4000  }
0x58: {  	[sflag:s20] =	ssyncset.done $0x0  }
0x59: {  	s22 =	sadd.s32 $0x1, s22;
	[sflag:s20] =	ssyncadd.s32 $0xFFFFC000  }
0x5a: {  	[hbm4b:s9+s2] =	stream.linear.scatter [tilespmem:s17], [sflag:$0x4], $0x4000, $0x38;
	[tilespmem:$0x8800] =	vst v63  }
0x5b: {  	p0 =	sne.s32 s22, s7;
	_ =	swait.ge [sflag:s19], $0x4000  }
.Ltmp1:
0x5c: {  	[sflag:s19] =	ssyncset.done $0x0;
	(pc) =	sbr.rel @p0 .LBB2_1-.Ltmp1, $4  }
0x5d: {  	[sflag:s19] =	ssyncadd.s32 $0xFFFFC000  }
0x5e: {  	_ =	swait.ge [sflag:s21], $0x4000  }
0x5f: {  	[sflag:s21] =	ssyncset.done $0x0  }
0x60: {  	[sflag:s21] =	ssyncadd.s32 $0xFFFFC000  }
0x61: {  	_ =	sfence.sel $0x180000  }
0x62: {  	[bflag:$0x0] =	sbarrier.arrive $0xFFFF  }
0x63: {  	p0 =	sne.s32 s0, $0x0;
	_ =	strace $0x90000047  }
0x64: {  	s0 =	sadd.s32 @!p0 $0x100000, s1;
	[bflag:$0x2] =	sbarrier.arrive $0xFFFF  }
0x65: {  	[sflag:s0] =	ssyncadd.tile.s32 @!p0 $0x1;
	_ =	shalt  }
.Lfunc_end2:
_tile_overlayer_lowered:
.L_overlay_start_2:
0x66: {  	(tag) =	ssettag $0x2  }
0x67: {  	s0 =	rddreg [dreg:$0x0];
	s2 =	stileid.u32  }
0x68: {  	s1 =	rddreg [dreg:$0x1];
	p0 =	sne.s32 s2, $0x0  }
0x69: {  	s3 =	rddreg [dreg:$0x2];
	[bflag:$0x3] =	sbarrier.arrive $0xFFFF;
	s2 =	simm.s32 @!p0 $0x1C05  }
0x6a: {  	[timem:s3], [sflag:s2] =	dma.local @!p0 [hbm:s0], s1  }
0x6b: {  	s0 =	simm.s32 @!p0 $0x5  }
0x6c: {  	_ =	swait.ge @!p0 [sflag:s0], s1  }
0x6d: {  	s1 =	ssub.s32 @!p0 $0x0, s1;
	[sflag:s0] =	ssyncset.done @!p0 $0x0  }
0x6e: {  	[sflag:s0] =	ssyncadd.s32 @!p0 s1  }
0x6f: {  	[bflag:$0x3] =	sbarrier.arrive $0xFFFF  }
0x70: {  	_ =	shalt  }

// kernel: kernel.18.cloned.1.call-start
scs
__scs_entry_jumppad:
0x0: {  	(pc) =	sbr.rel $0x88, $3  }
0x1: {  	(tag) =	ssettag $0x0;
	lr =	simm.s32 $0x1  }
0x2: {  	[smem:$0x3F98] =	sst lr;
	_ =	strace $0xD0000000  }
0x3: {  	_ = 	snop  }
0x4: {  	_ = 	snop  }
0x5: {  	_ = 	snop  }
0x6: {  	_ = 	snop  }
0x7: {  	_ = 	snop  }
__scs_overlays_trampoline_lowered:
0x8: {  	[smem:$0x3FA7] =	sst s0  }
0x9: {  	[smem:$0x3FA8] =	sst s1  }
0xa: {  	[smem:$0x3FA9] =	sst s2  }
0xb: {  	[smem:$0x3FAA] =	sst s3  }
0xc: {  	[smem:$0x3FAB] =	sst s4  }
0xd: {  	[smem:$0x3FAC] =	sst s5  }
0xe: {  	[smem:$0x3FAD] =	sst s6  }
0xf: {  	[smem:$0x3FAE] =	sst s7  }
0x10: {  	[smem:$0x3FAF] =	sst s8  }
0x11: {  	[smem:$0x3FB0] =	sst s9;
	s0 =	simm.s32 @!p0 $0x0  }
0x12: {  	s1 =	sld [smem:$0x3F96];
	s0 =	simm.s32 @p0 $0x1  }
0x13: {  	[smem:$0x3FB1] =	sst s0;
	s0 =	simm.s32 @!p1 $0x0  }
0x14: {  	s2 =	sld [smem:$0x3F95];
	s0 =	simm.s32 @p1 $0x1  }
0x15: {  	[smem:$0x3FB2] =	sst s0;
	s0 =	simm.s32 @!p2 $0x0  }
0x16: {  	s3 =	sld [smem:$0x3FDB];
	s0 =	simm.s32 @p2 $0x1  }
0x17: {  	s4 =	simm.s32 $0x1BF5;
	[smem:$0x3FB4] =	sst s0  }
0x18: {  	s0 =	sld [smem:$0x3F97];
	_ =	swait.ge [sflag:s4], $0x0  }
0x19: {  	s7 =	sld [smem:$0x3F98]  }
0x1a: {  	s8 =	sadd.s32 $0xFFFFE003, lr  }
0x1b: {  	s9 =	sadd.s32 $0xFFFFFEF7, lr;
	s5 =	simm.s32 $0xFFFFFFFF;
	p2 =	slt.u32 s8, $0xFFFFF086  }
0x1c: {  	p1 =	slt.u32 s9, $0xF7A;
	s5 =	simm.s32 @!p2 $0x0  }
0x1d: {  	s5 =	simm.s32 @p1 $0x1;
	p0 =	seq.s32 s7, s2  }
0x1e: {  	s7 =	smul.u32 @!p0 $0xF7A, s2;
	p2 =	seq.s32 @!p0 s5, $0x0  }
0x1f: {  	s9 =	smul.u32 $0xF7A, s1;
	s8 =	simm.s32 @!p0 $0x1BF5;
	p2 =	por !p2, p0  }
0x20: {  	[sflag:s8] =	ssyncset.s32 @!p0 $0xFFFFF086;
	s6 =	sadd.s32 @!p0 s3, s7;
	s7 =	simm.s32 @!p0 $0x108  }
0x21: {  	s3 =	sadd.s32 s3, s9;
	s6 =	sadd.s32 @!p0 $0x88, s6;
	s7 =	simm.s32 @p2 $0x1082  }
0x22: {  	[simem:s7], [sflag:s8] =	dma.local @!p0 [hbm:s6], $0xF7A  }
0x23: {  	s9 =	sor.u32 $0xD0000000, s2;
	s6 =	simm.s32 $0x108;
	_ =	swait.ge @!p0 [sflag:s8], $0x0  }
0x24: {  	s3 =	sadd.s32 $0x88, s3;
	s6 =	simm.s32 @!p1 $0x1082;
	[sflag:s4] =	ssyncset.s32 $0xFFFFF086  }
0x25: {  	[simem:s6], [sflag:s4] =	dma.local [hbm:s3], $0xF7A  }
0x26: {  	[smem:$0x3F98] =	sst s1;
	(tag) =	ssettag s2;
	_ =	strace s9  }
0x27: {  	s1 =	sld [smem:$0x3FA8]  }
0x28: {  	s2 =	sld [smem:$0x3FA9]  }
0x29: {  	s4 =	sld [smem:$0x3FAB]  }
0x2a: {  	p0 =	seq.s32 s5, $0x0;
	s5 =	sld [smem:$0x3FAC]  }
0x2b: {  	s6 =	sld [smem:$0x3FAD]  }
0x2c: {  	s7 =	sld [smem:$0x3FAE]  }
0x2d: {  	s3 =	simm.s32 $0x108;
	s8 =	sld [smem:$0x3FAF]  }
0x2e: {  	s3 =	simm.s32 @!p0 $0x1082;
	s9 =	sld [smem:$0x3FB0]  }
0x2f: {  	lr =	sadd.s32 s0, s3;
	s0 =	sld [smem:$0x3FA7]  }
0x30: {  	s3 =	sld [smem:$0x3FAA]  }
0x31: {  	[smem:$0x3FB3] =	sst s10  }
0x32: {  	s10 =	sld [smem:$0x3FB1];
	_ =	sdelay $0x3  }
0x33: {  	p0 =	seq.s32 s10, $0x1;
	s10 =	sld [smem:$0x3FB3];
	_ =	sdelay $0x3  }
0x34: {  	[smem:$0x3FB3] =	sst s10  }
0x35: {  	s10 =	sld [smem:$0x3FB2];
	_ =	sdelay $0x3  }
0x36: {  	p1 =	seq.s32 s10, $0x1;
	s10 =	sld [smem:$0x3FB3];
	_ =	sdelay $0x3  }
0x37: {  	[smem:$0x3FB3] =	sst s10  }
0x38: {  	s10 =	sld [smem:$0x3FB4]  }
0x39: {  	_ = 	snop;
	(pc) =	sbr.ind lr, $3  }
0x3a: {  	_ = 	snop  }
0x3b: {  	_ = 	snop  }
0x3c: {  	p2 =	seq.s32 s10, $0x1;
	s10 =	sld [smem:$0x3FB3]  }
0x3d: {  	_ =	shalt  }
0x3e: {  	_ =	shalt  }
0x3f: {  	_ =	shalt  }
0x40: {  	_ =	shalt  }
0x41: {  	_ =	shalt  }
0x42: {  	_ =	shalt  }
0x43: {  	_ =	shalt  }
0x44: {  	_ =	shalt  }
0x45: {  	_ =	shalt  }
0x46: {  	_ =	shalt  }
0x47: {  	_ =	shalt  }
0x48: {  	_ =	shalt  }
0x49: {  	_ =	shalt  }
0x4a: {  	_ =	shalt  }
0x4b: {  	_ =	shalt  }
0x4c: {  	_ =	shalt  }
0x4d: {  	_ =	shalt  }
0x4e: {  	_ =	shalt  }
0x4f: {  	_ =	shalt  }
0x50: {  	_ =	shalt  }
0x51: {  	_ =	shalt  }
0x52: {  	_ =	shalt  }
0x53: {  	_ =	shalt  }
0x54: {  	_ =	shalt  }
0x55: {  	_ =	shalt  }
0x56: {  	_ =	shalt  }
0x57: {  	_ =	shalt  }
0x58: {  	_ =	shalt  }
0x59: {  	_ =	shalt  }
0x5a: {  	_ =	shalt  }
0x5b: {  	_ =	shalt  }
0x5c: {  	_ =	shalt  }
0x5d: {  	_ =	shalt  }
0x5e: {  	_ =	shalt  }
0x5f: {  	_ =	shalt  }
0x60: {  	_ =	shalt  }
0x61: {  	_ =	shalt  }
0x62: {  	_ =	shalt  }
0x63: {  	_ =	shalt  }
0x64: {  	_ =	shalt  }
0x65: {  	_ =	shalt  }
0x66: {  	_ =	shalt  }
0x67: {  	_ =	shalt  }
0x68: {  	_ =	shalt  }
0x69: {  	_ =	shalt  }
0x6a: {  	_ =	shalt  }
0x6b: {  	_ =	shalt  }
0x6c: {  	_ =	shalt  }
0x6d: {  	_ =	shalt  }
0x6e: {  	_ =	shalt  }
0x6f: {  	_ =	shalt  }
0x70: {  	_ =	shalt  }
0x71: {  	_ =	shalt  }
0x72: {  	_ =	shalt  }
0x73: {  	_ =	shalt  }
0x74: {  	_ =	shalt  }
0x75: {  	_ =	shalt  }
0x76: {  	_ =	shalt  }
0x77: {  	_ =	shalt  }
0x78: {  	_ =	shalt  }
0x79: {  	_ =	shalt  }
0x7a: {  	_ =	shalt  }
0x7b: {  	_ =	shalt  }
0x7c: {  	_ =	shalt  }
0x7d: {  	_ =	shalt  }
0x7e: {  	_ =	shalt  }
0x7f: {  	_ =	shalt  }
0x80: {  	_ =	shalt  }
0x81: {  	_ =	shalt  }
0x82: {  	_ =	shalt  }
0x83: {  	_ =	shalt  }
0x84: {  	_ =	shalt  }
0x85: {  	_ =	shalt  }
0x86: {  	_ =	shalt  }
0x87: {  	_ =	shalt  }
.Lfunc_end0:
.L_simem_size_0:
called_computation.1_lowered:
.L_overlay_start_0:
0x88: {  	s2 =	sld [smem:$0x3FD9]  }
0x89: {  	s3 =	sld [smem:$0x3FFE];
	_ =	sdelay $0x1  }
0x8a: {  	s1 =	srdreg.scid  }
0x8b: {  	s0 =	sand.u32 $0x1, s1  }
0x8c: {  	s16 =	sshll.u32 s0, $0xA;
	s2 =	sadd.s32 s3, s2  }
0x8d: {  	s2 =	sadd.s32 s2, s16  }
0x8e: {  	[smem:$0x3FBF] =	sst s2  }
0x8f: {  	_ = 	snop  }
0x90: {  	(tm) =	ssettm $0x1  }
0x91: {  	s17 =	sld [smem:$0x3FFB];
	_ =	sdelay $0x3  }
0x92: {  	_ =	strace s17  }
0x93: {  	s2 =	sld [smem:$0x3FFC];
	_ =	sdelay $0x3  }
0x94: {  	_ =	strace s2  }
0x95: {  	s2 =	sld [smem:$0x3FFD];
	_ =	sdelay $0x3  }
0x96: {  	_ =	strace s2  }
0x97: {  	_ =	strace $0x8FFFFFFF  }
0x98: {  	s18 =	sld [smem:$0x3FDB];
	_ =	sdelay $0x1  }
0x99: {  	s19 =	simm.s32 $_scs_section_size  }
0x9a: {  	s4 =	simm.s32 $_size__tile_overlayer_lowered;
	s5 =	simm.s32 $_tile_overlayer_lowered  }
0x9b: {  	s22 =	simm.s32 $0x1BFF;
	s21 =	sshll.u32 s5, $0x1;
	s2 =	sadd.s32 s19, s18  }
0x9c: {  	s6 =	simm.s32 $0x0;
	s20 =	sshll.u32 s4, $0x1;
	s4 =	sadd.s32 s21, s2  }
0x9d: {  	[timem:s6], [sflag:s22] =	dma.local [hbm:s4], s20  }
0x9e: {  	_ =	swait.ge [sflag:s22], s20  }
0x9f: {  	s3 =	ssub.s32 $0x0, s20;
	[sflag:s22] =	ssyncset.done $0x0  }
0xa0: {  	[sflag:s22] =	ssyncadd.s32 s3;
	_ =	sdelay $0x1  }
0xa1: {  	s23 =	simm.s32 $0x1B8B  }
0xa2: {  	_ =	swait.ge [sflag:s23], $0x1  }
0xa3: {  	[sflag:s23] =	ssyncset.done $0x0  }
0xa4: {  	s25 =	simm.s32 $0x1B8E;
	s24 =	sld [smem:$0x3FFE];
	[sflag:s23] =	ssyncadd.s32 $0xFFFFFFFF  }
0xa5: {  	s26 =	simm.s32 $execute0_lowered;
	[smem:$0x3FD2] =	sst s25  }
0xa6: {  	s4 =	sshll.u32 s26, $0x1;
	_ =	strace $0x80000049;
	[dreg:$0x1] =	wrdreg $0xFFFFFFFF  }
0xa7: {  	s28 =	simm.s32 $_size_execute0_lowered;
	s2 =	sadd.s32 s2, s4;
	[dreg:$0x0] =	wrdreg $0x0  }
0xa8: {  	s4 =	sshll.u32 s28, $0x1;
	[dreg:$0x2] =	wrdreg s2  }
0xa9: {  	[dreg:$0x3] =	wrdreg s4  }
0xaa: {  	[dreg:$0x4] =	wrdreg $0xC0  }
0xab: {  	_ =	task [dreg:s6], $0x5FFFF  }
0xac: {  	[dreg:$0x1] =	wrdreg $0xFFFFFFFF  }
0xad: {  	[dreg:$0x0] =	wrdreg $0x60  }
0xae: {  	[dreg:$0x2] =	wrdreg s24  }
0xaf: {  	[dreg:$0x3] =	wrdreg $0x9  }
0xb0: {  	_ =	task.clear_ibuf [dreg:s6], $0x4FFFF;
	_ =	strace $0x90000049  }
0xb1: {  	s29 =	simm.s32 $0x9;
	_ =	strace $0x8000004B  }
0xb2: {  	_ =	swait.ge [sflag:s29], $0x1  }
0xb3: {  	[sflag:s29] =	ssyncadd.s32 $0xFFFFFFFF  }
0xb4: {  	_ =	strace $0x9000004B  }
0xb5: {  	_ =	sfence  }
0xb6: {  	s30 =	sld [smem:$0x0];
	_ =	sdelay $0x2  }
0xb7: {  	s31 =	sshll.u32 s1, $0xD;
	s1 =	sshrl.u32 s1, $0x2  }
0xb8: {  	s3 =	sand.u32 $0x4000, s31;
	s1 =	sadd.s32 s1, s30  }
0xb9: {  	s0 =	sor.u32 s3, s0;
	s1 =	sshll.u32 s1, $0x11  }
0xba: {  	s0 =	sor.u32 s1, s0  }
0xbb: {  	s0 =	sadd.s32 $0x8F2B, s0  }
0xbc: {  	[sflag:s0] =	ssyncadd.remote.s32 $0x1  }
0xbd: {  	_ =	sfence.sel $0xFFFF  }
0xbe: {  	[dreg:$0x0] =	wrdreg $0xFFFFFFFF;
	(pc) =	sbr.abs _section_cstart, $3  }
0xbf: {  	[dreg:$0x1] =	wrdreg $0xFFFFFFFF  }
0xc0: {  	_ =	task.clear_ibuf [dreg:s6], $0x2FFFF;
	_ =	strace $0x9FFFFFFF  }
0xc1: {  	(tm) =	ssettm $0x7FFFFFFF  }
tec
execute0_lowered:
.L_overlay_start_1:
0x0: {  	(tag) =	ssettag $0x1  }
0x1: {  	s4 =	rddreg [dreg:$0x0]  }
0x2: {  	s0 =	rddreg [dreg:$0x1];
	s3 =	srdreg.scid  }
0x3: {  	s1 =	stileid.u32;
	s2 =	simm.s32 $0x0;
	s16 =	simm.s32 $0x8400  }
0x4: {  	s17 =	simm.s32 $0x1;
	s18 =	simm.s32 $0x3;
	s19 =	simm.s32 $0x2  }
0x5: {  	s20 =	simm.s32 $0x4;
	s21 =	simm.s32 $0x0;
	s13 =	smul.u32 $0x140000, s1  }
0x6: {  	s7 =	sand.u32 $0x1, s3;
	s23 =	sshll.u32 s1, $0x1;
	s14 =	smul.u32 $0x5000, s1  }
0x7: {  	[smem:$0x7FF] =	sst s2;
	s3 =	sadd.s32 $0x3200, s4;
	s28 =	smul.u32 $0xA0000, s7  }
0x8: {  	s12 =	sadd.s32 $0xC3200, s4;
	s5 =	sor.u32 s7, s23;
	s29 =	smul.u32 $0x2800, s7  }
0x9: {  	s10 =	sadd.s32 $0xCD200, s4;
	s9 =	ssub.s32 $0x2, s7;
	s6 =	smul.u32 $0x2800, s5  }
0xa: {  	_ =	strace $0x8000004A;
	s8 =	smul.u32 $0xA0000, s5;
	s25 =	sshrl.u32 s9, $0x1  }
0xb: {  	s11 =	smul.u32 $0x14000, s5;
	s26 =	ssub.s32 s9, s25;
	s9 =	sadd.s32 s28, s13  }
0xc: {  	s31 =	sadd.s32 s29, s14;
	s24 =	sshrl.u32 s6, $0x3;
	s6 =	smax.u32 s26, $0x1  }
0xd: {  	s8 =	sshrl.u32 s8, $0x3;
	s30 =	sadd.s32 s10, s11;
	s9 =	sshrl.u32 s9, $0x3  }
0xe: {  	s13 =	sor.u32 $0x600, s31;
	s14 =	sshll.u32 s31, $0x3;
	s11 =	sor.u32 $0x400, s31  }
0xf: {  	s4 =	sadd.s32 s12, s24;
	s8 =	sadd.s32 s10, s8;
	s9 =	sadd.s32 s9, s10  }
0x10: {  	s13 =	sshrl.u32 s13, $0x3;
	s14 =	sadd.s32 s14, s10;
	s15 =	sshrl.u32 s11, $0x3  }
0x11: {  	s5 =	sadd.s32 $0x40, s4;
	s7 =	sadd.s32 $0x12000, s8;
	s8 =	sadd.s32 $0x13000, s30  }
0x12: {  	s10 =	sadd.s32 s13, s12;
	s11 =	sadd.s32 $0x1000, s14;
	s12 =	sadd.s32 s15, s12  }
0x13: {  	s13 =	simm.s32 $0x5;
	s14 =	simm.s32 $0x200;
	s15 =	simm.s32 $0x400  }
.LBB2_1:
0x14: {  	[tilespmem:s2], [sflag:$0x5] =	stream.linear.gather [hbm4b:s4+s2], $0x200, $0x38;
	[tilespmem:$0x10400] =	vst v63  }
0x15: {  	_ =	swait.ge [sflag:s13], $0x200  }
0x16: {  	[sflag:s13] =	ssyncset.done $0x0  }
0x17: {  	[sflag:s13] =	ssyncadd.s32 $0xFFFFFE00  }
0x18: {  	[tilespmem:s15], [sflag:$0x1] =	stream.indirect.gather [hbm4b:s3+s14], $0x40, s2, s14, $0xb8;
	[tilespmem:$0x10400] =	vst v63  }
0x19: {  	_ = 	snop  }
0x1a: {  	[tilespmem:s14], [sflag:$0x5] =	stream.linear.gather [hbm4b:s5+s2], $0x200, $0x38;
	[tilespmem:$0x10400] =	vst v63  }
0x1b: {  	_ =	swait.ge [sflag:s13], $0x200  }
0x1c: {  	[sflag:s13] =	ssyncset.done $0x0  }
0x1d: {  	[sflag:s13] =	ssyncadd.s32 $0xFFFFFE00  }
0x1e: {  	[tilespmem:s16], [sflag:$0x2] =	stream.indirect.gather [hbm4b:s3+s14], $0x40, s14, s14, $0xb8;
	[tilespmem:$0x10400] =	vst v63  }
0x1f: {  	_ =	swait.ge [sflag:s17], $0x8000  }
0x20: {  	[sflag:s17] =	ssyncset.done $0x0  }
0x21: {  	[sflag:s17] =	ssyncadd.s32 $0xFFFF8000  }
0x22: {  	[hbm4b:s9+s2] =	stream.linear.scatter [tilespmem:s15], [sflag:$0x3], $0x8000, $0x38;
	[tilespmem:$0x10400] =	vst v63  }
0x23: {  	s22 =	sadd.s32 $0x0, s12  }
0x24: {  	[tilespmem:s2], [sflag:$0x5] =	stream.linear.gather [hbm4b:s22+s2], $0x200, $0x38;
	[tilespmem:$0x10400] =	vst v63  }
0x25: {  	_ =	swait.ge [sflag:s13], $0x200  }
0x26: {  	[sflag:s13] =	ssyncset.done $0x0  }
0x27: {  	[sflag:s13] =	ssyncadd.s32 $0xFFFFFE00  }
0x28: {  	_ =	swait.ge [sflag:s18], $0x8000  }
0x29: {  	[sflag:s18] =	ssyncset.done $0x0  }
0x2a: {  	[sflag:s18] =	ssyncadd.s32 $0xFFFF8000  }
0x2b: {  	[tilespmem:s15], [sflag:$0x1] =	stream.indirect.gather [hbm4b:s3+s14], $0x40, s2, s14, $0xb8;
	[tilespmem:$0x10400] =	vst v63  }
0x2c: {  	_ =	swait.ge [sflag:s19], $0x8000  }
0x2d: {  	[sflag:s19] =	ssyncset.done $0x0  }
0x2e: {  	[sflag:s19] =	ssyncadd.s32 $0xFFFF8000  }
0x2f: {  	[hbm4b:s11+s2] =	stream.linear.scatter [tilespmem:s16], [sflag:$0x4], $0x8000, $0x38;
	[tilespmem:$0x10400] =	vst v63  }
0x30: {  	s31 =	sadd.s32 $0x0, s10  }
0x31: {  	[tilespmem:s14], [sflag:$0x5] =	stream.linear.gather [hbm4b:s31+s2], $0x200, $0x38;
	[tilespmem:$0x10400] =	vst v63  }
0x32: {  	_ =	swait.ge [sflag:s13], $0x200  }
0x33: {  	[sflag:s13] =	ssyncset.done $0x0  }
0x34: {  	[sflag:s13] =	ssyncadd.s32 $0xFFFFFE00  }
0x35: {  	_ =	swait.ge [sflag:s20], $0x8000  }
0x36: {  	s23 =	sadd.s32 $0x2000, s9;
	[sflag:s20] =	ssyncset.done $0x0  }
0x37: {  	s24 =	sadd.s32 $0x2000, s11;
	s22 =	simm.s32 $0x80;
	[sflag:s20] =	ssyncadd.s32 $0xFFFF8000  }
.LBB2_2:
0x38: {  	[tilespmem:s16], [sflag:$0x2] =	stream.indirect.gather [hbm4b:s3+s14], $0x40, s14, s14, $0xb8;
	[tilespmem:$0x10400] =	vst v63  }
0x39: {  	s25 =	smov.u32 s22  }
0x3a: {  	p0 =	sne.s32 s22, $0x400;
	s22 =	sadd.s32 $0x80, s22;
	_ =	swait.ge [sflag:s17], $0x8000  }
0x3b: {  	[sflag:s17] =	ssyncset.done $0x0  }
0x3c: {  	[sflag:s17] =	ssyncadd.s32 $0xFFFF8000  }
0x3d: {  	[hbm4b:s23+s2] =	stream.linear.scatter [tilespmem:s15], [sflag:$0x3], $0x8000, $0x38;
	[tilespmem:$0x10400] =	vst v63  }
0x3e: {  	s26 =	sadd.s32 s25, s12  }
0x3f: {  	[tilespmem:s2], [sflag:$0x5] =	stream.linear.gather [hbm4b:s26+s2], $0x200, $0x38;
	[tilespmem:$0x10400] =	vst v63  }
0x40: {  	_ =	swait.ge [sflag:s13], $0x200  }
0x41: {  	[sflag:s13] =	ssyncset.done $0x0  }
0x42: {  	[sflag:s13] =	ssyncadd.s32 $0xFFFFFE00  }
0x43: {  	_ =	swait.ge [sflag:s18], $0x8000  }
0x44: {  	[sflag:s18] =	ssyncset.done $0x0  }
0x45: {  	[sflag:s18] =	ssyncadd.s32 $0xFFFF8000  }
0x46: {  	[tilespmem:s15], [sflag:$0x1] =	stream.indirect.gather [hbm4b:s3+s14], $0x40, s2, s14, $0xb8;
	[tilespmem:$0x10400] =	vst v63  }
0x47: {  	_ =	swait.ge [sflag:s19], $0x8000  }
0x48: {  	[sflag:s19] =	ssyncset.done $0x0  }
0x49: {  	[sflag:s19] =	ssyncadd.s32 $0xFFFF8000  }
0x4a: {  	[hbm4b:s24+s2] =	stream.linear.scatter [tilespmem:s16], [sflag:$0x4], $0x8000, $0x38;
	[tilespmem:$0x10400] =	vst v63  }
0x4b: {  	s25 =	sadd.s32 s25, s10  }
0x4c: {  	[tilespmem:s14], [sflag:$0x5] =	stream.linear.gather [hbm4b:s25+s2], $0x200, $0x38;
	[tilespmem:$0x10400] =	vst v63  }
0x4d: {  	_ =	swait.ge [sflag:s13], $0x200  }
.Ltmp0:
0x4e: {  	[sflag:s13] =	ssyncset.done $0x0;
	(pc) =	sbr.rel @p0 .LBB2_2-.Ltmp0, $4  }
0x4f: {  	[sflag:s13] =	ssyncadd.s32 $0xFFFFFE00  }
0x50: {  	_ =	swait.ge [sflag:s20], $0x8000  }
0x51: {  	[sflag:s20] =	ssyncset.done $0x0  }
0x52: {  	s23 =	sadd.s32 $0x2000, s23;
	s24 =	sadd.s32 $0x2000, s24;
	[sflag:s20] =	ssyncadd.s32 $0xFFFF8000  }
0x53: {  	[tilespmem:s16], [sflag:$0x2] =	stream.indirect.gather [hbm4b:s3+s14], $0x40, s14, s14, $0xb8;
	[tilespmem:$0x10400] =	vst v63  }
0x54: {  	_ =	swait.ge [sflag:s17], $0x8000  }
0x55: {  	[sflag:s17] =	ssyncset.done $0x0  }
0x56: {  	[sflag:s17] =	ssyncadd.s32 $0xFFFF8000  }
0x57: {  	[hbm4b:s7+s2] =	stream.linear.scatter [tilespmem:s15], [sflag:$0x3], $0x8000, $0x38;
	[tilespmem:$0x10400] =	vst v63  }
0x58: {  	_ =	swait.ge [sflag:s19], $0x8000  }
0x59: {  	[sflag:s19] =	ssyncset.done $0x0  }
0x5a: {  	s21 =	sadd.s32 $0x1, s21;
	[sflag:s19] =	ssyncadd.s32 $0xFFFF8000  }
0x5b: {  	[hbm4b:s8+s2] =	stream.linear.scatter [tilespmem:s16], [sflag:$0x4], $0x8000, $0x38;
	[tilespmem:$0x10400] =	vst v63  }
0x5c: {  	p0 =	sne.s32 s21, s6;
	_ =	swait.ge [sflag:s18], $0x8000  }
.Ltmp1:
0x5d: {  	[sflag:s18] =	ssyncset.done $0x0;
	(pc) =	sbr.rel @p0 .LBB2_1-.Ltmp1, $4  }
0x5e: {  	[sflag:s18] =	ssyncadd.s32 $0xFFFF8000  }
0x5f: {  	_ =	swait.ge [sflag:s20], $0x8000  }
0x60: {  	[sflag:s20] =	ssyncset.done $0x0  }
0x61: {  	[sflag:s20] =	ssyncadd.s32 $0xFFFF8000  }
0x62: {  	_ =	sfence.sel $0x180000  }
0x63: {  	[bflag:$0x0] =	sbarrier.arrive $0xFFFF  }
0x64: {  	p0 =	sne.s32 s1, $0x0;
	_ =	strace $0x9000004A  }
0x65: {  	s0 =	sadd.s32 @!p0 $0x100000, s0;
	[bflag:$0x2] =	sbarrier.arrive $0xFFFF  }
0x66: {  	[sflag:s0] =	ssyncadd.tile.s32 @!p0 $0x1;
	_ =	shalt  }
.Lfunc_end2:
_tile_overlayer_lowered:
.L_overlay_start_2:
0x67: {  	(tag) =	ssettag $0x2  }
0x68: {  	s0 =	rddreg [dreg:$0x0];
	s2 =	stileid.u32  }
0x69: {  	s1 =	rddreg [dreg:$0x1];
	p0 =	sne.s32 s2, $0x0  }
0x6a: {  	s3 =	rddreg [dreg:$0x2];
	[bflag:$0x3] =	sbarrier.arrive $0xFFFF;
	s2 =	simm.s32 @!p0 $0x1C05  }
0x6b: {  	[timem:s3], [sflag:s2] =	dma.local @!p0 [hbm:s0], s1  }
0x6c: {  	s0 =	simm.s32 @!p0 $0x5  }
0x6d: {  	_ =	swait.ge @!p0 [sflag:s0], s1  }
0x6e: {  	s1 =	ssub.s32 @!p0 $0x0, s1;
	[sflag:s0] =	ssyncset.done @!p0 $0x0  }
0x6f: {  	[sflag:s0] =	ssyncadd.s32 @!p0 s1  }
0x70: {  	[bflag:$0x3] =	sbarrier.arrive $0xFFFF  }
0x71: {  	_ =	shalt  }

// kernel: kernel.21.cloned.1.call-start
scs
__scs_entry_jumppad:
0x0: {  	(pc) =	sbr.rel $0x88, $3  }
0x1: {  	(tag) =	ssettag $0x0;
	lr =	simm.s32 $0x1  }
0x2: {  	[smem:$0x3F98] =	sst lr;
	_ =	strace $0xD0000000  }
0x3: {  	_ = 	snop  }
0x4: {  	_ = 	snop  }
0x5: {  	_ = 	snop  }
0x6: {  	_ = 	snop  }
0x7: {  	_ = 	snop  }
__scs_overlays_trampoline_lowered:
0x8: {  	[smem:$0x3FA7] =	sst s0  }
0x9: {  	[smem:$0x3FA8] =	sst s1  }
0xa: {  	[smem:$0x3FA9] =	sst s2  }
0xb: {  	[smem:$0x3FAA] =	sst s3  }
0xc: {  	[smem:$0x3FAB] =	sst s4  }
0xd: {  	[smem:$0x3FAC] =	sst s5  }
0xe: {  	[smem:$0x3FAD] =	sst s6  }
0xf: {  	[smem:$0x3FAE] =	sst s7  }
0x10: {  	[smem:$0x3FAF] =	sst s8  }
0x11: {  	[smem:$0x3FB0] =	sst s9;
	s0 =	simm.s32 @!p0 $0x0  }
0x12: {  	s1 =	sld [smem:$0x3F96];
	s0 =	simm.s32 @p0 $0x1  }
0x13: {  	[smem:$0x3FB1] =	sst s0;
	s0 =	simm.s32 @!p1 $0x0  }
0x14: {  	s2 =	sld [smem:$0x3F95];
	s0 =	simm.s32 @p1 $0x1  }
0x15: {  	[smem:$0x3FB2] =	sst s0;
	s0 =	simm.s32 @!p2 $0x0  }
0x16: {  	s3 =	sld [smem:$0x3FDB];
	s0 =	simm.s32 @p2 $0x1  }
0x17: {  	s4 =	simm.s32 $0x1BF5;
	[smem:$0x3FB4] =	sst s0  }
0x18: {  	s0 =	sld [smem:$0x3F97];
	_ =	swait.ge [sflag:s4], $0x0  }
0x19: {  	s7 =	sld [smem:$0x3F98]  }
0x1a: {  	s8 =	sadd.s32 $0xFFFFE003, lr  }
0x1b: {  	s9 =	sadd.s32 $0xFFFFFEF7, lr;
	s5 =	simm.s32 $0xFFFFFFFF;
	p2 =	slt.u32 s8, $0xFFFFF086  }
0x1c: {  	p1 =	slt.u32 s9, $0xF7A;
	s5 =	simm.s32 @!p2 $0x0  }
0x1d: {  	s5 =	simm.s32 @p1 $0x1;
	p0 =	seq.s32 s7, s2  }
0x1e: {  	s7 =	smul.u32 @!p0 $0xF7A, s2;
	p2 =	seq.s32 @!p0 s5, $0x0  }
0x1f: {  	s9 =	smul.u32 $0xF7A, s1;
	s8 =	simm.s32 @!p0 $0x1BF5;
	p2 =	por !p2, p0  }
0x20: {  	[sflag:s8] =	ssyncset.s32 @!p0 $0xFFFFF086;
	s6 =	sadd.s32 @!p0 s3, s7;
	s7 =	simm.s32 @!p0 $0x108  }
0x21: {  	s3 =	sadd.s32 s3, s9;
	s6 =	sadd.s32 @!p0 $0x88, s6;
	s7 =	simm.s32 @p2 $0x1082  }
0x22: {  	[simem:s7], [sflag:s8] =	dma.local @!p0 [hbm:s6], $0xF7A  }
0x23: {  	s9 =	sor.u32 $0xD0000000, s2;
	s6 =	simm.s32 $0x108;
	_ =	swait.ge @!p0 [sflag:s8], $0x0  }
0x24: {  	s3 =	sadd.s32 $0x88, s3;
	s6 =	simm.s32 @!p1 $0x1082;
	[sflag:s4] =	ssyncset.s32 $0xFFFFF086  }
0x25: {  	[simem:s6], [sflag:s4] =	dma.local [hbm:s3], $0xF7A  }
0x26: {  	[smem:$0x3F98] =	sst s1;
	(tag) =	ssettag s2;
	_ =	strace s9  }
0x27: {  	s1 =	sld [smem:$0x3FA8]  }
0x28: {  	s2 =	sld [smem:$0x3FA9]  }
0x29: {  	s4 =	sld [smem:$0x3FAB]  }
0x2a: {  	p0 =	seq.s32 s5, $0x0;
	s5 =	sld [smem:$0x3FAC]  }
0x2b: {  	s6 =	sld [smem:$0x3FAD]  }
0x2c: {  	s7 =	sld [smem:$0x3FAE]  }
0x2d: {  	s3 =	simm.s32 $0x108;
	s8 =	sld [smem:$0x3FAF]  }
0x2e: {  	s3 =	simm.s32 @!p0 $0x1082;
	s9 =	sld [smem:$0x3FB0]  }
0x2f: {  	lr =	sadd.s32 s0, s3;
	s0 =	sld [smem:$0x3FA7]  }
0x30: {  	s3 =	sld [smem:$0x3FAA]  }
0x31: {  	[smem:$0x3FB3] =	sst s10  }
0x32: {  	s10 =	sld [smem:$0x3FB1];
	_ =	sdelay $0x3  }
0x33: {  	p0 =	seq.s32 s10, $0x1;
	s10 =	sld [smem:$0x3FB3];
	_ =	sdelay $0x3  }
0x34: {  	[smem:$0x3FB3] =	sst s10  }
0x35: {  	s10 =	sld [smem:$0x3FB2];
	_ =	sdelay $0x3  }
0x36: {  	p1 =	seq.s32 s10, $0x1;
	s10 =	sld [smem:$0x3FB3];
	_ =	sdelay $0x3  }
0x37: {  	[smem:$0x3FB3] =	sst s10  }
0x38: {  	s10 =	sld [smem:$0x3FB4]  }
0x39: {  	_ = 	snop;
	(pc) =	sbr.ind lr, $3  }
0x3a: {  	_ = 	snop  }
0x3b: {  	_ = 	snop  }
0x3c: {  	p2 =	seq.s32 s10, $0x1;
	s10 =	sld [smem:$0x3FB3]  }
0x3d: {  	_ =	shalt  }
0x3e: {  	_ =	shalt  }
0x3f: {  	_ =	shalt  }
0x40: {  	_ =	shalt  }
0x41: {  	_ =	shalt  }
0x42: {  	_ =	shalt  }
0x43: {  	_ =	shalt  }
0x44: {  	_ =	shalt  }
0x45: {  	_ =	shalt  }
0x46: {  	_ =	shalt  }
0x47: {  	_ =	shalt  }
0x48: {  	_ =	shalt  }
0x49: {  	_ =	shalt  }
0x4a: {  	_ =	shalt  }
0x4b: {  	_ =	shalt  }
0x4c: {  	_ =	shalt  }
0x4d: {  	_ =	shalt  }
0x4e: {  	_ =	shalt  }
0x4f: {  	_ =	shalt  }
0x50: {  	_ =	shalt  }
0x51: {  	_ =	shalt  }
0x52: {  	_ =	shalt  }
0x53: {  	_ =	shalt  }
0x54: {  	_ =	shalt  }
0x55: {  	_ =	shalt  }
0x56: {  	_ =	shalt  }
0x57: {  	_ =	shalt  }
0x58: {  	_ =	shalt  }
0x59: {  	_ =	shalt  }
0x5a: {  	_ =	shalt  }
0x5b: {  	_ =	shalt  }
0x5c: {  	_ =	shalt  }
0x5d: {  	_ =	shalt  }
0x5e: {  	_ =	shalt  }
0x5f: {  	_ =	shalt  }
0x60: {  	_ =	shalt  }
0x61: {  	_ =	shalt  }
0x62: {  	_ =	shalt  }
0x63: {  	_ =	shalt  }
0x64: {  	_ =	shalt  }
0x65: {  	_ =	shalt  }
0x66: {  	_ =	shalt  }
0x67: {  	_ =	shalt  }
0x68: {  	_ =	shalt  }
0x69: {  	_ =	shalt  }
0x6a: {  	_ =	shalt  }
0x6b: {  	_ =	shalt  }
0x6c: {  	_ =	shalt  }
0x6d: {  	_ =	shalt  }
0x6e: {  	_ =	shalt  }
0x6f: {  	_ =	shalt  }
0x70: {  	_ =	shalt  }
0x71: {  	_ =	shalt  }
0x72: {  	_ =	shalt  }
0x73: {  	_ =	shalt  }
0x74: {  	_ =	shalt  }
0x75: {  	_ =	shalt  }
0x76: {  	_ =	shalt  }
0x77: {  	_ =	shalt  }
0x78: {  	_ =	shalt  }
0x79: {  	_ =	shalt  }
0x7a: {  	_ =	shalt  }
0x7b: {  	_ =	shalt  }
0x7c: {  	_ =	shalt  }
0x7d: {  	_ =	shalt  }
0x7e: {  	_ =	shalt  }
0x7f: {  	_ =	shalt  }
0x80: {  	_ =	shalt  }
0x81: {  	_ =	shalt  }
0x82: {  	_ =	shalt  }
0x83: {  	_ =	shalt  }
0x84: {  	_ =	shalt  }
0x85: {  	_ =	shalt  }
0x86: {  	_ =	shalt  }
0x87: {  	_ =	shalt  }
.Lfunc_end0:
.L_simem_size_0:
called_computation.2_lowered:
.L_overlay_start_0:
0x88: {  	s2 =	sld [smem:$0x3FD9]  }
0x89: {  	s3 =	sld [smem:$0x3FFE];
	_ =	sdelay $0x1  }
0x8a: {  	s1 =	srdreg.scid  }
0x8b: {  	s0 =	sand.u32 $0x1, s1  }
0x8c: {  	s16 =	sshll.u32 s0, $0xA;
	s2 =	sadd.s32 s3, s2  }
0x8d: {  	s2 =	sadd.s32 s2, s16  }
0x8e: {  	[smem:$0x3FBF] =	sst s2  }
0x8f: {  	_ = 	snop  }
0x90: {  	(tm) =	ssettm $0x1  }
0x91: {  	s17 =	sld [smem:$0x3FFB];
	_ =	sdelay $0x3  }
0x92: {  	_ =	strace s17  }
0x93: {  	s2 =	sld [smem:$0x3FFC];
	_ =	sdelay $0x3  }
0x94: {  	_ =	strace s2  }
0x95: {  	s2 =	sld [smem:$0x3FFD];
	_ =	sdelay $0x3  }
0x96: {  	_ =	strace s2  }
0x97: {  	_ =	strace $0x8FFFFFFF  }
0x98: {  	s18 =	sld [smem:$0x3FDB];
	_ =	sdelay $0x1  }
0x99: {  	s19 =	simm.s32 $_scs_section_size  }
0x9a: {  	s4 =	simm.s32 $_size__tile_overlayer_lowered;
	s5 =	simm.s32 $_tile_overlayer_lowered  }
0x9b: {  	s22 =	simm.s32 $0x1BFF;
	s21 =	sshll.u32 s5, $0x1;
	s2 =	sadd.s32 s19, s18  }
0x9c: {  	s6 =	simm.s32 $0x0;
	s20 =	sshll.u32 s4, $0x1;
	s4 =	sadd.s32 s21, s2  }
0x9d: {  	[timem:s6], [sflag:s22] =	dma.local [hbm:s4], s20  }
0x9e: {  	_ =	swait.ge [sflag:s22], s20  }
0x9f: {  	s3 =	ssub.s32 $0x0, s20;
	[sflag:s22] =	ssyncset.done $0x0  }
0xa0: {  	[sflag:s22] =	ssyncadd.s32 s3;
	_ =	sdelay $0x1  }
0xa1: {  	s23 =	simm.s32 $0x1B8B  }
0xa2: {  	_ =	swait.ge [sflag:s23], $0x1  }
0xa3: {  	[sflag:s23] =	ssyncset.done $0x0  }
0xa4: {  	s25 =	simm.s32 $0x1B8E;
	s24 =	sld [smem:$0x3FFE];
	[sflag:s23] =	ssyncadd.s32 $0xFFFFFFFF  }
0xa5: {  	s26 =	simm.s32 $execute0_lowered;
	[smem:$0x3FD2] =	sst s25  }
0xa6: {  	s4 =	sshll.u32 s26, $0x1;
	_ =	strace $0x8000004C;
	[dreg:$0x1] =	wrdreg $0xFFFFFFFF  }
0xa7: {  	s28 =	simm.s32 $_size_execute0_lowered;
	s2 =	sadd.s32 s2, s4;
	[dreg:$0x0] =	wrdreg $0x0  }
0xa8: {  	s4 =	sshll.u32 s28, $0x1;
	[dreg:$0x2] =	wrdreg s2  }
0xa9: {  	[dreg:$0x3] =	wrdreg s4  }
0xaa: {  	[dreg:$0x4] =	wrdreg $0xC0  }
0xab: {  	_ =	task [dreg:s6], $0x5FFFF  }
0xac: {  	[dreg:$0x1] =	wrdreg $0xFFFFFFFF  }
0xad: {  	[dreg:$0x0] =	wrdreg $0x60  }
0xae: {  	[dreg:$0x2] =	wrdreg s24  }
0xaf: {  	[dreg:$0x3] =	wrdreg $0x9  }
0xb0: {  	_ =	task.clear_ibuf [dreg:s6], $0x4FFFF;
	_ =	strace $0x9000004C  }
0xb1: {  	s29 =	simm.s32 $0x9;
	_ =	strace $0x8000004E  }
0xb2: {  	_ =	swait.ge [sflag:s29], $0x1  }
0xb3: {  	[sflag:s29] =	ssyncadd.s32 $0xFFFFFFFF  }
0xb4: {  	_ =	strace $0x9000004E  }
0xb5: {  	_ =	sfence  }
0xb6: {  	s30 =	sld [smem:$0x0];
	_ =	sdelay $0x2  }
0xb7: {  	s31 =	sshll.u32 s1, $0xD;
	s1 =	sshrl.u32 s1, $0x2  }
0xb8: {  	s3 =	sand.u32 $0x4000, s31;
	s1 =	sadd.s32 s1, s30  }
0xb9: {  	s0 =	sor.u32 s3, s0;
	s1 =	sshll.u32 s1, $0x11  }
0xba: {  	s0 =	sor.u32 s1, s0  }
0xbb: {  	s0 =	sadd.s32 $0x8F2B, s0  }
0xbc: {  	[sflag:s0] =	ssyncadd.remote.s32 $0x1  }
0xbd: {  	_ =	sfence.sel $0xFFFF  }
0xbe: {  	[dreg:$0x0] =	wrdreg $0xFFFFFFFF;
	(pc) =	sbr.abs _section_cstart, $3  }
0xbf: {  	[dreg:$0x1] =	wrdreg $0xFFFFFFFF  }
0xc0: {  	_ =	task.clear_ibuf [dreg:s6], $0x2FFFF;
	_ =	strace $0x9FFFFFFF  }
0xc1: {  	(tm) =	ssettm $0x7FFFFFFF  }
tec
execute0_lowered:
.L_overlay_start_1:
0x0: {  	(tag) =	ssettag $0x1  }
0x1: {  	s4 =	rddreg [dreg:$0x0]  }
0x2: {  	s0 =	rddreg [dreg:$0x1];
	s2 =	simm.s32 $0x0  }
0x3: {  	s3 =	srdreg.scid;
	s1 =	stileid.u32;
	s16 =	simm.s32 $0x8400  }
0x4: {  	s17 =	simm.s32 $0x1;
	s18 =	simm.s32 $0x3;
	s19 =	simm.s32 $0x2  }
0x5: {  	s20 =	simm.s32 $0x4;
	s21 =	simm.s32 $0x0;
	s13 =	smul.u32 $0x140000, s1  }
0x6: {  	[smem:$0x7FF] =	sst s2;
	s7 =	sand.u32 $0x1, s3;
	s14 =	smul.u32 $0x5000, s1  }
0x7: {  	s23 =	sshll.u32 s1, $0x1;
	s12 =	sadd.s32 $0x143200, s4;
	s28 =	smul.u32 $0xA0000, s7  }
0x8: {  	s3 =	sadd.s32 $0x3200, s4;
	s5 =	sor.u32 s7, s23;
	s29 =	smul.u32 $0x2800, s7  }
0x9: {  	s10 =	sadd.s32 $0x14D200, s4;
	s9 =	ssub.s32 $0x2, s7;
	s6 =	smul.u32 $0x2800, s5  }
0xa: {  	_ =	strace $0x8000004D;
	s8 =	smul.u32 $0xA0000, s5;
	s25 =	sshrl.u32 s9, $0x1  }
0xb: {  	s11 =	smul.u32 $0x14000, s5;
	s26 =	ssub.s32 s9, s25;
	s9 =	sadd.s32 s28, s13  }
0xc: {  	s31 =	sadd.s32 s29, s14;
	s24 =	sshrl.u32 s6, $0x3;
	s6 =	smax.u32 s26, $0x1  }
0xd: {  	s8 =	sshrl.u32 s8, $0x3;
	s30 =	sadd.s32 s10, s11;
	s9 =	sshrl.u32 s9, $0x3  }
0xe: {  	s13 =	sor.u32 $0x600, s31;
	s14 =	sshll.u32 s31, $0x3;
	s11 =	sor.u32 $0x400, s31  }
0xf: {  	s4 =	sadd.s32 s12, s24;
	s8 =	sadd.s32 s10, s8;
	s9 =	sadd.s32 s9, s10  }
0x10: {  	s13 =	sshrl.u32 s13, $0x3;
	s14 =	sadd.s32 s14, s10;
	s15 =	sshrl.u32 s11, $0x3  }
0x11: {  	s5 =	sadd.s32 $0x40, s4;
	s7 =	sadd.s32 $0x12000, s8;
	s8 =	sadd.s32 $0x13000, s30  }
0x12: {  	s10 =	sadd.s32 s13, s12;
	s11 =	sadd.s32 $0x1000, s14;
	s12 =	sadd.s32 s15, s12  }
0x13: {  	s13 =	simm.s32 $0x5;
	s14 =	simm.s32 $0x200;
	s15 =	simm.s32 $0x400  }
.LBB2_1:
0x14: {  	[tilespmem:s2], [sflag:$0x5] =	stream.linear.gather [hbm4b:s4+s2], $0x200, $0x38;
	[tilespmem:$0x10400] =	vst v63  }
0x15: {  	_ =	swait.ge [sflag:s13], $0x200  }
0x16: {  	[sflag:s13] =	ssyncset.done $0x0  }
0x17: {  	[sflag:s13] =	ssyncadd.s32 $0xFFFFFE00  }
0x18: {  	[tilespmem:s15], [sflag:$0x1] =	stream.indirect.gather [hbm4b:s3+s14], $0x40, s2, s14, $0xb8;
	[tilespmem:$0x10400] =	vst v63  }
0x19: {  	_ = 	snop  }
0x1a: {  	[tilespmem:s14], [sflag:$0x5] =	stream.linear.gather [hbm4b:s5+s2], $0x200, $0x38;
	[tilespmem:$0x10400] =	vst v63  }
0x1b: {  	_ =	swait.ge [sflag:s13], $0x200  }
0x1c: {  	[sflag:s13] =	ssyncset.done $0x0  }
0x1d: {  	[sflag:s13] =	ssyncadd.s32 $0xFFFFFE00  }
0x1e: {  	[tilespmem:s16], [sflag:$0x2] =	stream.indirect.gather [hbm4b:s3+s14], $0x40, s14, s14, $0xb8;
	[tilespmem:$0x10400] =	vst v63  }
0x1f: {  	_ =	swait.ge [sflag:s17], $0x8000  }
0x20: {  	[sflag:s17] =	ssyncset.done $0x0  }
0x21: {  	[sflag:s17] =	ssyncadd.s32 $0xFFFF8000  }
0x22: {  	[hbm4b:s9+s2] =	stream.linear.scatter [tilespmem:s15], [sflag:$0x3], $0x8000, $0x38;
	[tilespmem:$0x10400] =	vst v63  }
0x23: {  	s22 =	sadd.s32 $0x0, s12  }
0x24: {  	[tilespmem:s2], [sflag:$0x5] =	stream.linear.gather [hbm4b:s22+s2], $0x200, $0x38;
	[tilespmem:$0x10400] =	vst v63  }
0x25: {  	_ =	swait.ge [sflag:s13], $0x200  }
0x26: {  	[sflag:s13] =	ssyncset.done $0x0  }
0x27: {  	[sflag:s13] =	ssyncadd.s32 $0xFFFFFE00  }
0x28: {  	_ =	swait.ge [sflag:s18], $0x8000  }
0x29: {  	[sflag:s18] =	ssyncset.done $0x0  }
0x2a: {  	[sflag:s18] =	ssyncadd.s32 $0xFFFF8000  }
0x2b: {  	[tilespmem:s15], [sflag:$0x1] =	stream.indirect.gather [hbm4b:s3+s14], $0x40, s2, s14, $0xb8;
	[tilespmem:$0x10400] =	vst v63  }
0x2c: {  	_ =	swait.ge [sflag:s19], $0x8000  }
0x2d: {  	[sflag:s19] =	ssyncset.done $0x0  }
0x2e: {  	[sflag:s19] =	ssyncadd.s32 $0xFFFF8000  }
0x2f: {  	[hbm4b:s11+s2] =	stream.linear.scatter [tilespmem:s16], [sflag:$0x4], $0x8000, $0x38;
	[tilespmem:$0x10400] =	vst v63  }
0x30: {  	s31 =	sadd.s32 $0x0, s10  }
0x31: {  	[tilespmem:s14], [sflag:$0x5] =	stream.linear.gather [hbm4b:s31+s2], $0x200, $0x38;
	[tilespmem:$0x10400] =	vst v63  }
0x32: {  	_ =	swait.ge [sflag:s13], $0x200  }
0x33: {  	[sflag:s13] =	ssyncset.done $0x0  }
0x34: {  	[sflag:s13] =	ssyncadd.s32 $0xFFFFFE00  }
0x35: {  	_ =	swait.ge [sflag:s20], $0x8000  }
0x36: {  	s23 =	sadd.s32 $0x2000, s9;
	[sflag:s20] =	ssyncset.done $0x0  }
0x37: {  	s24 =	sadd.s32 $0x2000, s11;
	s22 =	simm.s32 $0x80;
	[sflag:s20] =	ssyncadd.s32 $0xFFFF8000  }
.LBB2_2:
0x38: {  	[tilespmem:s16], [sflag:$0x2] =	stream.indirect.gather [hbm4b:s3+s14], $0x40, s14, s14, $0xb8;
	[tilespmem:$0x10400] =	vst v63  }
0x39: {  	s25 =	smov.u32 s22  }
0x3a: {  	p0 =	sne.s32 s22, $0x400;
	s22 =	sadd.s32 $0x80, s22;
	_ =	swait.ge [sflag:s17], $0x8000  }
0x3b: {  	[sflag:s17] =	ssyncset.done $0x0  }
0x3c: {  	[sflag:s17] =	ssyncadd.s32 $0xFFFF8000  }
0x3d: {  	[hbm4b:s23+s2] =	stream.linear.scatter [tilespmem:s15], [sflag:$0x3], $0x8000, $0x38;
	[tilespmem:$0x10400] =	vst v63  }
0x3e: {  	s26 =	sadd.s32 s25, s12  }
0x3f: {  	[tilespmem:s2], [sflag:$0x5] =	stream.linear.gather [hbm4b:s26+s2], $0x200, $0x38;
	[tilespmem:$0x10400] =	vst v63  }
0x40: {  	_ =	swait.ge [sflag:s13], $0x200  }
0x41: {  	[sflag:s13] =	ssyncset.done $0x0  }
0x42: {  	[sflag:s13] =	ssyncadd.s32 $0xFFFFFE00  }
0x43: {  	_ =	swait.ge [sflag:s18], $0x8000  }
0x44: {  	[sflag:s18] =	ssyncset.done $0x0  }
0x45: {  	[sflag:s18] =	ssyncadd.s32 $0xFFFF8000  }
0x46: {  	[tilespmem:s15], [sflag:$0x1] =	stream.indirect.gather [hbm4b:s3+s14], $0x40, s2, s14, $0xb8;
	[tilespmem:$0x10400] =	vst v63  }
0x47: {  	_ =	swait.ge [sflag:s19], $0x8000  }
0x48: {  	[sflag:s19] =	ssyncset.done $0x0  }
0x49: {  	[sflag:s19] =	ssyncadd.s32 $0xFFFF8000  }
0x4a: {  	[hbm4b:s24+s2] =	stream.linear.scatter [tilespmem:s16], [sflag:$0x4], $0x8000, $0x38;
	[tilespmem:$0x10400] =	vst v63  }
0x4b: {  	s25 =	sadd.s32 s25, s10  }
0x4c: {  	[tilespmem:s14], [sflag:$0x5] =	stream.linear.gather [hbm4b:s25+s2], $0x200, $0x38;
	[tilespmem:$0x10400] =	vst v63  }
0x4d: {  	_ =	swait.ge [sflag:s13], $0x200  }
.Ltmp0:
0x4e: {  	[sflag:s13] =	ssyncset.done $0x0;
	(pc) =	sbr.rel @p0 .LBB2_2-.Ltmp0, $4  }
0x4f: {  	[sflag:s13] =	ssyncadd.s32 $0xFFFFFE00  }
0x50: {  	_ =	swait.ge [sflag:s20], $0x8000  }
0x51: {  	[sflag:s20] =	ssyncset.done $0x0  }
0x52: {  	s23 =	sadd.s32 $0x2000, s23;
	s24 =	sadd.s32 $0x2000, s24;
	[sflag:s20] =	ssyncadd.s32 $0xFFFF8000  }
0x53: {  	[tilespmem:s16], [sflag:$0x2] =	stream.indirect.gather [hbm4b:s3+s14], $0x40, s14, s14, $0xb8;
	[tilespmem:$0x10400] =	vst v63  }
0x54: {  	_ =	swait.ge [sflag:s17], $0x8000  }
0x55: {  	[sflag:s17] =	ssyncset.done $0x0  }
0x56: {  	[sflag:s17] =	ssyncadd.s32 $0xFFFF8000  }
0x57: {  	[hbm4b:s7+s2] =	stream.linear.scatter [tilespmem:s15], [sflag:$0x3], $0x8000, $0x38;
	[tilespmem:$0x10400] =	vst v63  }
0x58: {  	_ =	swait.ge [sflag:s19], $0x8000  }
0x59: {  	[sflag:s19] =	ssyncset.done $0x0  }
0x5a: {  	s21 =	sadd.s32 $0x1, s21;
	[sflag:s19] =	ssyncadd.s32 $0xFFFF8000  }
0x5b: {  	[hbm4b:s8+s2] =	stream.linear.scatter [tilespmem:s16], [sflag:$0x4], $0x8000, $0x38;
	[tilespmem:$0x10400] =	vst v63  }
0x5c: {  	p0 =	sne.s32 s21, s6;
	_ =	swait.ge [sflag:s18], $0x8000  }
.Ltmp1:
0x5d: {  	[sflag:s18] =	ssyncset.done $0x0;
	(pc) =	sbr.rel @p0 .LBB2_1-.Ltmp1, $4  }
0x5e: {  	[sflag:s18] =	ssyncadd.s32 $0xFFFF8000  }
0x5f: {  	_ =	swait.ge [sflag:s20], $0x8000  }
0x60: {  	[sflag:s20] =	ssyncset.done $0x0  }
0x61: {  	[sflag:s20] =	ssyncadd.s32 $0xFFFF8000  }
0x62: {  	_ =	sfence.sel $0x180000  }
0x63: {  	[bflag:$0x0] =	sbarrier.arrive $0xFFFF  }
0x64: {  	p0 =	sne.s32 s1, $0x0;
	_ =	strace $0x9000004D  }
0x65: {  	s0 =	sadd.s32 @!p0 $0x100000, s0;
	[bflag:$0x2] =	sbarrier.arrive $0xFFFF  }
0x66: {  	[sflag:s0] =	ssyncadd.tile.s32 @!p0 $0x1;
	_ =	shalt  }
.Lfunc_end2:
_tile_overlayer_lowered:
.L_overlay_start_2:
0x67: {  	(tag) =	ssettag $0x2  }
0x68: {  	s0 =	rddreg [dreg:$0x0];
	s2 =	stileid.u32  }
0x69: {  	s1 =	rddreg [dreg:$0x1];
	p0 =	sne.s32 s2, $0x0  }
0x6a: {  	s3 =	rddreg [dreg:$0x2];
	[bflag:$0x3] =	sbarrier.arrive $0xFFFF;
	s2 =	simm.s32 @!p0 $0x1C05  }
0x6b: {  	[timem:s3], [sflag:s2] =	dma.local @!p0 [hbm:s0], s1  }
0x6c: {  	s0 =	simm.s32 @!p0 $0x5  }
0x6d: {  	_ =	swait.ge @!p0 [sflag:s0], s1  }
0x6e: {  	s1 =	ssub.s32 @!p0 $0x0, s1;
	[sflag:s0] =	ssyncset.done @!p0 $0x0  }
0x6f: {  	[sflag:s0] =	ssyncadd.s32 @!p0 s1  }
0x70: {  	[bflag:$0x3] =	sbarrier.arrive $0xFFFF  }
0x71: {  	_ =	shalt  }

// kernel: kernel.24.cloned.1.call-start
scs
__scs_entry_jumppad:
0x0: {  	(pc) =	sbr.rel $0x88, $3  }
0x1: {  	(tag) =	ssettag $0x0;
	lr =	simm.s32 $0x1  }
0x2: {  	[smem:$0x3F98] =	sst lr;
	_ =	strace $0xD0000000  }
0x3: {  	_ = 	snop  }
0x4: {  	_ = 	snop  }
0x5: {  	_ = 	snop  }
0x6: {  	_ = 	snop  }
0x7: {  	_ = 	snop  }
__scs_overlays_trampoline_lowered:
0x8: {  	[smem:$0x3FA7] =	sst s0  }
0x9: {  	[smem:$0x3FA8] =	sst s1  }
0xa: {  	[smem:$0x3FA9] =	sst s2  }
0xb: {  	[smem:$0x3FAA] =	sst s3  }
0xc: {  	[smem:$0x3FAB] =	sst s4  }
0xd: {  	[smem:$0x3FAC] =	sst s5  }
0xe: {  	[smem:$0x3FAD] =	sst s6  }
0xf: {  	[smem:$0x3FAE] =	sst s7  }
0x10: {  	[smem:$0x3FAF] =	sst s8  }
0x11: {  	[smem:$0x3FB0] =	sst s9;
	s0 =	simm.s32 @!p0 $0x0  }
0x12: {  	s1 =	sld [smem:$0x3F96];
	s0 =	simm.s32 @p0 $0x1  }
0x13: {  	[smem:$0x3FB1] =	sst s0;
	s0 =	simm.s32 @!p1 $0x0  }
0x14: {  	s2 =	sld [smem:$0x3F95];
	s0 =	simm.s32 @p1 $0x1  }
0x15: {  	[smem:$0x3FB2] =	sst s0;
	s0 =	simm.s32 @!p2 $0x0  }
0x16: {  	s3 =	sld [smem:$0x3FDB];
	s0 =	simm.s32 @p2 $0x1  }
0x17: {  	s4 =	simm.s32 $0x1BF5;
	[smem:$0x3FB4] =	sst s0  }
0x18: {  	s0 =	sld [smem:$0x3F97];
	_ =	swait.ge [sflag:s4], $0x0  }
0x19: {  	s7 =	sld [smem:$0x3F98]  }
0x1a: {  	s8 =	sadd.s32 $0xFFFFE003, lr  }
0x1b: {  	s9 =	sadd.s32 $0xFFFFFEF7, lr;
	s5 =	simm.s32 $0xFFFFFFFF;
	p2 =	slt.u32 s8, $0xFFFFF086  }
0x1c: {  	p1 =	slt.u32 s9, $0xF7A;
	s5 =	simm.s32 @!p2 $0x0  }
0x1d: {  	s5 =	simm.s32 @p1 $0x1;
	p0 =	seq.s32 s7, s2  }
0x1e: {  	s7 =	smul.u32 @!p0 $0xF7A, s2;
	p2 =	seq.s32 @!p0 s5, $0x0  }
0x1f: {  	s9 =	smul.u32 $0xF7A, s1;
	s8 =	simm.s32 @!p0 $0x1BF5;
	p2 =	por !p2, p0  }
0x20: {  	[sflag:s8] =	ssyncset.s32 @!p0 $0xFFFFF086;
	s6 =	sadd.s32 @!p0 s3, s7;
	s7 =	simm.s32 @!p0 $0x108  }
0x21: {  	s3 =	sadd.s32 s3, s9;
	s6 =	sadd.s32 @!p0 $0x88, s6;
	s7 =	simm.s32 @p2 $0x1082  }
0x22: {  	[simem:s7], [sflag:s8] =	dma.local @!p0 [hbm:s6], $0xF7A  }
0x23: {  	s9 =	sor.u32 $0xD0000000, s2;
	s6 =	simm.s32 $0x108;
	_ =	swait.ge @!p0 [sflag:s8], $0x0  }
0x24: {  	s3 =	sadd.s32 $0x88, s3;
	s6 =	simm.s32 @!p1 $0x1082;
	[sflag:s4] =	ssyncset.s32 $0xFFFFF086  }
0x25: {  	[simem:s6], [sflag:s4] =	dma.local [hbm:s3], $0xF7A  }
0x26: {  	[smem:$0x3F98] =	sst s1;
	(tag) =	ssettag s2;
	_ =	strace s9  }
0x27: {  	s1 =	sld [smem:$0x3FA8]  }
0x28: {  	s2 =	sld [smem:$0x3FA9]  }
0x29: {  	s4 =	sld [smem:$0x3FAB]  }
0x2a: {  	p0 =	seq.s32 s5, $0x0;
	s5 =	sld [smem:$0x3FAC]  }
0x2b: {  	s6 =	sld [smem:$0x3FAD]  }
0x2c: {  	s7 =	sld [smem:$0x3FAE]  }
0x2d: {  	s3 =	simm.s32 $0x108;
	s8 =	sld [smem:$0x3FAF]  }
0x2e: {  	s3 =	simm.s32 @!p0 $0x1082;
	s9 =	sld [smem:$0x3FB0]  }
0x2f: {  	lr =	sadd.s32 s0, s3;
	s0 =	sld [smem:$0x3FA7]  }
0x30: {  	s3 =	sld [smem:$0x3FAA]  }
0x31: {  	[smem:$0x3FB3] =	sst s10  }
0x32: {  	s10 =	sld [smem:$0x3FB1];
	_ =	sdelay $0x3  }
0x33: {  	p0 =	seq.s32 s10, $0x1;
	s10 =	sld [smem:$0x3FB3];
	_ =	sdelay $0x3  }
0x34: {  	[smem:$0x3FB3] =	sst s10  }
0x35: {  	s10 =	sld [smem:$0x3FB2];
	_ =	sdelay $0x3  }
0x36: {  	p1 =	seq.s32 s10, $0x1;
	s10 =	sld [smem:$0x3FB3];
	_ =	sdelay $0x3  }
0x37: {  	[smem:$0x3FB3] =	sst s10  }
0x38: {  	s10 =	sld [smem:$0x3FB4]  }
0x39: {  	_ = 	snop;
	(pc) =	sbr.ind lr, $3  }
0x3a: {  	_ = 	snop  }
0x3b: {  	_ = 	snop  }
0x3c: {  	p2 =	seq.s32 s10, $0x1;
	s10 =	sld [smem:$0x3FB3]  }
0x3d: {  	_ =	shalt  }
0x3e: {  	_ =	shalt  }
0x3f: {  	_ =	shalt  }
0x40: {  	_ =	shalt  }
0x41: {  	_ =	shalt  }
0x42: {  	_ =	shalt  }
0x43: {  	_ =	shalt  }
0x44: {  	_ =	shalt  }
0x45: {  	_ =	shalt  }
0x46: {  	_ =	shalt  }
0x47: {  	_ =	shalt  }
0x48: {  	_ =	shalt  }
0x49: {  	_ =	shalt  }
0x4a: {  	_ =	shalt  }
0x4b: {  	_ =	shalt  }
0x4c: {  	_ =	shalt  }
0x4d: {  	_ =	shalt  }
0x4e: {  	_ =	shalt  }
0x4f: {  	_ =	shalt  }
0x50: {  	_ =	shalt  }
0x51: {  	_ =	shalt  }
0x52: {  	_ =	shalt  }
0x53: {  	_ =	shalt  }
0x54: {  	_ =	shalt  }
0x55: {  	_ =	shalt  }
0x56: {  	_ =	shalt  }
0x57: {  	_ =	shalt  }
0x58: {  	_ =	shalt  }
0x59: {  	_ =	shalt  }
0x5a: {  	_ =	shalt  }
0x5b: {  	_ =	shalt  }
0x5c: {  	_ =	shalt  }
0x5d: {  	_ =	shalt  }
0x5e: {  	_ =	shalt  }
0x5f: {  	_ =	shalt  }
0x60: {  	_ =	shalt  }
0x61: {  	_ =	shalt  }
0x62: {  	_ =	shalt  }
0x63: {  	_ =	shalt  }
0x64: {  	_ =	shalt  }
0x65: {  	_ =	shalt  }
0x66: {  	_ =	shalt  }
0x67: {  	_ =	shalt  }
0x68: {  	_ =	shalt  }
0x69: {  	_ =	shalt  }
0x6a: {  	_ =	shalt  }
0x6b: {  	_ =	shalt  }
0x6c: {  	_ =	shalt  }
0x6d: {  	_ =	shalt  }
0x6e: {  	_ =	shalt  }
0x6f: {  	_ =	shalt  }
0x70: {  	_ =	shalt  }
0x71: {  	_ =	shalt  }
0x72: {  	_ =	shalt  }
0x73: {  	_ =	shalt  }
0x74: {  	_ =	shalt  }
0x75: {  	_ =	shalt  }
0x76: {  	_ =	shalt  }
0x77: {  	_ =	shalt  }
0x78: {  	_ =	shalt  }
0x79: {  	_ =	shalt  }
0x7a: {  	_ =	shalt  }
0x7b: {  	_ =	shalt  }
0x7c: {  	_ =	shalt  }
0x7d: {  	_ =	shalt  }
0x7e: {  	_ =	shalt  }
0x7f: {  	_ =	shalt  }
0x80: {  	_ =	shalt  }
0x81: {  	_ =	shalt  }
0x82: {  	_ =	shalt  }
0x83: {  	_ =	shalt  }
0x84: {  	_ =	shalt  }
0x85: {  	_ =	shalt  }
0x86: {  	_ =	shalt  }
0x87: {  	_ =	shalt  }
.Lfunc_end0:
.L_simem_size_0:
called_computation.3_lowered:
.L_overlay_start_0:
0x88: {  	s2 =	sld [smem:$0x3FD9]  }
0x89: {  	s3 =	sld [smem:$0x3FFE];
	_ =	sdelay $0x1  }
0x8a: {  	s1 =	srdreg.scid  }
0x8b: {  	s0 =	sand.u32 $0x1, s1  }
0x8c: {  	s16 =	sshll.u32 s0, $0xA;
	s2 =	sadd.s32 s3, s2  }
0x8d: {  	s2 =	sadd.s32 s2, s16  }
0x8e: {  	[smem:$0x3FBF] =	sst s2  }
0x8f: {  	_ = 	snop  }
0x90: {  	(tm) =	ssettm $0x1  }
0x91: {  	s17 =	sld [smem:$0x3FFB];
	_ =	sdelay $0x3  }
0x92: {  	_ =	strace s17  }
0x93: {  	s2 =	sld [smem:$0x3FFC];
	_ =	sdelay $0x3  }
0x94: {  	_ =	strace s2  }
0x95: {  	s2 =	sld [smem:$0x3FFD];
	_ =	sdelay $0x3  }
0x96: {  	_ =	strace s2  }
0x97: {  	_ =	strace $0x8FFFFFFF  }
0x98: {  	s18 =	sld [smem:$0x3FDB];
	_ =	sdelay $0x1  }
0x99: {  	s19 =	simm.s32 $_scs_section_size  }
0x9a: {  	s4 =	simm.s32 $_size__tile_overlayer_lowered;
	s5 =	simm.s32 $_tile_overlayer_lowered  }
0x9b: {  	s22 =	simm.s32 $0x1BFF;
	s21 =	sshll.u32 s5, $0x1;
	s2 =	sadd.s32 s19, s18  }
0x9c: {  	s6 =	simm.s32 $0x0;
	s20 =	sshll.u32 s4, $0x1;
	s4 =	sadd.s32 s21, s2  }
0x9d: {  	[timem:s6], [sflag:s22] =	dma.local [hbm:s4], s20  }
0x9e: {  	_ =	swait.ge [sflag:s22], s20  }
0x9f: {  	s3 =	ssub.s32 $0x0, s20;
	[sflag:s22] =	ssyncset.done $0x0  }
0xa0: {  	[sflag:s22] =	ssyncadd.s32 s3;
	_ =	sdelay $0x1  }
0xa1: {  	s23 =	simm.s32 $0x1B8B  }
0xa2: {  	_ =	swait.ge [sflag:s23], $0x1  }
0xa3: {  	[sflag:s23] =	ssyncset.done $0x0  }
0xa4: {  	s25 =	simm.s32 $0x1B8E;
	s24 =	sld [smem:$0x3FFE];
	[sflag:s23] =	ssyncadd.s32 $0xFFFFFFFF  }
0xa5: {  	s26 =	simm.s32 $execute0_lowered;
	[smem:$0x3FD2] =	sst s25  }
0xa6: {  	s4 =	sshll.u32 s26, $0x1;
	_ =	strace $0x8000004F;
	[dreg:$0x1] =	wrdreg $0xFFFFFFFF  }
0xa7: {  	s28 =	simm.s32 $_size_execute0_lowered;
	s2 =	sadd.s32 s2, s4;
	[dreg:$0x0] =	wrdreg $0x0  }
0xa8: {  	s4 =	sshll.u32 s28, $0x1;
	[dreg:$0x2] =	wrdreg s2  }
0xa9: {  	[dreg:$0x3] =	wrdreg s4  }
0xaa: {  	[dreg:$0x4] =	wrdreg $0xC0  }
0xab: {  	_ =	task [dreg:s6], $0x5FFFF  }
0xac: {  	[dreg:$0x1] =	wrdreg $0xFFFFFFFF  }
0xad: {  	[dreg:$0x0] =	wrdreg $0x60  }
0xae: {  	[dreg:$0x2] =	wrdreg s24  }
0xaf: {  	[dreg:$0x3] =	wrdreg $0x9  }
0xb0: {  	_ =	task.clear_ibuf [dreg:s6], $0x4FFFF;
	_ =	strace $0x9000004F  }
0xb1: {  	s29 =	simm.s32 $0x9;
	_ =	strace $0x80000051  }
0xb2: {  	_ =	swait.ge [sflag:s29], $0x1  }
0xb3: {  	[sflag:s29] =	ssyncadd.s32 $0xFFFFFFFF  }
0xb4: {  	_ =	strace $0x90000051  }
0xb5: {  	_ =	sfence  }
0xb6: {  	s30 =	sld [smem:$0x0];
	_ =	sdelay $0x2  }
0xb7: {  	s31 =	sshll.u32 s1, $0xD;
	s1 =	sshrl.u32 s1, $0x2  }
0xb8: {  	s3 =	sand.u32 $0x4000, s31;
	s1 =	sadd.s32 s1, s30  }
0xb9: {  	s0 =	sor.u32 s3, s0;
	s1 =	sshll.u32 s1, $0x11  }
0xba: {  	s0 =	sor.u32 s1, s0  }
0xbb: {  	s0 =	sadd.s32 $0x8F2B, s0  }
0xbc: {  	[sflag:s0] =	ssyncadd.remote.s32 $0x1  }
0xbd: {  	_ =	sfence.sel $0xFFFF  }
0xbe: {  	[dreg:$0x0] =	wrdreg $0xFFFFFFFF;
	(pc) =	sbr.abs _section_cstart, $3  }
0xbf: {  	[dreg:$0x1] =	wrdreg $0xFFFFFFFF  }
0xc0: {  	_ =	task.clear_ibuf [dreg:s6], $0x2FFFF;
	_ =	strace $0x9FFFFFFF  }
0xc1: {  	(tm) =	ssettm $0x7FFFFFFF  }
tec
execute0_lowered:
.L_overlay_start_1:
0x0: {  	(tag) =	ssettag $0x1  }
0x1: {  	s4 =	rddreg [dreg:$0x0]  }
0x2: {  	s0 =	rddreg [dreg:$0x1];
	s2 =	simm.s32 $0x0  }
0x3: {  	s3 =	srdreg.scid;
	s1 =	stileid.u32;
	s16 =	simm.s32 $0x8200  }
0x4: {  	s17 =	simm.s32 $0x1;
	s18 =	simm.s32 $0x3;
	s19 =	simm.s32 $0x2  }
0x5: {  	s20 =	simm.s32 $0x4;
	s21 =	simm.s32 $0x0;
	s13 =	smul.u32 $0x280000, s1  }
0x6: {  	[smem:$0x7FF] =	sst s2;
	s7 =	sand.u32 $0x1, s3;
	s14 =	smul.u32 $0x5000, s1  }
0x7: {  	s23 =	sshll.u32 s1, $0x1;
	s3 =	sadd.s32 $0x143200, s4;
	s28 =	smul.u32 $0x140000, s7  }
0x8: {  	s12 =	sadd.s32 $0x3200, s4;
	s5 =	sor.u32 s7, s23;
	s29 =	smul.u32 $0x2800, s7  }
0x9: {  	s10 =	sadd.s32 $0x1C3200, s4;
	s9 =	ssub.s32 $0x2, s7;
	s6 =	smul.u32 $0x2800, s5  }
0xa: {  	_ =	strace $0x80000050;
	s8 =	smul.u32 $0x140000, s5;
	s25 =	sshrl.u32 s9, $0x1  }
0xb: {  	s11 =	smul.u32 $0x28000, s5;
	s26 =	ssub.s32 s9, s25;
	s9 =	sadd.s32 s28, s13  }
0xc: {  	s31 =	sadd.s32 s29, s14;
	s24 =	sshrl.u32 s6, $0x3;
	s6 =	smax.u32 s26, $0x1  }
0xd: {  	s8 =	sshrl.u32 s8, $0x3;
	s30 =	sadd.s32 s10, s11;
	s9 =	sshrl.u32 s9, $0x3  }
0xe: {  	s13 =	sor.u32 $0x300, s31;
	s14 =	sshll.u32 s31, $0x4;
	s11 =	sor.u32 $0x200, s31  }
0xf: {  	s4 =	sadd.s32 s12, s24;
	s8 =	sadd.s32 s10, s8;
	s9 =	sadd.s32 s9, s10  }
0x10: {  	s13 =	sshrl.u32 s13, $0x3;
	s14 =	sadd.s32 s14, s10;
	s15 =	sshrl.u32 s11, $0x3  }
0x11: {  	s5 =	sadd.s32 $0x20, s4;
	s7 =	sadd.s32 $0x26000, s8;
	s8 =	sadd.s32 $0x27000, s30  }
0x12: {  	s10 =	sadd.s32 s13, s12;
	s11 =	sadd.s32 $0x1000, s14;
	s12 =	sadd.s32 s15, s12  }
0x13: {  	s13 =	simm.s32 $0x5;
	s14 =	simm.s32 $0x100;
	s15 =	simm.s32 $0x200  }
.LBB2_1:
0x14: {  	[tilespmem:s2], [sflag:$0x5] =	stream.linear.gather [hbm4b:s4+s2], $0x100, $0x38;
	[tilespmem:$0x10200] =	vst v63  }
0x15: {  	_ =	swait.ge [sflag:s13], $0x100  }
0x16: {  	[sflag:s13] =	ssyncset.done $0x0  }
0x17: {  	[sflag:s13] =	ssyncadd.s32 $0xFFFFFF00  }
0x18: {  	[tilespmem:s15], [sflag:$0x1] =	stream.indirect.gather [hbm4b:s3+s14], $0x80, s2, s14, $0xb8;
	[tilespmem:$0x10200] =	vst v63  }
0x19: {  	_ = 	snop  }
0x1a: {  	[tilespmem:s14], [sflag:$0x5] =	stream.linear.gather [hbm4b:s5+s2], $0x100, $0x38;
	[tilespmem:$0x10200] =	vst v63  }
0x1b: {  	_ =	swait.ge [sflag:s13], $0x100  }
0x1c: {  	[sflag:s13] =	ssyncset.done $0x0  }
0x1d: {  	[sflag:s13] =	ssyncadd.s32 $0xFFFFFF00  }
0x1e: {  	[tilespmem:s16], [sflag:$0x2] =	stream.indirect.gather [hbm4b:s3+s14], $0x80, s14, s14, $0xb8;
	[tilespmem:$0x10200] =	vst v63  }
0x1f: {  	_ =	swait.ge [sflag:s17], $0x8000  }
0x20: {  	[sflag:s17] =	ssyncset.done $0x0  }
0x21: {  	[sflag:s17] =	ssyncadd.s32 $0xFFFF8000  }
0x22: {  	[hbm4b:s9+s2] =	stream.linear.scatter [tilespmem:s15], [sflag:$0x3], $0x8000, $0x38;
	[tilespmem:$0x10200] =	vst v63  }
0x23: {  	s22 =	sadd.s32 $0x0, s12  }
0x24: {  	[tilespmem:s2], [sflag:$0x5] =	stream.linear.gather [hbm4b:s22+s2], $0x100, $0x38;
	[tilespmem:$0x10200] =	vst v63  }
0x25: {  	_ =	swait.ge [sflag:s13], $0x100  }
0x26: {  	[sflag:s13] =	ssyncset.done $0x0  }
0x27: {  	[sflag:s13] =	ssyncadd.s32 $0xFFFFFF00  }
0x28: {  	_ =	swait.ge [sflag:s18], $0x8000  }
0x29: {  	[sflag:s18] =	ssyncset.done $0x0  }
0x2a: {  	[sflag:s18] =	ssyncadd.s32 $0xFFFF8000  }
0x2b: {  	[tilespmem:s15], [sflag:$0x1] =	stream.indirect.gather [hbm4b:s3+s14], $0x80, s2, s14, $0xb8;
	[tilespmem:$0x10200] =	vst v63  }
0x2c: {  	_ =	swait.ge [sflag:s19], $0x8000  }
0x2d: {  	[sflag:s19] =	ssyncset.done $0x0  }
0x2e: {  	[sflag:s19] =	ssyncadd.s32 $0xFFFF8000  }
0x2f: {  	[hbm4b:s11+s2] =	stream.linear.scatter [tilespmem:s16], [sflag:$0x4], $0x8000, $0x38;
	[tilespmem:$0x10200] =	vst v63  }
0x30: {  	s31 =	sadd.s32 $0x0, s10  }
0x31: {  	[tilespmem:s14], [sflag:$0x5] =	stream.linear.gather [hbm4b:s31+s2], $0x100, $0x38;
	[tilespmem:$0x10200] =	vst v63  }
0x32: {  	_ =	swait.ge [sflag:s13], $0x100  }
0x33: {  	[sflag:s13] =	ssyncset.done $0x0  }
0x34: {  	[sflag:s13] =	ssyncadd.s32 $0xFFFFFF00  }
0x35: {  	_ =	swait.ge [sflag:s20], $0x8000  }
0x36: {  	s23 =	sadd.s32 $0x2000, s9;
	[sflag:s20] =	ssyncset.done $0x0  }
0x37: {  	s24 =	sadd.s32 $0x2000, s11;
	s22 =	simm.s32 $0x40;
	[sflag:s20] =	ssyncadd.s32 $0xFFFF8000  }
.LBB2_2:
0x38: {  	[tilespmem:s16], [sflag:$0x2] =	stream.indirect.gather [hbm4b:s3+s14], $0x80, s14, s14, $0xb8;
	[tilespmem:$0x10200] =	vst v63  }
0x39: {  	s25 =	smov.u32 s22  }
0x3a: {  	p0 =	sne.s32 s22, $0x480;
	s22 =	sadd.s32 $0x40, s22;
	_ =	swait.ge [sflag:s17], $0x8000  }
0x3b: {  	[sflag:s17] =	ssyncset.done $0x0  }
0x3c: {  	[sflag:s17] =	ssyncadd.s32 $0xFFFF8000  }
0x3d: {  	[hbm4b:s23+s2] =	stream.linear.scatter [tilespmem:s15], [sflag:$0x3], $0x8000, $0x38;
	[tilespmem:$0x10200] =	vst v63  }
0x3e: {  	s26 =	sadd.s32 s25, s12  }
0x3f: {  	[tilespmem:s2], [sflag:$0x5] =	stream.linear.gather [hbm4b:s26+s2], $0x100, $0x38;
	[tilespmem:$0x10200] =	vst v63  }
0x40: {  	_ =	swait.ge [sflag:s13], $0x100  }
0x41: {  	[sflag:s13] =	ssyncset.done $0x0  }
0x42: {  	[sflag:s13] =	ssyncadd.s32 $0xFFFFFF00  }
0x43: {  	_ =	swait.ge [sflag:s18], $0x8000  }
0x44: {  	[sflag:s18] =	ssyncset.done $0x0  }
0x45: {  	[sflag:s18] =	ssyncadd.s32 $0xFFFF8000  }
0x46: {  	[tilespmem:s15], [sflag:$0x1] =	stream.indirect.gather [hbm4b:s3+s14], $0x80, s2, s14, $0xb8;
	[tilespmem:$0x10200] =	vst v63  }
0x47: {  	_ =	swait.ge [sflag:s19], $0x8000  }
0x48: {  	[sflag:s19] =	ssyncset.done $0x0  }
0x49: {  	[sflag:s19] =	ssyncadd.s32 $0xFFFF8000  }
0x4a: {  	[hbm4b:s24+s2] =	stream.linear.scatter [tilespmem:s16], [sflag:$0x4], $0x8000, $0x38;
	[tilespmem:$0x10200] =	vst v63  }
0x4b: {  	s25 =	sadd.s32 s25, s10  }
0x4c: {  	[tilespmem:s14], [sflag:$0x5] =	stream.linear.gather [hbm4b:s25+s2], $0x100, $0x38;
	[tilespmem:$0x10200] =	vst v63  }
0x4d: {  	_ =	swait.ge [sflag:s13], $0x100  }
.Ltmp0:
0x4e: {  	[sflag:s13] =	ssyncset.done $0x0;
	(pc) =	sbr.rel @p0 .LBB2_2-.Ltmp0, $4  }
0x4f: {  	[sflag:s13] =	ssyncadd.s32 $0xFFFFFF00  }
0x50: {  	_ =	swait.ge [sflag:s20], $0x8000  }
0x51: {  	[sflag:s20] =	ssyncset.done $0x0  }
0x52: {  	s23 =	sadd.s32 $0x2000, s23;
	s24 =	sadd.s32 $0x2000, s24;
	[sflag:s20] =	ssyncadd.s32 $0xFFFF8000  }
0x53: {  	[tilespmem:s16], [sflag:$0x2] =	stream.indirect.gather [hbm4b:s3+s14], $0x80, s14, s14, $0xb8;
	[tilespmem:$0x10200] =	vst v63  }
0x54: {  	_ =	swait.ge [sflag:s17], $0x8000  }
0x55: {  	[sflag:s17] =	ssyncset.done $0x0  }
0x56: {  	[sflag:s17] =	ssyncadd.s32 $0xFFFF8000  }
0x57: {  	[hbm4b:s7+s2] =	stream.linear.scatter [tilespmem:s15], [sflag:$0x3], $0x8000, $0x38;
	[tilespmem:$0x10200] =	vst v63  }
0x58: {  	_ =	swait.ge [sflag:s19], $0x8000  }
0x59: {  	[sflag:s19] =	ssyncset.done $0x0  }
0x5a: {  	s21 =	sadd.s32 $0x1, s21;
	[sflag:s19] =	ssyncadd.s32 $0xFFFF8000  }
0x5b: {  	[hbm4b:s8+s2] =	stream.linear.scatter [tilespmem:s16], [sflag:$0x4], $0x8000, $0x38;
	[tilespmem:$0x10200] =	vst v63  }
0x5c: {  	p0 =	sne.s32 s21, s6;
	_ =	swait.ge [sflag:s18], $0x8000  }
.Ltmp1:
0x5d: {  	[sflag:s18] =	ssyncset.done $0x0;
	(pc) =	sbr.rel @p0 .LBB2_1-.Ltmp1, $4  }
0x5e: {  	[sflag:s18] =	ssyncadd.s32 $0xFFFF8000  }
0x5f: {  	_ =	swait.ge [sflag:s20], $0x8000  }
0x60: {  	[sflag:s20] =	ssyncset.done $0x0  }
0x61: {  	[sflag:s20] =	ssyncadd.s32 $0xFFFF8000  }
0x62: {  	_ =	sfence.sel $0x180000  }
0x63: {  	[bflag:$0x0] =	sbarrier.arrive $0xFFFF  }
0x64: {  	p0 =	sne.s32 s1, $0x0;
	_ =	strace $0x90000050  }
0x65: {  	s0 =	sadd.s32 @!p0 $0x100000, s0;
	[bflag:$0x2] =	sbarrier.arrive $0xFFFF  }
0x66: {  	[sflag:s0] =	ssyncadd.tile.s32 @!p0 $0x1;
	_ =	shalt  }
.Lfunc_end2:
_tile_overlayer_lowered:
.L_overlay_start_2:
0x67: {  	(tag) =	ssettag $0x2  }
0x68: {  	s0 =	rddreg [dreg:$0x0];
	s2 =	stileid.u32  }
0x69: {  	s1 =	rddreg [dreg:$0x1];
	p0 =	sne.s32 s2, $0x0  }
0x6a: {  	s3 =	rddreg [dreg:$0x2];
	[bflag:$0x3] =	sbarrier.arrive $0xFFFF;
	s2 =	simm.s32 @!p0 $0x1C05  }
0x6b: {  	[timem:s3], [sflag:s2] =	dma.local @!p0 [hbm:s0], s1  }
0x6c: {  	s0 =	simm.s32 @!p0 $0x5  }
0x6d: {  	_ =	swait.ge @!p0 [sflag:s0], s1  }
0x6e: {  	s1 =	ssub.s32 @!p0 $0x0, s1;
	[sflag:s0] =	ssyncset.done @!p0 $0x0  }
0x6f: {  	[sflag:s0] =	ssyncadd.s32 @!p0 s1  }
0x70: {  	[bflag:$0x3] =	sbarrier.arrive $0xFFFF  }
0x71: {  	_ =	shalt  }

</sc_bundles>
